<compile_context>
chip_gen: v7x
topology: tpu7x:2x2x1
jax: 0.10.2.dev20260603
libtpu: 0.0.44.dev20260713+nightly
codegen_flags: <defaults>
</compile_context>

<pallas_src>
import functools

import jax
import jax.numpy as jnp
from jax import lax
from jax.experimental import pallas as pl
from jax.experimental.pallas import tpu as pltpu
from jax.experimental.pallas import tpu_sc as plsc

N = 10000
K = 16
NPAD = 10240
_NC = 2
_NS = 16


_SG = 16
_NSG = NPAD // _SG
_H = 32
_CW = _H * _SG


def _knn_a_body(npad, p_ref, pt_ref, ptb_ref, pall_ref, sq_ref, sqc_ref,
                d_ref, gmt_ref):
    p = p_ref[...]
    sqp = jnp.sum(p * p, axis=1, keepdims=True)
    d = sqp - 2.0 * jax.lax.dot_general(
        p, pt_ref[...], (((1,), (0,)), ((), ())),
        preferred_element_type=jnp.float32) + sq_ref[...]
    d_ref[...] = d
    r = p.shape[0]
    ptb = ptb_ref[...]
    sqp_row = jnp.sum(ptb * ptb, axis=0, keepdims=True)
    dt = sqc_ref[...] - 2.0 * jax.lax.dot_general(
        pall_ref[...], ptb, (((1,), (0,)), ((), ())),
        preferred_element_type=jnp.float32) + sqp_row
    gmt_ref[...] = jnp.min(dt.reshape(_NSG, _SG, r), axis=1)


def _hits_body(nh, g_ref, o_ref):
    g = g_ref[...]
    r = g.shape[0]
    colid = jax.lax.broadcasted_iota(jnp.int32, (r, _NSG), 1)
    sid = jax.lax.broadcasted_iota(jnp.int32, (r, 128), 1)
    bits = jax.lax.bitcast_convert_type(g, jnp.int32)
    srt = jnp.where(bits >= 0, bits, bits ^ jnp.int32(0x7FFFFFFF))
    key = (srt & jnp.int32(-16384)) | colid

    def step(t, carry):
        w, hits = carry
        m = jnp.min(w, axis=1, keepdims=True)
        hits = jnp.where(sid == t, m & jnp.int32(0x3FF), hits)
        w = jnp.where(w == m, jnp.int32(2**31 - 1), w)
        return w, hits

    _, hits = jax.lax.fori_loop(
        0, nh, step, (key, jnp.zeros((r, 128), jnp.int32)))
    o_ref[...] = hits


def _sc_compact(d, hits):
    rows_pw = NPAD // (_NC * _NS)
    mesh = plsc.VectorSubcoreMesh(core_axis_name="c", subcore_axis_name="s",
                                  num_cores=_NC, num_subcores=_NS)
    @functools.partial(
        pl.kernel, mesh=mesh,
        out_type=(jax.ShapeDtypeStruct((NPAD, _CW), jnp.float32),
                  jax.ShapeDtypeStruct((NPAD, _CW), jnp.int32)),
        scratch_types=[
            pltpu.VMEM((2, NPAD), jnp.float32),
            pltpu.VMEM((rows_pw, 128), jnp.int32),
            pltpu.VMEM((_CW,), jnp.float32),
            pltpu.VMEM((_CW,), jnp.float32),
            pltpu.VMEM((_CW,), jnp.int32),
            pltpu.VMEM((_CW,), jnp.int32),
            pltpu.SemaphoreType.DMA,
            pltpu.SemaphoreType.DMA,
            pltpu.SemaphoreType.DMA,
            pltpu.SemaphoreType.DMA,
        ])
    def compact_k(d_hbm, hits_hbm, vals_hbm, idxs_hbm, drow, hitsb,
                  ov0, ov1, oi0, oi1, sd0, sd1, so0, so1):
        wid = lax.axis_index("s") * _NC + lax.axis_index("c")
        r0 = wid * rows_pw
        lane = jax.lax.iota(jnp.int32, 16)
        pltpu.sync_copy(hits_hbm.at[pl.ds(r0, rows_pw)], hitsb)
        pltpu.async_copy(d_hbm.at[r0], drow.at[0], sd0)
        pltpu.async_copy(d_hbm.at[r0 + 1], drow.at[1], sd1)

        def pair_body(ii, carry):
            for b in range(2):
                ov = ov0 if b == 0 else ov1
                oi = oi0 if b == 0 else oi1
                sd = sd0 if b == 0 else sd1
                so = so0 if b == 0 else so1
                r = ii * 2 + b
                pltpu.make_async_copy(d_hbm.at[r0], drow.at[b], sd).wait()

                @pl.when(ii >= 1)
                def _drain():
                    pltpu.make_async_copy(ov, vals_hbm.at[r0], so).wait()
                    pltpu.make_async_copy(oi, idxs_hbm.at[r0], so).wait()

                for hc in range(_H // 16):
                    hv = hitsb[r, pl.ds(hc * 16, 16)]
                    for u in range(16):
                        slot = hc * 16 + u
                        off = hv[u] * _SG
                        ov[pl.ds(slot * 16, 16)] = drow[b, pl.ds(off, 16)]
                        oi[pl.ds(slot * 16, 16)] = lane + off

                @pl.when(r + 2 < rows_pw)
                def _prefetch():
                    pltpu.async_copy(d_hbm.at[r0 + r + 2], drow.at[b], sd)

                pltpu.async_copy(ov, vals_hbm.at[r0 + r], so)
                pltpu.async_copy(oi, idxs_hbm.at[r0 + r], so)
            return carry

        lax.fori_loop(0, rows_pw // 2, pair_body, 0)
        for b in range(2):
            ov = ov0 if b == 0 else ov1
            oi = oi0 if b == 0 else oi1
            so = so0 if b == 0 else so1
            pltpu.make_async_copy(ov, vals_hbm.at[r0], so).wait()
            pltpu.make_async_copy(oi, idxs_hbm.at[r0], so).wait()

    return compact_k(d, hits)


def _knn_c_body(nk, v_ref, i_ref, o_ref):
    v = v_ref[...]
    ix = i_ref[...]
    r = v.shape[0]
    kid = jax.lax.broadcasted_iota(jnp.int32, (r, nk), 1)

    def step(t, carry):
        vcur, nbrs = carry
        m = jnp.min(vcur, axis=1, keepdims=True)
        c = jnp.min(jnp.where(vcur == m, ix, jnp.int32(2**30)),
                    axis=1, keepdims=True)
        nbrs = jnp.where(kid == t, c, nbrs)
        vcur = jnp.where(ix == c, jnp.float32(jnp.inf), vcur)
        return vcur, nbrs

    _, nbrs = jax.lax.fori_loop(
        0, nk, step, (v, jnp.zeros((r, nk), jnp.int32)))
    o_ref[...] = nbrs


def _knn(pos, row_block=256):
    padv = jnp.full((NPAD - N, 3), 1e15, jnp.float32)
    posp = jnp.concatenate([pos, padv], axis=0)
    sq = jnp.sum(posp * posp, axis=1)
    grid = NPAD // row_block
    d, gmt = pl.pallas_call(
        functools.partial(_knn_a_body, NPAD),
        grid=(grid,),
        in_specs=[
            pl.BlockSpec((row_block, 3), lambda i: (i, 0)),
            pl.BlockSpec((3, NPAD), lambda i: (0, 0)),
            pl.BlockSpec((3, row_block), lambda i: (0, i)),
            pl.BlockSpec((NPAD, 3), lambda i: (0, 0)),
            pl.BlockSpec((1, NPAD), lambda i: (0, 0)),
            pl.BlockSpec((NPAD, 1), lambda i: (0, 0)),
        ],
        out_specs=[
            pl.BlockSpec((row_block, NPAD), lambda i: (i, 0)),
            pl.BlockSpec((_NSG, row_block), lambda i: (0, i)),
        ],
        out_shape=[
            jax.ShapeDtypeStruct((NPAD, NPAD), jnp.float32),
            jax.ShapeDtypeStruct((_NSG, NPAD), jnp.float32),
        ],
    )(posp, posp.T, posp.T, posp, sq.reshape(1, NPAD), sq.reshape(NPAD, 1))
    gm = gmt.T
    hblock = 2048
    hits = pl.pallas_call(
        functools.partial(_hits_body, _H),
        grid=(NPAD // hblock,),
        in_specs=[pl.BlockSpec((hblock, _NSG), lambda i: (i, 0))],
        out_specs=pl.BlockSpec((hblock, 128), lambda i: (i, 0)),
        out_shape=jax.ShapeDtypeStruct((NPAD, 128), jnp.int32),
    )(gm)
    vals, idxs = _sc_compact(d, hits)
    cblock = 1024
    nbr = pl.pallas_call(
        functools.partial(_knn_c_body, K),
        grid=(NPAD // cblock,),
        in_specs=[
            pl.BlockSpec((cblock, _CW), lambda i: (i, 0)),
            pl.BlockSpec((cblock, _CW), lambda i: (i, 0)),
        ],
        out_specs=pl.BlockSpec((cblock, K), lambda i: (i, 0)),
        out_shape=jax.ShapeDtypeStruct((NPAD, K), jnp.int32),
    )(vals, idxs)
    return nbr[:N]


def _sc_gather(table, idx_flat):
    b = idx_flat.shape[0]
    f = table.shape[1]
    nw = _NC * _NS
    b_per_w = b // nw
    chunk = 200
    nchunks = b_per_w // chunk
    mesh = plsc.VectorSubcoreMesh(core_axis_name="c", subcore_axis_name="s",
                                  num_cores=_NC, num_subcores=_NS)

    @functools.partial(
        pl.kernel, mesh=mesh,
        out_type=jax.ShapeDtypeStruct((b, f), jnp.float32),
        scratch_types=[
            pltpu.VMEM((chunk,), jnp.int32),
            pltpu.VMEM((chunk, f), jnp.float32),
            pltpu.SemaphoreType.DMA,
        ])
    def gather_k(table_hbm, idx_hbm, out_hbm, idx_v, rows_v, sem):
        wid = lax.axis_index("s") * _NC + lax.axis_index("c")
        base = wid * b_per_w

        def body(c, carry):
            off = base + c * chunk
            pltpu.sync_copy(idx_hbm.at[pl.ds(off, chunk)], idx_v)
            pltpu.async_copy(table_hbm.at[idx_v], rows_v, sem).wait()
            pltpu.sync_copy(rows_v, out_hbm.at[pl.ds(off, chunk)])
            return carry

        lax.fori_loop(0, nchunks, body, 0)

    return gather_k(table, idx_flat)


def _conv_body(nk, g_ref, t_ref, wb_ref, bb_ref, o_ref):
    t = t_ref[...]
    wb = wb_ref[...]
    acc = None
    for k in range(nk):
        pre = jnp.maximum(g_ref[k] - t, 0.0)
        h = jax.lax.dot_general(pre, wb, (((1,), (0,)), ((), ())),
                                preferred_element_type=jnp.float32)
        acc = h if acc is None else jnp.maximum(acc, h)
    o_ref[...] = jnp.maximum(acc + bb_ref[...], 0.0)


def _conv(x, pos, nbr_t, wa, ba, wb, bb, block=1000):
    fin = x.shape[1]
    fo = wb.shape[1]
    s = x @ wa[:fin] + pos @ wa[fin:] + ba
    t = pos @ wa[fin:]
    fmid = 128
    pad = fmid - s.shape[1]
    if pad:
        s = jnp.pad(s, ((0, 0), (0, pad)))
        t = jnp.pad(t, ((0, 0), (0, pad)))
        wb = jnp.pad(wb, ((0, pad), (0, 0)))
    g = _sc_gather(s, nbr_t.reshape(-1)).reshape(K, N, fmid)
    grid = N // block
    return pl.pallas_call(
        functools.partial(_conv_body, K),
        grid=(grid,),
        in_specs=[
            pl.BlockSpec((K, block, fmid), lambda i: (0, i, 0)),
            pl.BlockSpec((block, fmid), lambda i: (i, 0)),
            pl.BlockSpec((fmid, fo), lambda i: (0, 0)),
            pl.BlockSpec((1, fo), lambda i: (0, 0)),
        ],
        out_specs=pl.BlockSpec((block, fo), lambda i: (i, 0)),
        out_shape=jax.ShapeDtypeStruct((N, fo), jnp.float32),
    )(g, t, wb, bb.reshape(1, fo))


def kernel(pos, w1a, b1a, w1b, b1b, w2a, b2a, w2b, b2b, w3a, b3a, w3b, b3b):
    nbr_t = _knn(pos).T
    h1 = _conv(pos, pos, nbr_t, w1a, b1a, w1b, b1b)
    h2 = _conv(h1, pos, nbr_t, w2a, b2a, w2b, b2b)
    h3 = _conv(h2, pos, nbr_t, w3a, b3a, w3b, b3b)
    return (h1, h2, h3)

# --- scband reference (transcript-rebuilt; emitter-appended) ---
"""Pipeline reference for scband-point-net-simple-1941325218382 (READ-ONLY COPY).

The authoritative reference and input builder live on the scoring server;
editing this copy changes nothing except your own understanding.
"""

import jax, jax.numpy as jnp
import numpy as np

N = 10000
K = 16


def _lin(k, fan_in, fan_out):
    bound = 1.0 / np.sqrt(fan_in)
    kw, kb = jax.random.split(k)
    w = jax.random.uniform(kw, (fan_in, fan_out), minval=-bound, maxval=bound, dtype=jnp.float32)
    b = jax.random.uniform(kb, (fan_out,), minval=-bound, maxval=bound, dtype=jnp.float32)
    return w, b


def setup_inputs(seed: int = 0):
    key = jax.random.key(seed)
    ks = jax.random.split(key, 7)
    pos = jax.random.normal(ks[0], (N, 3), dtype=jnp.float32)
    w1a, b1a = _lin(ks[1], 3 + 3, 64)
    w1b, b1b = _lin(ks[2], 64, 64)
    w2a, b2a = _lin(ks[3], 64 + 3, 64)
    w2b, b2b = _lin(ks[4], 64, 64)
    w3a, b3a = _lin(ks[5], 64 + 3, 128)
    w3b, b3b = _lin(ks[6], 128, 128)
    return {"pos": pos,
            "w1a": w1a, "b1a": b1a, "w1b": w1b, "b1b": b1b,
            "w2a": w2a, "b2a": b2a, "w2b": w2b, "b2b": b2b,
            "w3a": w3a, "b3a": b3a, "w3b": w3b, "b3b": b3b}


def knn_graph_edges(pos, k, chunk=2000):
    # brute-force knn (loop=True: self is included since self-distance == 0)
    n = pos.shape[0]
    sq = jnp.sum(pos * pos, axis=1)
    nbrs = []
    for s in range(0, n, chunk):
        p = pos[s:s + chunk]
        d = jnp.sum(p * p, axis=1)[:, None] - 2.0 * (p @ pos.T) + sq[None, :]
        _, idx = jax.lax.top_k(-d, k)
        nbrs.append(idx)
    nbr = jnp.concatenate(nbrs, axis=0)  # [n, k] source (neighbor) indices
    src = nbr.reshape(-1)
    dst = jnp.repeat(jnp.arange(n), k)
    return src, dst


def reference(pos, w1a, b1a, w1b, b1b, w2a, b2a, w2b, b2b, w3a, b3a, w3b, b3b):
    n = pos.shape[0]
    src, dst = knn_graph_edges(jax.lax.stop_gradient(pos), K)

    def conv(x, wa, ba, wb, bb):
        # PointNetConv message: local_nn(concat(x_j, pos_j - pos_i)), max aggregation
        msg = jnp.concatenate([x[src], pos[src] - pos[dst]], axis=1)
        h = jnp.maximum(msg @ wa + ba, 0.0) @ wb + bb
        return jax.ops.segment_max(h, dst, num_segments=n)

    h1 = jax.nn.relu(conv(pos, w1a, b1a, w1b, b1b))
    h2 = jax.nn.relu(conv(h1, w2a, b2a, w2b, b2b))
    h3 = jax.nn.relu(conv(h2, w3a, b3a, w3b, b3b))
    return (h1, h2, h3)

if __name__ == "__main__":
    import jax
    _d = setup_inputs()
    print(jax.jit(kernel)(*tuple(_d.values())))

</pallas_src>

<mosaic_0001>
#map = affine_map<(d0, d1) -> (0, 0)>
#map1 = affine_map<(d0, d1) -> (0)>
module attributes {stable_mosaic.version = 14 : i64} {
  func.func @gather_k(%arg0: i32, %arg1: i32, %arg2: memref<10000x128xf32, #tpu.memory_space<hbm>>, %arg3: memref<160000xi32, #tpu.memory_space<hbm>>, %arg4: memref<160000x128xf32, #tpu.memory_space<hbm>>, %arg5: memref<200xi32, #tpu.memory_space<vmem>>, %arg6: memref<200x128xf32, #tpu.memory_space<vmem>>, %arg7: memref<!tpu.dma_semaphore, #tpu.memory_space<semaphore_mem>>) attributes {dimension_semantics = [#tpu.dimension_semantics<core_parallel>, #tpu.dimension_semantics<subcore_parallel>], iteration_bounds = array<i64: 2, 16>, scalar_prefetch = 0 : i64, scratch_operands = 3 : i64, tpu.core_type = #tpu.core_type<sc_vector_subcore>, window_params = [{transform_indices = #map}, {transform_indices = #map1}, {transform_indices = #map}]} {
    %mul3A = arith.constant 2 : i32
    %mul3A_0 = arith.muli %arg1, %mul3A : i32
    %add3A = arith.addi %mul3A_0, %arg0 : i32
    %mul3A_1 = arith.constant 5000 : i32
    %mul3A_2 = arith.muli %add3A, %mul3A_1 : i32
    %scan3A = arith.constant 0 : i32
    %scan3A_3 = arith.constant 0 : i32
    %scan3A_4 = arith.constant 25 : i32
    %scan3A_5 = arith.addi %scan3A_3, %scan3A_4 : i32
    %scan3A_6 = arith.constant 1 : i32
    scf.for %scan3A_8 = %scan3A_3 to %scan3A_5 step %scan3A_6  : i32 {
      %mul3A_9 = arith.constant 200 : i32
      %mul3A_10 = arith.muli %scan3A_8, %mul3A_9 : i32
      %add3A_11 = arith.addi %mul3A_2, %mul3A_10 : i32
      "tpu.region"() ({
        %run_scoped3A = tpu.sem_alloc : memref<!tpu.dma_semaphore, #tpu.memory_space<semaphore_mem>>
        %dma_start3A_16 = tpu.memref_slice %arg3[%add3A_11] : memref<160000xi32, #tpu.memory_space<hbm>> -> memref<200xi32, #tpu.memory_space<hbm>>
        %dma_start3A_17 = tpu.memref_slice %arg3[%add3A_11] : memref<160000xi32, #tpu.memory_space<hbm>> -> memref<200xi32, #tpu.memory_space<hbm>>
        tpu.enqueue_dma source(%dma_start3A_17 : memref<200xi32, #tpu.memory_space<hbm>>) target(%arg5 : memref<200xi32, #tpu.memory_space<vmem>>) target_semaphore(%run_scoped3A : memref<!tpu.dma_semaphore, #tpu.memory_space<semaphore_mem>>)
        %dma_wait3A_18 = tpu.memref_slice %arg3[%add3A_11] : memref<160000xi32, #tpu.memory_space<hbm>> -> memref<200xi32, #tpu.memory_space<hbm>>
        %dma_wait3A_19 = tpu.memref_slice %arg3[%add3A_11] : memref<160000xi32, #tpu.memory_space<hbm>> -> memref<200xi32, #tpu.memory_space<hbm>>
        tpu.wait_dma2 semaphore(%run_scoped3A : memref<!tpu.dma_semaphore, #tpu.memory_space<semaphore_mem>>) src(%dma_wait3A_19 : memref<200xi32, #tpu.memory_space<hbm>>) dst(%arg5 : memref<200xi32, #tpu.memory_space<vmem>>)
        tpu.yield
      }) : () -> ()
      %dma_start3A = arith.constant 0 : i32
      %dma_start3A_12 = arith.constant 0 : i32
      %dma_start3A_13 = tpu.memref_slice %arg2[%dma_start3A, %dma_start3A_12] : memref<10000x128xf32, #tpu.memory_space<hbm>> -> memref<10000x128xf32, #tpu.memory_space<hbm>>
      tpu.enqueue_indirect_dma source(%dma_start3A_13 : memref<10000x128xf32, #tpu.memory_space<hbm>>) target(%arg6 : memref<200x128xf32, #tpu.memory_space<vmem>>) offsets(%arg5 : memref<200xi32, #tpu.memory_space<vmem>>) semaphore(%arg7 : memref<!tpu.dma_semaphore, #tpu.memory_space<semaphore_mem>>)
      %dma_wait3A = arith.constant 0 : i32
      %dma_wait3A_14 = arith.constant 0 : i32
      %dma_wait3A_15 = tpu.memref_slice %arg2[%dma_wait3A, %dma_wait3A_14] : memref<10000x128xf32, #tpu.memory_space<hbm>> -> memref<10000x128xf32, #tpu.memory_space<hbm>>
      tpu.wait_indirect_dma semaphore(%arg7 : memref<!tpu.dma_semaphore, #tpu.memory_space<semaphore_mem>>) src(%dma_wait3A_15 : memref<10000x128xf32, #tpu.memory_space<hbm>>) dst(%arg6 : memref<200x128xf32, #tpu.memory_space<vmem>>)
      "tpu.region"() ({
        %run_scoped3A = tpu.sem_alloc : memref<!tpu.dma_semaphore, #tpu.memory_space<semaphore_mem>>
        %dma_start3A_16 = arith.constant 0 : i32
        %dma_start3A_17 = tpu.memref_slice %arg4[%add3A_11, %dma_start3A_16] : memref<160000x128xf32, #tpu.memory_space<hbm>> -> memref<200x128xf32, #tpu.memory_space<hbm>>
        %dma_start3A_18 = arith.constant 0 : i32
        %dma_start3A_19 = tpu.memref_slice %arg4[%add3A_11, %dma_start3A_18] : memref<160000x128xf32, #tpu.memory_space<hbm>> -> memref<200x128xf32, #tpu.memory_space<hbm>>
        tpu.enqueue_dma source(%arg6 : memref<200x128xf32, #tpu.memory_space<vmem>>) target(%dma_start3A_19 : memref<200x128xf32, #tpu.memory_space<hbm>>) target_semaphore(%run_scoped3A : memref<!tpu.dma_semaphore, #tpu.memory_space<semaphore_mem>>)
        %dma_wait3A_20 = arith.constant 0 : i32
        %dma_wait3A_21 = tpu.memref_slice %arg4[%add3A_11, %dma_wait3A_20] : memref<160000x128xf32, #tpu.memory_space<hbm>> -> memref<200x128xf32, #tpu.memory_space<hbm>>
        %dma_wait3A_22 = arith.constant 0 : i32
        %dma_wait3A_23 = tpu.memref_slice %arg4[%add3A_11, %dma_wait3A_22] : memref<160000x128xf32, #tpu.memory_space<hbm>> -> memref<200x128xf32, #tpu.memory_space<hbm>>
        tpu.wait_dma2 semaphore(%run_scoped3A : memref<!tpu.dma_semaphore, #tpu.memory_space<semaphore_mem>>) src(%arg6 : memref<200x128xf32, #tpu.memory_space<vmem>>) dst(%dma_wait3A_23 : memref<200x128xf32, #tpu.memory_space<hbm>>)
        tpu.yield
      }) : () -> ()
    }
    %scan3A_7 = arith.constant 25 : i32
    return
  }
}

#map = affine_map<(d0, d1) -> (0, 0)>
#map1 = affine_map<(d0, d1) -> (0)>
module attributes {stable_mosaic.version = 14 : i64} {
  func.func @gather_k(%arg0: i32, %arg1: i32, %arg2: memref<10000x128xf32, #tpu.memory_space<hbm>>, %arg3: memref<160000xi32, #tpu.memory_space<hbm>>, %arg4: memref<160000x128xf32, #tpu.memory_space<hbm>>, %arg5: memref<200xi32, #tpu.memory_space<vmem>>, %arg6: memref<200x128xf32, #tpu.memory_space<vmem>>, %arg7: memref<!tpu.dma_semaphore, #tpu.memory_space<semaphore_mem>>) attributes {dimension_semantics = [#tpu.dimension_semantics<core_parallel>, #tpu.dimension_semantics<subcore_parallel>], iteration_bounds = array<i64: 2, 16>, scalar_prefetch = 0 : i64, scratch_operands = 3 : i64, tpu.core_type = #tpu.core_type<sc_vector_subcore>, window_params = [{transform_indices = #map}, {transform_indices = #map1}, {transform_indices = #map}]} {
    %mul3A = arith.constant 2 : i32
    %mul3A_0 = arith.muli %arg1, %mul3A : i32
    %add3A = arith.addi %mul3A_0, %arg0 : i32
    %mul3A_1 = arith.constant 5000 : i32
    %mul3A_2 = arith.muli %add3A, %mul3A_1 : i32
    %scan3A = arith.constant 0 : i32
    %scan3A_3 = arith.constant 0 : i32
    %scan3A_4 = arith.constant 25 : i32
    %scan3A_5 = arith.addi %scan3A_3, %scan3A_4 : i32
    %scan3A_6 = arith.constant 1 : i32
    scf.for %scan3A_8 = %scan3A_3 to %scan3A_5 step %scan3A_6  : i32 {
      %mul3A_9 = arith.constant 200 : i32
      %mul3A_10 = arith.muli %scan3A_8, %mul3A_9 : i32
      %add3A_11 = arith.addi %mul3A_2, %mul3A_10 : i32
      "tpu.region"() ({
        %run_scoped3A = tpu.sem_alloc : memref<!tpu.dma_semaphore, #tpu.memory_space<semaphore_mem>>
        %dma_start3A_16 = tpu.memref_slice %arg3[%add3A_11] : memref<160000xi32, #tpu.memory_space<hbm>> -> memref<200xi32, #tpu.memory_space<hbm>>
        %dma_start3A_17 = tpu.memref_slice %arg3[%add3A_11] : memref<160000xi32, #tpu.memory_space<hbm>> -> memref<200xi32, #tpu.memory_space<hbm>>
        tpu.enqueue_dma source(%dma_start3A_17 : memref<200xi32, #tpu.memory_space<hbm>>) target(%arg5 : memref<200xi32, #tpu.memory_space<vmem>>) target_semaphore(%run_scoped3A : memref<!tpu.dma_semaphore, #tpu.memory_space<semaphore_mem>>)
        %dma_wait3A_18 = tpu.memref_slice %arg3[%add3A_11] : memref<160000xi32, #tpu.memory_space<hbm>> -> memref<200xi32, #tpu.memory_space<hbm>>
        %dma_wait3A_19 = tpu.memref_slice %arg3[%add3A_11] : memref<160000xi32, #tpu.memory_space<hbm>> -> memref<200xi32, #tpu.memory_space<hbm>>
        tpu.wait_dma2 semaphore(%run_scoped3A : memref<!tpu.dma_semaphore, #tpu.memory_space<semaphore_mem>>) src(%dma_wait3A_19 : memref<200xi32, #tpu.memory_space<hbm>>) dst(%arg5 : memref<200xi32, #tpu.memory_space<vmem>>)
        tpu.yield
      }) : () -> ()
      %dma_start3A = arith.constant 0 : i32
      %dma_start3A_12 = arith.constant 0 : i32
      %dma_start3A_13 = tpu.memref_slice %arg2[%dma_start3A, %dma_start3A_12] : memref<10000x128xf32, #tpu.memory_space<hbm>> -> memref<10000x128xf32, #tpu.memory_space<hbm>>
      tpu.enqueue_indirect_dma source(%dma_start3A_13 : memref<10000x128xf32, #tpu.memory_space<hbm>>) target(%arg6 : memref<200x128xf32, #tpu.memory_space<vmem>>) offsets(%arg5 : memref<200xi32, #tpu.memory_space<vmem>>) semaphore(%arg7 : memref<!tpu.dma_semaphore, #tpu.memory_space<semaphore_mem>>)
      %dma_wait3A = arith.constant 0 : i32
      %dma_wait3A_14 = arith.constant 0 : i32
      %dma_wait3A_15 = tpu.memref_slice %arg2[%dma_wait3A, %dma_wait3A_14] : memref<10000x128xf32, #tpu.memory_space<hbm>> -> memref<10000x128xf32, #tpu.memory_space<hbm>>
      tpu.wait_indirect_dma semaphore(%arg7 : memref<!tpu.dma_semaphore, #tpu.memory_space<semaphore_mem>>) src(%dma_wait3A_15 : memref<10000x128xf32, #tpu.memory_space<hbm>>) dst(%arg6 : memref<200x128xf32, #tpu.memory_space<vmem>>)
      "tpu.region"() ({
        %run_scoped3A = tpu.sem_alloc : memref<!tpu.dma_semaphore, #tpu.memory_space<semaphore_mem>>
        %dma_start3A_16 = arith.constant 0 : i32
        %dma_start3A_17 = tpu.memref_slice %arg4[%add3A_11, %dma_start3A_16] : memref<160000x128xf32, #tpu.memory_space<hbm>> -> memref<200x128xf32, #tpu.memory_space<hbm>>
        %dma_start3A_18 = arith.constant 0 : i32
        %dma_start3A_19 = tpu.memref_slice %arg4[%add3A_11, %dma_start3A_18] : memref<160000x128xf32, #tpu.memory_space<hbm>> -> memref<200x128xf32, #tpu.memory_space<hbm>>
        tpu.enqueue_dma source(%arg6 : memref<200x128xf32, #tpu.memory_space<vmem>>) target(%dma_start3A_19 : memref<200x128xf32, #tpu.memory_space<hbm>>) target_semaphore(%run_scoped3A : memref<!tpu.dma_semaphore, #tpu.memory_space<semaphore_mem>>)
        %dma_wait3A_20 = arith.constant 0 : i32
        %dma_wait3A_21 = tpu.memref_slice %arg4[%add3A_11, %dma_wait3A_20] : memref<160000x128xf32, #tpu.memory_space<hbm>> -> memref<200x128xf32, #tpu.memory_space<hbm>>
        %dma_wait3A_22 = arith.constant 0 : i32
        %dma_wait3A_23 = tpu.memref_slice %arg4[%add3A_11, %dma_wait3A_22] : memref<160000x128xf32, #tpu.memory_space<hbm>> -> memref<200x128xf32, #tpu.memory_space<hbm>>
        tpu.wait_dma2 semaphore(%run_scoped3A : memref<!tpu.dma_semaphore, #tpu.memory_space<semaphore_mem>>) src(%arg6 : memref<200x128xf32, #tpu.memory_space<vmem>>) dst(%dma_wait3A_23 : memref<200x128xf32, #tpu.memory_space<hbm>>)
        tpu.yield
      }) : () -> ()
    }
    %scan3A_7 = arith.constant 25 : i32
    return
  }
}

#map = affine_map<(d0, d1) -> (0, 0)>
module attributes {stable_mosaic.version = 14 : i64} {
  func.func @compact_k(%arg0: i32, %arg1: i32, %arg2: memref<10240x10240xf32, #tpu.memory_space<hbm>>, %arg3: memref<10240x128xi32, #tpu.memory_space<hbm>>, %arg4: memref<10240x512xf32, #tpu.memory_space<hbm>>, %arg5: memref<10240x512xi32, #tpu.memory_space<hbm>>, %arg6: memref<2x10240xf32, #tpu.memory_space<vmem>>, %arg7: memref<320x128xi32, #tpu.memory_space<vmem>>, %arg8: memref<512xf32, #tpu.memory_space<vmem>>, %arg9: memref<512xf32, #tpu.memory_space<vmem>>, %arg10: memref<512xi32, #tpu.memory_space<vmem>>, %arg11: memref<512xi32, #tpu.memory_space<vmem>>, %arg12: memref<!tpu.dma_semaphore, #tpu.memory_space<semaphore_mem>>, %arg13: memref<!tpu.dma_semaphore, #tpu.memory_space<semaphore_mem>>, %arg14: memref<!tpu.dma_semaphore, #tpu.memory_space<semaphore_mem>>, %arg15: memref<!tpu.dma_semaphore, #tpu.memory_space<semaphore_mem>>) attributes {dimension_semantics = [#tpu.dimension_semantics<core_parallel>, #tpu.dimension_semantics<subcore_parallel>], iteration_bounds = array<i64: 2, 16>, scalar_prefetch = 0 : i64, scratch_operands = 10 : i64, tpu.core_type = #tpu.core_type<sc_vector_subcore>, window_params = [{transform_indices = #map}, {transform_indices = #map}, {transform_indices = #map}, {transform_indices = #map}]} {
    %mul3A = arith.constant 2 : i32
    %mul3A_0 = arith.muli %arg1, %mul3A : i32
    %add3A = arith.addi %mul3A_0, %arg0 : i32
    %mul3A_1 = arith.constant 320 : i32
    %mul3A_2 = arith.muli %add3A, %mul3A_1 : i32
    %iota3A = tpu.iota {dimensions = array<i32: 0>} : vector<16xi32>
    "tpu.region"() ({
      %run_scoped3A = tpu.sem_alloc : memref<!tpu.dma_semaphore, #tpu.memory_space<semaphore_mem>>
      %dma_start3A_58 = arith.constant 0 : i32
      %dma_start3A_59 = tpu.memref_slice %arg3[%mul3A_2, %dma_start3A_58] : memref<10240x128xi32, #tpu.memory_space<hbm>> -> memref<320x128xi32, #tpu.memory_space<hbm>>
      %dma_start3A_60 = arith.constant 0 : i32
      %dma_start3A_61 = tpu.memref_slice %arg3[%mul3A_2, %dma_start3A_60] : memref<10240x128xi32, #tpu.memory_space<hbm>> -> memref<320x128xi32, #tpu.memory_space<hbm>>
      tpu.enqueue_dma source(%dma_start3A_61 : memref<320x128xi32, #tpu.memory_space<hbm>>) target(%arg7 : memref<320x128xi32, #tpu.memory_space<vmem>>) target_semaphore(%run_scoped3A : memref<!tpu.dma_semaphore, #tpu.memory_space<semaphore_mem>>)
      %dma_wait3A_62 = arith.constant 0 : i32
      %dma_wait3A_63 = tpu.memref_slice %arg3[%mul3A_2, %dma_wait3A_62] : memref<10240x128xi32, #tpu.memory_space<hbm>> -> memref<320x128xi32, #tpu.memory_space<hbm>>
      %dma_wait3A_64 = arith.constant 0 : i32
      %dma_wait3A_65 = tpu.memref_slice %arg3[%mul3A_2, %dma_wait3A_64] : memref<10240x128xi32, #tpu.memory_space<hbm>> -> memref<320x128xi32, #tpu.memory_space<hbm>>
      tpu.wait_dma2 semaphore(%run_scoped3A : memref<!tpu.dma_semaphore, #tpu.memory_space<semaphore_mem>>) src(%dma_wait3A_65 : memref<320x128xi32, #tpu.memory_space<hbm>>) dst(%arg7 : memref<320x128xi32, #tpu.memory_space<vmem>>)
      tpu.yield
    }) : () -> ()
    %dma_start3A = arith.constant 0 : i32
    %dma_start3A_3 = arith.constant 0 : i32
    %dma_start3A_4 = tpu.memref_slice %arg6[%dma_start3A, %dma_start3A_3] : memref<2x10240xf32, #tpu.memory_space<vmem>> -> memref<1x10240xf32, #tpu.memory_space<vmem>>
    %dma_start3A_5 = tpu.memref_squeeze %dma_start3A_4 : memref<1x10240xf32, #tpu.memory_space<vmem>> -> memref<10240xf32, #tpu.memory_space<vmem>>
    %dma_start3A_6 = arith.constant 0 : i32
    %dma_start3A_7 = tpu.memref_slice %arg2[%mul3A_2, %dma_start3A_6] : memref<10240x10240xf32, #tpu.memory_space<hbm>> -> memref<1x10240xf32, #tpu.memory_space<hbm>>
    %dma_start3A_8 = tpu.memref_squeeze %dma_start3A_7 : memref<1x10240xf32, #tpu.memory_space<hbm>> -> memref<10240xf32, #tpu.memory_space<hbm>>
    %dma_start3A_9 = arith.constant 0 : i32
    %dma_start3A_10 = tpu.memref_slice %arg6[%dma_start3A, %dma_start3A_9] : memref<2x10240xf32, #tpu.memory_space<vmem>> -> memref<1x10240xf32, #tpu.memory_space<vmem>>
    %dma_start3A_11 = tpu.memref_squeeze %dma_start3A_10 : memref<1x10240xf32, #tpu.memory_space<vmem>> -> memref<10240xf32, #tpu.memory_space<vmem>>
    %dma_start3A_12 = arith.constant 0 : i32
    %dma_start3A_13 = tpu.memref_slice %arg2[%mul3A_2, %dma_start3A_12] : memref<10240x10240xf32, #tpu.memory_space<hbm>> -> memref<1x10240xf32, #tpu.memory_space<hbm>>
    %dma_start3A_14 = tpu.memref_squeeze %dma_start3A_13 : memref<1x10240xf32, #tpu.memory_space<hbm>> -> memref<10240xf32, #tpu.memory_space<hbm>>
    tpu.enqueue_dma source(%dma_start3A_14 : memref<10240xf32, #tpu.memory_space<hbm>>) target(%dma_start3A_11 : memref<10240xf32, #tpu.memory_space<vmem>>) target_semaphore(%arg12 : memref<!tpu.dma_semaphore, #tpu.memory_space<semaphore_mem>>)
    %add3A_15 = arith.constant 1 : i32
    %add3A_16 = arith.addi %mul3A_2, %add3A_15 : i32
    %dma_start3A_17 = arith.constant 1 : i32
    %dma_start3A_18 = arith.constant 0 : i32
    %dma_start3A_19 = tpu.memref_slice %arg6[%dma_start3A_17, %dma_start3A_18] : memref<2x10240xf32, #tpu.memory_space<vmem>> -> memref<1x10240xf32, #tpu.memory_space<vmem>>
    %dma_start3A_20 = tpu.memref_squeeze %dma_start3A_19 : memref<1x10240xf32, #tpu.memory_space<vmem>> -> memref<10240xf32, #tpu.memory_space<vmem>>
    %dma_start3A_21 = arith.constant 0 : i32
    %dma_start3A_22 = tpu.memref_slice %arg2[%add3A_16, %dma_start3A_21] : memref<10240x10240xf32, #tpu.memory_space<hbm>> -> memref<1x10240xf32, #tpu.memory_space<hbm>>
    %dma_start3A_23 = tpu.memref_squeeze %dma_start3A_22 : memref<1x10240xf32, #tpu.memory_space<hbm>> -> memref<10240xf32, #tpu.memory_space<hbm>>
    %dma_start3A_24 = arith.constant 0 : i32
    %dma_start3A_25 = tpu.memref_slice %arg6[%dma_start3A_17, %dma_start3A_24] : memref<2x10240xf32, #tpu.memory_space<vmem>> -> memref<1x10240xf32, #tpu.memory_space<vmem>>
    %dma_start3A_26 = tpu.memref_squeeze %dma_start3A_25 : memref<1x10240xf32, #tpu.memory_space<vmem>> -> memref<10240xf32, #tpu.memory_space<vmem>>
    %dma_start3A_27 = arith.constant 0 : i32
    %dma_start3A_28 = tpu.memref_slice %arg2[%add3A_16, %dma_start3A_27] : memref<10240x10240xf32, #tpu.memory_space<hbm>> -> memref<1x10240xf32, #tpu.memory_space<hbm>>
    %dma_start3A_29 = tpu.memref_squeeze %dma_start3A_28 : memref<1x10240xf32, #tpu.memory_space<hbm>> -> memref<10240xf32, #tpu.memory_space<hbm>>
    tpu.enqueue_dma source(%dma_start3A_29 : memref<10240xf32, #tpu.memory_space<hbm>>) target(%dma_start3A_26 : memref<10240xf32, #tpu.memory_space<vmem>>) target_semaphore(%arg13 : memref<!tpu.dma_semaphore, #tpu.memory_space<semaphore_mem>>)
    %scan3A = arith.constant 0 : i32
    %scan3A_30 = arith.constant 0 : i32
    %scan3A_31 = arith.constant 160 : i32
    %scan3A_32 = arith.addi %scan3A_30, %scan3A_31 : i32
    %scan3A_33 = arith.constant 1 : i32
    scf.for %scan3A_58 = %scan3A_30 to %scan3A_32 step %scan3A_33  : i32 {
      %mul3A_59 = arith.constant 2 : i32
      %mul3A_60 = arith.muli %scan3A_58, %mul3A_59 : i32
      %add3A_61 = arith.constant 0 : i32
      %add3A_62 = arith.addi %mul3A_60, %add3A_61 : i32
      %dma_wait3A_63 = arith.constant 0 : i32
      %dma_wait3A_64 = arith.constant 0 : i32
      %dma_wait3A_65 = tpu.memref_slice %arg6[%dma_wait3A_63, %dma_wait3A_64] : memref<2x10240xf32, #tpu.memory_space<vmem>> -> memref<1x10240xf32, #tpu.memory_space<vmem>>
      %dma_wait3A_66 = tpu.memref_squeeze %dma_wait3A_65 : memref<1x10240xf32, #tpu.memory_space<vmem>> -> memref<10240xf32, #tpu.memory_space<vmem>>
      %dma_wait3A_67 = arith.constant 0 : i32
      %dma_wait3A_68 = tpu.memref_slice %arg2[%mul3A_2, %dma_wait3A_67] : memref<10240x10240xf32, #tpu.memory_space<hbm>> -> memref<1x10240xf32, #tpu.memory_space<hbm>>
      %dma_wait3A_69 = tpu.memref_squeeze %dma_wait3A_68 : memref<1x10240xf32, #tpu.memory_space<hbm>> -> memref<10240xf32, #tpu.memory_space<hbm>>
      %dma_wait3A_70 = arith.constant 0 : i32
      %dma_wait3A_71 = tpu.memref_slice %arg6[%dma_wait3A_63, %dma_wait3A_70] : memref<2x10240xf32, #tpu.memory_space<vmem>> -> memref<1x10240xf32, #tpu.memory_space<vmem>>
      %dma_wait3A_72 = tpu.memref_squeeze %dma_wait3A_71 : memref<1x10240xf32, #tpu.memory_space<vmem>> -> memref<10240xf32, #tpu.memory_space<vmem>>
      %dma_wait3A_73 = arith.constant 0 : i32
      %dma_wait3A_74 = tpu.memref_slice %arg2[%mul3A_2, %dma_wait3A_73] : memref<10240x10240xf32, #tpu.memory_space<hbm>> -> memref<1x10240xf32, #tpu.memory_space<hbm>>
      %dma_wait3A_75 = tpu.memref_squeeze %dma_wait3A_74 : memref<1x10240xf32, #tpu.memory_space<hbm>> -> memref<10240xf32, #tpu.memory_space<hbm>>
      tpu.wait_dma2 semaphore(%arg12 : memref<!tpu.dma_semaphore, #tpu.memory_space<semaphore_mem>>) src(%dma_wait3A_75 : memref<10240xf32, #tpu.memory_space<hbm>>) dst(%dma_wait3A_72 : memref<10240xf32, #tpu.memory_space<vmem>>)
      %ge3A = arith.constant 1 : i32
      %ge3A_76 = arith.cmpi sge, %scan3A_58, %ge3A : i32
      %convert_element_type3A = arith.extui %ge3A_76 : i1 to i32
      %cond3A = arith.constant 0 : i32
      %cond3A_77 = arith.cmpi ne, %convert_element_type3A, %cond3A : i32
      scf.if %cond3A_77 {
        %dma_wait3A_1369 = arith.constant 0 : i32
        %dma_wait3A_1370 = tpu.memref_slice %arg4[%mul3A_2, %dma_wait3A_1369] : memref<10240x512xf32, #tpu.memory_space<hbm>> -> memref<1x512xf32, #tpu.memory_space<hbm>>
        %dma_wait3A_1371 = tpu.memref_squeeze %dma_wait3A_1370 : memref<1x512xf32, #tpu.memory_space<hbm>> -> memref<512xf32, #tpu.memory_space<hbm>>
        %dma_wait3A_1372 = arith.constant 0 : i32
        %dma_wait3A_1373 = tpu.memref_slice %arg4[%mul3A_2, %dma_wait3A_1372] : memref<10240x512xf32, #tpu.memory_space<hbm>> -> memref<1x512xf32, #tpu.memory_space<hbm>>
        %dma_wait3A_1374 = tpu.memref_squeeze %dma_wait3A_1373 : memref<1x512xf32, #tpu.memory_space<hbm>> -> memref<512xf32, #tpu.memory_space<hbm>>
        tpu.wait_dma2 semaphore(%arg14 : memref<!tpu.dma_semaphore, #tpu.memory_space<semaphore_mem>>) src(%arg8 : memref<512xf32, #tpu.memory_space<vmem>>) dst(%dma_wait3A_1374 : memref<512xf32, #tpu.memory_space<hbm>>)
        %dma_wait3A_1375 = arith.constant 0 : i32
        %dma_wait3A_1376 = tpu.memref_slice %arg5[%mul3A_2, %dma_wait3A_1375] : memref<10240x512xi32, #tpu.memory_space<hbm>> -> memref<1x512xi32, #tpu.memory_space<hbm>>
        %dma_wait3A_1377 = tpu.memref_squeeze %dma_wait3A_1376 : memref<1x512xi32, #tpu.memory_space<hbm>> -> memref<512xi32, #tpu.memory_space<hbm>>
        %dma_wait3A_1378 = arith.constant 0 : i32
        %dma_wait3A_1379 = tpu.memref_slice %arg5[%mul3A_2, %dma_wait3A_1378] : memref<10240x512xi32, #tpu.memory_space<hbm>> -> memref<1x512xi32, #tpu.memory_space<hbm>>
        %dma_wait3A_1380 = tpu.memref_squeeze %dma_wait3A_1379 : memref<1x512xi32, #tpu.memory_space<hbm>> -> memref<512xi32, #tpu.memory_space<hbm>>
        tpu.wait_dma2 semaphore(%arg14 : memref<!tpu.dma_semaphore, #tpu.memory_space<semaphore_mem>>) src(%arg10 : memref<512xi32, #tpu.memory_space<vmem>>) dst(%dma_wait3A_1380 : memref<512xi32, #tpu.memory_space<hbm>>)
      } else {
      }
      %get3A = arith.index_cast %add3A_62 : i32 to index
      %get3A_78 = arith.constant 0 : index
      %get3A_79 = tpu.vector_load %arg7[%get3A, %get3A_78] {strides = array<i32>} : memref<320x128xi32, #tpu.memory_space<vmem>>, vector<1x16xi32>,
      %get3A_80 = vector.shape_cast %get3A_79 : vector<1x16xi32> to vector<16xi32>
      %slice3A = vector.extract_strided_slice %get3A_80 {offsets = [0], sizes = [1], strides = [1]} : vector<16xi32> to vector<1xi32>
      %squeeze3A = vector.extract %slice3A[0] : i32 from vector<1xi32>
      %mul3A_81 = arith.constant 16 : i32
      %mul3A_82 = arith.muli %squeeze3A, %mul3A_81 : i32
      %get3A_83 = arith.constant 0 : i32
      %get3A_84 = arith.index_cast %get3A_83 : i32 to index
      %get3A_85 = arith.index_cast %mul3A_82 : i32 to index
      %get3A_86 = tpu.vector_load %arg6[%get3A_84, %get3A_85] {strides = array<i32>} : memref<2x10240xf32, #tpu.memory_space<vmem>>, vector<1x16xf32>,
      %get3A_87 = vector.shape_cast %get3A_86 : vector<1x16xf32> to vector<16xf32>
      %swap3A = arith.constant 0 : index
      %swap3A_88 = tpu.vector_load %arg8[%swap3A] {strides = array<i32>} : memref<512xf32, #tpu.memory_space<vmem>>, vector<16xf32>,
      %swap3A_89 = vector.shape_cast %swap3A_88 : vector<16xf32> to vector<16xf32>
      %swap3A_90 = vector.shape_cast %get3A_87 : vector<16xf32> to vector<16xf32>
      tpu.vector_store %arg8[%swap3A], %swap3A_90 {strides = array<i32>} : memref<512xf32, #tpu.memory_space<vmem>>, vector<16xf32>,
      %add3A_91 = vector.broadcast %mul3A_82 : i32 to vector<16xi32>
      %add3A_92 = arith.addi %iota3A, %add3A_91 : vector<16xi32>
      %swap3A_93 = arith.constant 0 : index
      %swap3A_94 = tpu.vector_load %arg10[%swap3A_93] {strides = array<i32>} : memref<512xi32, #tpu.memory_space<vmem>>, vector<16xi32>,
      %swap3A_95 = vector.shape_cast %swap3A_94 : vector<16xi32> to vector<16xi32>
      %swap3A_96 = vector.shape_cast %add3A_92 : vector<16xi32> to vector<16xi32>
      tpu.vector_store %arg10[%swap3A_93], %swap3A_96 {strides = array<i32>} : memref<512xi32, #tpu.memory_space<vmem>>, vector<16xi32>,
      %slice3A_97 = vector.extract_strided_slice %get3A_80 {offsets = [1], sizes = [1], strides = [1]} : vector<16xi32> to vector<1xi32>
      %squeeze3A_98 = vector.extract %slice3A_97[0] : i32 from vector<1xi32>
      %mul3A_99 = arith.constant 16 : i32
      %mul3A_100 = arith.muli %squeeze3A_98, %mul3A_99 : i32
      %get3A_101 = arith.constant 0 : i32
      %get3A_102 = arith.index_cast %get3A_101 : i32 to index
      %get3A_103 = arith.index_cast %mul3A_100 : i32 to index
      %get3A_104 = tpu.vector_load %arg6[%get3A_102, %get3A_103] {strides = array<i32>} : memref<2x10240xf32, #tpu.memory_space<vmem>>, vector<1x16xf32>,
      %get3A_105 = vector.shape_cast %get3A_104 : vector<1x16xf32> to vector<16xf32>
      %swap3A_106 = arith.constant 16 : index
      %swap3A_107 = tpu.vector_load %arg8[%swap3A_106] {strides = array<i32>} : memref<512xf32, #tpu.memory_space<vmem>>, vector<16xf32>,
      %swap3A_108 = vector.shape_cast %swap3A_107 : vector<16xf32> to vector<16xf32>
      %swap3A_109 = vector.shape_cast %get3A_105 : vector<16xf32> to vector<16xf32>
      tpu.vector_store %arg8[%swap3A_106], %swap3A_109 {strides = array<i32>} : memref<512xf32, #tpu.memory_space<vmem>>, vector<16xf32>,
      %add3A_110 = vector.broadcast %mul3A_100 : i32 to vector<16xi32>
      %add3A_111 = arith.addi %iota3A, %add3A_110 : vector<16xi32>
      %swap3A_112 = arith.constant 16 : index
      %swap3A_113 = tpu.vector_load %arg10[%swap3A_112] {strides = array<i32>} : memref<512xi32, #tpu.memory_space<vmem>>, vector<16xi32>,
      %swap3A_114 = vector.shape_cast %swap3A_113 : vector<16xi32> to vector<16xi32>
      %swap3A_115 = vector.shape_cast %add3A_111 : vector<16xi32> to vector<16xi32>
      tpu.vector_store %arg10[%swap3A_112], %swap3A_115 {strides = array<i32>} : memref<512xi32, #tpu.memory_space<vmem>>, vector<16xi32>,
      %slice3A_116 = vector.extract_strided_slice %get3A_80 {offsets = [2], sizes = [1], strides = [1]} : vector<16xi32> to vector<1xi32>
      %squeeze3A_117 = vector.extract %slice3A_116[0] : i32 from vector<1xi32>
      %mul3A_118 = arith.constant 16 : i32
      %mul3A_119 = arith.muli %squeeze3A_117, %mul3A_118 : i32
      %get3A_120 = arith.constant 0 : i32
      %get3A_121 = arith.index_cast %get3A_120 : i32 to index
      %get3A_122 = arith.index_cast %mul3A_119 : i32 to index
      %get3A_123 = tpu.vector_load %arg6[%get3A_121, %get3A_122] {strides = array<i32>} : memref<2x10240xf32, #tpu.memory_space<vmem>>, vector<1x16xf32>,
      %get3A_124 = vector.shape_cast %get3A_123 : vector<1x16xf32> to vector<16xf32>
      %swap3A_125 = arith.constant 32 : index
      %swap3A_126 = tpu.vector_load %arg8[%swap3A_125] {strides = array<i32>} : memref<512xf32, #tpu.memory_space<vmem>>, vector<16xf32>,
      %swap3A_127 = vector.shape_cast %swap3A_126 : vector<16xf32> to vector<16xf32>
      %swap3A_128 = vector.shape_cast %get3A_124 : vector<16xf32> to vector<16xf32>
      tpu.vector_store %arg8[%swap3A_125], %swap3A_128 {strides = array<i32>} : memref<512xf32, #tpu.memory_space<vmem>>, vector<16xf32>,
      %add3A_129 = vector.broadcast %mul3A_119 : i32 to vector<16xi32>
      %add3A_130 = arith.addi %iota3A, %add3A_129 : vector<16xi32>
      %swap3A_131 = arith.constant 32 : index
      %swap3A_132 = tpu.vector_load %arg10[%swap3A_131] {strides = array<i32>} : memref<512xi32, #tpu.memory_space<vmem>>, vector<16xi32>,
      %swap3A_133 = vector.shape_cast %swap3A_132 : vector<16xi32> to vector<16xi32>
      %swap3A_134 = vector.shape_cast %add3A_130 : vector<16xi32> to vector<16xi32>
      tpu.vector_store %arg10[%swap3A_131], %swap3A_134 {strides = array<i32>} : memref<512xi32, #tpu.memory_space<vmem>>, vector<16xi32>,
      %slice3A_135 = vector.extract_strided_slice %get3A_80 {offsets = [3], sizes = [1], strides = [1]} : vector<16xi32> to vector<1xi32>
      %squeeze3A_136 = vector.extract %slice3A_135[0] : i32 from vector<1xi32>
      %mul3A_137 = arith.constant 16 : i32
      %mul3A_138 = arith.muli %squeeze3A_136, %mul3A_137 : i32
      %get3A_139 = arith.constant 0 : i32
      %get3A_140 = arith.index_cast %get3A_139 : i32 to index
      %get3A_141 = arith.index_cast %mul3A_138 : i32 to index
      %get3A_142 = tpu.vector_load %arg6[%get3A_140, %get3A_141] {strides = array<i32>} : memref<2x10240xf32, #tpu.memory_space<vmem>>, vector<1x16xf32>,
      %get3A_143 = vector.shape_cast %get3A_142 : vector<1x16xf32> to vector<16xf32>
      %swap3A_144 = arith.constant 48 : index
      %swap3A_145 = tpu.vector_load %arg8[%swap3A_144] {strides = array<i32>} : memref<512xf32, #tpu.memory_space<vmem>>, vector<16xf32>,
      %swap3A_146 = vector.shape_cast %swap3A_145 : vector<16xf32> to vector<16xf32>
      %swap3A_147 = vector.shape_cast %get3A_143 : vector<16xf32> to vector<16xf32>
      tpu.vector_store %arg8[%swap3A_144], %swap3A_147 {strides = array<i32>} : memref<512xf32, #tpu.memory_space<vmem>>, vector<16xf32>,
      %add3A_148 = vector.broadcast %mul3A_138 : i32 to vector<16xi32>
      %add3A_149 = arith.addi %iota3A, %add3A_148 : vector<16xi32>
      %swap3A_150 = arith.constant 48 : index
      %swap3A_151 = tpu.vector_load %arg10[%swap3A_150] {strides = array<i32>} : memref<512xi32, #tpu.memory_space<vmem>>, vector<16xi32>,
      %swap3A_152 = vector.shape_cast %swap3A_151 : vector<16xi32> to vector<16xi32>
      %swap3A_153 = vector.shape_cast %add3A_149 : vector<16xi32> to vector<16xi32>
      tpu.vector_store %arg10[%swap3A_150], %swap3A_153 {strides = array<i32>} : memref<512xi32, #tpu.memory_space<vmem>>, vector<16xi32>,
      %slice3A_154 = vector.extract_strided_slice %get3A_80 {offsets = [4], sizes = [1], strides = [1]} : vector<16xi32> to vector<1xi32>
      %squeeze3A_155 = vector.extract %slice3A_154[0] : i32 from vector<1xi32>
      %mul3A_156 = arith.constant 16 : i32
      %mul3A_157 = arith.muli %squeeze3A_155, %mul3A_156 : i32
      %get3A_158 = arith.constant 0 : i32
      %get3A_159 = arith.index_cast %get3A_158 : i32 to index
      %get3A_160 = arith.index_cast %mul3A_157 : i32 to index
      %get3A_161 = tpu.vector_load %arg6[%get3A_159, %get3A_160] {strides = array<i32>} : memref<2x10240xf32, #tpu.memory_space<vmem>>, vector<1x16xf32>,
      %get3A_162 = vector.shape_cast %get3A_161 : vector<1x16xf32> to vector<16xf32>
      %swap3A_163 = arith.constant 64 : index
      %swap3A_164 = tpu.vector_load %arg8[%swap3A_163] {strides = array<i32>} : memref<512xf32, #tpu.memory_space<vmem>>, vector<16xf32>,
      %swap3A_165 = vector.shape_cast %swap3A_164 : vector<16xf32> to vector<16xf32>
      %swap3A_166 = vector.shape_cast %get3A_162 : vector<16xf32> to vector<16xf32>
      tpu.vector_store %arg8[%swap3A_163], %swap3A_166 {strides = array<i32>} : memref<512xf32, #tpu.memory_space<vmem>>, vector<16xf32>,
      %add3A_167 = vector.broadcast %mul3A_157 : i32 to vector<16xi32>
      %add3A_168 = arith.addi %iota3A, %add3A_167 : vector<16xi32>
      %swap3A_169 = arith.constant 64 : index
      %swap3A_170 = tpu.vector_load %arg10[%swap3A_169] {strides = array<i32>} : memref<512xi32, #tpu.memory_space<vmem>>, vector<16xi32>,
      %swap3A_171 = vector.shape_cast %swap3A_170 : vector<16xi32> to vector<16xi32>
      %swap3A_172 = vector.shape_cast %add3A_168 : vector<16xi32> to vector<16xi32>
      tpu.vector_store %arg10[%swap3A_169], %swap3A_172 {strides = array<i32>} : memref<512xi32, #tpu.memory_space<vmem>>, vector<16xi32>,
      %slice3A_173 = vector.extract_strided_slice %get3A_80 {offsets = [5], sizes = [1], strides = [1]} : vector<16xi32> to vector<1xi32>
      %squeeze3A_174 = vector.extract %slice3A_173[0] : i32 from vector<1xi32>
      %mul3A_175 = arith.constant 16 : i32
      %mul3A_176 = arith.muli %squeeze3A_174, %mul3A_175 : i32
      %get3A_177 = arith.constant 0 : i32
      %get3A_178 = arith.index_cast %get3A_177 : i32 to index
      %get3A_179 = arith.index_cast %mul3A_176 : i32 to index
      %get3A_180 = tpu.vector_load %arg6[%get3A_178, %get3A_179] {strides = array<i32>} : memref<2x10240xf32, #tpu.memory_space<vmem>>, vector<1x16xf32>,
      %get3A_181 = vector.shape_cast %get3A_180 : vector<1x16xf32> to vector<16xf32>
      %swap3A_182 = arith.constant 80 : index
      %swap3A_183 = tpu.vector_load %arg8[%swap3A_182] {strides = array<i32>} : memref<512xf32, #tpu.memory_space<vmem>>, vector<16xf32>,
      %swap3A_184 = vector.shape_cast %swap3A_183 : vector<16xf32> to vector<16xf32>
      %swap3A_185 = vector.shape_cast %get3A_181 : vector<16xf32> to vector<16xf32>
      tpu.vector_store %arg8[%swap3A_182], %swap3A_185 {strides = array<i32>} : memref<512xf32, #tpu.memory_space<vmem>>, vector<16xf32>,
      %add3A_186 = vector.broadcast %mul3A_176 : i32 to vector<16xi32>
      %add3A_187 = arith.addi %iota3A, %add3A_186 : vector<16xi32>
      %swap3A_188 = arith.constant 80 : index
      %swap3A_189 = tpu.vector_load %arg10[%swap3A_188] {strides = array<i32>} : memref<512xi32, #tpu.memory_space<vmem>>, vector<16xi32>,
      %swap3A_190 = vector.shape_cast %swap3A_189 : vector<16xi32> to vector<16xi32>
      %swap3A_191 = vector.shape_cast %add3A_187 : vector<16xi32> to vector<16xi32>
      tpu.vector_store %arg10[%swap3A_188], %swap3A_191 {strides = array<i32>} : memref<512xi32, #tpu.memory_space<vmem>>, vector<16xi32>,
      %slice3A_192 = vector.extract_strided_slice %get3A_80 {offsets = [6], sizes = [1], strides = [1]} : vector<16xi32> to vector<1xi32>
      %squeeze3A_193 = vector.extract %slice3A_192[0] : i32 from vector<1xi32>
      %mul3A_194 = arith.constant 16 : i32
      %mul3A_195 = arith.muli %squeeze3A_193, %mul3A_194 : i32
      %get3A_196 = arith.constant 0 : i32
      %get3A_197 = arith.index_cast %get3A_196 : i32 to index
      %get3A_198 = arith.index_cast %mul3A_195 : i32 to index
      %get3A_199 = tpu.vector_load %arg6[%get3A_197, %get3A_198] {strides = array<i32>} : memref<2x10240xf32, #tpu.memory_space<vmem>>, vector<1x16xf32>,
      %get3A_200 = vector.shape_cast %get3A_199 : vector<1x16xf32> to vector<16xf32>
      %swap3A_201 = arith.constant 96 : index
      %swap3A_202 = tpu.vector_load %arg8[%swap3A_201] {strides = array<i32>} : memref<512xf32, #tpu.memory_space<vmem>>, vector<16xf32>,
      %swap3A_203 = vector.shape_cast %swap3A_202 : vector<16xf32> to vector<16xf32>
      %swap3A_204 = vector.shape_cast %get3A_200 : vector<16xf32> to vector<16xf32>
      tpu.vector_store %arg8[%swap3A_201], %swap3A_204 {strides = array<i32>} : memref<512xf32, #tpu.memory_space<vmem>>, vector<16xf32>,
      %add3A_205 = vector.broadcast %mul3A_195 : i32 to vector<16xi32>
      %add3A_206 = arith.addi %iota3A, %add3A_205 : vector<16xi32>
      %swap3A_207 = arith.constant 96 : index
      %swap3A_208 = tpu.vector_load %arg10[%swap3A_207] {strides = array<i32>} : memref<512xi32, #tpu.memory_space<vmem>>, vector<16xi32>,
      %swap3A_209 = vector.shape_cast %swap3A_208 : vector<16xi32> to vector<16xi32>
      %swap3A_210 = vector.shape_cast %add3A_206 : vector<16xi32> to vector<16xi32>
      tpu.vector_store %arg10[%swap3A_207], %swap3A_210 {strides = array<i32>} : memref<512xi32, #tpu.memory_space<vmem>>, vector<16xi32>,
      %slice3A_211 = vector.extract_strided_slice %get3A_80 {offsets = [7], sizes = [1], strides = [1]} : vector<16xi32> to vector<1xi32>
      %squeeze3A_212 = vector.extract %slice3A_211[0] : i32 from vector<1xi32>
      %mul3A_213 = arith.constant 16 : i32
      %mul3A_214 = arith.muli %squeeze3A_212, %mul3A_213 : i32
      %get3A_215 = arith.constant 0 : i32
      %get3A_216 = arith.index_cast %get3A_215 : i32 to index
      %get3A_217 = arith.index_cast %mul3A_214 : i32 to index
      %get3A_218 = tpu.vector_load %arg6[%get3A_216, %get3A_217] {strides = array<i32>} : memref<2x10240xf32, #tpu.memory_space<vmem>>, vector<1x16xf32>,
      %get3A_219 = vector.shape_cast %get3A_218 : vector<1x16xf32> to vector<16xf32>
      %swap3A_220 = arith.constant 112 : index
      %swap3A_221 = tpu.vector_load %arg8[%swap3A_220] {strides = array<i32>} : memref<512xf32, #tpu.memory_space<vmem>>, vector<16xf32>,
      %swap3A_222 = vector.shape_cast %swap3A_221 : vector<16xf32> to vector<16xf32>
      %swap3A_223 = vector.shape_cast %get3A_219 : vector<16xf32> to vector<16xf32>
      tpu.vector_store %arg8[%swap3A_220], %swap3A_223 {strides = array<i32>} : memref<512xf32, #tpu.memory_space<vmem>>, vector<16xf32>,
      %add3A_224 = vector.broadcast %mul3A_214 : i32 to vector<16xi32>
      %add3A_225 = arith.addi %iota3A, %add3A_224 : vector<16xi32>
      %swap3A_226 = arith.constant 112 : index
      %swap3A_227 = tpu.vector_load %arg10[%swap3A_226] {strides = array<i32>} : memref<512xi32, #tpu.memory_space<vmem>>, vector<16xi32>,
      %swap3A_228 = vector.shape_cast %swap3A_227 : vector<16xi32> to vector<16xi32>
      %swap3A_229 = vector.shape_cast %add3A_225 : vector<16xi32> to vector<16xi32>
      tpu.vector_store %arg10[%swap3A_226], %swap3A_229 {strides = array<i32>} : memref<512xi32, #tpu.memory_space<vmem>>, vector<16xi32>,
      %slice3A_230 = vector.extract_strided_slice %get3A_80 {offsets = [8], sizes = [1], strides = [1]} : vector<16xi32> to vector<1xi32>
      %squeeze3A_231 = vector.extract %slice3A_230[0] : i32 from vector<1xi32>
      %mul3A_232 = arith.constant 16 : i32
      %mul3A_233 = arith.muli %squeeze3A_231, %mul3A_232 : i32
      %get3A_234 = arith.constant 0 : i32
      %get3A_235 = arith.index_cast %get3A_234 : i32 to index
      %get3A_236 = arith.index_cast %mul3A_233 : i32 to index
      %get3A_237 = tpu.vector_load %arg6[%get3A_235, %get3A_236] {strides = array<i32>} : memref<2x10240xf32, #tpu.memory_space<vmem>>, vector<1x16xf32>,
      %get3A_238 = vector.shape_cast %get3A_237 : vector<1x16xf32> to vector<16xf32>
      %swap3A_239 = arith.constant 128 : index
      %swap3A_240 = tpu.vector_load %arg8[%swap3A_239] {strides = array<i32>} : memref<512xf32, #tpu.memory_space<vmem>>, vector<16xf32>,
      %swap3A_241 = vector.shape_cast %swap3A_240 : vector<16xf32> to vector<16xf32>
      %swap3A_242 = vector.shape_cast %get3A_238 : vector<16xf32> to vector<16xf32>
      tpu.vector_store %arg8[%swap3A_239], %swap3A_242 {strides = array<i32>} : memref<512xf32, #tpu.memory_space<vmem>>, vector<16xf32>,
      %add3A_243 = vector.broadcast %mul3A_233 : i32 to vector<16xi32>
      %add3A_244 = arith.addi %iota3A, %add3A_243 : vector<16xi32>
      %swap3A_245 = arith.constant 128 : index
      %swap3A_246 = tpu.vector_load %arg10[%swap3A_245] {strides = array<i32>} : memref<512xi32, #tpu.memory_space<vmem>>, vector<16xi32>,
      %swap3A_247 = vector.shape_cast %swap3A_246 : vector<16xi32> to vector<16xi32>
      %swap3A_248 = vector.shape_cast %add3A_244 : vector<16xi32> to vector<16xi32>
      tpu.vector_store %arg10[%swap3A_245], %swap3A_248 {strides = array<i32>} : memref<512xi32, #tpu.memory_space<vmem>>, vector<16xi32>,
      %slice3A_249 = vector.extract_strided_slice %get3A_80 {offsets = [9], sizes = [1], strides = [1]} : vector<16xi32> to vector<1xi32>
      %squeeze3A_250 = vector.extract %slice3A_249[0] : i32 from vector<1xi32>
      %mul3A_251 = arith.constant 16 : i32
      %mul3A_252 = arith.muli %squeeze3A_250, %mul3A_251 : i32
      %get3A_253 = arith.constant 0 : i32
      %get3A_254 = arith.index_cast %get3A_253 : i32 to index
      %get3A_255 = arith.index_cast %mul3A_252 : i32 to index
      %get3A_256 = tpu.vector_load %arg6[%get3A_254, %get3A_255] {strides = array<i32>} : memref<2x10240xf32, #tpu.memory_space<vmem>>, vector<1x16xf32>,
      %get3A_257 = vector.shape_cast %get3A_256 : vector<1x16xf32> to vector<16xf32>
      %swap3A_258 = arith.constant 144 : index
      %swap3A_259 = tpu.vector_load %arg8[%swap3A_258] {strides = array<i32>} : memref<512xf32, #tpu.memory_space<vmem>>, vector<16xf32>,
      %swap3A_260 = vector.shape_cast %swap3A_259 : vector<16xf32> to vector<16xf32>
      %swap3A_261 = vector.shape_cast %get3A_257 : vector<16xf32> to vector<16xf32>
      tpu.vector_store %arg8[%swap3A_258], %swap3A_261 {strides = array<i32>} : memref<512xf32, #tpu.memory_space<vmem>>, vector<16xf32>,
      %add3A_262 = vector.broadcast %mul3A_252 : i32 to vector<16xi32>
      %add3A_263 = arith.addi %iota3A, %add3A_262 : vector<16xi32>
      %swap3A_264 = arith.constant 144 : index
      %swap3A_265 = tpu.vector_load %arg10[%swap3A_264] {strides = array<i32>} : memref<512xi32, #tpu.memory_space<vmem>>, vector<16xi32>,
      %swap3A_266 = vector.shape_cast %swap3A_265 : vector<16xi32> to vector<16xi32>
      %swap3A_267 = vector.shape_cast %add3A_263 : vector<16xi32> to vector<16xi32>
      tpu.vector_store %arg10[%swap3A_264], %swap3A_267 {strides = array<i32>} : memref<512xi32, #tpu.memory_space<vmem>>, vector<16xi32>,
      %slice3A_268 = vector.extract_strided_slice %get3A_80 {offsets = [10], sizes = [1], strides = [1]} : vector<16xi32> to vector<1xi32>
      %squeeze3A_269 = vector.extract %slice3A_268[0] : i32 from vector<1xi32>
      %mul3A_270 = arith.constant 16 : i32
      %mul3A_271 = arith.muli %squeeze3A_269, %mul3A_270 : i32
      %get3A_272 = arith.constant 0 : i32
      %get3A_273 = arith.index_cast %get3A_272 : i32 to index
      %get3A_274 = arith.index_cast %mul3A_271 : i32 to index
      %get3A_275 = tpu.vector_load %arg6[%get3A_273, %get3A_274] {strides = array<i32>} : memref<2x10240xf32, #tpu.memory_space<vmem>>, vector<1x16xf32>,
      %get3A_276 = vector.shape_cast %get3A_275 : vector<1x16xf32> to vector<16xf32>
      %swap3A_277 = arith.constant 160 : index
      %swap3A_278 = tpu.vector_load %arg8[%swap3A_277] {strides = array<i32>} : memref<512xf32, #tpu.memory_space<vmem>>, vector<16xf32>,
      %swap3A_279 = vector.shape_cast %swap3A_278 : vector<16xf32> to vector<16xf32>
      %swap3A_280 = vector.shape_cast %get3A_276 : vector<16xf32> to vector<16xf32>
      tpu.vector_store %arg8[%swap3A_277], %swap3A_280 {strides = array<i32>} : memref<512xf32, #tpu.memory_space<vmem>>, vector<16xf32>,
      %add3A_281 = vector.broadcast %mul3A_271 : i32 to vector<16xi32>
      %add3A_282 = arith.addi %iota3A, %add3A_281 : vector<16xi32>
      %swap3A_283 = arith.constant 160 : index
      %swap3A_284 = tpu.vector_load %arg10[%swap3A_283] {strides = array<i32>} : memref<512xi32, #tpu.memory_space<vmem>>, vector<16xi32>,
      %swap3A_285 = vector.shape_cast %swap3A_284 : vector<16xi32> to vector<16xi32>
      %swap3A_286 = vector.shape_cast %add3A_282 : vector<16xi32> to vector<16xi32>
      tpu.vector_store %arg10[%swap3A_283], %swap3A_286 {strides = array<i32>} : memref<512xi32, #tpu.memory_space<vmem>>, vector<16xi32>,
      %slice3A_287 = vector.extract_strided_slice %get3A_80 {offsets = [11], sizes = [1], strides = [1]} : vector<16xi32> to vector<1xi32>
      %squeeze3A_288 = vector.extract %slice3A_287[0] : i32 from vector<1xi32>
      %mul3A_289 = arith.constant 16 : i32
      %mul3A_290 = arith.muli %squeeze3A_288, %mul3A_289 : i32
      %get3A_291 = arith.constant 0 : i32
      %get3A_292 = arith.index_cast %get3A_291 : i32 to index
      %get3A_293 = arith.index_cast %mul3A_290 : i32 to index
      %get3A_294 = tpu.vector_load %arg6[%get3A_292, %get3A_293] {strides = array<i32>} : memref<2x10240xf32, #tpu.memory_space<vmem>>, vector<1x16xf32>,
      %get3A_295 = vector.shape_cast %get3A_294 : vector<1x16xf32> to vector<16xf32>
      %swap3A_296 = arith.constant 176 : index
      %swap3A_297 = tpu.vector_load %arg8[%swap3A_296] {strides = array<i32>} : memref<512xf32, #tpu.memory_space<vmem>>, vector<16xf32>,
      %swap3A_298 = vector.shape_cast %swap3A_297 : vector<16xf32> to vector<16xf32>
      %swap3A_299 = vector.shape_cast %get3A_295 : vector<16xf32> to vector<16xf32>
      tpu.vector_store %arg8[%swap3A_296], %swap3A_299 {strides = array<i32>} : memref<512xf32, #tpu.memory_space<vmem>>, vector<16xf32>,
      %add3A_300 = vector.broadcast %mul3A_290 : i32 to vector<16xi32>
      %add3A_301 = arith.addi %iota3A, %add3A_300 : vector<16xi32>
      %swap3A_302 = arith.constant 176 : index
      %swap3A_303 = tpu.vector_load %arg10[%swap3A_302] {strides = array<i32>} : memref<512xi32, #tpu.memory_space<vmem>>, vector<16xi32>,
      %swap3A_304 = vector.shape_cast %swap3A_303 : vector<16xi32> to vector<16xi32>
      %swap3A_305 = vector.shape_cast %add3A_301 : vector<16xi32> to vector<16xi32>
      tpu.vector_store %arg10[%swap3A_302], %swap3A_305 {strides = array<i32>} : memref<512xi32, #tpu.memory_space<vmem>>, vector<16xi32>,
      %slice3A_306 = vector.extract_strided_slice %get3A_80 {offsets = [12], sizes = [1], strides = [1]} : vector<16xi32> to vector<1xi32>
      %squeeze3A_307 = vector.extract %slice3A_306[0] : i32 from vector<1xi32>
      %mul3A_308 = arith.constant 16 : i32
      %mul3A_309 = arith.muli %squeeze3A_307, %mul3A_308 : i32
      %get3A_310 = arith.constant 0 : i32
      %get3A_311 = arith.index_cast %get3A_310 : i32 to index
      %get3A_312 = arith.index_cast %mul3A_309 : i32 to index
      %get3A_313 = tpu.vector_load %arg6[%get3A_311, %get3A_312] {strides = array<i32>} : memref<2x10240xf32, #tpu.memory_space<vmem>>, vector<1x16xf32>,
      %get3A_314 = vector.shape_cast %get3A_313 : vector<1x16xf32> to vector<16xf32>
      %swap3A_315 = arith.constant 192 : index
      %swap3A_316 = tpu.vector_load %arg8[%swap3A_315] {strides = array<i32>} : memref<512xf32, #tpu.memory_space<vmem>>, vector<16xf32>,
      %swap3A_317 = vector.shape_cast %swap3A_316 : vector<16xf32> to vector<16xf32>
      %swap3A_318 = vector.shape_cast %get3A_314 : vector<16xf32> to vector<16xf32>
      tpu.vector_store %arg8[%swap3A_315], %swap3A_318 {strides = array<i32>} : memref<512xf32, #tpu.memory_space<vmem>>, vector<16xf32>,
      %add3A_319 = vector.broadcast %mul3A_309 : i32 to vector<16xi32>
      %add3A_320 = arith.addi %iota3A, %add3A_319 : vector<16xi32>
      %swap3A_321 = arith.constant 192 : index
      %swap3A_322 = tpu.vector_load %arg10[%swap3A_321] {strides = array<i32>} : memref<512xi32, #tpu.memory_space<vmem>>, vector<16xi32>,
      %swap3A_323 = vector.shape_cast %swap3A_322 : vector<16xi32> to vector<16xi32>
      %swap3A_324 = vector.shape_cast %add3A_320 : vector<16xi32> to vector<16xi32>
      tpu.vector_store %arg10[%swap3A_321], %swap3A_324 {strides = array<i32>} : memref<512xi32, #tpu.memory_space<vmem>>, vector<16xi32>,
      %slice3A_325 = vector.extract_strided_slice %get3A_80 {offsets = [13], sizes = [1], strides = [1]} : vector<16xi32> to vector<1xi32>
      %squeeze3A_326 = vector.extract %slice3A_325[0] : i32 from vector<1xi32>
      %mul3A_327 = arith.constant 16 : i32
      %mul3A_328 = arith.muli %squeeze3A_326, %mul3A_327 : i32
      %get3A_329 = arith.constant 0 : i32
      %get3A_330 = arith.index_cast %get3A_329 : i32 to index
      %get3A_331 = arith.index_cast %mul3A_328 : i32 to index
      %get3A_332 = tpu.vector_load %arg6[%get3A_330, %get3A_331] {strides = array<i32>} : memref<2x10240xf32, #tpu.memory_space<vmem>>, vector<1x16xf32>,
      %get3A_333 = vector.shape_cast %get3A_332 : vector<1x16xf32> to vector<16xf32>
      %swap3A_334 = arith.constant 208 : index
      %swap3A_335 = tpu.vector_load %arg8[%swap3A_334] {strides = array<i32>} : memref<512xf32, #tpu.memory_space<vmem>>, vector<16xf32>,
      %swap3A_336 = vector.shape_cast %swap3A_335 : vector<16xf32> to vector<16xf32>
      %swap3A_337 = vector.shape_cast %get3A_333 : vector<16xf32> to vector<16xf32>
      tpu.vector_store %arg8[%swap3A_334], %swap3A_337 {strides = array<i32>} : memref<512xf32, #tpu.memory_space<vmem>>, vector<16xf32>,
      %add3A_338 = vector.broadcast %mul3A_328 : i32 to vector<16xi32>
      %add3A_339 = arith.addi %iota3A, %add3A_338 : vector<16xi32>
      %swap3A_340 = arith.constant 208 : index
      %swap3A_341 = tpu.vector_load %arg10[%swap3A_340] {strides = array<i32>} : memref<512xi32, #tpu.memory_space<vmem>>, vector<16xi32>,
      %swap3A_342 = vector.shape_cast %swap3A_341 : vector<16xi32> to vector<16xi32>
      %swap3A_343 = vector.shape_cast %add3A_339 : vector<16xi32> to vector<16xi32>
      tpu.vector_store %arg10[%swap3A_340], %swap3A_343 {strides = array<i32>} : memref<512xi32, #tpu.memory_space<vmem>>, vector<16xi32>,
      %slice3A_344 = vector.extract_strided_slice %get3A_80 {offsets = [14], sizes = [1], strides = [1]} : vector<16xi32> to vector<1xi32>
      %squeeze3A_345 = vector.extract %slice3A_344[0] : i32 from vector<1xi32>
      %mul3A_346 = arith.constant 16 : i32
      %mul3A_347 = arith.muli %squeeze3A_345, %mul3A_346 : i32
      %get3A_348 = arith.constant 0 : i32
      %get3A_349 = arith.index_cast %get3A_348 : i32 to index
      %get3A_350 = arith.index_cast %mul3A_347 : i32 to index
      %get3A_351 = tpu.vector_load %arg6[%get3A_349, %get3A_350] {strides = array<i32>} : memref<2x10240xf32, #tpu.memory_space<vmem>>, vector<1x16xf32>,
      %get3A_352 = vector.shape_cast %get3A_351 : vector<1x16xf32> to vector<16xf32>
      %swap3A_353 = arith.constant 224 : index
      %swap3A_354 = tpu.vector_load %arg8[%swap3A_353] {strides = array<i32>} : memref<512xf32, #tpu.memory_space<vmem>>, vector<16xf32>,
      %swap3A_355 = vector.shape_cast %swap3A_354 : vector<16xf32> to vector<16xf32>
      %swap3A_356 = vector.shape_cast %get3A_352 : vector<16xf32> to vector<16xf32>
      tpu.vector_store %arg8[%swap3A_353], %swap3A_356 {strides = array<i32>} : memref<512xf32, #tpu.memory_space<vmem>>, vector<16xf32>,
      %add3A_357 = vector.broadcast %mul3A_347 : i32 to vector<16xi32>
      %add3A_358 = arith.addi %iota3A, %add3A_357 : vector<16xi32>
      %swap3A_359 = arith.constant 224 : index
      %swap3A_360 = tpu.vector_load %arg10[%swap3A_359] {strides = array<i32>} : memref<512xi32, #tpu.memory_space<vmem>>, vector<16xi32>,
      %swap3A_361 = vector.shape_cast %swap3A_360 : vector<16xi32> to vector<16xi32>
      %swap3A_362 = vector.shape_cast %add3A_358 : vector<16xi32> to vector<16xi32>
      tpu.vector_store %arg10[%swap3A_359], %swap3A_362 {strides = array<i32>} : memref<512xi32, #tpu.memory_space<vmem>>, vector<16xi32>,
      %slice3A_363 = vector.extract_strided_slice %get3A_80 {offsets = [15], sizes = [1], strides = [1]} : vector<16xi32> to vector<1xi32>
      %squeeze3A_364 = vector.extract %slice3A_363[0] : i32 from vector<1xi32>
      %mul3A_365 = arith.constant 16 : i32
      %mul3A_366 = arith.muli %squeeze3A_364, %mul3A_365 : i32
      %get3A_367 = arith.constant 0 : i32
      %get3A_368 = arith.index_cast %get3A_367 : i32 to index
      %get3A_369 = arith.index_cast %mul3A_366 : i32 to index
      %get3A_370 = tpu.vector_load %arg6[%get3A_368, %get3A_369] {strides = array<i32>} : memref<2x10240xf32, #tpu.memory_space<vmem>>, vector<1x16xf32>,
      %get3A_371 = vector.shape_cast %get3A_370 : vector<1x16xf32> to vector<16xf32>
      %swap3A_372 = arith.constant 240 : index
      %swap3A_373 = tpu.vector_load %arg8[%swap3A_372] {strides = array<i32>} : memref<512xf32, #tpu.memory_space<vmem>>, vector<16xf32>,
      %swap3A_374 = vector.shape_cast %swap3A_373 : vector<16xf32> to vector<16xf32>
      %swap3A_375 = vector.shape_cast %get3A_371 : vector<16xf32> to vector<16xf32>
      tpu.vector_store %arg8[%swap3A_372], %swap3A_375 {strides = array<i32>} : memref<512xf32, #tpu.memory_space<vmem>>, vector<16xf32>,
      %add3A_376 = vector.broadcast %mul3A_366 : i32 to vector<16xi32>
      %add3A_377 = arith.addi %iota3A, %add3A_376 : vector<16xi32>
      %swap3A_378 = arith.constant 240 : index
      %swap3A_379 = tpu.vector_load %arg10[%swap3A_378] {strides = array<i32>} : memref<512xi32, #tpu.memory_space<vmem>>, vector<16xi32>,
      %swap3A_380 = vector.shape_cast %swap3A_379 : vector<16xi32> to vector<16xi32>
      %swap3A_381 = vector.shape_cast %add3A_377 : vector<16xi32> to vector<16xi32>
      tpu.vector_store %arg10[%swap3A_378], %swap3A_381 {strides = array<i32>} : memref<512xi32, #tpu.memory_space<vmem>>, vector<16xi32>,
      %get3A_382 = arith.index_cast %add3A_62 : i32 to index
      %get3A_383 = arith.constant 16 : index
      %get3A_384 = tpu.vector_load %arg7[%get3A_382, %get3A_383] {strides = array<i32>} : memref<320x128xi32, #tpu.memory_space<vmem>>, vector<1x16xi32>,
      %get3A_385 = vector.shape_cast %get3A_384 : vector<1x16xi32> to vector<16xi32>
      %slice3A_386 = vector.extract_strided_slice %get3A_385 {offsets = [0], sizes = [1], strides = [1]} : vector<16xi32> to vector<1xi32>
      %squeeze3A_387 = vector.extract %slice3A_386[0] : i32 from vector<1xi32>
      %mul3A_388 = arith.constant 16 : i32
      %mul3A_389 = arith.muli %squeeze3A_387, %mul3A_388 : i32
      %get3A_390 = arith.constant 0 : i32
      %get3A_391 = arith.index_cast %get3A_390 : i32 to index
      %get3A_392 = arith.index_cast %mul3A_389 : i32 to index
      %get3A_393 = tpu.vector_load %arg6[%get3A_391, %get3A_392] {strides = array<i32>} : memref<2x10240xf32, #tpu.memory_space<vmem>>, vector<1x16xf32>,
      %get3A_394 = vector.shape_cast %get3A_393 : vector<1x16xf32> to vector<16xf32>
      %swap3A_395 = arith.constant 256 : index
      %swap3A_396 = tpu.vector_load %arg8[%swap3A_395] {strides = array<i32>} : memref<512xf32, #tpu.memory_space<vmem>>, vector<16xf32>,
      %swap3A_397 = vector.shape_cast %swap3A_396 : vector<16xf32> to vector<16xf32>
      %swap3A_398 = vector.shape_cast %get3A_394 : vector<16xf32> to vector<16xf32>
      tpu.vector_store %arg8[%swap3A_395], %swap3A_398 {strides = array<i32>} : memref<512xf32, #tpu.memory_space<vmem>>, vector<16xf32>,
      %add3A_399 = vector.broadcast %mul3A_389 : i32 to vector<16xi32>
      %add3A_400 = arith.addi %iota3A, %add3A_399 : vector<16xi32>
      %swap3A_401 = arith.constant 256 : index
      %swap3A_402 = tpu.vector_load %arg10[%swap3A_401] {strides = array<i32>} : memref<512xi32, #tpu.memory_space<vmem>>, vector<16xi32>,
      %swap3A_403 = vector.shape_cast %swap3A_402 : vector<16xi32> to vector<16xi32>
      %swap3A_404 = vector.shape_cast %add3A_400 : vector<16xi32> to vector<16xi32>
      tpu.vector_store %arg10[%swap3A_401], %swap3A_404 {strides = array<i32>} : memref<512xi32, #tpu.memory_space<vmem>>, vector<16xi32>,
      %slice3A_405 = vector.extract_strided_slice %get3A_385 {offsets = [1], sizes = [1], strides = [1]} : vector<16xi32> to vector<1xi32>
      %squeeze3A_406 = vector.extract %slice3A_405[0] : i32 from vector<1xi32>
      %mul3A_407 = arith.constant 16 : i32
      %mul3A_408 = arith.muli %squeeze3A_406, %mul3A_407 : i32
      %get3A_409 = arith.constant 0 : i32
      %get3A_410 = arith.index_cast %get3A_409 : i32 to index
      %get3A_411 = arith.index_cast %mul3A_408 : i32 to index
      %get3A_412 = tpu.vector_load %arg6[%get3A_410, %get3A_411] {strides = array<i32>} : memref<2x10240xf32, #tpu.memory_space<vmem>>, vector<1x16xf32>,
      %get3A_413 = vector.shape_cast %get3A_412 : vector<1x16xf32> to vector<16xf32>
      %swap3A_414 = arith.constant 272 : index
      %swap3A_415 = tpu.vector_load %arg8[%swap3A_414] {strides = array<i32>} : memref<512xf32, #tpu.memory_space<vmem>>, vector<16xf32>,
      %swap3A_416 = vector.shape_cast %swap3A_415 : vector<16xf32> to vector<16xf32>
      %swap3A_417 = vector.shape_cast %get3A_413 : vector<16xf32> to vector<16xf32>
      tpu.vector_store %arg8[%swap3A_414], %swap3A_417 {strides = array<i32>} : memref<512xf32, #tpu.memory_space<vmem>>, vector<16xf32>,
      %add3A_418 = vector.broadcast %mul3A_408 : i32 to vector<16xi32>
      %add3A_419 = arith.addi %iota3A, %add3A_418 : vector<16xi32>
      %swap3A_420 = arith.constant 272 : index
      %swap3A_421 = tpu.vector_load %arg10[%swap3A_420] {strides = array<i32>} : memref<512xi32, #tpu.memory_space<vmem>>, vector<16xi32>,
      %swap3A_422 = vector.shape_cast %swap3A_421 : vector<16xi32> to vector<16xi32>
      %swap3A_423 = vector.shape_cast %add3A_419 : vector<16xi32> to vector<16xi32>
      tpu.vector_store %arg10[%swap3A_420], %swap3A_423 {strides = array<i32>} : memref<512xi32, #tpu.memory_space<vmem>>, vector<16xi32>,
      %slice3A_424 = vector.extract_strided_slice %get3A_385 {offsets = [2], sizes = [1], strides = [1]} : vector<16xi32> to vector<1xi32>
      %squeeze3A_425 = vector.extract %slice3A_424[0] : i32 from vector<1xi32>
      %mul3A_426 = arith.constant 16 : i32
      %mul3A_427 = arith.muli %squeeze3A_425, %mul3A_426 : i32
      %get3A_428 = arith.constant 0 : i32
      %get3A_429 = arith.index_cast %get3A_428 : i32 to index
      %get3A_430 = arith.index_cast %mul3A_427 : i32 to index
      %get3A_431 = tpu.vector_load %arg6[%get3A_429, %get3A_430] {strides = array<i32>} : memref<2x10240xf32, #tpu.memory_space<vmem>>, vector<1x16xf32>,
      %get3A_432 = vector.shape_cast %get3A_431 : vector<1x16xf32> to vector<16xf32>
      %swap3A_433 = arith.constant 288 : index
      %swap3A_434 = tpu.vector_load %arg8[%swap3A_433] {strides = array<i32>} : memref<512xf32, #tpu.memory_space<vmem>>, vector<16xf32>,
      %swap3A_435 = vector.shape_cast %swap3A_434 : vector<16xf32> to vector<16xf32>
      %swap3A_436 = vector.shape_cast %get3A_432 : vector<16xf32> to vector<16xf32>
      tpu.vector_store %arg8[%swap3A_433], %swap3A_436 {strides = array<i32>} : memref<512xf32, #tpu.memory_space<vmem>>, vector<16xf32>,
      %add3A_437 = vector.broadcast %mul3A_427 : i32 to vector<16xi32>
      %add3A_438 = arith.addi %iota3A, %add3A_437 : vector<16xi32>
      %swap3A_439 = arith.constant 288 : index
      %swap3A_440 = tpu.vector_load %arg10[%swap3A_439] {strides = array<i32>} : memref<512xi32, #tpu.memory_space<vmem>>, vector<16xi32>,
      %swap3A_441 = vector.shape_cast %swap3A_440 : vector<16xi32> to vector<16xi32>
      %swap3A_442 = vector.shape_cast %add3A_438 : vector<16xi32> to vector<16xi32>
      tpu.vector_store %arg10[%swap3A_439], %swap3A_442 {strides = array<i32>} : memref<512xi32, #tpu.memory_space<vmem>>, vector<16xi32>,
      %slice3A_443 = vector.extract_strided_slice %get3A_385 {offsets = [3], sizes = [1], strides = [1]} : vector<16xi32> to vector<1xi32>
      %squeeze3A_444 = vector.extract %slice3A_443[0] : i32 from vector<1xi32>
      %mul3A_445 = arith.constant 16 : i32
      %mul3A_446 = arith.muli %squeeze3A_444, %mul3A_445 : i32
      %get3A_447 = arith.constant 0 : i32
      %get3A_448 = arith.index_cast %get3A_447 : i32 to index
      %get3A_449 = arith.index_cast %mul3A_446 : i32 to index
      %get3A_450 = tpu.vector_load %arg6[%get3A_448, %get3A_449] {strides = array<i32>} : memref<2x10240xf32, #tpu.memory_space<vmem>>, vector<1x16xf32>,
      %get3A_451 = vector.shape_cast %get3A_450 : vector<1x16xf32> to vector<16xf32>
      %swap3A_452 = arith.constant 304 : index
      %swap3A_453 = tpu.vector_load %arg8[%swap3A_452] {strides = array<i32>} : memref<512xf32, #tpu.memory_space<vmem>>, vector<16xf32>,
      %swap3A_454 = vector.shape_cast %swap3A_453 : vector<16xf32> to vector<16xf32>
      %swap3A_455 = vector.shape_cast %get3A_451 : vector<16xf32> to vector<16xf32>
      tpu.vector_store %arg8[%swap3A_452], %swap3A_455 {strides = array<i32>} : memref<512xf32, #tpu.memory_space<vmem>>, vector<16xf32>,
      %add3A_456 = vector.broadcast %mul3A_446 : i32 to vector<16xi32>
      %add3A_457 = arith.addi %iota3A, %add3A_456 : vector<16xi32>
      %swap3A_458 = arith.constant 304 : index
      %swap3A_459 = tpu.vector_load %arg10[%swap3A_458] {strides = array<i32>} : memref<512xi32, #tpu.memory_space<vmem>>, vector<16xi32>,
      %swap3A_460 = vector.shape_cast %swap3A_459 : vector<16xi32> to vector<16xi32>
      %swap3A_461 = vector.shape_cast %add3A_457 : vector<16xi32> to vector<16xi32>
      tpu.vector_store %arg10[%swap3A_458], %swap3A_461 {strides = array<i32>} : memref<512xi32, #tpu.memory_space<vmem>>, vector<16xi32>,
      %slice3A_462 = vector.extract_strided_slice %get3A_385 {offsets = [4], sizes = [1], strides = [1]} : vector<16xi32> to vector<1xi32>
      %squeeze3A_463 = vector.extract %slice3A_462[0] : i32 from vector<1xi32>
      %mul3A_464 = arith.constant 16 : i32
      %mul3A_465 = arith.muli %squeeze3A_463, %mul3A_464 : i32
      %get3A_466 = arith.constant 0 : i32
      %get3A_467 = arith.index_cast %get3A_466 : i32 to index
      %get3A_468 = arith.index_cast %mul3A_465 : i32 to index
      %get3A_469 = tpu.vector_load %arg6[%get3A_467, %get3A_468] {strides = array<i32>} : memref<2x10240xf32, #tpu.memory_space<vmem>>, vector<1x16xf32>,
      %get3A_470 = vector.shape_cast %get3A_469 : vector<1x16xf32> to vector<16xf32>
      %swap3A_471 = arith.constant 320 : index
      %swap3A_472 = tpu.vector_load %arg8[%swap3A_471] {strides = array<i32>} : memref<512xf32, #tpu.memory_space<vmem>>, vector<16xf32>,
      %swap3A_473 = vector.shape_cast %swap3A_472 : vector<16xf32> to vector<16xf32>
      %swap3A_474 = vector.shape_cast %get3A_470 : vector<16xf32> to vector<16xf32>
      tpu.vector_store %arg8[%swap3A_471], %swap3A_474 {strides = array<i32>} : memref<512xf32, #tpu.memory_space<vmem>>, vector<16xf32>,
      %add3A_475 = vector.broadcast %mul3A_465 : i32 to vector<16xi32>
      %add3A_476 = arith.addi %iota3A, %add3A_475 : vector<16xi32>
      %swap3A_477 = arith.constant 320 : index
      %swap3A_478 = tpu.vector_load %arg10[%swap3A_477] {strides = array<i32>} : memref<512xi32, #tpu.memory_space<vmem>>, vector<16xi32>,
      %swap3A_479 = vector.shape_cast %swap3A_478 : vector<16xi32> to vector<16xi32>
      %swap3A_480 = vector.shape_cast %add3A_476 : vector<16xi32> to vector<16xi32>
      tpu.vector_store %arg10[%swap3A_477], %swap3A_480 {strides = array<i32>} : memref<512xi32, #tpu.memory_space<vmem>>, vector<16xi32>,
      %slice3A_481 = vector.extract_strided_slice %get3A_385 {offsets = [5], sizes = [1], strides = [1]} : vector<16xi32> to vector<1xi32>
      %squeeze3A_482 = vector.extract %slice3A_481[0] : i32 from vector<1xi32>
      %mul3A_483 = arith.constant 16 : i32
      %mul3A_484 = arith.muli %squeeze3A_482, %mul3A_483 : i32
      %get3A_485 = arith.constant 0 : i32
      %get3A_486 = arith.index_cast %get3A_485 : i32 to index
      %get3A_487 = arith.index_cast %mul3A_484 : i32 to index
      %get3A_488 = tpu.vector_load %arg6[%get3A_486, %get3A_487] {strides = array<i32>} : memref<2x10240xf32, #tpu.memory_space<vmem>>, vector<1x16xf32>,
      %get3A_489 = vector.shape_cast %get3A_488 : vector<1x16xf32> to vector<16xf32>
      %swap3A_490 = arith.constant 336 : index
      %swap3A_491 = tpu.vector_load %arg8[%swap3A_490] {strides = array<i32>} : memref<512xf32, #tpu.memory_space<vmem>>, vector<16xf32>,
      %swap3A_492 = vector.shape_cast %swap3A_491 : vector<16xf32> to vector<16xf32>
      %swap3A_493 = vector.shape_cast %get3A_489 : vector<16xf32> to vector<16xf32>
      tpu.vector_store %arg8[%swap3A_490], %swap3A_493 {strides = array<i32>} : memref<512xf32, #tpu.memory_space<vmem>>, vector<16xf32>,
      %add3A_494 = vector.broadcast %mul3A_484 : i32 to vector<16xi32>
      %add3A_495 = arith.addi %iota3A, %add3A_494 : vector<16xi32>
      %swap3A_496 = arith.constant 336 : index
      %swap3A_497 = tpu.vector_load %arg10[%swap3A_496] {strides = array<i32>} : memref<512xi32, #tpu.memory_space<vmem>>, vector<16xi32>,
      %swap3A_498 = vector.shape_cast %swap3A_497 : vector<16xi32> to vector<16xi32>
      %swap3A_499 = vector.shape_cast %add3A_495 : vector<16xi32> to vector<16xi32>
      tpu.vector_store %arg10[%swap3A_496], %swap3A_499 {strides = array<i32>} : memref<512xi32, #tpu.memory_space<vmem>>, vector<16xi32>,
      %slice3A_500 = vector.extract_strided_slice %get3A_385 {offsets = [6], sizes = [1], strides = [1]} : vector<16xi32> to vector<1xi32>
      %squeeze3A_501 = vector.extract %slice3A_500[0] : i32 from vector<1xi32>
      %mul3A_502 = arith.constant 16 : i32
      %mul3A_503 = arith.muli %squeeze3A_501, %mul3A_502 : i32
      %get3A_504 = arith.constant 0 : i32
      %get3A_505 = arith.index_cast %get3A_504 : i32 to index
      %get3A_506 = arith.index_cast %mul3A_503 : i32 to index
      %get3A_507 = tpu.vector_load %arg6[%get3A_505, %get3A_506] {strides = array<i32>} : memref<2x10240xf32, #tpu.memory_space<vmem>>, vector<1x16xf32>,
      %get3A_508 = vector.shape_cast %get3A_507 : vector<1x16xf32> to vector<16xf32>
      %swap3A_509 = arith.constant 352 : index
      %swap3A_510 = tpu.vector_load %arg8[%swap3A_509] {strides = array<i32>} : memref<512xf32, #tpu.memory_space<vmem>>, vector<16xf32>,
      %swap3A_511 = vector.shape_cast %swap3A_510 : vector<16xf32> to vector<16xf32>
      %swap3A_512 = vector.shape_cast %get3A_508 : vector<16xf32> to vector<16xf32>
      tpu.vector_store %arg8[%swap3A_509], %swap3A_512 {strides = array<i32>} : memref<512xf32, #tpu.memory_space<vmem>>, vector<16xf32>,
      %add3A_513 = vector.broadcast %mul3A_503 : i32 to vector<16xi32>
      %add3A_514 = arith.addi %iota3A, %add3A_513 : vector<16xi32>
      %swap3A_515 = arith.constant 352 : index
      %swap3A_516 = tpu.vector_load %arg10[%swap3A_515] {strides = array<i32>} : memref<512xi32, #tpu.memory_space<vmem>>, vector<16xi32>,
      %swap3A_517 = vector.shape_cast %swap3A_516 : vector<16xi32> to vector<16xi32>
      %swap3A_518 = vector.shape_cast %add3A_514 : vector<16xi32> to vector<16xi32>
      tpu.vector_store %arg10[%swap3A_515], %swap3A_518 {strides = array<i32>} : memref<512xi32, #tpu.memory_space<vmem>>, vector<16xi32>,
      %slice3A_519 = vector.extract_strided_slice %get3A_385 {offsets = [7], sizes = [1], strides = [1]} : vector<16xi32> to vector<1xi32>
      %squeeze3A_520 = vector.extract %slice3A_519[0] : i32 from vector<1xi32>
      %mul3A_521 = arith.constant 16 : i32
      %mul3A_522 = arith.muli %squeeze3A_520, %mul3A_521 : i32
      %get3A_523 = arith.constant 0 : i32
      %get3A_524 = arith.index_cast %get3A_523 : i32 to index
      %get3A_525 = arith.index_cast %mul3A_522 : i32 to index
      %get3A_526 = tpu.vector_load %arg6[%get3A_524, %get3A_525] {strides = array<i32>} : memref<2x10240xf32, #tpu.memory_space<vmem>>, vector<1x16xf32>,
      %get3A_527 = vector.shape_cast %get3A_526 : vector<1x16xf32> to vector<16xf32>
      %swap3A_528 = arith.constant 368 : index
      %swap3A_529 = tpu.vector_load %arg8[%swap3A_528] {strides = array<i32>} : memref<512xf32, #tpu.memory_space<vmem>>, vector<16xf32>,
      %swap3A_530 = vector.shape_cast %swap3A_529 : vector<16xf32> to vector<16xf32>
      %swap3A_531 = vector.shape_cast %get3A_527 : vector<16xf32> to vector<16xf32>
      tpu.vector_store %arg8[%swap3A_528], %swap3A_531 {strides = array<i32>} : memref<512xf32, #tpu.memory_space<vmem>>, vector<16xf32>,
      %add3A_532 = vector.broadcast %mul3A_522 : i32 to vector<16xi32>
      %add3A_533 = arith.addi %iota3A, %add3A_532 : vector<16xi32>
      %swap3A_534 = arith.constant 368 : index
      %swap3A_535 = tpu.vector_load %arg10[%swap3A_534] {strides = array<i32>} : memref<512xi32, #tpu.memory_space<vmem>>, vector<16xi32>,
      %swap3A_536 = vector.shape_cast %swap3A_535 : vector<16xi32> to vector<16xi32>
      %swap3A_537 = vector.shape_cast %add3A_533 : vector<16xi32> to vector<16xi32>
      tpu.vector_store %arg10[%swap3A_534], %swap3A_537 {strides = array<i32>} : memref<512xi32, #tpu.memory_space<vmem>>, vector<16xi32>,
      %slice3A_538 = vector.extract_strided_slice %get3A_385 {offsets = [8], sizes = [1], strides = [1]} : vector<16xi32> to vector<1xi32>
      %squeeze3A_539 = vector.extract %slice3A_538[0] : i32 from vector<1xi32>
      %mul3A_540 = arith.constant 16 : i32
      %mul3A_541 = arith.muli %squeeze3A_539, %mul3A_540 : i32
      %get3A_542 = arith.constant 0 : i32
      %get3A_543 = arith.index_cast %get3A_542 : i32 to index
      %get3A_544 = arith.index_cast %mul3A_541 : i32 to index
      %get3A_545 = tpu.vector_load %arg6[%get3A_543, %get3A_544] {strides = array<i32>} : memref<2x10240xf32, #tpu.memory_space<vmem>>, vector<1x16xf32>,
      %get3A_546 = vector.shape_cast %get3A_545 : vector<1x16xf32> to vector<16xf32>
      %swap3A_547 = arith.constant 384 : index
      %swap3A_548 = tpu.vector_load %arg8[%swap3A_547] {strides = array<i32>} : memref<512xf32, #tpu.memory_space<vmem>>, vector<16xf32>,
      %swap3A_549 = vector.shape_cast %swap3A_548 : vector<16xf32> to vector<16xf32>
      %swap3A_550 = vector.shape_cast %get3A_546 : vector<16xf32> to vector<16xf32>
      tpu.vector_store %arg8[%swap3A_547], %swap3A_550 {strides = array<i32>} : memref<512xf32, #tpu.memory_space<vmem>>, vector<16xf32>,
      %add3A_551 = vector.broadcast %mul3A_541 : i32 to vector<16xi32>
      %add3A_552 = arith.addi %iota3A, %add3A_551 : vector<16xi32>
      %swap3A_553 = arith.constant 384 : index
      %swap3A_554 = tpu.vector_load %arg10[%swap3A_553] {strides = array<i32>} : memref<512xi32, #tpu.memory_space<vmem>>, vector<16xi32>,
      %swap3A_555 = vector.shape_cast %swap3A_554 : vector<16xi32> to vector<16xi32>
      %swap3A_556 = vector.shape_cast %add3A_552 : vector<16xi32> to vector<16xi32>
      tpu.vector_store %arg10[%swap3A_553], %swap3A_556 {strides = array<i32>} : memref<512xi32, #tpu.memory_space<vmem>>, vector<16xi32>,
      %slice3A_557 = vector.extract_strided_slice %get3A_385 {offsets = [9], sizes = [1], strides = [1]} : vector<16xi32> to vector<1xi32>
      %squeeze3A_558 = vector.extract %slice3A_557[0] : i32 from vector<1xi32>
      %mul3A_559 = arith.constant 16 : i32
      %mul3A_560 = arith.muli %squeeze3A_558, %mul3A_559 : i32
      %get3A_561 = arith.constant 0 : i32
      %get3A_562 = arith.index_cast %get3A_561 : i32 to index
      %get3A_563 = arith.index_cast %mul3A_560 : i32 to index
      %get3A_564 = tpu.vector_load %arg6[%get3A_562, %get3A_563] {strides = array<i32>} : memref<2x10240xf32, #tpu.memory_space<vmem>>, vector<1x16xf32>,
      %get3A_565 = vector.shape_cast %get3A_564 : vector<1x16xf32> to vector<16xf32>
      %swap3A_566 = arith.constant 400 : index
      %swap3A_567 = tpu.vector_load %arg8[%swap3A_566] {strides = array<i32>} : memref<512xf32, #tpu.memory_space<vmem>>, vector<16xf32>,
      %swap3A_568 = vector.shape_cast %swap3A_567 : vector<16xf32> to vector<16xf32>
      %swap3A_569 = vector.shape_cast %get3A_565 : vector<16xf32> to vector<16xf32>
      tpu.vector_store %arg8[%swap3A_566], %swap3A_569 {strides = array<i32>} : memref<512xf32, #tpu.memory_space<vmem>>, vector<16xf32>,
      %add3A_570 = vector.broadcast %mul3A_560 : i32 to vector<16xi32>
      %add3A_571 = arith.addi %iota3A, %add3A_570 : vector<16xi32>
      %swap3A_572 = arith.constant 400 : index
      %swap3A_573 = tpu.vector_load %arg10[%swap3A_572] {strides = array<i32>} : memref<512xi32, #tpu.memory_space<vmem>>, vector<16xi32>,
      %swap3A_574 = vector.shape_cast %swap3A_573 : vector<16xi32> to vector<16xi32>
      %swap3A_575 = vector.shape_cast %add3A_571 : vector<16xi32> to vector<16xi32>
      tpu.vector_store %arg10[%swap3A_572], %swap3A_575 {strides = array<i32>} : memref<512xi32, #tpu.memory_space<vmem>>, vector<16xi32>,
      %slice3A_576 = vector.extract_strided_slice %get3A_385 {offsets = [10], sizes = [1], strides = [1]} : vector<16xi32> to vector<1xi32>
      %squeeze3A_577 = vector.extract %slice3A_576[0] : i32 from vector<1xi32>
      %mul3A_578 = arith.constant 16 : i32
      %mul3A_579 = arith.muli %squeeze3A_577, %mul3A_578 : i32
      %get3A_580 = arith.constant 0 : i32
      %get3A_581 = arith.index_cast %get3A_580 : i32 to index
      %get3A_582 = arith.index_cast %mul3A_579 : i32 to index
      %get3A_583 = tpu.vector_load %arg6[%get3A_581, %get3A_582] {strides = array<i32>} : memref<2x10240xf32, #tpu.memory_space<vmem>>, vector<1x16xf32>,
      %get3A_584 = vector.shape_cast %get3A_583 : vector<1x16xf32> to vector<16xf32>
      %swap3A_585 = arith.constant 416 : index
      %swap3A_586 = tpu.vector_load %arg8[%swap3A_585] {strides = array<i32>} : memref<512xf32, #tpu.memory_space<vmem>>, vector<16xf32>,
      %swap3A_587 = vector.shape_cast %swap3A_586 : vector<16xf32> to vector<16xf32>
      %swap3A_588 = vector.shape_cast %get3A_584 : vector<16xf32> to vector<16xf32>
      tpu.vector_store %arg8[%swap3A_585], %swap3A_588 {strides = array<i32>} : memref<512xf32, #tpu.memory_space<vmem>>, vector<16xf32>,
      %add3A_589 = vector.broadcast %mul3A_579 : i32 to vector<16xi32>
      %add3A_590 = arith.addi %iota3A, %add3A_589 : vector<16xi32>
      %swap3A_591 = arith.constant 416 : index
      %swap3A_592 = tpu.vector_load %arg10[%swap3A_591] {strides = array<i32>} : memref<512xi32, #tpu.memory_space<vmem>>, vector<16xi32>,
      %swap3A_593 = vector.shape_cast %swap3A_592 : vector<16xi32> to vector<16xi32>
      %swap3A_594 = vector.shape_cast %add3A_590 : vector<16xi32> to vector<16xi32>
      tpu.vector_store %arg10[%swap3A_591], %swap3A_594 {strides = array<i32>} : memref<512xi32, #tpu.memory_space<vmem>>, vector<16xi32>,
      %slice3A_595 = vector.extract_strided_slice %get3A_385 {offsets = [11], sizes = [1], strides = [1]} : vector<16xi32> to vector<1xi32>
      %squeeze3A_596 = vector.extract %slice3A_595[0] : i32 from vector<1xi32>
      %mul3A_597 = arith.constant 16 : i32
      %mul3A_598 = arith.muli %squeeze3A_596, %mul3A_597 : i32
      %get3A_599 = arith.constant 0 : i32
      %get3A_600 = arith.index_cast %get3A_599 : i32 to index
      %get3A_601 = arith.index_cast %mul3A_598 : i32 to index
      %get3A_602 = tpu.vector_load %arg6[%get3A_600, %get3A_601] {strides = array<i32>} : memref<2x10240xf32, #tpu.memory_space<vmem>>, vector<1x16xf32>,
      %get3A_603 = vector.shape_cast %get3A_602 : vector<1x16xf32> to vector<16xf32>
      %swap3A_604 = arith.constant 432 : index
      %swap3A_605 = tpu.vector_load %arg8[%swap3A_604] {strides = array<i32>} : memref<512xf32, #tpu.memory_space<vmem>>, vector<16xf32>,
      %swap3A_606 = vector.shape_cast %swap3A_605 : vector<16xf32> to vector<16xf32>
      %swap3A_607 = vector.shape_cast %get3A_603 : vector<16xf32> to vector<16xf32>
      tpu.vector_store %arg8[%swap3A_604], %swap3A_607 {strides = array<i32>} : memref<512xf32, #tpu.memory_space<vmem>>, vector<16xf32>,
      %add3A_608 = vector.broadcast %mul3A_598 : i32 to vector<16xi32>
      %add3A_609 = arith.addi %iota3A, %add3A_608 : vector<16xi32>
      %swap3A_610 = arith.constant 432 : index
      %swap3A_611 = tpu.vector_load %arg10[%swap3A_610] {strides = array<i32>} : memref<512xi32, #tpu.memory_space<vmem>>, vector<16xi32>,
      %swap3A_612 = vector.shape_cast %swap3A_611 : vector<16xi32> to vector<16xi32>
      %swap3A_613 = vector.shape_cast %add3A_609 : vector<16xi32> to vector<16xi32>
      tpu.vector_store %arg10[%swap3A_610], %swap3A_613 {strides = array<i32>} : memref<512xi32, #tpu.memory_space<vmem>>, vector<16xi32>,
      %slice3A_614 = vector.extract_strided_slice %get3A_385 {offsets = [12], sizes = [1], strides = [1]} : vector<16xi32> to vector<1xi32>
      %squeeze3A_615 = vector.extract %slice3A_614[0] : i32 from vector<1xi32>
      %mul3A_616 = arith.constant 16 : i32
      %mul3A_617 = arith.muli %squeeze3A_615, %mul3A_616 : i32
      %get3A_618 = arith.constant 0 : i32
      %get3A_619 = arith.index_cast %get3A_618 : i32 to index
      %get3A_620 = arith.index_cast %mul3A_617 : i32 to index
      %get3A_621 = tpu.vector_load %arg6[%get3A_619, %get3A_620] {strides = array<i32>} : memref<2x10240xf32, #tpu.memory_space<vmem>>, vector<1x16xf32>,
      %get3A_622 = vector.shape_cast %get3A_621 : vector<1x16xf32> to vector<16xf32>
      %swap3A_623 = arith.constant 448 : index
      %swap3A_624 = tpu.vector_load %arg8[%swap3A_623] {strides = array<i32>} : memref<512xf32, #tpu.memory_space<vmem>>, vector<16xf32>,
      %swap3A_625 = vector.shape_cast %swap3A_624 : vector<16xf32> to vector<16xf32>
      %swap3A_626 = vector.shape_cast %get3A_622 : vector<16xf32> to vector<16xf32>
      tpu.vector_store %arg8[%swap3A_623], %swap3A_626 {strides = array<i32>} : memref<512xf32, #tpu.memory_space<vmem>>, vector<16xf32>,
      %add3A_627 = vector.broadcast %mul3A_617 : i32 to vector<16xi32>
      %add3A_628 = arith.addi %iota3A, %add3A_627 : vector<16xi32>
      %swap3A_629 = arith.constant 448 : index
      %swap3A_630 = tpu.vector_load %arg10[%swap3A_629] {strides = array<i32>} : memref<512xi32, #tpu.memory_space<vmem>>, vector<16xi32>,
      %swap3A_631 = vector.shape_cast %swap3A_630 : vector<16xi32> to vector<16xi32>
      %swap3A_632 = vector.shape_cast %add3A_628 : vector<16xi32> to vector<16xi32>
      tpu.vector_store %arg10[%swap3A_629], %swap3A_632 {strides = array<i32>} : memref<512xi32, #tpu.memory_space<vmem>>, vector<16xi32>,
      %slice3A_633 = vector.extract_strided_slice %get3A_385 {offsets = [13], sizes = [1], strides = [1]} : vector<16xi32> to vector<1xi32>
      %squeeze3A_634 = vector.extract %slice3A_633[0] : i32 from vector<1xi32>
      %mul3A_635 = arith.constant 16 : i32
      %mul3A_636 = arith.muli %squeeze3A_634, %mul3A_635 : i32
      %get3A_637 = arith.constant 0 : i32
      %get3A_638 = arith.index_cast %get3A_637 : i32 to index
      %get3A_639 = arith.index_cast %mul3A_636 : i32 to index
      %get3A_640 = tpu.vector_load %arg6[%get3A_638, %get3A_639] {strides = array<i32>} : memref<2x10240xf32, #tpu.memory_space<vmem>>, vector<1x16xf32>,
      %get3A_641 = vector.shape_cast %get3A_640 : vector<1x16xf32> to vector<16xf32>
      %swap3A_642 = arith.constant 464 : index
      %swap3A_643 = tpu.vector_load %arg8[%swap3A_642] {strides = array<i32>} : memref<512xf32, #tpu.memory_space<vmem>>, vector<16xf32>,
      %swap3A_644 = vector.shape_cast %swap3A_643 : vector<16xf32> to vector<16xf32>
      %swap3A_645 = vector.shape_cast %get3A_641 : vector<16xf32> to vector<16xf32>
      tpu.vector_store %arg8[%swap3A_642], %swap3A_645 {strides = array<i32>} : memref<512xf32, #tpu.memory_space<vmem>>, vector<16xf32>,
      %add3A_646 = vector.broadcast %mul3A_636 : i32 to vector<16xi32>
      %add3A_647 = arith.addi %iota3A, %add3A_646 : vector<16xi32>
      %swap3A_648 = arith.constant 464 : index
      %swap3A_649 = tpu.vector_load %arg10[%swap3A_648] {strides = array<i32>} : memref<512xi32, #tpu.memory_space<vmem>>, vector<16xi32>,
      %swap3A_650 = vector.shape_cast %swap3A_649 : vector<16xi32> to vector<16xi32>
      %swap3A_651 = vector.shape_cast %add3A_647 : vector<16xi32> to vector<16xi32>
      tpu.vector_store %arg10[%swap3A_648], %swap3A_651 {strides = array<i32>} : memref<512xi32, #tpu.memory_space<vmem>>, vector<16xi32>,
      %slice3A_652 = vector.extract_strided_slice %get3A_385 {offsets = [14], sizes = [1], strides = [1]} : vector<16xi32> to vector<1xi32>
      %squeeze3A_653 = vector.extract %slice3A_652[0] : i32 from vector<1xi32>
      %mul3A_654 = arith.constant 16 : i32
      %mul3A_655 = arith.muli %squeeze3A_653, %mul3A_654 : i32
      %get3A_656 = arith.constant 0 : i32
      %get3A_657 = arith.index_cast %get3A_656 : i32 to index
      %get3A_658 = arith.index_cast %mul3A_655 : i32 to index
      %get3A_659 = tpu.vector_load %arg6[%get3A_657, %get3A_658] {strides = array<i32>} : memref<2x10240xf32, #tpu.memory_space<vmem>>, vector<1x16xf32>,
      %get3A_660 = vector.shape_cast %get3A_659 : vector<1x16xf32> to vector<16xf32>
      %swap3A_661 = arith.constant 480 : index
      %swap3A_662 = tpu.vector_load %arg8[%swap3A_661] {strides = array<i32>} : memref<512xf32, #tpu.memory_space<vmem>>, vector<16xf32>,
      %swap3A_663 = vector.shape_cast %swap3A_662 : vector<16xf32> to vector<16xf32>
      %swap3A_664 = vector.shape_cast %get3A_660 : vector<16xf32> to vector<16xf32>
      tpu.vector_store %arg8[%swap3A_661], %swap3A_664 {strides = array<i32>} : memref<512xf32, #tpu.memory_space<vmem>>, vector<16xf32>,
      %add3A_665 = vector.broadcast %mul3A_655 : i32 to vector<16xi32>
      %add3A_666 = arith.addi %iota3A, %add3A_665 : vector<16xi32>
      %swap3A_667 = arith.constant 480 : index
      %swap3A_668 = tpu.vector_load %arg10[%swap3A_667] {strides = array<i32>} : memref<512xi32, #tpu.memory_space<vmem>>, vector<16xi32>,
      %swap3A_669 = vector.shape_cast %swap3A_668 : vector<16xi32> to vector<16xi32>
      %swap3A_670 = vector.shape_cast %add3A_666 : vector<16xi32> to vector<16xi32>
      tpu.vector_store %arg10[%swap3A_667], %swap3A_670 {strides = array<i32>} : memref<512xi32, #tpu.memory_space<vmem>>, vector<16xi32>,
      %slice3A_671 = vector.extract_strided_slice %get3A_385 {offsets = [15], sizes = [1], strides = [1]} : vector<16xi32> to vector<1xi32>
      %squeeze3A_672 = vector.extract %slice3A_671[0] : i32 from vector<1xi32>
      %mul3A_673 = arith.constant 16 : i32
      %mul3A_674 = arith.muli %squeeze3A_672, %mul3A_673 : i32
      %get3A_675 = arith.constant 0 : i32
      %get3A_676 = arith.index_cast %get3A_675 : i32 to index
      %get3A_677 = arith.index_cast %mul3A_674 : i32 to index
      %get3A_678 = tpu.vector_load %arg6[%get3A_676, %get3A_677] {strides = array<i32>} : memref<2x10240xf32, #tpu.memory_space<vmem>>, vector<1x16xf32>,
      %get3A_679 = vector.shape_cast %get3A_678 : vector<1x16xf32> to vector<16xf32>
      %swap3A_680 = arith.constant 496 : index
      %swap3A_681 = tpu.vector_load %arg8[%swap3A_680] {strides = array<i32>} : memref<512xf32, #tpu.memory_space<vmem>>, vector<16xf32>,
      %swap3A_682 = vector.shape_cast %swap3A_681 : vector<16xf32> to vector<16xf32>
      %swap3A_683 = vector.shape_cast %get3A_679 : vector<16xf32> to vector<16xf32>
      tpu.vector_store %arg8[%swap3A_680], %swap3A_683 {strides = array<i32>} : memref<512xf32, #tpu.memory_space<vmem>>, vector<16xf32>,
      %add3A_684 = vector.broadcast %mul3A_674 : i32 to vector<16xi32>
      %add3A_685 = arith.addi %iota3A, %add3A_684 : vector<16xi32>
      %swap3A_686 = arith.constant 496 : index
      %swap3A_687 = tpu.vector_load %arg10[%swap3A_686] {strides = array<i32>} : memref<512xi32, #tpu.memory_space<vmem>>, vector<16xi32>,
      %swap3A_688 = vector.shape_cast %swap3A_687 : vector<16xi32> to vector<16xi32>
      %swap3A_689 = vector.shape_cast %add3A_685 : vector<16xi32> to vector<16xi32>
      tpu.vector_store %arg10[%swap3A_686], %swap3A_689 {strides = array<i32>} : memref<512xi32, #tpu.memory_space<vmem>>, vector<16xi32>,
      %add3A_690 = arith.constant 2 : i32
      %add3A_691 = arith.addi %add3A_62, %add3A_690 : i32
      %lt3A = arith.constant 320 : i32
      %lt3A_692 = arith.cmpi slt, %add3A_691, %lt3A : i32
      %convert_element_type3A_693 = arith.extui %lt3A_692 : i1 to i32
      %cond3A_694 = arith.constant 0 : i32
      %cond3A_695 = arith.cmpi ne, %convert_element_type3A_693, %cond3A_694 : i32
      scf.if %cond3A_695 {
        %add3A_1369 = arith.addi %mul3A_2, %add3A_62 : i32
        %add3A_1370 = arith.constant 2 : i32
        %add3A_1371 = arith.addi %add3A_1369, %add3A_1370 : i32
        %dma_start3A_1372 = arith.constant 0 : i32
        %dma_start3A_1373 = arith.constant 0 : i32
        %dma_start3A_1374 = tpu.memref_slice %arg6[%dma_start3A_1372, %dma_start3A_1373] : memref<2x10240xf32, #tpu.memory_space<vmem>> -> memref<1x10240xf32, #tpu.memory_space<vmem>>
        %dma_start3A_1375 = tpu.memref_squeeze %dma_start3A_1374 : memref<1x10240xf32, #tpu.memory_space<vmem>> -> memref<10240xf32, #tpu.memory_space<vmem>>
        %dma_start3A_1376 = arith.constant 0 : i32
        %dma_start3A_1377 = tpu.memref_slice %arg2[%add3A_1371, %dma_start3A_1376] : memref<10240x10240xf32, #tpu.memory_space<hbm>> -> memref<1x10240xf32, #tpu.memory_space<hbm>>
        %dma_start3A_1378 = tpu.memref_squeeze %dma_start3A_1377 : memref<1x10240xf32, #tpu.memory_space<hbm>> -> memref<10240xf32, #tpu.memory_space<hbm>>
        %dma_start3A_1379 = arith.constant 0 : i32
        %dma_start3A_1380 = tpu.memref_slice %arg6[%dma_start3A_1372, %dma_start3A_1379] : memref<2x10240xf32, #tpu.memory_space<vmem>> -> memref<1x10240xf32, #tpu.memory_space<vmem>>
        %dma_start3A_1381 = tpu.memref_squeeze %dma_start3A_1380 : memref<1x10240xf32, #tpu.memory_space<vmem>> -> memref<10240xf32, #tpu.memory_space<vmem>>
        %dma_start3A_1382 = arith.constant 0 : i32
        %dma_start3A_1383 = tpu.memref_slice %arg2[%add3A_1371, %dma_start3A_1382] : memref<10240x10240xf32, #tpu.memory_space<hbm>> -> memref<1x10240xf32, #tpu.memory_space<hbm>>
        %dma_start3A_1384 = tpu.memref_squeeze %dma_start3A_1383 : memref<1x10240xf32, #tpu.memory_space<hbm>> -> memref<10240xf32, #tpu.memory_space<hbm>>
        tpu.enqueue_dma source(%dma_start3A_1384 : memref<10240xf32, #tpu.memory_space<hbm>>) target(%dma_start3A_1381 : memref<10240xf32, #tpu.memory_space<vmem>>) target_semaphore(%arg12 : memref<!tpu.dma_semaphore, #tpu.memory_space<semaphore_mem>>)
      } else {
      }
      %add3A_696 = arith.addi %mul3A_2, %add3A_62 : i32
      %dma_start3A_697 = arith.constant 0 : i32
      %dma_start3A_698 = tpu.memref_slice %arg4[%add3A_696, %dma_start3A_697] : memref<10240x512xf32, #tpu.memory_space<hbm>> -> memref<1x512xf32, #tpu.memory_space<hbm>>
      %dma_start3A_699 = tpu.memref_squeeze %dma_start3A_698 : memref<1x512xf32, #tpu.memory_space<hbm>> -> memref<512xf32, #tpu.memory_space<hbm>>
      %dma_start3A_700 = arith.constant 0 : i32
      %dma_start3A_701 = tpu.memref_slice %arg4[%add3A_696, %dma_start3A_700] : memref<10240x512xf32, #tpu.memory_space<hbm>> -> memref<1x512xf32, #tpu.memory_space<hbm>>
      %dma_start3A_702 = tpu.memref_squeeze %dma_start3A_701 : memref<1x512xf32, #tpu.memory_space<hbm>> -> memref<512xf32, #tpu.memory_space<hbm>>
      tpu.enqueue_dma source(%arg8 : memref<512xf32, #tpu.memory_space<vmem>>) target(%dma_start3A_702 : memref<512xf32, #tpu.memory_space<hbm>>) target_semaphore(%arg14 : memref<!tpu.dma_semaphore, #tpu.memory_space<semaphore_mem>>)
      %add3A_703 = arith.addi %mul3A_2, %add3A_62 : i32
      %dma_start3A_704 = arith.constant 0 : i32
      %dma_start3A_705 = tpu.memref_slice %arg5[%add3A_703, %dma_start3A_704] : memref<10240x512xi32, #tpu.memory_space<hbm>> -> memref<1x512xi32, #tpu.memory_space<hbm>>
      %dma_start3A_706 = tpu.memref_squeeze %dma_start3A_705 : memref<1x512xi32, #tpu.memory_space<hbm>> -> memref<512xi32, #tpu.memory_space<hbm>>
      %dma_start3A_707 = arith.constant 0 : i32
      %dma_start3A_708 = tpu.memref_slice %arg5[%add3A_703, %dma_start3A_707] : memref<10240x512xi32, #tpu.memory_space<hbm>> -> memref<1x512xi32, #tpu.memory_space<hbm>>
      %dma_start3A_709 = tpu.memref_squeeze %dma_start3A_708 : memref<1x512xi32, #tpu.memory_space<hbm>> -> memref<512xi32, #tpu.memory_space<hbm>>
      tpu.enqueue_dma source(%arg10 : memref<512xi32, #tpu.memory_space<vmem>>) target(%dma_start3A_709 : memref<512xi32, #tpu.memory_space<hbm>>) target_semaphore(%arg14 : memref<!tpu.dma_semaphore, #tpu.memory_space<semaphore_mem>>)
      %mul3A_710 = arith.constant 2 : i32
      %mul3A_711 = arith.muli %scan3A_58, %mul3A_710 : i32
      %add3A_712 = arith.constant 1 : i32
      %add3A_713 = arith.addi %mul3A_711, %add3A_712 : i32
      %dma_wait3A_714 = arith.constant 1 : i32
      %dma_wait3A_715 = arith.constant 0 : i32
      %dma_wait3A_716 = tpu.memref_slice %arg6[%dma_wait3A_714, %dma_wait3A_715] : memref<2x10240xf32, #tpu.memory_space<vmem>> -> memref<1x10240xf32, #tpu.memory_space<vmem>>
      %dma_wait3A_717 = tpu.memref_squeeze %dma_wait3A_716 : memref<1x10240xf32, #tpu.memory_space<vmem>> -> memref<10240xf32, #tpu.memory_space<vmem>>
      %dma_wait3A_718 = arith.constant 0 : i32
      %dma_wait3A_719 = tpu.memref_slice %arg2[%mul3A_2, %dma_wait3A_718] : memref<10240x10240xf32, #tpu.memory_space<hbm>> -> memref<1x10240xf32, #tpu.memory_space<hbm>>
      %dma_wait3A_720 = tpu.memref_squeeze %dma_wait3A_719 : memref<1x10240xf32, #tpu.memory_space<hbm>> -> memref<10240xf32, #tpu.memory_space<hbm>>
      %dma_wait3A_721 = arith.constant 0 : i32
      %dma_wait3A_722 = tpu.memref_slice %arg6[%dma_wait3A_714, %dma_wait3A_721] : memref<2x10240xf32, #tpu.memory_space<vmem>> -> memref<1x10240xf32, #tpu.memory_space<vmem>>
      %dma_wait3A_723 = tpu.memref_squeeze %dma_wait3A_722 : memref<1x10240xf32, #tpu.memory_space<vmem>> -> memref<10240xf32, #tpu.memory_space<vmem>>
      %dma_wait3A_724 = arith.constant 0 : i32
      %dma_wait3A_725 = tpu.memref_slice %arg2[%mul3A_2, %dma_wait3A_724] : memref<10240x10240xf32, #tpu.memory_space<hbm>> -> memref<1x10240xf32, #tpu.memory_space<hbm>>
      %dma_wait3A_726 = tpu.memref_squeeze %dma_wait3A_725 : memref<1x10240xf32, #tpu.memory_space<hbm>> -> memref<10240xf32, #tpu.memory_space<hbm>>
      tpu.wait_dma2 semaphore(%arg13 : memref<!tpu.dma_semaphore, #tpu.memory_space<semaphore_mem>>) src(%dma_wait3A_726 : memref<10240xf32, #tpu.memory_space<hbm>>) dst(%dma_wait3A_723 : memref<10240xf32, #tpu.memory_space<vmem>>)
      %ge3A_727 = arith.constant 1 : i32
      %ge3A_728 = arith.cmpi sge, %scan3A_58, %ge3A_727 : i32
      %convert_element_type3A_729 = arith.extui %ge3A_728 : i1 to i32
      %cond3A_730 = arith.constant 0 : i32
      %cond3A_731 = arith.cmpi ne, %convert_element_type3A_729, %cond3A_730 : i32
      scf.if %cond3A_731 {
        %dma_wait3A_1369 = arith.constant 0 : i32
        %dma_wait3A_1370 = tpu.memref_slice %arg4[%mul3A_2, %dma_wait3A_1369] : memref<10240x512xf32, #tpu.memory_space<hbm>> -> memref<1x512xf32, #tpu.memory_space<hbm>>
        %dma_wait3A_1371 = tpu.memref_squeeze %dma_wait3A_1370 : memref<1x512xf32, #tpu.memory_space<hbm>> -> memref<512xf32, #tpu.memory_space<hbm>>
        %dma_wait3A_1372 = arith.constant 0 : i32
        %dma_wait3A_1373 = tpu.memref_slice %arg4[%mul3A_2, %dma_wait3A_1372] : memref<10240x512xf32, #tpu.memory_space<hbm>> -> memref<1x512xf32, #tpu.memory_space<hbm>>
        %dma_wait3A_1374 = tpu.memref_squeeze %dma_wait3A_1373 : memref<1x512xf32, #tpu.memory_space<hbm>> -> memref<512xf32, #tpu.memory_space<hbm>>
        tpu.wait_dma2 semaphore(%arg15 : memref<!tpu.dma_semaphore, #tpu.memory_space<semaphore_mem>>) src(%arg9 : memref<512xf32, #tpu.memory_space<vmem>>) dst(%dma_wait3A_1374 : memref<512xf32, #tpu.memory_space<hbm>>)
        %dma_wait3A_1375 = arith.constant 0 : i32
        %dma_wait3A_1376 = tpu.memref_slice %arg5[%mul3A_2, %dma_wait3A_1375] : memref<10240x512xi32, #tpu.memory_space<hbm>> -> memref<1x512xi32, #tpu.memory_space<hbm>>
        %dma_wait3A_1377 = tpu.memref_squeeze %dma_wait3A_1376 : memref<1x512xi32, #tpu.memory_space<hbm>> -> memref<512xi32, #tpu.memory_space<hbm>>
        %dma_wait3A_1378 = arith.constant 0 : i32
        %dma_wait3A_1379 = tpu.memref_slice %arg5[%mul3A_2, %dma_wait3A_1378] : memref<10240x512xi32, #tpu.memory_space<hbm>> -> memref<1x512xi32, #tpu.memory_space<hbm>>
        %dma_wait3A_1380 = tpu.memref_squeeze %dma_wait3A_1379 : memref<1x512xi32, #tpu.memory_space<hbm>> -> memref<512xi32, #tpu.memory_space<hbm>>
        tpu.wait_dma2 semaphore(%arg15 : memref<!tpu.dma_semaphore, #tpu.memory_space<semaphore_mem>>) src(%arg11 : memref<512xi32, #tpu.memory_space<vmem>>) dst(%dma_wait3A_1380 : memref<512xi32, #tpu.memory_space<hbm>>)
      } else {
      }
      %get3A_732 = arith.index_cast %add3A_713 : i32 to index
      %get3A_733 = arith.constant 0 : index
      %get3A_734 = tpu.vector_load %arg7[%get3A_732, %get3A_733] {strides = array<i32>} : memref<320x128xi32, #tpu.memory_space<vmem>>, vector<1x16xi32>,
      %get3A_735 = vector.shape_cast %get3A_734 : vector<1x16xi32> to vector<16xi32>
      %slice3A_736 = vector.extract_strided_slice %get3A_735 {offsets = [0], sizes = [1], strides = [1]} : vector<16xi32> to vector<1xi32>
      %squeeze3A_737 = vector.extract %slice3A_736[0] : i32 from vector<1xi32>
      %mul3A_738 = arith.constant 16 : i32
      %mul3A_739 = arith.muli %squeeze3A_737, %mul3A_738 : i32
      %get3A_740 = arith.constant 1 : i32
      %get3A_741 = arith.index_cast %get3A_740 : i32 to index
      %get3A_742 = arith.index_cast %mul3A_739 : i32 to index
      %get3A_743 = tpu.vector_load %arg6[%get3A_741, %get3A_742] {strides = array<i32>} : memref<2x10240xf32, #tpu.memory_space<vmem>>, vector<1x16xf32>,
      %get3A_744 = vector.shape_cast %get3A_743 : vector<1x16xf32> to vector<16xf32>
      %swap3A_745 = arith.constant 0 : index
      %swap3A_746 = tpu.vector_load %arg9[%swap3A_745] {strides = array<i32>} : memref<512xf32, #tpu.memory_space<vmem>>, vector<16xf32>,
      %swap3A_747 = vector.shape_cast %swap3A_746 : vector<16xf32> to vector<16xf32>
      %swap3A_748 = vector.shape_cast %get3A_744 : vector<16xf32> to vector<16xf32>
      tpu.vector_store %arg9[%swap3A_745], %swap3A_748 {strides = array<i32>} : memref<512xf32, #tpu.memory_space<vmem>>, vector<16xf32>,
      %add3A_749 = vector.broadcast %mul3A_739 : i32 to vector<16xi32>
      %add3A_750 = arith.addi %iota3A, %add3A_749 : vector<16xi32>
      %swap3A_751 = arith.constant 0 : index
      %swap3A_752 = tpu.vector_load %arg11[%swap3A_751] {strides = array<i32>} : memref<512xi32, #tpu.memory_space<vmem>>, vector<16xi32>,
      %swap3A_753 = vector.shape_cast %swap3A_752 : vector<16xi32> to vector<16xi32>
      %swap3A_754 = vector.shape_cast %add3A_750 : vector<16xi32> to vector<16xi32>
      tpu.vector_store %arg11[%swap3A_751], %swap3A_754 {strides = array<i32>} : memref<512xi32, #tpu.memory_space<vmem>>, vector<16xi32>,
      %slice3A_755 = vector.extract_strided_slice %get3A_735 {offsets = [1], sizes = [1], strides = [1]} : vector<16xi32> to vector<1xi32>
      %squeeze3A_756 = vector.extract %slice3A_755[0] : i32 from vector<1xi32>
      %mul3A_757 = arith.constant 16 : i32
      %mul3A_758 = arith.muli %squeeze3A_756, %mul3A_757 : i32
      %get3A_759 = arith.constant 1 : i32
      %get3A_760 = arith.index_cast %get3A_759 : i32 to index
      %get3A_761 = arith.index_cast %mul3A_758 : i32 to index
      %get3A_762 = tpu.vector_load %arg6[%get3A_760, %get3A_761] {strides = array<i32>} : memref<2x10240xf32, #tpu.memory_space<vmem>>, vector<1x16xf32>,
      %get3A_763 = vector.shape_cast %get3A_762 : vector<1x16xf32> to vector<16xf32>
      %swap3A_764 = arith.constant 16 : index
      %swap3A_765 = tpu.vector_load %arg9[%swap3A_764] {strides = array<i32>} : memref<512xf32, #tpu.memory_space<vmem>>, vector<16xf32>,
      %swap3A_766 = vector.shape_cast %swap3A_765 : vector<16xf32> to vector<16xf32>
      %swap3A_767 = vector.shape_cast %get3A_763 : vector<16xf32> to vector<16xf32>
      tpu.vector_store %arg9[%swap3A_764], %swap3A_767 {strides = array<i32>} : memref<512xf32, #tpu.memory_space<vmem>>, vector<16xf32>,
      %add3A_768 = vector.broadcast %mul3A_758 : i32 to vector<16xi32>
      %add3A_769 = arith.addi %iota3A, %add3A_768 : vector<16xi32>
      %swap3A_770 = arith.constant 16 : index
      %swap3A_771 = tpu.vector_load %arg11[%swap3A_770] {strides = array<i32>} : memref<512xi32, #tpu.memory_space<vmem>>, vector<16xi32>,
      %swap3A_772 = vector.shape_cast %swap3A_771 : vector<16xi32> to vector<16xi32>
      %swap3A_773 = vector.shape_cast %add3A_769 : vector<16xi32> to vector<16xi32>
      tpu.vector_store %arg11[%swap3A_770], %swap3A_773 {strides = array<i32>} : memref<512xi32, #tpu.memory_space<vmem>>, vector<16xi32>,
      %slice3A_774 = vector.extract_strided_slice %get3A_735 {offsets = [2], sizes = [1], strides = [1]} : vector<16xi32> to vector<1xi32>
      %squeeze3A_775 = vector.extract %slice3A_774[0] : i32 from vector<1xi32>
      %mul3A_776 = arith.constant 16 : i32
      %mul3A_777 = arith.muli %squeeze3A_775, %mul3A_776 : i32
      %get3A_778 = arith.constant 1 : i32
      %get3A_779 = arith.index_cast %get3A_778 : i32 to index
      %get3A_780 = arith.index_cast %mul3A_777 : i32 to index
      %get3A_781 = tpu.vector_load %arg6[%get3A_779, %get3A_780] {strides = array<i32>} : memref<2x10240xf32, #tpu.memory_space<vmem>>, vector<1x16xf32>,
      %get3A_782 = vector.shape_cast %get3A_781 : vector<1x16xf32> to vector<16xf32>
      %swap3A_783 = arith.constant 32 : index
      %swap3A_784 = tpu.vector_load %arg9[%swap3A_783] {strides = array<i32>} : memref<512xf32, #tpu.memory_space<vmem>>, vector<16xf32>,
      %swap3A_785 = vector.shape_cast %swap3A_784 : vector<16xf32> to vector<16xf32>
      %swap3A_786 = vector.shape_cast %get3A_782 : vector<16xf32> to vector<16xf32>
      tpu.vector_store %arg9[%swap3A_783], %swap3A_786 {strides = array<i32>} : memref<512xf32, #tpu.memory_space<vmem>>, vector<16xf32>,
      %add3A_787 = vector.broadcast %mul3A_777 : i32 to vector<16xi32>
      %add3A_788 = arith.addi %iota3A, %add3A_787 : vector<16xi32>
      %swap3A_789 = arith.constant 32 : index
      %swap3A_790 = tpu.vector_load %arg11[%swap3A_789] {strides = array<i32>} : memref<512xi32, #tpu.memory_space<vmem>>, vector<16xi32>,
      %swap3A_791 = vector.shape_cast %swap3A_790 : vector<16xi32> to vector<16xi32>
      %swap3A_792 = vector.shape_cast %add3A_788 : vector<16xi32> to vector<16xi32>
      tpu.vector_store %arg11[%swap3A_789], %swap3A_792 {strides = array<i32>} : memref<512xi32, #tpu.memory_space<vmem>>, vector<16xi32>,
      %slice3A_793 = vector.extract_strided_slice %get3A_735 {offsets = [3], sizes = [1], strides = [1]} : vector<16xi32> to vector<1xi32>
      %squeeze3A_794 = vector.extract %slice3A_793[0] : i32 from vector<1xi32>
      %mul3A_795 = arith.constant 16 : i32
      %mul3A_796 = arith.muli %squeeze3A_794, %mul3A_795 : i32
      %get3A_797 = arith.constant 1 : i32
      %get3A_798 = arith.index_cast %get3A_797 : i32 to index
      %get3A_799 = arith.index_cast %mul3A_796 : i32 to index
      %get3A_800 = tpu.vector_load %arg6[%get3A_798, %get3A_799] {strides = array<i32>} : memref<2x10240xf32, #tpu.memory_space<vmem>>, vector<1x16xf32>,
      %get3A_801 = vector.shape_cast %get3A_800 : vector<1x16xf32> to vector<16xf32>
      %swap3A_802 = arith.constant 48 : index
      %swap3A_803 = tpu.vector_load %arg9[%swap3A_802] {strides = array<i32>} : memref<512xf32, #tpu.memory_space<vmem>>, vector<16xf32>,
      %swap3A_804 = vector.shape_cast %swap3A_803 : vector<16xf32> to vector<16xf32>
      %swap3A_805 = vector.shape_cast %get3A_801 : vector<16xf32> to vector<16xf32>
      tpu.vector_store %arg9[%swap3A_802], %swap3A_805 {strides = array<i32>} : memref<512xf32, #tpu.memory_space<vmem>>, vector<16xf32>,
      %add3A_806 = vector.broadcast %mul3A_796 : i32 to vector<16xi32>
      %add3A_807 = arith.addi %iota3A, %add3A_806 : vector<16xi32>
      %swap3A_808 = arith.constant 48 : index
      %swap3A_809 = tpu.vector_load %arg11[%swap3A_808] {strides = array<i32>} : memref<512xi32, #tpu.memory_space<vmem>>, vector<16xi32>,
      %swap3A_810 = vector.shape_cast %swap3A_809 : vector<16xi32> to vector<16xi32>
      %swap3A_811 = vector.shape_cast %add3A_807 : vector<16xi32> to vector<16xi32>
      tpu.vector_store %arg11[%swap3A_808], %swap3A_811 {strides = array<i32>} : memref<512xi32, #tpu.memory_space<vmem>>, vector<16xi32>,
      %slice3A_812 = vector.extract_strided_slice %get3A_735 {offsets = [4], sizes = [1], strides = [1]} : vector<16xi32> to vector<1xi32>
      %squeeze3A_813 = vector.extract %slice3A_812[0] : i32 from vector<1xi32>
      %mul3A_814 = arith.constant 16 : i32
      %mul3A_815 = arith.muli %squeeze3A_813, %mul3A_814 : i32
      %get3A_816 = arith.constant 1 : i32
      %get3A_817 = arith.index_cast %get3A_816 : i32 to index
      %get3A_818 = arith.index_cast %mul3A_815 : i32 to index
      %get3A_819 = tpu.vector_load %arg6[%get3A_817, %get3A_818] {strides = array<i32>} : memref<2x10240xf32, #tpu.memory_space<vmem>>, vector<1x16xf32>,
      %get3A_820 = vector.shape_cast %get3A_819 : vector<1x16xf32> to vector<16xf32>
      %swap3A_821 = arith.constant 64 : index
      %swap3A_822 = tpu.vector_load %arg9[%swap3A_821] {strides = array<i32>} : memref<512xf32, #tpu.memory_space<vmem>>, vector<16xf32>,
      %swap3A_823 = vector.shape_cast %swap3A_822 : vector<16xf32> to vector<16xf32>
      %swap3A_824 = vector.shape_cast %get3A_820 : vector<16xf32> to vector<16xf32>
      tpu.vector_store %arg9[%swap3A_821], %swap3A_824 {strides = array<i32>} : memref<512xf32, #tpu.memory_space<vmem>>, vector<16xf32>,
      %add3A_825 = vector.broadcast %mul3A_815 : i32 to vector<16xi32>
      %add3A_826 = arith.addi %iota3A, %add3A_825 : vector<16xi32>
      %swap3A_827 = arith.constant 64 : index
      %swap3A_828 = tpu.vector_load %arg11[%swap3A_827] {strides = array<i32>} : memref<512xi32, #tpu.memory_space<vmem>>, vector<16xi32>,
      %swap3A_829 = vector.shape_cast %swap3A_828 : vector<16xi32> to vector<16xi32>
      %swap3A_830 = vector.shape_cast %add3A_826 : vector<16xi32> to vector<16xi32>
      tpu.vector_store %arg11[%swap3A_827], %swap3A_830 {strides = array<i32>} : memref<512xi32, #tpu.memory_space<vmem>>, vector<16xi32>,
      %slice3A_831 = vector.extract_strided_slice %get3A_735 {offsets = [5], sizes = [1], strides = [1]} : vector<16xi32> to vector<1xi32>
      %squeeze3A_832 = vector.extract %slice3A_831[0] : i32 from vector<1xi32>
      %mul3A_833 = arith.constant 16 : i32
      %mul3A_834 = arith.muli %squeeze3A_832, %mul3A_833 : i32
      %get3A_835 = arith.constant 1 : i32
      %get3A_836 = arith.index_cast %get3A_835 : i32 to index
      %get3A_837 = arith.index_cast %mul3A_834 : i32 to index
      %get3A_838 = tpu.vector_load %arg6[%get3A_836, %get3A_837] {strides = array<i32>} : memref<2x10240xf32, #tpu.memory_space<vmem>>, vector<1x16xf32>,
      %get3A_839 = vector.shape_cast %get3A_838 : vector<1x16xf32> to vector<16xf32>
      %swap3A_840 = arith.constant 80 : index
      %swap3A_841 = tpu.vector_load %arg9[%swap3A_840] {strides = array<i32>} : memref<512xf32, #tpu.memory_space<vmem>>, vector<16xf32>,
      %swap3A_842 = vector.shape_cast %swap3A_841 : vector<16xf32> to vector<16xf32>
      %swap3A_843 = vector.shape_cast %get3A_839 : vector<16xf32> to vector<16xf32>
      tpu.vector_store %arg9[%swap3A_840], %swap3A_843 {strides = array<i32>} : memref<512xf32, #tpu.memory_space<vmem>>, vector<16xf32>,
      %add3A_844 = vector.broadcast %mul3A_834 : i32 to vector<16xi32>
      %add3A_845 = arith.addi %iota3A, %add3A_844 : vector<16xi32>
      %swap3A_846 = arith.constant 80 : index
      %swap3A_847 = tpu.vector_load %arg11[%swap3A_846] {strides = array<i32>} : memref<512xi32, #tpu.memory_space<vmem>>, vector<16xi32>,
      %swap3A_848 = vector.shape_cast %swap3A_847 : vector<16xi32> to vector<16xi32>
      %swap3A_849 = vector.shape_cast %add3A_845 : vector<16xi32> to vector<16xi32>
      tpu.vector_store %arg11[%swap3A_846], %swap3A_849 {strides = array<i32>} : memref<512xi32, #tpu.memory_space<vmem>>, vector<16xi32>,
      %slice3A_850 = vector.extract_strided_slice %get3A_735 {offsets = [6], sizes = [1], strides = [1]} : vector<16xi32> to vector<1xi32>
      %squeeze3A_851 = vector.extract %slice3A_850[0] : i32 from vector<1xi32>
      %mul3A_852 = arith.constant 16 : i32
      %mul3A_853 = arith.muli %squeeze3A_851, %mul3A_852 : i32
      %get3A_854 = arith.constant 1 : i32
      %get3A_855 = arith.index_cast %get3A_854 : i32 to index
      %get3A_856 = arith.index_cast %mul3A_853 : i32 to index
      %get3A_857 = tpu.vector_load %arg6[%get3A_855, %get3A_856] {strides = array<i32>} : memref<2x10240xf32, #tpu.memory_space<vmem>>, vector<1x16xf32>,
      %get3A_858 = vector.shape_cast %get3A_857 : vector<1x16xf32> to vector<16xf32>
      %swap3A_859 = arith.constant 96 : index
      %swap3A_860 = tpu.vector_load %arg9[%swap3A_859] {strides = array<i32>} : memref<512xf32, #tpu.memory_space<vmem>>, vector<16xf32>,
      %swap3A_861 = vector.shape_cast %swap3A_860 : vector<16xf32> to vector<16xf32>
      %swap3A_862 = vector.shape_cast %get3A_858 : vector<16xf32> to vector<16xf32>
      tpu.vector_store %arg9[%swap3A_859], %swap3A_862 {strides = array<i32>} : memref<512xf32, #tpu.memory_space<vmem>>, vector<16xf32>,
      %add3A_863 = vector.broadcast %mul3A_853 : i32 to vector<16xi32>
      %add3A_864 = arith.addi %iota3A, %add3A_863 : vector<16xi32>
      %swap3A_865 = arith.constant 96 : index
      %swap3A_866 = tpu.vector_load %arg11[%swap3A_865] {strides = array<i32>} : memref<512xi32, #tpu.memory_space<vmem>>, vector<16xi32>,
      %swap3A_867 = vector.shape_cast %swap3A_866 : vector<16xi32> to vector<16xi32>
      %swap3A_868 = vector.shape_cast %add3A_864 : vector<16xi32> to vector<16xi32>
      tpu.vector_store %arg11[%swap3A_865], %swap3A_868 {strides = array<i32>} : memref<512xi32, #tpu.memory_space<vmem>>, vector<16xi32>,
      %slice3A_869 = vector.extract_strided_slice %get3A_735 {offsets = [7], sizes = [1], strides = [1]} : vector<16xi32> to vector<1xi32>
      %squeeze3A_870 = vector.extract %slice3A_869[0] : i32 from vector<1xi32>
      %mul3A_871 = arith.constant 16 : i32
      %mul3A_872 = arith.muli %squeeze3A_870, %mul3A_871 : i32
      %get3A_873 = arith.constant 1 : i32
      %get3A_874 = arith.index_cast %get3A_873 : i32 to index
      %get3A_875 = arith.index_cast %mul3A_872 : i32 to index
      %get3A_876 = tpu.vector_load %arg6[%get3A_874, %get3A_875] {strides = array<i32>} : memref<2x10240xf32, #tpu.memory_space<vmem>>, vector<1x16xf32>,
      %get3A_877 = vector.shape_cast %get3A_876 : vector<1x16xf32> to vector<16xf32>
      %swap3A_878 = arith.constant 112 : index
      %swap3A_879 = tpu.vector_load %arg9[%swap3A_878] {strides = array<i32>} : memref<512xf32, #tpu.memory_space<vmem>>, vector<16xf32>,
      %swap3A_880 = vector.shape_cast %swap3A_879 : vector<16xf32> to vector<16xf32>
      %swap3A_881 = vector.shape_cast %get3A_877 : vector<16xf32> to vector<16xf32>
      tpu.vector_store %arg9[%swap3A_878], %swap3A_881 {strides = array<i32>} : memref<512xf32, #tpu.memory_space<vmem>>, vector<16xf32>,
      %add3A_882 = vector.broadcast %mul3A_872 : i32 to vector<16xi32>
      %add3A_883 = arith.addi %iota3A, %add3A_882 : vector<16xi32>
      %swap3A_884 = arith.constant 112 : index
      %swap3A_885 = tpu.vector_load %arg11[%swap3A_884] {strides = array<i32>} : memref<512xi32, #tpu.memory_space<vmem>>, vector<16xi32>,
      %swap3A_886 = vector.shape_cast %swap3A_885 : vector<16xi32> to vector<16xi32>
      %swap3A_887 = vector.shape_cast %add3A_883 : vector<16xi32> to vector<16xi32>
      tpu.vector_store %arg11[%swap3A_884], %swap3A_887 {strides = array<i32>} : memref<512xi32, #tpu.memory_space<vmem>>, vector<16xi32>,
      %slice3A_888 = vector.extract_strided_slice %get3A_735 {offsets = [8], sizes = [1], strides = [1]} : vector<16xi32> to vector<1xi32>
      %squeeze3A_889 = vector.extract %slice3A_888[0] : i32 from vector<1xi32>
      %mul3A_890 = arith.constant 16 : i32
      %mul3A_891 = arith.muli %squeeze3A_889, %mul3A_890 : i32
      %get3A_892 = arith.constant 1 : i32
      %get3A_893 = arith.index_cast %get3A_892 : i32 to index
      %get3A_894 = arith.index_cast %mul3A_891 : i32 to index
      %get3A_895 = tpu.vector_load %arg6[%get3A_893, %get3A_894] {strides = array<i32>} : memref<2x10240xf32, #tpu.memory_space<vmem>>, vector<1x16xf32>,
      %get3A_896 = vector.shape_cast %get3A_895 : vector<1x16xf32> to vector<16xf32>
      %swap3A_897 = arith.constant 128 : index
      %swap3A_898 = tpu.vector_load %arg9[%swap3A_897] {strides = array<i32>} : memref<512xf32, #tpu.memory_space<vmem>>, vector<16xf32>,
      %swap3A_899 = vector.shape_cast %swap3A_898 : vector<16xf32> to vector<16xf32>
      %swap3A_900 = vector.shape_cast %get3A_896 : vector<16xf32> to vector<16xf32>
      tpu.vector_store %arg9[%swap3A_897], %swap3A_900 {strides = array<i32>} : memref<512xf32, #tpu.memory_space<vmem>>, vector<16xf32>,
      %add3A_901 = vector.broadcast %mul3A_891 : i32 to vector<16xi32>
      %add3A_902 = arith.addi %iota3A, %add3A_901 : vector<16xi32>
      %swap3A_903 = arith.constant 128 : index
      %swap3A_904 = tpu.vector_load %arg11[%swap3A_903] {strides = array<i32>} : memref<512xi32, #tpu.memory_space<vmem>>, vector<16xi32>,
      %swap3A_905 = vector.shape_cast %swap3A_904 : vector<16xi32> to vector<16xi32>
      %swap3A_906 = vector.shape_cast %add3A_902 : vector<16xi32> to vector<16xi32>
      tpu.vector_store %arg11[%swap3A_903], %swap3A_906 {strides = array<i32>} : memref<512xi32, #tpu.memory_space<vmem>>, vector<16xi32>,
      %slice3A_907 = vector.extract_strided_slice %get3A_735 {offsets = [9], sizes = [1], strides = [1]} : vector<16xi32> to vector<1xi32>
      %squeeze3A_908 = vector.extract %slice3A_907[0] : i32 from vector<1xi32>
      %mul3A_909 = arith.constant 16 : i32
      %mul3A_910 = arith.muli %squeeze3A_908, %mul3A_909 : i32
      %get3A_911 = arith.constant 1 : i32
      %get3A_912 = arith.index_cast %get3A_911 : i32 to index
      %get3A_913 = arith.index_cast %mul3A_910 : i32 to index
      %get3A_914 = tpu.vector_load %arg6[%get3A_912, %get3A_913] {strides = array<i32>} : memref<2x10240xf32, #tpu.memory_space<vmem>>, vector<1x16xf32>,
      %get3A_915 = vector.shape_cast %get3A_914 : vector<1x16xf32> to vector<16xf32>
      %swap3A_916 = arith.constant 144 : index
      %swap3A_917 = tpu.vector_load %arg9[%swap3A_916] {strides = array<i32>} : memref<512xf32, #tpu.memory_space<vmem>>, vector<16xf32>,
      %swap3A_918 = vector.shape_cast %swap3A_917 : vector<16xf32> to vector<16xf32>
      %swap3A_919 = vector.shape_cast %get3A_915 : vector<16xf32> to vector<16xf32>
      tpu.vector_store %arg9[%swap3A_916], %swap3A_919 {strides = array<i32>} : memref<512xf32, #tpu.memory_space<vmem>>, vector<16xf32>,
      %add3A_920 = vector.broadcast %mul3A_910 : i32 to vector<16xi32>
      %add3A_921 = arith.addi %iota3A, %add3A_920 : vector<16xi32>
      %swap3A_922 = arith.constant 144 : index
      %swap3A_923 = tpu.vector_load %arg11[%swap3A_922] {strides = array<i32>} : memref<512xi32, #tpu.memory_space<vmem>>, vector<16xi32>,
      %swap3A_924 = vector.shape_cast %swap3A_923 : vector<16xi32> to vector<16xi32>
      %swap3A_925 = vector.shape_cast %add3A_921 : vector<16xi32> to vector<16xi32>
      tpu.vector_store %arg11[%swap3A_922], %swap3A_925 {strides = array<i32>} : memref<512xi32, #tpu.memory_space<vmem>>, vector<16xi32>,
      %slice3A_926 = vector.extract_strided_slice %get3A_735 {offsets = [10], sizes = [1], strides = [1]} : vector<16xi32> to vector<1xi32>
      %squeeze3A_927 = vector.extract %slice3A_926[0] : i32 from vector<1xi32>
      %mul3A_928 = arith.constant 16 : i32
      %mul3A_929 = arith.muli %squeeze3A_927, %mul3A_928 : i32
      %get3A_930 = arith.constant 1 : i32
      %get3A_931 = arith.index_cast %get3A_930 : i32 to index
      %get3A_932 = arith.index_cast %mul3A_929 : i32 to index
      %get3A_933 = tpu.vector_load %arg6[%get3A_931, %get3A_932] {strides = array<i32>} : memref<2x10240xf32, #tpu.memory_space<vmem>>, vector<1x16xf32>,
      %get3A_934 = vector.shape_cast %get3A_933 : vector<1x16xf32> to vector<16xf32>
      %swap3A_935 = arith.constant 160 : index
      %swap3A_936 = tpu.vector_load %arg9[%swap3A_935] {strides = array<i32>} : memref<512xf32, #tpu.memory_space<vmem>>, vector<16xf32>,
      %swap3A_937 = vector.shape_cast %swap3A_936 : vector<16xf32> to vector<16xf32>
      %swap3A_938 = vector.shape_cast %get3A_934 : vector<16xf32> to vector<16xf32>
      tpu.vector_store %arg9[%swap3A_935], %swap3A_938 {strides = array<i32>} : memref<512xf32, #tpu.memory_space<vmem>>, vector<16xf32>,
      %add3A_939 = vector.broadcast %mul3A_929 : i32 to vector<16xi32>
      %add3A_940 = arith.addi %iota3A, %add3A_939 : vector<16xi32>
      %swap3A_941 = arith.constant 160 : index
      %swap3A_942 = tpu.vector_load %arg11[%swap3A_941] {strides = array<i32>} : memref<512xi32, #tpu.memory_space<vmem>>, vector<16xi32>,
      %swap3A_943 = vector.shape_cast %swap3A_942 : vector<16xi32> to vector<16xi32>
      %swap3A_944 = vector.shape_cast %add3A_940 : vector<16xi32> to vector<16xi32>
      tpu.vector_store %arg11[%swap3A_941], %swap3A_944 {strides = array<i32>} : memref<512xi32, #tpu.memory_space<vmem>>, vector<16xi32>,
      %slice3A_945 = vector.extract_strided_slice %get3A_735 {offsets = [11], sizes = [1], strides = [1]} : vector<16xi32> to vector<1xi32>
      %squeeze3A_946 = vector.extract %slice3A_945[0] : i32 from vector<1xi32>
      %mul3A_947 = arith.constant 16 : i32
      %mul3A_948 = arith.muli %squeeze3A_946, %mul3A_947 : i32
      %get3A_949 = arith.constant 1 : i32
      %get3A_950 = arith.index_cast %get3A_949 : i32 to index
      %get3A_951 = arith.index_cast %mul3A_948 : i32 to index
      %get3A_952 = tpu.vector_load %arg6[%get3A_950, %get3A_951] {strides = array<i32>} : memref<2x10240xf32, #tpu.memory_space<vmem>>, vector<1x16xf32>,
      %get3A_953 = vector.shape_cast %get3A_952 : vector<1x16xf32> to vector<16xf32>
      %swap3A_954 = arith.constant 176 : index
      %swap3A_955 = tpu.vector_load %arg9[%swap3A_954] {strides = array<i32>} : memref<512xf32, #tpu.memory_space<vmem>>, vector<16xf32>,
      %swap3A_956 = vector.shape_cast %swap3A_955 : vector<16xf32> to vector<16xf32>
      %swap3A_957 = vector.shape_cast %get3A_953 : vector<16xf32> to vector<16xf32>
      tpu.vector_store %arg9[%swap3A_954], %swap3A_957 {strides = array<i32>} : memref<512xf32, #tpu.memory_space<vmem>>, vector<16xf32>,
      %add3A_958 = vector.broadcast %mul3A_948 : i32 to vector<16xi32>
      %add3A_959 = arith.addi %iota3A, %add3A_958 : vector<16xi32>
      %swap3A_960 = arith.constant 176 : index
      %swap3A_961 = tpu.vector_load %arg11[%swap3A_960] {strides = array<i32>} : memref<512xi32, #tpu.memory_space<vmem>>, vector<16xi32>,
      %swap3A_962 = vector.shape_cast %swap3A_961 : vector<16xi32> to vector<16xi32>
      %swap3A_963 = vector.shape_cast %add3A_959 : vector<16xi32> to vector<16xi32>
      tpu.vector_store %arg11[%swap3A_960], %swap3A_963 {strides = array<i32>} : memref<512xi32, #tpu.memory_space<vmem>>, vector<16xi32>,
      %slice3A_964 = vector.extract_strided_slice %get3A_735 {offsets = [12], sizes = [1], strides = [1]} : vector<16xi32> to vector<1xi32>
      %squeeze3A_965 = vector.extract %slice3A_964[0] : i32 from vector<1xi32>
      %mul3A_966 = arith.constant 16 : i32
      %mul3A_967 = arith.muli %squeeze3A_965, %mul3A_966 : i32
      %get3A_968 = arith.constant 1 : i32
      %get3A_969 = arith.index_cast %get3A_968 : i32 to index
      %get3A_970 = arith.index_cast %mul3A_967 : i32 to index
      %get3A_971 = tpu.vector_load %arg6[%get3A_969, %get3A_970] {strides = array<i32>} : memref<2x10240xf32, #tpu.memory_space<vmem>>, vector<1x16xf32>,
      %get3A_972 = vector.shape_cast %get3A_971 : vector<1x16xf32> to vector<16xf32>
      %swap3A_973 = arith.constant 192 : index
      %swap3A_974 = tpu.vector_load %arg9[%swap3A_973] {strides = array<i32>} : memref<512xf32, #tpu.memory_space<vmem>>, vector<16xf32>,
      %swap3A_975 = vector.shape_cast %swap3A_974 : vector<16xf32> to vector<16xf32>
      %swap3A_976 = vector.shape_cast %get3A_972 : vector<16xf32> to vector<16xf32>
      tpu.vector_store %arg9[%swap3A_973], %swap3A_976 {strides = array<i32>} : memref<512xf32, #tpu.memory_space<vmem>>, vector<16xf32>,
      %add3A_977 = vector.broadcast %mul3A_967 : i32 to vector<16xi32>
      %add3A_978 = arith.addi %iota3A, %add3A_977 : vector<16xi32>
      %swap3A_979 = arith.constant 192 : index
      %swap3A_980 = tpu.vector_load %arg11[%swap3A_979] {strides = array<i32>} : memref<512xi32, #tpu.memory_space<vmem>>, vector<16xi32>,
      %swap3A_981 = vector.shape_cast %swap3A_980 : vector<16xi32> to vector<16xi32>
      %swap3A_982 = vector.shape_cast %add3A_978 : vector<16xi32> to vector<16xi32>
      tpu.vector_store %arg11[%swap3A_979], %swap3A_982 {strides = array<i32>} : memref<512xi32, #tpu.memory_space<vmem>>, vector<16xi32>,
      %slice3A_983 = vector.extract_strided_slice %get3A_735 {offsets = [13], sizes = [1], strides = [1]} : vector<16xi32> to vector<1xi32>
      %squeeze3A_984 = vector.extract %slice3A_983[0] : i32 from vector<1xi32>
      %mul3A_985 = arith.constant 16 : i32
      %mul3A_986 = arith.muli %squeeze3A_984, %mul3A_985 : i32
      %get3A_987 = arith.constant 1 : i32
      %get3A_988 = arith.index_cast %get3A_987 : i32 to index
      %get3A_989 = arith.index_cast %mul3A_986 : i32 to index
      %get3A_990 = tpu.vector_load %arg6[%get3A_988, %get3A_989] {strides = array<i32>} : memref<2x10240xf32, #tpu.memory_space<vmem>>, vector<1x16xf32>,
      %get3A_991 = vector.shape_cast %get3A_990 : vector<1x16xf32> to vector<16xf32>
      %swap3A_992 = arith.constant 208 : index
      %swap3A_993 = tpu.vector_load %arg9[%swap3A_992] {strides = array<i32>} : memref<512xf32, #tpu.memory_space<vmem>>, vector<16xf32>,
      %swap3A_994 = vector.shape_cast %swap3A_993 : vector<16xf32> to vector<16xf32>
      %swap3A_995 = vector.shape_cast %get3A_991 : vector<16xf32> to vector<16xf32>
      tpu.vector_store %arg9[%swap3A_992], %swap3A_995 {strides = array<i32>} : memref<512xf32, #tpu.memory_space<vmem>>, vector<16xf32>,
      %add3A_996 = vector.broadcast %mul3A_986 : i32 to vector<16xi32>
      %add3A_997 = arith.addi %iota3A, %add3A_996 : vector<16xi32>
      %swap3A_998 = arith.constant 208 : index
      %swap3A_999 = tpu.vector_load %arg11[%swap3A_998] {strides = array<i32>} : memref<512xi32, #tpu.memory_space<vmem>>, vector<16xi32>,
      %swap3A_1000 = vector.shape_cast %swap3A_999 : vector<16xi32> to vector<16xi32>
      %swap3A_1001 = vector.shape_cast %add3A_997 : vector<16xi32> to vector<16xi32>
      tpu.vector_store %arg11[%swap3A_998], %swap3A_1001 {strides = array<i32>} : memref<512xi32, #tpu.memory_space<vmem>>, vector<16xi32>,
      %slice3A_1002 = vector.extract_strided_slice %get3A_735 {offsets = [14], sizes = [1], strides = [1]} : vector<16xi32> to vector<1xi32>
      %squeeze3A_1003 = vector.extract %slice3A_1002[0] : i32 from vector<1xi32>
      %mul3A_1004 = arith.constant 16 : i32
      %mul3A_1005 = arith.muli %squeeze3A_1003, %mul3A_1004 : i32
      %get3A_1006 = arith.constant 1 : i32
      %get3A_1007 = arith.index_cast %get3A_1006 : i32 to index
      %get3A_1008 = arith.index_cast %mul3A_1005 : i32 to index
      %get3A_1009 = tpu.vector_load %arg6[%get3A_1007, %get3A_1008] {strides = array<i32>} : memref<2x10240xf32, #tpu.memory_space<vmem>>, vector<1x16xf32>,
      %get3A_1010 = vector.shape_cast %get3A_1009 : vector<1x16xf32> to vector<16xf32>
      %swap3A_1011 = arith.constant 224 : index
      %swap3A_1012 = tpu.vector_load %arg9[%swap3A_1011] {strides = array<i32>} : memref<512xf32, #tpu.memory_space<vmem>>, vector<16xf32>,
      %swap3A_1013 = vector.shape_cast %swap3A_1012 : vector<16xf32> to vector<16xf32>
      %swap3A_1014 = vector.shape_cast %get3A_1010 : vector<16xf32> to vector<16xf32>
      tpu.vector_store %arg9[%swap3A_1011], %swap3A_1014 {strides = array<i32>} : memref<512xf32, #tpu.memory_space<vmem>>, vector<16xf32>,
      %add3A_1015 = vector.broadcast %mul3A_1005 : i32 to vector<16xi32>
      %add3A_1016 = arith.addi %iota3A, %add3A_1015 : vector<16xi32>
      %swap3A_1017 = arith.constant 224 : index
      %swap3A_1018 = tpu.vector_load %arg11[%swap3A_1017] {strides = array<i32>} : memref<512xi32, #tpu.memory_space<vmem>>, vector<16xi32>,
      %swap3A_1019 = vector.shape_cast %swap3A_1018 : vector<16xi32> to vector<16xi32>
      %swap3A_1020 = vector.shape_cast %add3A_1016 : vector<16xi32> to vector<16xi32>
      tpu.vector_store %arg11[%swap3A_1017], %swap3A_1020 {strides = array<i32>} : memref<512xi32, #tpu.memory_space<vmem>>, vector<16xi32>,
      %slice3A_1021 = vector.extract_strided_slice %get3A_735 {offsets = [15], sizes = [1], strides = [1]} : vector<16xi32> to vector<1xi32>
      %squeeze3A_1022 = vector.extract %slice3A_1021[0] : i32 from vector<1xi32>
      %mul3A_1023 = arith.constant 16 : i32
      %mul3A_1024 = arith.muli %squeeze3A_1022, %mul3A_1023 : i32
      %get3A_1025 = arith.constant 1 : i32
      %get3A_1026 = arith.index_cast %get3A_1025 : i32 to index
      %get3A_1027 = arith.index_cast %mul3A_1024 : i32 to index
      %get3A_1028 = tpu.vector_load %arg6[%get3A_1026, %get3A_1027] {strides = array<i32>} : memref<2x10240xf32, #tpu.memory_space<vmem>>, vector<1x16xf32>,
      %get3A_1029 = vector.shape_cast %get3A_1028 : vector<1x16xf32> to vector<16xf32>
      %swap3A_1030 = arith.constant 240 : index
      %swap3A_1031 = tpu.vector_load %arg9[%swap3A_1030] {strides = array<i32>} : memref<512xf32, #tpu.memory_space<vmem>>, vector<16xf32>,
      %swap3A_1032 = vector.shape_cast %swap3A_1031 : vector<16xf32> to vector<16xf32>
      %swap3A_1033 = vector.shape_cast %get3A_1029 : vector<16xf32> to vector<16xf32>
      tpu.vector_store %arg9[%swap3A_1030], %swap3A_1033 {strides = array<i32>} : memref<512xf32, #tpu.memory_space<vmem>>, vector<16xf32>,
      %add3A_1034 = vector.broadcast %mul3A_1024 : i32 to vector<16xi32>
      %add3A_1035 = arith.addi %iota3A, %add3A_1034 : vector<16xi32>
      %swap3A_1036 = arith.constant 240 : index
      %swap3A_1037 = tpu.vector_load %arg11[%swap3A_1036] {strides = array<i32>} : memref<512xi32, #tpu.memory_space<vmem>>, vector<16xi32>,
      %swap3A_1038 = vector.shape_cast %swap3A_1037 : vector<16xi32> to vector<16xi32>
      %swap3A_1039 = vector.shape_cast %add3A_1035 : vector<16xi32> to vector<16xi32>
      tpu.vector_store %arg11[%swap3A_1036], %swap3A_1039 {strides = array<i32>} : memref<512xi32, #tpu.memory_space<vmem>>, vector<16xi32>,
      %get3A_1040 = arith.index_cast %add3A_713 : i32 to index
      %get3A_1041 = arith.constant 16 : index
      %get3A_1042 = tpu.vector_load %arg7[%get3A_1040, %get3A_1041] {strides = array<i32>} : memref<320x128xi32, #tpu.memory_space<vmem>>, vector<1x16xi32>,
      %get3A_1043 = vector.shape_cast %get3A_1042 : vector<1x16xi32> to vector<16xi32>
      %slice3A_1044 = vector.extract_strided_slice %get3A_1043 {offsets = [0], sizes = [1], strides = [1]} : vector<16xi32> to vector<1xi32>
      %squeeze3A_1045 = vector.extract %slice3A_1044[0] : i32 from vector<1xi32>
      %mul3A_1046 = arith.constant 16 : i32
      %mul3A_1047 = arith.muli %squeeze3A_1045, %mul3A_1046 : i32
      %get3A_1048 = arith.constant 1 : i32
      %get3A_1049 = arith.index_cast %get3A_1048 : i32 to index
      %get3A_1050 = arith.index_cast %mul3A_1047 : i32 to index
      %get3A_1051 = tpu.vector_load %arg6[%get3A_1049, %get3A_1050] {strides = array<i32>} : memref<2x10240xf32, #tpu.memory_space<vmem>>, vector<1x16xf32>,
      %get3A_1052 = vector.shape_cast %get3A_1051 : vector<1x16xf32> to vector<16xf32>
      %swap3A_1053 = arith.constant 256 : index
      %swap3A_1054 = tpu.vector_load %arg9[%swap3A_1053] {strides = array<i32>} : memref<512xf32, #tpu.memory_space<vmem>>, vector<16xf32>,
      %swap3A_1055 = vector.shape_cast %swap3A_1054 : vector<16xf32> to vector<16xf32>
      %swap3A_1056 = vector.shape_cast %get3A_1052 : vector<16xf32> to vector<16xf32>
      tpu.vector_store %arg9[%swap3A_1053], %swap3A_1056 {strides = array<i32>} : memref<512xf32, #tpu.memory_space<vmem>>, vector<16xf32>,
      %add3A_1057 = vector.broadcast %mul3A_1047 : i32 to vector<16xi32>
      %add3A_1058 = arith.addi %iota3A, %add3A_1057 : vector<16xi32>
      %swap3A_1059 = arith.constant 256 : index
      %swap3A_1060 = tpu.vector_load %arg11[%swap3A_1059] {strides = array<i32>} : memref<512xi32, #tpu.memory_space<vmem>>, vector<16xi32>,
      %swap3A_1061 = vector.shape_cast %swap3A_1060 : vector<16xi32> to vector<16xi32>
      %swap3A_1062 = vector.shape_cast %add3A_1058 : vector<16xi32> to vector<16xi32>
      tpu.vector_store %arg11[%swap3A_1059], %swap3A_1062 {strides = array<i32>} : memref<512xi32, #tpu.memory_space<vmem>>, vector<16xi32>,
      %slice3A_1063 = vector.extract_strided_slice %get3A_1043 {offsets = [1], sizes = [1], strides = [1]} : vector<16xi32> to vector<1xi32>
      %squeeze3A_1064 = vector.extract %slice3A_1063[0] : i32 from vector<1xi32>
      %mul3A_1065 = arith.constant 16 : i32
      %mul3A_1066 = arith.muli %squeeze3A_1064, %mul3A_1065 : i32
      %get3A_1067 = arith.constant 1 : i32
      %get3A_1068 = arith.index_cast %get3A_1067 : i32 to index
      %get3A_1069 = arith.index_cast %mul3A_1066 : i32 to index
      %get3A_1070 = tpu.vector_load %arg6[%get3A_1068, %get3A_1069] {strides = array<i32>} : memref<2x10240xf32, #tpu.memory_space<vmem>>, vector<1x16xf32>,
      %get3A_1071 = vector.shape_cast %get3A_1070 : vector<1x16xf32> to vector<16xf32>
      %swap3A_1072 = arith.constant 272 : index
      %swap3A_1073 = tpu.vector_load %arg9[%swap3A_1072] {strides = array<i32>} : memref<512xf32, #tpu.memory_space<vmem>>, vector<16xf32>,
      %swap3A_1074 = vector.shape_cast %swap3A_1073 : vector<16xf32> to vector<16xf32>
      %swap3A_1075 = vector.shape_cast %get3A_1071 : vector<16xf32> to vector<16xf32>
      tpu.vector_store %arg9[%swap3A_1072], %swap3A_1075 {strides = array<i32>} : memref<512xf32, #tpu.memory_space<vmem>>, vector<16xf32>,
      %add3A_1076 = vector.broadcast %mul3A_1066 : i32 to vector<16xi32>
      %add3A_1077 = arith.addi %iota3A, %add3A_1076 : vector<16xi32>
      %swap3A_1078 = arith.constant 272 : index
      %swap3A_1079 = tpu.vector_load %arg11[%swap3A_1078] {strides = array<i32>} : memref<512xi32, #tpu.memory_space<vmem>>, vector<16xi32>,
      %swap3A_1080 = vector.shape_cast %swap3A_1079 : vector<16xi32> to vector<16xi32>
      %swap3A_1081 = vector.shape_cast %add3A_1077 : vector<16xi32> to vector<16xi32>
      tpu.vector_store %arg11[%swap3A_1078], %swap3A_1081 {strides = array<i32>} : memref<512xi32, #tpu.memory_space<vmem>>, vector<16xi32>,
      %slice3A_1082 = vector.extract_strided_slice %get3A_1043 {offsets = [2], sizes = [1], strides = [1]} : vector<16xi32> to vector<1xi32>
      %squeeze3A_1083 = vector.extract %slice3A_1082[0] : i32 from vector<1xi32>
      %mul3A_1084 = arith.constant 16 : i32
      %mul3A_1085 = arith.muli %squeeze3A_1083, %mul3A_1084 : i32
      %get3A_1086 = arith.constant 1 : i32
      %get3A_1087 = arith.index_cast %get3A_1086 : i32 to index
      %get3A_1088 = arith.index_cast %mul3A_1085 : i32 to index
      %get3A_1089 = tpu.vector_load %arg6[%get3A_1087, %get3A_1088] {strides = array<i32>} : memref<2x10240xf32, #tpu.memory_space<vmem>>, vector<1x16xf32>,
      %get3A_1090 = vector.shape_cast %get3A_1089 : vector<1x16xf32> to vector<16xf32>
      %swap3A_1091 = arith.constant 288 : index
      %swap3A_1092 = tpu.vector_load %arg9[%swap3A_1091] {strides = array<i32>} : memref<512xf32, #tpu.memory_space<vmem>>, vector<16xf32>,
      %swap3A_1093 = vector.shape_cast %swap3A_1092 : vector<16xf32> to vector<16xf32>
      %swap3A_1094 = vector.shape_cast %get3A_1090 : vector<16xf32> to vector<16xf32>
      tpu.vector_store %arg9[%swap3A_1091], %swap3A_1094 {strides = array<i32>} : memref<512xf32, #tpu.memory_space<vmem>>, vector<16xf32>,
      %add3A_1095 = vector.broadcast %mul3A_1085 : i32 to vector<16xi32>
      %add3A_1096 = arith.addi %iota3A, %add3A_1095 : vector<16xi32>
      %swap3A_1097 = arith.constant 288 : index
      %swap3A_1098 = tpu.vector_load %arg11[%swap3A_1097] {strides = array<i32>} : memref<512xi32, #tpu.memory_space<vmem>>, vector<16xi32>,
      %swap3A_1099 = vector.shape_cast %swap3A_1098 : vector<16xi32> to vector<16xi32>
      %swap3A_1100 = vector.shape_cast %add3A_1096 : vector<16xi32> to vector<16xi32>
      tpu.vector_store %arg11[%swap3A_1097], %swap3A_1100 {strides = array<i32>} : memref<512xi32, #tpu.memory_space<vmem>>, vector<16xi32>,
      %slice3A_1101 = vector.extract_strided_slice %get3A_1043 {offsets = [3], sizes = [1], strides = [1]} : vector<16xi32> to vector<1xi32>
      %squeeze3A_1102 = vector.extract %slice3A_1101[0] : i32 from vector<1xi32>
      %mul3A_1103 = arith.constant 16 : i32
      %mul3A_1104 = arith.muli %squeeze3A_1102, %mul3A_1103 : i32
      %get3A_1105 = arith.constant 1 : i32
      %get3A_1106 = arith.index_cast %get3A_1105 : i32 to index
      %get3A_1107 = arith.index_cast %mul3A_1104 : i32 to index
      %get3A_1108 = tpu.vector_load %arg6[%get3A_1106, %get3A_1107] {strides = array<i32>} : memref<2x10240xf32, #tpu.memory_space<vmem>>, vector<1x16xf32>,
      %get3A_1109 = vector.shape_cast %get3A_1108 : vector<1x16xf32> to vector<16xf32>
      %swap3A_1110 = arith.constant 304 : index
      %swap3A_1111 = tpu.vector_load %arg9[%swap3A_1110] {strides = array<i32>} : memref<512xf32, #tpu.memory_space<vmem>>, vector<16xf32>,
      %swap3A_1112 = vector.shape_cast %swap3A_1111 : vector<16xf32> to vector<16xf32>
      %swap3A_1113 = vector.shape_cast %get3A_1109 : vector<16xf32> to vector<16xf32>
      tpu.vector_store %arg9[%swap3A_1110], %swap3A_1113 {strides = array<i32>} : memref<512xf32, #tpu.memory_space<vmem>>, vector<16xf32>,
      %add3A_1114 = vector.broadcast %mul3A_1104 : i32 to vector<16xi32>
      %add3A_1115 = arith.addi %iota3A, %add3A_1114 : vector<16xi32>
      %swap3A_1116 = arith.constant 304 : index
      %swap3A_1117 = tpu.vector_load %arg11[%swap3A_1116] {strides = array<i32>} : memref<512xi32, #tpu.memory_space<vmem>>, vector<16xi32>,
      %swap3A_1118 = vector.shape_cast %swap3A_1117 : vector<16xi32> to vector<16xi32>
      %swap3A_1119 = vector.shape_cast %add3A_1115 : vector<16xi32> to vector<16xi32>
      tpu.vector_store %arg11[%swap3A_1116], %swap3A_1119 {strides = array<i32>} : memref<512xi32, #tpu.memory_space<vmem>>, vector<16xi32>,
      %slice3A_1120 = vector.extract_strided_slice %get3A_1043 {offsets = [4], sizes = [1], strides = [1]} : vector<16xi32> to vector<1xi32>
      %squeeze3A_1121 = vector.extract %slice3A_1120[0] : i32 from vector<1xi32>
      %mul3A_1122 = arith.constant 16 : i32
      %mul3A_1123 = arith.muli %squeeze3A_1121, %mul3A_1122 : i32
      %get3A_1124 = arith.constant 1 : i32
      %get3A_1125 = arith.index_cast %get3A_1124 : i32 to index
      %get3A_1126 = arith.index_cast %mul3A_1123 : i32 to index
      %get3A_1127 = tpu.vector_load %arg6[%get3A_1125, %get3A_1126] {strides = array<i32>} : memref<2x10240xf32, #tpu.memory_space<vmem>>, vector<1x16xf32>,
      %get3A_1128 = vector.shape_cast %get3A_1127 : vector<1x16xf32> to vector<16xf32>
      %swap3A_1129 = arith.constant 320 : index
      %swap3A_1130 = tpu.vector_load %arg9[%swap3A_1129] {strides = array<i32>} : memref<512xf32, #tpu.memory_space<vmem>>, vector<16xf32>,
      %swap3A_1131 = vector.shape_cast %swap3A_1130 : vector<16xf32> to vector<16xf32>
      %swap3A_1132 = vector.shape_cast %get3A_1128 : vector<16xf32> to vector<16xf32>
      tpu.vector_store %arg9[%swap3A_1129], %swap3A_1132 {strides = array<i32>} : memref<512xf32, #tpu.memory_space<vmem>>, vector<16xf32>,
      %add3A_1133 = vector.broadcast %mul3A_1123 : i32 to vector<16xi32>
      %add3A_1134 = arith.addi %iota3A, %add3A_1133 : vector<16xi32>
      %swap3A_1135 = arith.constant 320 : index
      %swap3A_1136 = tpu.vector_load %arg11[%swap3A_1135] {strides = array<i32>} : memref<512xi32, #tpu.memory_space<vmem>>, vector<16xi32>,
      %swap3A_1137 = vector.shape_cast %swap3A_1136 : vector<16xi32> to vector<16xi32>
      %swap3A_1138 = vector.shape_cast %add3A_1134 : vector<16xi32> to vector<16xi32>
      tpu.vector_store %arg11[%swap3A_1135], %swap3A_1138 {strides = array<i32>} : memref<512xi32, #tpu.memory_space<vmem>>, vector<16xi32>,
      %slice3A_1139 = vector.extract_strided_slice %get3A_1043 {offsets = [5], sizes = [1], strides = [1]} : vector<16xi32> to vector<1xi32>
      %squeeze3A_1140 = vector.extract %slice3A_1139[0] : i32 from vector<1xi32>
      %mul3A_1141 = arith.constant 16 : i32
      %mul3A_1142 = arith.muli %squeeze3A_1140, %mul3A_1141 : i32
      %get3A_1143 = arith.constant 1 : i32
      %get3A_1144 = arith.index_cast %get3A_1143 : i32 to index
      %get3A_1145 = arith.index_cast %mul3A_1142 : i32 to index
      %get3A_1146 = tpu.vector_load %arg6[%get3A_1144, %get3A_1145] {strides = array<i32>} : memref<2x10240xf32, #tpu.memory_space<vmem>>, vector<1x16xf32>,
      %get3A_1147 = vector.shape_cast %get3A_1146 : vector<1x16xf32> to vector<16xf32>
      %swap3A_1148 = arith.constant 336 : index
      %swap3A_1149 = tpu.vector_load %arg9[%swap3A_1148] {strides = array<i32>} : memref<512xf32, #tpu.memory_space<vmem>>, vector<16xf32>,
      %swap3A_1150 = vector.shape_cast %swap3A_1149 : vector<16xf32> to vector<16xf32>
      %swap3A_1151 = vector.shape_cast %get3A_1147 : vector<16xf32> to vector<16xf32>
      tpu.vector_store %arg9[%swap3A_1148], %swap3A_1151 {strides = array<i32>} : memref<512xf32, #tpu.memory_space<vmem>>, vector<16xf32>,
      %add3A_1152 = vector.broadcast %mul3A_1142 : i32 to vector<16xi32>
      %add3A_1153 = arith.addi %iota3A, %add3A_1152 : vector<16xi32>
      %swap3A_1154 = arith.constant 336 : index
      %swap3A_1155 = tpu.vector_load %arg11[%swap3A_1154] {strides = array<i32>} : memref<512xi32, #tpu.memory_space<vmem>>, vector<16xi32>,
      %swap3A_1156 = vector.shape_cast %swap3A_1155 : vector<16xi32> to vector<16xi32>
      %swap3A_1157 = vector.shape_cast %add3A_1153 : vector<16xi32> to vector<16xi32>
      tpu.vector_store %arg11[%swap3A_1154], %swap3A_1157 {strides = array<i32>} : memref<512xi32, #tpu.memory_space<vmem>>, vector<16xi32>,
      %slice3A_1158 = vector.extract_strided_slice %get3A_1043 {offsets = [6], sizes = [1], strides = [1]} : vector<16xi32> to vector<1xi32>
      %squeeze3A_1159 = vector.extract %slice3A_1158[0] : i32 from vector<1xi32>
      %mul3A_1160 = arith.constant 16 : i32
      %mul3A_1161 = arith.muli %squeeze3A_1159, %mul3A_1160 : i32
      %get3A_1162 = arith.constant 1 : i32
      %get3A_1163 = arith.index_cast %get3A_1162 : i32 to index
      %get3A_1164 = arith.index_cast %mul3A_1161 : i32 to index
      %get3A_1165 = tpu.vector_load %arg6[%get3A_1163, %get3A_1164] {strides = array<i32>} : memref<2x10240xf32, #tpu.memory_space<vmem>>, vector<1x16xf32>,
      %get3A_1166 = vector.shape_cast %get3A_1165 : vector<1x16xf32> to vector<16xf32>
      %swap3A_1167 = arith.constant 352 : index
      %swap3A_1168 = tpu.vector_load %arg9[%swap3A_1167] {strides = array<i32>} : memref<512xf32, #tpu.memory_space<vmem>>, vector<16xf32>,
      %swap3A_1169 = vector.shape_cast %swap3A_1168 : vector<16xf32> to vector<16xf32>
      %swap3A_1170 = vector.shape_cast %get3A_1166 : vector<16xf32> to vector<16xf32>
      tpu.vector_store %arg9[%swap3A_1167], %swap3A_1170 {strides = array<i32>} : memref<512xf32, #tpu.memory_space<vmem>>, vector<16xf32>,
      %add3A_1171 = vector.broadcast %mul3A_1161 : i32 to vector<16xi32>
      %add3A_1172 = arith.addi %iota3A, %add3A_1171 : vector<16xi32>
      %swap3A_1173 = arith.constant 352 : index
      %swap3A_1174 = tpu.vector_load %arg11[%swap3A_1173] {strides = array<i32>} : memref<512xi32, #tpu.memory_space<vmem>>, vector<16xi32>,
      %swap3A_1175 = vector.shape_cast %swap3A_1174 : vector<16xi32> to vector<16xi32>
      %swap3A_1176 = vector.shape_cast %add3A_1172 : vector<16xi32> to vector<16xi32>
      tpu.vector_store %arg11[%swap3A_1173], %swap3A_1176 {strides = array<i32>} : memref<512xi32, #tpu.memory_space<vmem>>, vector<16xi32>,
      %slice3A_1177 = vector.extract_strided_slice %get3A_1043 {offsets = [7], sizes = [1], strides = [1]} : vector<16xi32> to vector<1xi32>
      %squeeze3A_1178 = vector.extract %slice3A_1177[0] : i32 from vector<1xi32>
      %mul3A_1179 = arith.constant 16 : i32
      %mul3A_1180 = arith.muli %squeeze3A_1178, %mul3A_1179 : i32
      %get3A_1181 = arith.constant 1 : i32
      %get3A_1182 = arith.index_cast %get3A_1181 : i32 to index
      %get3A_1183 = arith.index_cast %mul3A_1180 : i32 to index
      %get3A_1184 = tpu.vector_load %arg6[%get3A_1182, %get3A_1183] {strides = array<i32>} : memref<2x10240xf32, #tpu.memory_space<vmem>>, vector<1x16xf32>,
      %get3A_1185 = vector.shape_cast %get3A_1184 : vector<1x16xf32> to vector<16xf32>
      %swap3A_1186 = arith.constant 368 : index
      %swap3A_1187 = tpu.vector_load %arg9[%swap3A_1186] {strides = array<i32>} : memref<512xf32, #tpu.memory_space<vmem>>, vector<16xf32>,
      %swap3A_1188 = vector.shape_cast %swap3A_1187 : vector<16xf32> to vector<16xf32>
      %swap3A_1189 = vector.shape_cast %get3A_1185 : vector<16xf32> to vector<16xf32>
      tpu.vector_store %arg9[%swap3A_1186], %swap3A_1189 {strides = array<i32>} : memref<512xf32, #tpu.memory_space<vmem>>, vector<16xf32>,
      %add3A_1190 = vector.broadcast %mul3A_1180 : i32 to vector<16xi32>
      %add3A_1191 = arith.addi %iota3A, %add3A_1190 : vector<16xi32>
      %swap3A_1192 = arith.constant 368 : index
      %swap3A_1193 = tpu.vector_load %arg11[%swap3A_1192] {strides = array<i32>} : memref<512xi32, #tpu.memory_space<vmem>>, vector<16xi32>,
      %swap3A_1194 = vector.shape_cast %swap3A_1193 : vector<16xi32> to vector<16xi32>
      %swap3A_1195 = vector.shape_cast %add3A_1191 : vector<16xi32> to vector<16xi32>
      tpu.vector_store %arg11[%swap3A_1192], %swap3A_1195 {strides = array<i32>} : memref<512xi32, #tpu.memory_space<vmem>>, vector<16xi32>,
      %slice3A_1196 = vector.extract_strided_slice %get3A_1043 {offsets = [8], sizes = [1], strides = [1]} : vector<16xi32> to vector<1xi32>
      %squeeze3A_1197 = vector.extract %slice3A_1196[0] : i32 from vector<1xi32>
      %mul3A_1198 = arith.constant 16 : i32
      %mul3A_1199 = arith.muli %squeeze3A_1197, %mul3A_1198 : i32
      %get3A_1200 = arith.constant 1 : i32
      %get3A_1201 = arith.index_cast %get3A_1200 : i32 to index
      %get3A_1202 = arith.index_cast %mul3A_1199 : i32 to index
      %get3A_1203 = tpu.vector_load %arg6[%get3A_1201, %get3A_1202] {strides = array<i32>} : memref<2x10240xf32, #tpu.memory_space<vmem>>, vector<1x16xf32>,
      %get3A_1204 = vector.shape_cast %get3A_1203 : vector<1x16xf32> to vector<16xf32>
      %swap3A_1205 = arith.constant 384 : index
      %swap3A_1206 = tpu.vector_load %arg9[%swap3A_1205] {strides = array<i32>} : memref<512xf32, #tpu.memory_space<vmem>>, vector<16xf32>,
      %swap3A_1207 = vector.shape_cast %swap3A_1206 : vector<16xf32> to vector<16xf32>
      %swap3A_1208 = vector.shape_cast %get3A_1204 : vector<16xf32> to vector<16xf32>
      tpu.vector_store %arg9[%swap3A_1205], %swap3A_1208 {strides = array<i32>} : memref<512xf32, #tpu.memory_space<vmem>>, vector<16xf32>,
      %add3A_1209 = vector.broadcast %mul3A_1199 : i32 to vector<16xi32>
      %add3A_1210 = arith.addi %iota3A, %add3A_1209 : vector<16xi32>
      %swap3A_1211 = arith.constant 384 : index
      %swap3A_1212 = tpu.vector_load %arg11[%swap3A_1211] {strides = array<i32>} : memref<512xi32, #tpu.memory_space<vmem>>, vector<16xi32>,
      %swap3A_1213 = vector.shape_cast %swap3A_1212 : vector<16xi32> to vector<16xi32>
      %swap3A_1214 = vector.shape_cast %add3A_1210 : vector<16xi32> to vector<16xi32>
      tpu.vector_store %arg11[%swap3A_1211], %swap3A_1214 {strides = array<i32>} : memref<512xi32, #tpu.memory_space<vmem>>, vector<16xi32>,
      %slice3A_1215 = vector.extract_strided_slice %get3A_1043 {offsets = [9], sizes = [1], strides = [1]} : vector<16xi32> to vector<1xi32>
      %squeeze3A_1216 = vector.extract %slice3A_1215[0] : i32 from vector<1xi32>
      %mul3A_1217 = arith.constant 16 : i32
      %mul3A_1218 = arith.muli %squeeze3A_1216, %mul3A_1217 : i32
      %get3A_1219 = arith.constant 1 : i32
      %get3A_1220 = arith.index_cast %get3A_1219 : i32 to index
      %get3A_1221 = arith.index_cast %mul3A_1218 : i32 to index
      %get3A_1222 = tpu.vector_load %arg6[%get3A_1220, %get3A_1221] {strides = array<i32>} : memref<2x10240xf32, #tpu.memory_space<vmem>>, vector<1x16xf32>,
      %get3A_1223 = vector.shape_cast %get3A_1222 : vector<1x16xf32> to vector<16xf32>
      %swap3A_1224 = arith.constant 400 : index
      %swap3A_1225 = tpu.vector_load %arg9[%swap3A_1224] {strides = array<i32>} : memref<512xf32, #tpu.memory_space<vmem>>, vector<16xf32>,
      %swap3A_1226 = vector.shape_cast %swap3A_1225 : vector<16xf32> to vector<16xf32>
      %swap3A_1227 = vector.shape_cast %get3A_1223 : vector<16xf32> to vector<16xf32>
      tpu.vector_store %arg9[%swap3A_1224], %swap3A_1227 {strides = array<i32>} : memref<512xf32, #tpu.memory_space<vmem>>, vector<16xf32>,
      %add3A_1228 = vector.broadcast %mul3A_1218 : i32 to vector<16xi32>
      %add3A_1229 = arith.addi %iota3A, %add3A_1228 : vector<16xi32>
      %swap3A_1230 = arith.constant 400 : index
      %swap3A_1231 = tpu.vector_load %arg11[%swap3A_1230] {strides = array<i32>} : memref<512xi32, #tpu.memory_space<vmem>>, vector<16xi32>,
      %swap3A_1232 = vector.shape_cast %swap3A_1231 : vector<16xi32> to vector<16xi32>
      %swap3A_1233 = vector.shape_cast %add3A_1229 : vector<16xi32> to vector<16xi32>
      tpu.vector_store %arg11[%swap3A_1230], %swap3A_1233 {strides = array<i32>} : memref<512xi32, #tpu.memory_space<vmem>>, vector<16xi32>,
      %slice3A_1234 = vector.extract_strided_slice %get3A_1043 {offsets = [10], sizes = [1], strides = [1]} : vector<16xi32> to vector<1xi32>
      %squeeze3A_1235 = vector.extract %slice3A_1234[0] : i32 from vector<1xi32>
      %mul3A_1236 = arith.constant 16 : i32
      %mul3A_1237 = arith.muli %squeeze3A_1235, %mul3A_1236 : i32
      %get3A_1238 = arith.constant 1 : i32
      %get3A_1239 = arith.index_cast %get3A_1238 : i32 to index
      %get3A_1240 = arith.index_cast %mul3A_1237 : i32 to index
      %get3A_1241 = tpu.vector_load %arg6[%get3A_1239, %get3A_1240] {strides = array<i32>} : memref<2x10240xf32, #tpu.memory_space<vmem>>, vector<1x16xf32>,
      %get3A_1242 = vector.shape_cast %get3A_1241 : vector<1x16xf32> to vector<16xf32>
      %swap3A_1243 = arith.constant 416 : index
      %swap3A_1244 = tpu.vector_load %arg9[%swap3A_1243] {strides = array<i32>} : memref<512xf32, #tpu.memory_space<vmem>>, vector<16xf32>,
      %swap3A_1245 = vector.shape_cast %swap3A_1244 : vector<16xf32> to vector<16xf32>
      %swap3A_1246 = vector.shape_cast %get3A_1242 : vector<16xf32> to vector<16xf32>
      tpu.vector_store %arg9[%swap3A_1243], %swap3A_1246 {strides = array<i32>} : memref<512xf32, #tpu.memory_space<vmem>>, vector<16xf32>,
      %add3A_1247 = vector.broadcast %mul3A_1237 : i32 to vector<16xi32>
      %add3A_1248 = arith.addi %iota3A, %add3A_1247 : vector<16xi32>
      %swap3A_1249 = arith.constant 416 : index
      %swap3A_1250 = tpu.vector_load %arg11[%swap3A_1249] {strides = array<i32>} : memref<512xi32, #tpu.memory_space<vmem>>, vector<16xi32>,
      %swap3A_1251 = vector.shape_cast %swap3A_1250 : vector<16xi32> to vector<16xi32>
      %swap3A_1252 = vector.shape_cast %add3A_1248 : vector<16xi32> to vector<16xi32>
      tpu.vector_store %arg11[%swap3A_1249], %swap3A_1252 {strides = array<i32>} : memref<512xi32, #tpu.memory_space<vmem>>, vector<16xi32>,
      %slice3A_1253 = vector.extract_strided_slice %get3A_1043 {offsets = [11], sizes = [1], strides = [1]} : vector<16xi32> to vector<1xi32>
      %squeeze3A_1254 = vector.extract %slice3A_1253[0] : i32 from vector<1xi32>
      %mul3A_1255 = arith.constant 16 : i32
      %mul3A_1256 = arith.muli %squeeze3A_1254, %mul3A_1255 : i32
      %get3A_1257 = arith.constant 1 : i32
      %get3A_1258 = arith.index_cast %get3A_1257 : i32 to index
      %get3A_1259 = arith.index_cast %mul3A_1256 : i32 to index
      %get3A_1260 = tpu.vector_load %arg6[%get3A_1258, %get3A_1259] {strides = array<i32>} : memref<2x10240xf32, #tpu.memory_space<vmem>>, vector<1x16xf32>,
      %get3A_1261 = vector.shape_cast %get3A_1260 : vector<1x16xf32> to vector<16xf32>
      %swap3A_1262 = arith.constant 432 : index
      %swap3A_1263 = tpu.vector_load %arg9[%swap3A_1262] {strides = array<i32>} : memref<512xf32, #tpu.memory_space<vmem>>, vector<16xf32>,
      %swap3A_1264 = vector.shape_cast %swap3A_1263 : vector<16xf32> to vector<16xf32>
      %swap3A_1265 = vector.shape_cast %get3A_1261 : vector<16xf32> to vector<16xf32>
      tpu.vector_store %arg9[%swap3A_1262], %swap3A_1265 {strides = array<i32>} : memref<512xf32, #tpu.memory_space<vmem>>, vector<16xf32>,
      %add3A_1266 = vector.broadcast %mul3A_1256 : i32 to vector<16xi32>
      %add3A_1267 = arith.addi %iota3A, %add3A_1266 : vector<16xi32>
      %swap3A_1268 = arith.constant 432 : index
      %swap3A_1269 = tpu.vector_load %arg11[%swap3A_1268] {strides = array<i32>} : memref<512xi32, #tpu.memory_space<vmem>>, vector<16xi32>,
      %swap3A_1270 = vector.shape_cast %swap3A_1269 : vector<16xi32> to vector<16xi32>
      %swap3A_1271 = vector.shape_cast %add3A_1267 : vector<16xi32> to vector<16xi32>
      tpu.vector_store %arg11[%swap3A_1268], %swap3A_1271 {strides = array<i32>} : memref<512xi32, #tpu.memory_space<vmem>>, vector<16xi32>,
      %slice3A_1272 = vector.extract_strided_slice %get3A_1043 {offsets = [12], sizes = [1], strides = [1]} : vector<16xi32> to vector<1xi32>
      %squeeze3A_1273 = vector.extract %slice3A_1272[0] : i32 from vector<1xi32>
      %mul3A_1274 = arith.constant 16 : i32
      %mul3A_1275 = arith.muli %squeeze3A_1273, %mul3A_1274 : i32
      %get3A_1276 = arith.constant 1 : i32
      %get3A_1277 = arith.index_cast %get3A_1276 : i32 to index
      %get3A_1278 = arith.index_cast %mul3A_1275 : i32 to index
      %get3A_1279 = tpu.vector_load %arg6[%get3A_1277, %get3A_1278] {strides = array<i32>} : memref<2x10240xf32, #tpu.memory_space<vmem>>, vector<1x16xf32>,
      %get3A_1280 = vector.shape_cast %get3A_1279 : vector<1x16xf32> to vector<16xf32>
      %swap3A_1281 = arith.constant 448 : index
      %swap3A_1282 = tpu.vector_load %arg9[%swap3A_1281] {strides = array<i32>} : memref<512xf32, #tpu.memory_space<vmem>>, vector<16xf32>,
      %swap3A_1283 = vector.shape_cast %swap3A_1282 : vector<16xf32> to vector<16xf32>
      %swap3A_1284 = vector.shape_cast %get3A_1280 : vector<16xf32> to vector<16xf32>
      tpu.vector_store %arg9[%swap3A_1281], %swap3A_1284 {strides = array<i32>} : memref<512xf32, #tpu.memory_space<vmem>>, vector<16xf32>,
      %add3A_1285 = vector.broadcast %mul3A_1275 : i32 to vector<16xi32>
      %add3A_1286 = arith.addi %iota3A, %add3A_1285 : vector<16xi32>
      %swap3A_1287 = arith.constant 448 : index
      %swap3A_1288 = tpu.vector_load %arg11[%swap3A_1287] {strides = array<i32>} : memref<512xi32, #tpu.memory_space<vmem>>, vector<16xi32>,
      %swap3A_1289 = vector.shape_cast %swap3A_1288 : vector<16xi32> to vector<16xi32>
      %swap3A_1290 = vector.shape_cast %add3A_1286 : vector<16xi32> to vector<16xi32>
      tpu.vector_store %arg11[%swap3A_1287], %swap3A_1290 {strides = array<i32>} : memref<512xi32, #tpu.memory_space<vmem>>, vector<16xi32>,
      %slice3A_1291 = vector.extract_strided_slice %get3A_1043 {offsets = [13], sizes = [1], strides = [1]} : vector<16xi32> to vector<1xi32>
      %squeeze3A_1292 = vector.extract %slice3A_1291[0] : i32 from vector<1xi32>
      %mul3A_1293 = arith.constant 16 : i32
      %mul3A_1294 = arith.muli %squeeze3A_1292, %mul3A_1293 : i32
      %get3A_1295 = arith.constant 1 : i32
      %get3A_1296 = arith.index_cast %get3A_1295 : i32 to index
      %get3A_1297 = arith.index_cast %mul3A_1294 : i32 to index
      %get3A_1298 = tpu.vector_load %arg6[%get3A_1296, %get3A_1297] {strides = array<i32>} : memref<2x10240xf32, #tpu.memory_space<vmem>>, vector<1x16xf32>,
      %get3A_1299 = vector.shape_cast %get3A_1298 : vector<1x16xf32> to vector<16xf32>
      %swap3A_1300 = arith.constant 464 : index
      %swap3A_1301 = tpu.vector_load %arg9[%swap3A_1300] {strides = array<i32>} : memref<512xf32, #tpu.memory_space<vmem>>, vector<16xf32>,
      %swap3A_1302 = vector.shape_cast %swap3A_1301 : vector<16xf32> to vector<16xf32>
      %swap3A_1303 = vector.shape_cast %get3A_1299 : vector<16xf32> to vector<16xf32>
      tpu.vector_store %arg9[%swap3A_1300], %swap3A_1303 {strides = array<i32>} : memref<512xf32, #tpu.memory_space<vmem>>, vector<16xf32>,
      %add3A_1304 = vector.broadcast %mul3A_1294 : i32 to vector<16xi32>
      %add3A_1305 = arith.addi %iota3A, %add3A_1304 : vector<16xi32>
      %swap3A_1306 = arith.constant 464 : index
      %swap3A_1307 = tpu.vector_load %arg11[%swap3A_1306] {strides = array<i32>} : memref<512xi32, #tpu.memory_space<vmem>>, vector<16xi32>,
      %swap3A_1308 = vector.shape_cast %swap3A_1307 : vector<16xi32> to vector<16xi32>
      %swap3A_1309 = vector.shape_cast %add3A_1305 : vector<16xi32> to vector<16xi32>
      tpu.vector_store %arg11[%swap3A_1306], %swap3A_1309 {strides = array<i32>} : memref<512xi32, #tpu.memory_space<vmem>>, vector<16xi32>,
      %slice3A_1310 = vector.extract_strided_slice %get3A_1043 {offsets = [14], sizes = [1], strides = [1]} : vector<16xi32> to vector<1xi32>
      %squeeze3A_1311 = vector.extract %slice3A_1310[0] : i32 from vector<1xi32>
      %mul3A_1312 = arith.constant 16 : i32
      %mul3A_1313 = arith.muli %squeeze3A_1311, %mul3A_1312 : i32
      %get3A_1314 = arith.constant 1 : i32
      %get3A_1315 = arith.index_cast %get3A_1314 : i32 to index
      %get3A_1316 = arith.index_cast %mul3A_1313 : i32 to index
      %get3A_1317 = tpu.vector_load %arg6[%get3A_1315, %get3A_1316] {strides = array<i32>} : memref<2x10240xf32, #tpu.memory_space<vmem>>, vector<1x16xf32>,
      %get3A_1318 = vector.shape_cast %get3A_1317 : vector<1x16xf32> to vector<16xf32>
      %swap3A_1319 = arith.constant 480 : index
      %swap3A_1320 = tpu.vector_load %arg9[%swap3A_1319] {strides = array<i32>} : memref<512xf32, #tpu.memory_space<vmem>>, vector<16xf32>,
      %swap3A_1321 = vector.shape_cast %swap3A_1320 : vector<16xf32> to vector<16xf32>
      %swap3A_1322 = vector.shape_cast %get3A_1318 : vector<16xf32> to vector<16xf32>
      tpu.vector_store %arg9[%swap3A_1319], %swap3A_1322 {strides = array<i32>} : memref<512xf32, #tpu.memory_space<vmem>>, vector<16xf32>,
      %add3A_1323 = vector.broadcast %mul3A_1313 : i32 to vector<16xi32>
      %add3A_1324 = arith.addi %iota3A, %add3A_1323 : vector<16xi32>
      %swap3A_1325 = arith.constant 480 : index
      %swap3A_1326 = tpu.vector_load %arg11[%swap3A_1325] {strides = array<i32>} : memref<512xi32, #tpu.memory_space<vmem>>, vector<16xi32>,
      %swap3A_1327 = vector.shape_cast %swap3A_1326 : vector<16xi32> to vector<16xi32>
      %swap3A_1328 = vector.shape_cast %add3A_1324 : vector<16xi32> to vector<16xi32>
      tpu.vector_store %arg11[%swap3A_1325], %swap3A_1328 {strides = array<i32>} : memref<512xi32, #tpu.memory_space<vmem>>, vector<16xi32>,
      %slice3A_1329 = vector.extract_strided_slice %get3A_1043 {offsets = [15], sizes = [1], strides = [1]} : vector<16xi32> to vector<1xi32>
      %squeeze3A_1330 = vector.extract %slice3A_1329[0] : i32 from vector<1xi32>
      %mul3A_1331 = arith.constant 16 : i32
      %mul3A_1332 = arith.muli %squeeze3A_1330, %mul3A_1331 : i32
      %get3A_1333 = arith.constant 1 : i32
      %get3A_1334 = arith.index_cast %get3A_1333 : i32 to index
      %get3A_1335 = arith.index_cast %mul3A_1332 : i32 to index
      %get3A_1336 = tpu.vector_load %arg6[%get3A_1334, %get3A_1335] {strides = array<i32>} : memref<2x10240xf32, #tpu.memory_space<vmem>>, vector<1x16xf32>,
      %get3A_1337 = vector.shape_cast %get3A_1336 : vector<1x16xf32> to vector<16xf32>
      %swap3A_1338 = arith.constant 496 : index
      %swap3A_1339 = tpu.vector_load %arg9[%swap3A_1338] {strides = array<i32>} : memref<512xf32, #tpu.memory_space<vmem>>, vector<16xf32>,
      %swap3A_1340 = vector.shape_cast %swap3A_1339 : vector<16xf32> to vector<16xf32>
      %swap3A_1341 = vector.shape_cast %get3A_1337 : vector<16xf32> to vector<16xf32>
      tpu.vector_store %arg9[%swap3A_1338], %swap3A_1341 {strides = array<i32>} : memref<512xf32, #tpu.memory_space<vmem>>, vector<16xf32>,
      %add3A_1342 = vector.broadcast %mul3A_1332 : i32 to vector<16xi32>
      %add3A_1343 = arith.addi %iota3A, %add3A_1342 : vector<16xi32>
      %swap3A_1344 = arith.constant 496 : index
      %swap3A_1345 = tpu.vector_load %arg11[%swap3A_1344] {strides = array<i32>} : memref<512xi32, #tpu.memory_space<vmem>>, vector<16xi32>,
      %swap3A_1346 = vector.shape_cast %swap3A_1345 : vector<16xi32> to vector<16xi32>
      %swap3A_1347 = vector.shape_cast %add3A_1343 : vector<16xi32> to vector<16xi32>
      tpu.vector_store %arg11[%swap3A_1344], %swap3A_1347 {strides = array<i32>} : memref<512xi32, #tpu.memory_space<vmem>>, vector<16xi32>,
      %add3A_1348 = arith.constant 2 : i32
      %add3A_1349 = arith.addi %add3A_713, %add3A_1348 : i32
      %lt3A_1350 = arith.constant 320 : i32
      %lt3A_1351 = arith.cmpi slt, %add3A_1349, %lt3A_1350 : i32
      %convert_element_type3A_1352 = arith.extui %lt3A_1351 : i1 to i32
      %cond3A_1353 = arith.constant 0 : i32
      %cond3A_1354 = arith.cmpi ne, %convert_element_type3A_1352, %cond3A_1353 : i32
      scf.if %cond3A_1354 {
        %add3A_1369 = arith.addi %mul3A_2, %add3A_713 : i32
        %add3A_1370 = arith.constant 2 : i32
        %add3A_1371 = arith.addi %add3A_1369, %add3A_1370 : i32
        %dma_start3A_1372 = arith.constant 1 : i32
        %dma_start3A_1373 = arith.constant 0 : i32
        %dma_start3A_1374 = tpu.memref_slice %arg6[%dma_start3A_1372, %dma_start3A_1373] : memref<2x10240xf32, #tpu.memory_space<vmem>> -> memref<1x10240xf32, #tpu.memory_space<vmem>>
        %dma_start3A_1375 = tpu.memref_squeeze %dma_start3A_1374 : memref<1x10240xf32, #tpu.memory_space<vmem>> -> memref<10240xf32, #tpu.memory_space<vmem>>
        %dma_start3A_1376 = arith.constant 0 : i32
        %dma_start3A_1377 = tpu.memref_slice %arg2[%add3A_1371, %dma_start3A_1376] : memref<10240x10240xf32, #tpu.memory_space<hbm>> -> memref<1x10240xf32, #tpu.memory_space<hbm>>
        %dma_start3A_1378 = tpu.memref_squeeze %dma_start3A_1377 : memref<1x10240xf32, #tpu.memory_space<hbm>> -> memref<10240xf32, #tpu.memory_space<hbm>>
        %dma_start3A_1379 = arith.constant 0 : i32
        %dma_start3A_1380 = tpu.memref_slice %arg6[%dma_start3A_1372, %dma_start3A_1379] : memref<2x10240xf32, #tpu.memory_space<vmem>> -> memref<1x10240xf32, #tpu.memory_space<vmem>>
        %dma_start3A_1381 = tpu.memref_squeeze %dma_start3A_1380 : memref<1x10240xf32, #tpu.memory_space<vmem>> -> memref<10240xf32, #tpu.memory_space<vmem>>
        %dma_start3A_1382 = arith.constant 0 : i32
        %dma_start3A_1383 = tpu.memref_slice %arg2[%add3A_1371, %dma_start3A_1382] : memref<10240x10240xf32, #tpu.memory_space<hbm>> -> memref<1x10240xf32, #tpu.memory_space<hbm>>
        %dma_start3A_1384 = tpu.memref_squeeze %dma_start3A_1383 : memref<1x10240xf32, #tpu.memory_space<hbm>> -> memref<10240xf32, #tpu.memory_space<hbm>>
        tpu.enqueue_dma source(%dma_start3A_1384 : memref<10240xf32, #tpu.memory_space<hbm>>) target(%dma_start3A_1381 : memref<10240xf32, #tpu.memory_space<vmem>>) target_semaphore(%arg13 : memref<!tpu.dma_semaphore, #tpu.memory_space<semaphore_mem>>)
      } else {
      }
      %add3A_1355 = arith.addi %mul3A_2, %add3A_713 : i32
      %dma_start3A_1356 = arith.constant 0 : i32
      %dma_start3A_1357 = tpu.memref_slice %arg4[%add3A_1355, %dma_start3A_1356] : memref<10240x512xf32, #tpu.memory_space<hbm>> -> memref<1x512xf32, #tpu.memory_space<hbm>>
      %dma_start3A_1358 = tpu.memref_squeeze %dma_start3A_1357 : memref<1x512xf32, #tpu.memory_space<hbm>> -> memref<512xf32, #tpu.memory_space<hbm>>
      %dma_start3A_1359 = arith.constant 0 : i32
      %dma_start3A_1360 = tpu.memref_slice %arg4[%add3A_1355, %dma_start3A_1359] : memref<10240x512xf32, #tpu.memory_space<hbm>> -> memref<1x512xf32, #tpu.memory_space<hbm>>
      %dma_start3A_1361 = tpu.memref_squeeze %dma_start3A_1360 : memref<1x512xf32, #tpu.memory_space<hbm>> -> memref<512xf32, #tpu.memory_space<hbm>>
      tpu.enqueue_dma source(%arg9 : memref<512xf32, #tpu.memory_space<vmem>>) target(%dma_start3A_1361 : memref<512xf32, #tpu.memory_space<hbm>>) target_semaphore(%arg15 : memref<!tpu.dma_semaphore, #tpu.memory_space<semaphore_mem>>)
      %add3A_1362 = arith.addi %mul3A_2, %add3A_713 : i32
      %dma_start3A_1363 = arith.constant 0 : i32
      %dma_start3A_1364 = tpu.memref_slice %arg5[%add3A_1362, %dma_start3A_1363] : memref<10240x512xi32, #tpu.memory_space<hbm>> -> memref<1x512xi32, #tpu.memory_space<hbm>>
      %dma_start3A_1365 = tpu.memref_squeeze %dma_start3A_1364 : memref<1x512xi32, #tpu.memory_space<hbm>> -> memref<512xi32, #tpu.memory_space<hbm>>
      %dma_start3A_1366 = arith.constant 0 : i32
      %dma_start3A_1367 = tpu.memref_slice %arg5[%add3A_1362, %dma_start3A_1366] : memref<10240x512xi32, #tpu.memory_space<hbm>> -> memref<1x512xi32, #tpu.memory_space<hbm>>
      %dma_start3A_1368 = tpu.memref_squeeze %dma_start3A_1367 : memref<1x512xi32, #tpu.memory_space<hbm>> -> memref<512xi32, #tpu.memory_space<hbm>>
      tpu.enqueue_dma source(%arg11 : memref<512xi32, #tpu.memory_space<vmem>>) target(%dma_start3A_1368 : memref<512xi32, #tpu.memory_space<hbm>>) target_semaphore(%arg15 : memref<!tpu.dma_semaphore, #tpu.memory_space<semaphore_mem>>)
    }
    %scan3A_34 = arith.constant 160 : i32
    %dma_wait3A = arith.constant 0 : i32
    %dma_wait3A_35 = tpu.memref_slice %arg4[%mul3A_2, %dma_wait3A] : memref<10240x512xf32, #tpu.memory_space<hbm>> -> memref<1x512xf32, #tpu.memory_space<hbm>>
    %dma_wait3A_36 = tpu.memref_squeeze %dma_wait3A_35 : memref<1x512xf32, #tpu.memory_space<hbm>> -> memref<512xf32, #tpu.memory_space<hbm>>
    %dma_wait3A_37 = arith.constant 0 : i32
    %dma_wait3A_38 = tpu.memref_slice %arg4[%mul3A_2, %dma_wait3A_37] : memref<10240x512xf32, #tpu.memory_space<hbm>> -> memref<1x512xf32, #tpu.memory_space<hbm>>
    %dma_wait3A_39 = tpu.memref_squeeze %dma_wait3A_38 : memref<1x512xf32, #tpu.memory_space<hbm>> -> memref<512xf32, #tpu.memory_space<hbm>>
    tpu.wait_dma2 semaphore(%arg14 : memref<!tpu.dma_semaphore, #tpu.memory_space<semaphore_mem>>) src(%arg8 : memref<512xf32, #tpu.memory_space<vmem>>) dst(%dma_wait3A_39 : memref<512xf32, #tpu.memory_space<hbm>>)
    %dma_wait3A_40 = arith.constant 0 : i32
    %dma_wait3A_41 = tpu.memref_slice %arg5[%mul3A_2, %dma_wait3A_40] : memref<10240x512xi32, #tpu.memory_space<hbm>> -> memref<1x512xi32, #tpu.memory_space<hbm>>
    %dma_wait3A_42 = tpu.memref_squeeze %dma_wait3A_41 : memref<1x512xi32, #tpu.memory_space<hbm>> -> memref<512xi32, #tpu.memory_space<hbm>>
    %dma_wait3A_43 = arith.constant 0 : i32
    %dma_wait3A_44 = tpu.memref_slice %arg5[%mul3A_2, %dma_wait3A_43] : memref<10240x512xi32, #tpu.memory_space<hbm>> -> memref<1x512xi32, #tpu.memory_space<hbm>>
    %dma_wait3A_45 = tpu.memref_squeeze %dma_wait3A_44 : memref<1x512xi32, #tpu.memory_space<hbm>> -> memref<512xi32, #tpu.memory_space<hbm>>
    tpu.wait_dma2 semaphore(%arg14 : memref<!tpu.dma_semaphore, #tpu.memory_space<semaphore_mem>>) src(%arg10 : memref<512xi32, #tpu.memory_space<vmem>>) dst(%dma_wait3A_45 : memref<512xi32, #tpu.memory_space<hbm>>)
    %dma_wait3A_46 = arith.constant 0 : i32
    %dma_wait3A_47 = tpu.memref_slice %arg4[%mul3A_2, %dma_wait3A_46] : memref<10240x512xf32, #tpu.memory_space<hbm>> -> memref<1x512xf32, #tpu.memory_space<hbm>>
    %dma_wait3A_48 = tpu.memref_squeeze %dma_wait3A_47 : memref<1x512xf32, #tpu.memory_space<hbm>> -> memref<512xf32, #tpu.memory_space<hbm>>
    %dma_wait3A_49 = arith.constant 0 : i32
    %dma_wait3A_50 = tpu.memref_slice %arg4[%mul3A_2, %dma_wait3A_49] : memref<10240x512xf32, #tpu.memory_space<hbm>> -> memref<1x512xf32, #tpu.memory_space<hbm>>
    %dma_wait3A_51 = tpu.memref_squeeze %dma_wait3A_50 : memref<1x512xf32, #tpu.memory_space<hbm>> -> memref<512xf32, #tpu.memory_space<hbm>>
    tpu.wait_dma2 semaphore(%arg15 : memref<!tpu.dma_semaphore, #tpu.memory_space<semaphore_mem>>) src(%arg9 : memref<512xf32, #tpu.memory_space<vmem>>) dst(%dma_wait3A_51 : memref<512xf32, #tpu.memory_space<hbm>>)
    %dma_wait3A_52 = arith.constant 0 : i32
    %dma_wait3A_53 = tpu.memref_slice %arg5[%mul3A_2, %dma_wait3A_52] : memref<10240x512xi32, #tpu.memory_space<hbm>> -> memref<1x512xi32, #tpu.memory_space<hbm>>
    %dma_wait3A_54 = tpu.memref_squeeze %dma_wait3A_53 : memref<1x512xi32, #tpu.memory_space<hbm>> -> memref<512xi32, #tpu.memory_space<hbm>>
    %dma_wait3A_55 = arith.constant 0 : i32
    %dma_wait3A_56 = tpu.memref_slice %arg5[%mul3A_2, %dma_wait3A_55] : memref<10240x512xi32, #tpu.memory_space<hbm>> -> memref<1x512xi32, #tpu.memory_space<hbm>>
    %dma_wait3A_57 = tpu.memref_squeeze %dma_wait3A_56 : memref<1x512xi32, #tpu.memory_space<hbm>> -> memref<512xi32, #tpu.memory_space<hbm>>
    tpu.wait_dma2 semaphore(%arg15 : memref<!tpu.dma_semaphore, #tpu.memory_space<semaphore_mem>>) src(%arg11 : memref<512xi32, #tpu.memory_space<vmem>>) dst(%dma_wait3A_57 : memref<512xi32, #tpu.memory_space<hbm>>)
    return
  }
}

#map = affine_map<(d0, d1) -> (0, 0)>
#map1 = affine_map<(d0, d1) -> (0)>
module attributes {stable_mosaic.version = 14 : i64} {
  func.func @gather_k(%arg0: i32, %arg1: i32, %arg2: memref<10000x128xf32, #tpu.memory_space<hbm>>, %arg3: memref<160000xi32, #tpu.memory_space<hbm>>, %arg4: memref<160000x128xf32, #tpu.memory_space<hbm>>, %arg5: memref<200xi32, #tpu.memory_space<vmem>>, %arg6: memref<200x128xf32, #tpu.memory_space<vmem>>, %arg7: memref<!tpu.dma_semaphore, #tpu.memory_space<semaphore_mem>>) attributes {dimension_semantics = [#tpu.dimension_semantics<core_parallel>, #tpu.dimension_semantics<subcore_parallel>], iteration_bounds = array<i64: 2, 16>, scalar_prefetch = 0 : i64, scratch_operands = 3 : i64, tpu.core_type = #tpu.core_type<sc_vector_subcore>, window_params = [{transform_indices = #map}, {transform_indices = #map1}, {transform_indices = #map}]} {
    %mul3A = arith.constant 2 : i32
    %mul3A_0 = arith.muli %arg1, %mul3A : i32
    %add3A = arith.addi %mul3A_0, %arg0 : i32
    %mul3A_1 = arith.constant 5000 : i32
    %mul3A_2 = arith.muli %add3A, %mul3A_1 : i32
    %scan3A = arith.constant 0 : i32
    %scan3A_3 = arith.constant 0 : i32
    %scan3A_4 = arith.constant 25 : i32
    %scan3A_5 = arith.addi %scan3A_3, %scan3A_4 : i32
    %scan3A_6 = arith.constant 1 : i32
    scf.for %scan3A_8 = %scan3A_3 to %scan3A_5 step %scan3A_6  : i32 {
      %mul3A_9 = arith.constant 200 : i32
      %mul3A_10 = arith.muli %scan3A_8, %mul3A_9 : i32
      %add3A_11 = arith.addi %mul3A_2, %mul3A_10 : i32
      "tpu.region"() ({
        %run_scoped3A = tpu.sem_alloc : memref<!tpu.dma_semaphore, #tpu.memory_space<semaphore_mem>>
        %dma_start3A_16 = tpu.memref_slice %arg3[%add3A_11] : memref<160000xi32, #tpu.memory_space<hbm>> -> memref<200xi32, #tpu.memory_space<hbm>>
        %dma_start3A_17 = tpu.memref_slice %arg3[%add3A_11] : memref<160000xi32, #tpu.memory_space<hbm>> -> memref<200xi32, #tpu.memory_space<hbm>>
        tpu.enqueue_dma source(%dma_start3A_17 : memref<200xi32, #tpu.memory_space<hbm>>) target(%arg5 : memref<200xi32, #tpu.memory_space<vmem>>) target_semaphore(%run_scoped3A : memref<!tpu.dma_semaphore, #tpu.memory_space<semaphore_mem>>)
        %dma_wait3A_18 = tpu.memref_slice %arg3[%add3A_11] : memref<160000xi32, #tpu.memory_space<hbm>> -> memref<200xi32, #tpu.memory_space<hbm>>
        %dma_wait3A_19 = tpu.memref_slice %arg3[%add3A_11] : memref<160000xi32, #tpu.memory_space<hbm>> -> memref<200xi32, #tpu.memory_space<hbm>>
        tpu.wait_dma2 semaphore(%run_scoped3A : memref<!tpu.dma_semaphore, #tpu.memory_space<semaphore_mem>>) src(%dma_wait3A_19 : memref<200xi32, #tpu.memory_space<hbm>>) dst(%arg5 : memref<200xi32, #tpu.memory_space<vmem>>)
        tpu.yield
      }) : () -> ()
      %dma_start3A = arith.constant 0 : i32
      %dma_start3A_12 = arith.constant 0 : i32
      %dma_start3A_13 = tpu.memref_slice %arg2[%dma_start3A, %dma_start3A_12] : memref<10000x128xf32, #tpu.memory_space<hbm>> -> memref<10000x128xf32, #tpu.memory_space<hbm>>
      tpu.enqueue_indirect_dma source(%dma_start3A_13 : memref<10000x128xf32, #tpu.memory_space<hbm>>) target(%arg6 : memref<200x128xf32, #tpu.memory_space<vmem>>) offsets(%arg5 : memref<200xi32, #tpu.memory_space<vmem>>) semaphore(%arg7 : memref<!tpu.dma_semaphore, #tpu.memory_space<semaphore_mem>>)
      %dma_wait3A = arith.constant 0 : i32
      %dma_wait3A_14 = arith.constant 0 : i32
      %dma_wait3A_15 = tpu.memref_slice %arg2[%dma_wait3A, %dma_wait3A_14] : memref<10000x128xf32, #tpu.memory_space<hbm>> -> memref<10000x128xf32, #tpu.memory_space<hbm>>
      tpu.wait_indirect_dma semaphore(%arg7 : memref<!tpu.dma_semaphore, #tpu.memory_space<semaphore_mem>>) src(%dma_wait3A_15 : memref<10000x128xf32, #tpu.memory_space<hbm>>) dst(%arg6 : memref<200x128xf32, #tpu.memory_space<vmem>>)
      "tpu.region"() ({
        %run_scoped3A = tpu.sem_alloc : memref<!tpu.dma_semaphore, #tpu.memory_space<semaphore_mem>>
        %dma_start3A_16 = arith.constant 0 : i32
        %dma_start3A_17 = tpu.memref_slice %arg4[%add3A_11, %dma_start3A_16] : memref<160000x128xf32, #tpu.memory_space<hbm>> -> memref<200x128xf32, #tpu.memory_space<hbm>>
        %dma_start3A_18 = arith.constant 0 : i32
        %dma_start3A_19 = tpu.memref_slice %arg4[%add3A_11, %dma_start3A_18] : memref<160000x128xf32, #tpu.memory_space<hbm>> -> memref<200x128xf32, #tpu.memory_space<hbm>>
        tpu.enqueue_dma source(%arg6 : memref<200x128xf32, #tpu.memory_space<vmem>>) target(%dma_start3A_19 : memref<200x128xf32, #tpu.memory_space<hbm>>) target_semaphore(%run_scoped3A : memref<!tpu.dma_semaphore, #tpu.memory_space<semaphore_mem>>)
        %dma_wait3A_20 = arith.constant 0 : i32
        %dma_wait3A_21 = tpu.memref_slice %arg4[%add3A_11, %dma_wait3A_20] : memref<160000x128xf32, #tpu.memory_space<hbm>> -> memref<200x128xf32, #tpu.memory_space<hbm>>
        %dma_wait3A_22 = arith.constant 0 : i32
        %dma_wait3A_23 = tpu.memref_slice %arg4[%add3A_11, %dma_wait3A_22] : memref<160000x128xf32, #tpu.memory_space<hbm>> -> memref<200x128xf32, #tpu.memory_space<hbm>>
        tpu.wait_dma2 semaphore(%run_scoped3A : memref<!tpu.dma_semaphore, #tpu.memory_space<semaphore_mem>>) src(%arg6 : memref<200x128xf32, #tpu.memory_space<vmem>>) dst(%dma_wait3A_23 : memref<200x128xf32, #tpu.memory_space<hbm>>)
        tpu.yield
      }) : () -> ()
    }
    %scan3A_7 = arith.constant 25 : i32
    return
  }
}

module attributes {stable_mosaic.version = 14 : i64} {
  func.func @_knn_a_body(%arg0: i32, %arg1: memref<256x3xf32, #tpu.memory_space<vmem>>, %arg2: memref<3x10240xf32, #tpu.memory_space<vmem>>, %arg3: memref<3x256xf32, #tpu.memory_space<vmem>>, %arg4: memref<10240x3xf32, #tpu.memory_space<vmem>>, %arg5: memref<1x10240xf32, #tpu.memory_space<vmem>>, %arg6: memref<10240x1xf32, #tpu.memory_space<vmem>>, %arg7: memref<256x10240xf32, #tpu.memory_space<vmem>>, %arg8: memref<640x256xf32, #tpu.memory_space<vmem>>) attributes {dimension_semantics = [#tpu.dimension_semantics<arbitrary>], iteration_bounds = array<i64: 40>, scalar_prefetch = 0 : i64, scratch_operands = 0 : i64, tpu.core_type = #tpu.core_type<tc>, window_params = [{transform_indices = @transform_0, window_bounds = array<i64: 256, 3>}, {pipeline_mode = #tpu.pipeline_mode<synchronous>, transform_indices = @transform_1, window_bounds = array<i64: 3, 10240>}, {transform_indices = @transform_2, window_bounds = array<i64: 3, 256>}, {pipeline_mode = #tpu.pipeline_mode<synchronous>, transform_indices = @transform_3, window_bounds = array<i64: 10240, 3>}, {pipeline_mode = #tpu.pipeline_mode<synchronous>, transform_indices = @transform_4, window_bounds = array<i64: 1, 10240>}, {pipeline_mode = #tpu.pipeline_mode<synchronous>, transform_indices = @transform_5, window_bounds = array<i64: 10240, 1>}, {transform_indices = @transform_6, window_bounds = array<i64: 256, 10240>}, {transform_indices = @transform_7, window_bounds = array<i64: 640, 256>}]} {
    %get3A = arith.constant 0 : index
    %get3A_0 = arith.constant 0 : index
    %get3A_1 = vector.load %arg1[%get3A, %get3A_0] : memref<256x3xf32, #tpu.memory_space<vmem>>, vector<256x3xf32>
    %mul3A = arith.mulf %get3A_1, %get3A_1 : vector<256x3xf32>
    %reduce_sum3A = arith.constant dense<0.000000e+00> : vector<256xf32>
    %reduce_sum3A_2 = vector.multi_reduction <add>, %mul3A, %reduce_sum3A [1] : vector<256x3xf32> to vector<256xf32>
    %broadcast_in_dim3A = vector.shape_cast %reduce_sum3A_2 : vector<256xf32> to vector<256x1xf32>
    %get3A_3 = arith.constant 0 : index
    %get3A_4 = arith.constant 0 : index
    %get3A_5 = vector.load %arg2[%get3A_3, %get3A_4] : memref<3x10240xf32, #tpu.memory_space<vmem>>, vector<3x10240xf32>
    %dot_general3A = arith.constant dense<0.000000e+00> : vector<256x10240xf32>
    %dot_general3A_6 = tpu.matmul %get3A_1, %get3A_5, %dot_general3A {dimension_numbers = #tpu.dot_dimension_numbers<[1], [0], [0], [1], [0, 0, 1, 1], [], []>, transpose_lhs_hint = false} : vector<256x3xf32>, vector<3x10240xf32>, vector<256x10240xf32> -> vector<256x10240xf32>
    %mul3A_7 = arith.constant 2.000000e+00 : f32
    %mul3A_8 = vector.broadcast %mul3A_7 : f32 to vector<256x10240xf32>
    %mul3A_9 = arith.mulf %mul3A_8, %dot_general3A_6 : vector<256x10240xf32>
    %sub3A = vector.broadcast %broadcast_in_dim3A : vector<256x1xf32> to vector<256x10240xf32>
    %sub3A_10 = arith.subf %sub3A, %mul3A_9 : vector<256x10240xf32>
    %get3A_11 = arith.constant 0 : index
    %get3A_12 = arith.constant 0 : index
    %get3A_13 = vector.load %arg5[%get3A_11, %get3A_12] : memref<1x10240xf32, #tpu.memory_space<vmem>>, vector<1x10240xf32>
    %add3A = vector.broadcast %get3A_13 : vector<1x10240xf32> to vector<256x10240xf32>
    %add3A_14 = arith.addf %sub3A_10, %add3A : vector<256x10240xf32>
    %swap3A = arith.constant 0 : index
    %swap3A_15 = arith.constant 0 : index
    %swap3A_16 = vector.load %arg7[%swap3A, %swap3A_15] : memref<256x10240xf32, #tpu.memory_space<vmem>>, vector<256x10240xf32>
    tpu.vector_store %arg7[%swap3A, %swap3A_15], %add3A_14 {strides = array<i32>} : memref<256x10240xf32, #tpu.memory_space<vmem>>, vector<256x10240xf32>,
    %get3A_17 = arith.constant 0 : index
    %get3A_18 = arith.constant 0 : index
    %get3A_19 = vector.load %arg3[%get3A_17, %get3A_18] : memref<3x256xf32, #tpu.memory_space<vmem>>, vector<3x256xf32>
    %mul3A_20 = arith.mulf %get3A_19, %get3A_19 : vector<3x256xf32>
    %reduce_sum3A_21 = arith.constant dense<0.000000e+00> : vector<256xf32>
    %reduce_sum3A_22 = vector.multi_reduction <add>, %mul3A_20, %reduce_sum3A_21 [0] : vector<3x256xf32> to vector<256xf32>
    %broadcast_in_dim3A_23 = vector.shape_cast %reduce_sum3A_22 : vector<256xf32> to vector<1x256xf32>
    %get3A_24 = arith.constant 0 : index
    %get3A_25 = arith.constant 0 : index
    %get3A_26 = vector.load %arg6[%get3A_24, %get3A_25] : memref<10240x1xf32, #tpu.memory_space<vmem>>, vector<10240x1xf32>
    %get3A_27 = arith.constant 0 : index
    %get3A_28 = arith.constant 0 : index
    %get3A_29 = vector.load %arg4[%get3A_27, %get3A_28] : memref<10240x3xf32, #tpu.memory_space<vmem>>, vector<10240x3xf32>
    %dot_general3A_30 = arith.constant dense<0.000000e+00> : vector<10240x256xf32>
    %dot_general3A_31 = tpu.matmul %get3A_29, %get3A_19, %dot_general3A_30 {dimension_numbers = #tpu.dot_dimension_numbers<[1], [0], [0], [1], [0, 0, 1, 1], [], []>, transpose_lhs_hint = false} : vector<10240x3xf32>, vector<3x256xf32>, vector<10240x256xf32> -> vector<10240x256xf32>
    %mul3A_32 = arith.constant 2.000000e+00 : f32
    %mul3A_33 = vector.broadcast %mul3A_32 : f32 to vector<10240x256xf32>
    %mul3A_34 = arith.mulf %mul3A_33, %dot_general3A_31 : vector<10240x256xf32>
    %sub3A_35 = vector.broadcast %get3A_26 : vector<10240x1xf32> to vector<10240x256xf32>
    %sub3A_36 = arith.subf %sub3A_35, %mul3A_34 : vector<10240x256xf32>
    %add3A_37 = vector.broadcast %broadcast_in_dim3A_23 : vector<1x256xf32> to vector<10240x256xf32>
    %add3A_38 = arith.addf %sub3A_36, %add3A_37 : vector<10240x256xf32>
    %reshape3A = vector.shape_cast %add3A_38 : vector<10240x256xf32> to vector<640x16x256xf32>
    %reduce_min3A = arith.constant dense<0x7F800000> : vector<640x256xf32>
    %reduce_min3A_39 = vector.multi_reduction <minimumf>, %reshape3A, %reduce_min3A [1] : vector<640x16x256xf32> to vector<640x256xf32>
    %swap3A_40 = arith.constant 0 : index
    %swap3A_41 = arith.constant 0 : index
    %swap3A_42 = vector.load %arg8[%swap3A_40, %swap3A_41] : memref<640x256xf32, #tpu.memory_space<vmem>>, vector<640x256xf32>
    tpu.vector_store %arg8[%swap3A_40, %swap3A_41], %reduce_min3A_39 {strides = array<i32>} : memref<640x256xf32, #tpu.memory_space<vmem>>, vector<640x256xf32>,
    return
  }
  func.func @transform_0(%arg0: i32) -> (i32, i32) {
    %c0_i32 = arith.constant 0 : i32
    %c0_i32_0 = arith.constant 0 : i32
    return %arg0, %c0_i32 : i32, i32
  }
  func.func @transform_1(%arg0: i32) -> (i32, i32) {
    %c0_i32 = arith.constant 0 : i32
    %c0_i32_0 = arith.constant 0 : i32
    %c0_i32_1 = arith.constant 0 : i32
    return %c0_i32, %c0_i32_0 : i32, i32
  }
  func.func @transform_2(%arg0: i32) -> (i32, i32) {
    %c0_i32 = arith.constant 0 : i32
    %c0_i32_0 = arith.constant 0 : i32
    return %c0_i32, %arg0 : i32, i32
  }
  func.func @transform_3(%arg0: i32) -> (i32, i32) {
    %c0_i32 = arith.constant 0 : i32
    %c0_i32_0 = arith.constant 0 : i32
    %c0_i32_1 = arith.constant 0 : i32
    return %c0_i32, %c0_i32_0 : i32, i32
  }
  func.func @transform_4(%arg0: i32) -> (i32, i32) {
    %c0_i32 = arith.constant 0 : i32
    %c0_i32_0 = arith.constant 0 : i32
    %c0_i32_1 = arith.constant 0 : i32
    return %c0_i32, %c0_i32_0 : i32, i32
  }
  func.func @transform_5(%arg0: i32) -> (i32, i32) {
    %c0_i32 = arith.constant 0 : i32
    %c0_i32_0 = arith.constant 0 : i32
    %c0_i32_1 = arith.constant 0 : i32
    return %c0_i32, %c0_i32_0 : i32, i32
  }
  func.func @transform_6(%arg0: i32) -> (i32, i32) {
    %c0_i32 = arith.constant 0 : i32
    %c0_i32_0 = arith.constant 0 : i32
    return %arg0, %c0_i32 : i32, i32
  }
  func.func @transform_7(%arg0: i32) -> (i32, i32) {
    %c0_i32 = arith.constant 0 : i32
    %c0_i32_0 = arith.constant 0 : i32
    return %c0_i32, %arg0 : i32, i32
  }
}

module attributes {stable_mosaic.version = 14 : i64} {
  func.func @_hits_body(%arg0: i32, %arg1: memref<2048x640xf32, #tpu.memory_space<vmem>>, %arg2: memref<2048x128xi32, #tpu.memory_space<vmem>>) attributes {dimension_semantics = [#tpu.dimension_semantics<arbitrary>], iteration_bounds = array<i64: 5>, scalar_prefetch = 0 : i64, scratch_operands = 0 : i64, tpu.core_type = #tpu.core_type<tc>, window_params = [{transform_indices = @transform_0, window_bounds = array<i64: 2048, 640>}, {transform_indices = @transform_1, window_bounds = array<i64: 2048, 128>}]} {
    %get3A = arith.constant 0 : index
    %get3A_0 = arith.constant 0 : index
    %get3A_1 = vector.load %arg1[%get3A, %get3A_0] : memref<2048x640xf32, #tpu.memory_space<vmem>>, vector<2048x640xf32>
    %iota3A = tpu.iota {dimensions = array<i32: 1>} : vector<2048x640xi32>
    %iota3A_2 = tpu.iota {dimensions = array<i32: 1>} : vector<2048x128xi32>
    %bitcast_convert_type3A = tpu.bitcast %get3A_1 : vector<2048x640xf32> -> vector<2048x640xi32>
    %ge3A = arith.constant 0 : i32
    %ge3A_3 = vector.broadcast %ge3A : i32 to vector<2048x640xi32>
    %ge3A_4 = arith.cmpi sge, %bitcast_convert_type3A, %ge3A_3 : vector<2048x640xi32>
    %xor3A = arith.constant 2147483647 : i32
    %xor3A_5 = vector.broadcast %xor3A : i32 to vector<2048x640xi32>
    %xor3A_6 = arith.xori %bitcast_convert_type3A, %xor3A_5 : vector<2048x640xi32>
    %select_n3A = arith.select %ge3A_4, %bitcast_convert_type3A, %xor3A_6 : vector<2048x640xi1>, vector<2048x640xi32>
    %and3A = arith.constant -16384 : i32
    %and3A_7 = vector.broadcast %and3A : i32 to vector<2048x640xi32>
    %and3A_8 = arith.andi %select_n3A, %and3A_7 : vector<2048x640xi32>
    %or3A = arith.ori %and3A_8, %iota3A : vector<2048x640xi32>
    %broadcast_in_dim3A = arith.constant 0 : i32
    %broadcast_in_dim3A_9 = vector.broadcast %broadcast_in_dim3A : i32 to vector<2048x128xi32>
    %scan3A = arith.constant 0 : i32
    %scan3A_10 = arith.constant 32 : i32
    %scan3A_11 = arith.addi %scan3A, %scan3A_10 : i32
    %scan3A_12 = arith.constant 1 : i32
    %scan3A_13:2 = scf.for %scan3A_17 = %scan3A to %scan3A_11 step %scan3A_12 iter_args(%scan3A_18 = %or3A, %scan3A_19 = %broadcast_in_dim3A_9) -> (vector<2048x640xi32>, vector<2048x128xi32>)  : i32 {
      %reduce_min3A = arith.constant dense<2147483647> : vector<2048xi32>
      %reduce_min3A_20 = vector.multi_reduction <minsi>, %scan3A_18, %reduce_min3A [1] : vector<2048x640xi32> to vector<2048xi32>
      %broadcast_in_dim3A_21 = vector.shape_cast %reduce_min3A_20 : vector<2048xi32> to vector<2048x1xi32>
      %eq3A = vector.broadcast %scan3A_17 : i32 to vector<2048x128xi32>
      %eq3A_22 = arith.cmpi eq, %iota3A_2, %eq3A : vector<2048x128xi32>
      %and3A_23 = arith.constant 1023 : i32
      %and3A_24 = vector.broadcast %and3A_23 : i32 to vector<2048x1xi32>
      %and3A_25 = arith.andi %broadcast_in_dim3A_21, %and3A_24 : vector<2048x1xi32>
      %broadcast_in_dim3A_26 = vector.shape_cast %and3A_25 : vector<2048x1xi32> to vector<2048x1xi32>
      %broadcast_in_dim3A_27 = vector.broadcast %broadcast_in_dim3A_26 : vector<2048x1xi32> to vector<2048x128xi32>
      %select_n3A_28 = arith.select %eq3A_22, %broadcast_in_dim3A_27, %scan3A_19 : vector<2048x128xi1>, vector<2048x128xi32>
      %eq3A_29 = vector.broadcast %broadcast_in_dim3A_21 : vector<2048x1xi32> to vector<2048x640xi32>
      %eq3A_30 = arith.cmpi eq, %scan3A_18, %eq3A_29 : vector<2048x640xi32>
      %jit3A = arith.constant 2147483647 : i32
      %broadcast_in_dim3A_31 = vector.broadcast %jit3A : i32 to vector<2048x640xi32>
      %select_n3A_32 = arith.select %eq3A_30, %broadcast_in_dim3A_31, %scan3A_18 : vector<2048x640xi1>, vector<2048x640xi32>
      scf.yield %select_n3A_32, %select_n3A_28 : vector<2048x640xi32>, vector<2048x128xi32>
    }
    %scan3A_14 = arith.constant 32 : i32
    %swap3A = arith.constant 0 : index
    %swap3A_15 = arith.constant 0 : index
    %swap3A_16 = vector.load %arg2[%swap3A, %swap3A_15] : memref<2048x128xi32, #tpu.memory_space<vmem>>, vector<2048x128xi32>
    tpu.vector_store %arg2[%swap3A, %swap3A_15], %scan3A_13#1 {strides = array<i32>} : memref<2048x128xi32, #tpu.memory_space<vmem>>, vector<2048x128xi32>,
    return
  }
  func.func @transform_0(%arg0: i32) -> (i32, i32) {
    %c0_i32 = arith.constant 0 : i32
    %c0_i32_0 = arith.constant 0 : i32
    return %arg0, %c0_i32 : i32, i32
  }
  func.func @transform_1(%arg0: i32) -> (i32, i32) {
    %c0_i32 = arith.constant 0 : i32
    %c0_i32_0 = arith.constant 0 : i32
    return %arg0, %c0_i32 : i32, i32
  }
}

module attributes {stable_mosaic.version = 14 : i64} {
  func.func @_knn_c_body(%arg0: i32, %arg1: memref<1024x512xf32, #tpu.memory_space<vmem>>, %arg2: memref<1024x512xi32, #tpu.memory_space<vmem>>, %arg3: memref<1024x16xi32, #tpu.memory_space<vmem>>) attributes {dimension_semantics = [#tpu.dimension_semantics<arbitrary>], iteration_bounds = array<i64: 10>, scalar_prefetch = 0 : i64, scratch_operands = 0 : i64, tpu.core_type = #tpu.core_type<tc>, window_params = [{transform_indices = @transform_0, window_bounds = array<i64: 1024, 512>}, {transform_indices = @transform_1, window_bounds = array<i64: 1024, 512>}, {transform_indices = @transform_2, window_bounds = array<i64: 1024, 16>}]} {
    %get3A = arith.constant 0 : index
    %get3A_0 = arith.constant 0 : index
    %get3A_1 = vector.load %arg1[%get3A, %get3A_0] : memref<1024x512xf32, #tpu.memory_space<vmem>>, vector<1024x512xf32>
    %get3A_2 = arith.constant 0 : index
    %get3A_3 = arith.constant 0 : index
    %get3A_4 = vector.load %arg2[%get3A_2, %get3A_3] : memref<1024x512xi32, #tpu.memory_space<vmem>>, vector<1024x512xi32>
    %iota3A = tpu.iota {dimensions = array<i32: 1>} : vector<1024x16xi32>
    %broadcast_in_dim3A = arith.constant 0 : i32
    %broadcast_in_dim3A_5 = vector.broadcast %broadcast_in_dim3A : i32 to vector<1024x16xi32>
    %scan3A = arith.constant 0 : i32
    %scan3A_6 = arith.constant 16 : i32
    %scan3A_7 = arith.addi %scan3A, %scan3A_6 : i32
    %scan3A_8 = arith.constant 1 : i32
    %scan3A_9:2 = scf.for %scan3A_13 = %scan3A to %scan3A_7 step %scan3A_8 iter_args(%scan3A_14 = %get3A_1, %scan3A_15 = %broadcast_in_dim3A_5) -> (vector<1024x512xf32>, vector<1024x16xi32>)  : i32 {
      %reduce_min3A = arith.constant dense<0x7F800000> : vector<1024xf32>
      %reduce_min3A_16 = vector.multi_reduction <minimumf>, %scan3A_14, %reduce_min3A [1] : vector<1024x512xf32> to vector<1024xf32>
      %broadcast_in_dim3A_17 = vector.shape_cast %reduce_min3A_16 : vector<1024xf32> to vector<1024x1xf32>
      %eq3A = vector.broadcast %broadcast_in_dim3A_17 : vector<1024x1xf32> to vector<1024x512xf32>
      %eq3A_18 = arith.cmpf oeq, %scan3A_14, %eq3A : vector<1024x512xf32>
      %jit3A = arith.constant 1073741824 : i32
      %broadcast_in_dim3A_19 = vector.broadcast %jit3A : i32 to vector<1024x512xi32>
      %select_n3A = arith.select %eq3A_18, %get3A_4, %broadcast_in_dim3A_19 : vector<1024x512xi1>, vector<1024x512xi32>
      %reduce_min3A_20 = arith.constant dense<2147483647> : vector<1024xi32>
      %reduce_min3A_21 = vector.multi_reduction <minsi>, %select_n3A, %reduce_min3A_20 [1] : vector<1024x512xi32> to vector<1024xi32>
      %broadcast_in_dim3A_22 = vector.shape_cast %reduce_min3A_21 : vector<1024xi32> to vector<1024x1xi32>
      %eq3A_23 = vector.broadcast %scan3A_13 : i32 to vector<1024x16xi32>
      %eq3A_24 = arith.cmpi eq, %iota3A, %eq3A_23 : vector<1024x16xi32>
      %broadcast_in_dim3A_25 = vector.shape_cast %broadcast_in_dim3A_22 : vector<1024x1xi32> to vector<1024x1xi32>
      %broadcast_in_dim3A_26 = vector.broadcast %broadcast_in_dim3A_25 : vector<1024x1xi32> to vector<1024x16xi32>
      %select_n3A_27 = arith.select %eq3A_24, %broadcast_in_dim3A_26, %scan3A_15 : vector<1024x16xi1>, vector<1024x16xi32>
      %eq3A_28 = vector.broadcast %broadcast_in_dim3A_22 : vector<1024x1xi32> to vector<1024x512xi32>
      %eq3A_29 = arith.cmpi eq, %get3A_4, %eq3A_28 : vector<1024x512xi32>
      %jit3A_30 = arith.constant 0x7F800000 : f32
      %broadcast_in_dim3A_31 = vector.broadcast %jit3A_30 : f32 to vector<1024x512xf32>
      %select_n3A_32 = arith.select %eq3A_29, %broadcast_in_dim3A_31, %scan3A_14 : vector<1024x512xi1>, vector<1024x512xf32>
      scf.yield %select_n3A_32, %select_n3A_27 : vector<1024x512xf32>, vector<1024x16xi32>
    }
    %scan3A_10 = arith.constant 16 : i32
    %swap3A = arith.constant 0 : index
    %swap3A_11 = arith.constant 0 : index
    %swap3A_12 = vector.load %arg3[%swap3A, %swap3A_11] : memref<1024x16xi32, #tpu.memory_space<vmem>>, vector<1024x16xi32>
    tpu.vector_store %arg3[%swap3A, %swap3A_11], %scan3A_9#1 {strides = array<i32>} : memref<1024x16xi32, #tpu.memory_space<vmem>>, vector<1024x16xi32>,
    return
  }
  func.func @transform_0(%arg0: i32) -> (i32, i32) {
    %c0_i32 = arith.constant 0 : i32
    %c0_i32_0 = arith.constant 0 : i32
    return %arg0, %c0_i32 : i32, i32
  }
  func.func @transform_1(%arg0: i32) -> (i32, i32) {
    %c0_i32 = arith.constant 0 : i32
    %c0_i32_0 = arith.constant 0 : i32
    return %arg0, %c0_i32 : i32, i32
  }
  func.func @transform_2(%arg0: i32) -> (i32, i32) {
    %c0_i32 = arith.constant 0 : i32
    %c0_i32_0 = arith.constant 0 : i32
    return %arg0, %c0_i32 : i32, i32
  }
}

module attributes {stable_mosaic.version = 14 : i64} {
  func.func @_conv_body(%arg0: i32, %arg1: memref<16x1000x128xf32, #tpu.memory_space<vmem>>, %arg2: memref<1000x128xf32, #tpu.memory_space<vmem>>, %arg3: memref<128x64xf32, #tpu.memory_space<vmem>>, %arg4: memref<1x64xf32, #tpu.memory_space<vmem>>, %arg5: memref<1000x64xf32, #tpu.memory_space<vmem>>) attributes {dimension_semantics = [#tpu.dimension_semantics<arbitrary>], iteration_bounds = array<i64: 10>, scalar_prefetch = 0 : i64, scratch_operands = 0 : i64, tpu.core_type = #tpu.core_type<tc>, window_params = [{transform_indices = @transform_0, window_bounds = array<i64: 16, 1000, 128>}, {transform_indices = @transform_1, window_bounds = array<i64: 1000, 128>}, {pipeline_mode = #tpu.pipeline_mode<synchronous>, transform_indices = @transform_2, window_bounds = array<i64: 128, 64>}, {pipeline_mode = #tpu.pipeline_mode<synchronous>, transform_indices = @transform_3, window_bounds = array<i64: 1, 64>}, {transform_indices = @transform_4, window_bounds = array<i64: 1000, 64>}]} {
    %get3A = arith.constant 0 : index
    %get3A_0 = arith.constant 0 : index
    %get3A_1 = vector.load %arg2[%get3A, %get3A_0] : memref<1000x128xf32, #tpu.memory_space<vmem>>, vector<1000x128xf32>
    %get3A_2 = arith.constant 0 : index
    %get3A_3 = arith.constant 0 : index
    %get3A_4 = vector.load %arg3[%get3A_2, %get3A_3] : memref<128x64xf32, #tpu.memory_space<vmem>>, vector<128x64xf32>
    %get3A_5 = arith.constant 0 : index
    %get3A_6 = arith.constant 0 : index
    %get3A_7 = arith.constant 0 : index
    %get3A_8 = vector.load %arg1[%get3A_5, %get3A_6, %get3A_7] : memref<16x1000x128xf32, #tpu.memory_space<vmem>>, vector<1x1000x128xf32>
    %get3A_9 = vector.shape_cast %get3A_8 : vector<1x1000x128xf32> to vector<1000x128xf32>
    %sub3A = arith.subf %get3A_9, %get3A_1 : vector<1000x128xf32>
    %max3A = arith.constant 0.000000e+00 : f32
    %max3A_10 = vector.broadcast %max3A : f32 to vector<1000x128xf32>
    %max3A_11 = arith.maximumf %sub3A, %max3A_10 : vector<1000x128xf32>
    %dot_general3A = arith.constant dense<0.000000e+00> : vector<1000x64xf32>
    %dot_general3A_12 = tpu.matmul %max3A_11, %get3A_4, %dot_general3A {dimension_numbers = #tpu.dot_dimension_numbers<[1], [0], [0], [1], [0, 0, 1, 1], [], []>, transpose_lhs_hint = false} : vector<1000x128xf32>, vector<128x64xf32>, vector<1000x64xf32> -> vector<1000x64xf32>
    %get3A_13 = arith.constant 1 : index
    %get3A_14 = arith.constant 0 : index
    %get3A_15 = arith.constant 0 : index
    %get3A_16 = vector.load %arg1[%get3A_13, %get3A_14, %get3A_15] : memref<16x1000x128xf32, #tpu.memory_space<vmem>>, vector<1x1000x128xf32>
    %get3A_17 = vector.shape_cast %get3A_16 : vector<1x1000x128xf32> to vector<1000x128xf32>
    %sub3A_18 = arith.subf %get3A_17, %get3A_1 : vector<1000x128xf32>
    %max3A_19 = arith.constant 0.000000e+00 : f32
    %max3A_20 = vector.broadcast %max3A_19 : f32 to vector<1000x128xf32>
    %max3A_21 = arith.maximumf %sub3A_18, %max3A_20 : vector<1000x128xf32>
    %dot_general3A_22 = arith.constant dense<0.000000e+00> : vector<1000x64xf32>
    %dot_general3A_23 = tpu.matmul %max3A_21, %get3A_4, %dot_general3A_22 {dimension_numbers = #tpu.dot_dimension_numbers<[1], [0], [0], [1], [0, 0, 1, 1], [], []>, transpose_lhs_hint = false} : vector<1000x128xf32>, vector<128x64xf32>, vector<1000x64xf32> -> vector<1000x64xf32>
    %max3A_24 = arith.maximumf %dot_general3A_12, %dot_general3A_23 : vector<1000x64xf32>
    %get3A_25 = arith.constant 2 : index
    %get3A_26 = arith.constant 0 : index
    %get3A_27 = arith.constant 0 : index
    %get3A_28 = vector.load %arg1[%get3A_25, %get3A_26, %get3A_27] : memref<16x1000x128xf32, #tpu.memory_space<vmem>>, vector<1x1000x128xf32>
    %get3A_29 = vector.shape_cast %get3A_28 : vector<1x1000x128xf32> to vector<1000x128xf32>
    %sub3A_30 = arith.subf %get3A_29, %get3A_1 : vector<1000x128xf32>
    %max3A_31 = arith.constant 0.000000e+00 : f32
    %max3A_32 = vector.broadcast %max3A_31 : f32 to vector<1000x128xf32>
    %max3A_33 = arith.maximumf %sub3A_30, %max3A_32 : vector<1000x128xf32>
    %dot_general3A_34 = arith.constant dense<0.000000e+00> : vector<1000x64xf32>
    %dot_general3A_35 = tpu.matmul %max3A_33, %get3A_4, %dot_general3A_34 {dimension_numbers = #tpu.dot_dimension_numbers<[1], [0], [0], [1], [0, 0, 1, 1], [], []>, transpose_lhs_hint = false} : vector<1000x128xf32>, vector<128x64xf32>, vector<1000x64xf32> -> vector<1000x64xf32>
    %max3A_36 = arith.maximumf %max3A_24, %dot_general3A_35 : vector<1000x64xf32>
    %get3A_37 = arith.constant 3 : index
    %get3A_38 = arith.constant 0 : index
    %get3A_39 = arith.constant 0 : index
    %get3A_40 = vector.load %arg1[%get3A_37, %get3A_38, %get3A_39] : memref<16x1000x128xf32, #tpu.memory_space<vmem>>, vector<1x1000x128xf32>
    %get3A_41 = vector.shape_cast %get3A_40 : vector<1x1000x128xf32> to vector<1000x128xf32>
    %sub3A_42 = arith.subf %get3A_41, %get3A_1 : vector<1000x128xf32>
    %max3A_43 = arith.constant 0.000000e+00 : f32
    %max3A_44 = vector.broadcast %max3A_43 : f32 to vector<1000x128xf32>
    %max3A_45 = arith.maximumf %sub3A_42, %max3A_44 : vector<1000x128xf32>
    %dot_general3A_46 = arith.constant dense<0.000000e+00> : vector<1000x64xf32>
    %dot_general3A_47 = tpu.matmul %max3A_45, %get3A_4, %dot_general3A_46 {dimension_numbers = #tpu.dot_dimension_numbers<[1], [0], [0], [1], [0, 0, 1, 1], [], []>, transpose_lhs_hint = false} : vector<1000x128xf32>, vector<128x64xf32>, vector<1000x64xf32> -> vector<1000x64xf32>
    %max3A_48 = arith.maximumf %max3A_36, %dot_general3A_47 : vector<1000x64xf32>
    %get3A_49 = arith.constant 4 : index
    %get3A_50 = arith.constant 0 : index
    %get3A_51 = arith.constant 0 : index
    %get3A_52 = vector.load %arg1[%get3A_49, %get3A_50, %get3A_51] : memref<16x1000x128xf32, #tpu.memory_space<vmem>>, vector<1x1000x128xf32>
    %get3A_53 = vector.shape_cast %get3A_52 : vector<1x1000x128xf32> to vector<1000x128xf32>
    %sub3A_54 = arith.subf %get3A_53, %get3A_1 : vector<1000x128xf32>
    %max3A_55 = arith.constant 0.000000e+00 : f32
    %max3A_56 = vector.broadcast %max3A_55 : f32 to vector<1000x128xf32>
    %max3A_57 = arith.maximumf %sub3A_54, %max3A_56 : vector<1000x128xf32>
    %dot_general3A_58 = arith.constant dense<0.000000e+00> : vector<1000x64xf32>
    %dot_general3A_59 = tpu.matmul %max3A_57, %get3A_4, %dot_general3A_58 {dimension_numbers = #tpu.dot_dimension_numbers<[1], [0], [0], [1], [0, 0, 1, 1], [], []>, transpose_lhs_hint = false} : vector<1000x128xf32>, vector<128x64xf32>, vector<1000x64xf32> -> vector<1000x64xf32>
    %max3A_60 = arith.maximumf %max3A_48, %dot_general3A_59 : vector<1000x64xf32>
    %get3A_61 = arith.constant 5 : index
    %get3A_62 = arith.constant 0 : index
    %get3A_63 = arith.constant 0 : index
    %get3A_64 = vector.load %arg1[%get3A_61, %get3A_62, %get3A_63] : memref<16x1000x128xf32, #tpu.memory_space<vmem>>, vector<1x1000x128xf32>
    %get3A_65 = vector.shape_cast %get3A_64 : vector<1x1000x128xf32> to vector<1000x128xf32>
    %sub3A_66 = arith.subf %get3A_65, %get3A_1 : vector<1000x128xf32>
    %max3A_67 = arith.constant 0.000000e+00 : f32
    %max3A_68 = vector.broadcast %max3A_67 : f32 to vector<1000x128xf32>
    %max3A_69 = arith.maximumf %sub3A_66, %max3A_68 : vector<1000x128xf32>
    %dot_general3A_70 = arith.constant dense<0.000000e+00> : vector<1000x64xf32>
    %dot_general3A_71 = tpu.matmul %max3A_69, %get3A_4, %dot_general3A_70 {dimension_numbers = #tpu.dot_dimension_numbers<[1], [0], [0], [1], [0, 0, 1, 1], [], []>, transpose_lhs_hint = false} : vector<1000x128xf32>, vector<128x64xf32>, vector<1000x64xf32> -> vector<1000x64xf32>
    %max3A_72 = arith.maximumf %max3A_60, %dot_general3A_71 : vector<1000x64xf32>
    %get3A_73 = arith.constant 6 : index
    %get3A_74 = arith.constant 0 : index
    %get3A_75 = arith.constant 0 : index
    %get3A_76 = vector.load %arg1[%get3A_73, %get3A_74, %get3A_75] : memref<16x1000x128xf32, #tpu.memory_space<vmem>>, vector<1x1000x128xf32>
    %get3A_77 = vector.shape_cast %get3A_76 : vector<1x1000x128xf32> to vector<1000x128xf32>
    %sub3A_78 = arith.subf %get3A_77, %get3A_1 : vector<1000x128xf32>
    %max3A_79 = arith.constant 0.000000e+00 : f32
    %max3A_80 = vector.broadcast %max3A_79 : f32 to vector<1000x128xf32>
    %max3A_81 = arith.maximumf %sub3A_78, %max3A_80 : vector<1000x128xf32>
    %dot_general3A_82 = arith.constant dense<0.000000e+00> : vector<1000x64xf32>
    %dot_general3A_83 = tpu.matmul %max3A_81, %get3A_4, %dot_general3A_82 {dimension_numbers = #tpu.dot_dimension_numbers<[1], [0], [0], [1], [0, 0, 1, 1], [], []>, transpose_lhs_hint = false} : vector<1000x128xf32>, vector<128x64xf32>, vector<1000x64xf32> -> vector<1000x64xf32>
    %max3A_84 = arith.maximumf %max3A_72, %dot_general3A_83 : vector<1000x64xf32>
    %get3A_85 = arith.constant 7 : index
    %get3A_86 = arith.constant 0 : index
    %get3A_87 = arith.constant 0 : index
    %get3A_88 = vector.load %arg1[%get3A_85, %get3A_86, %get3A_87] : memref<16x1000x128xf32, #tpu.memory_space<vmem>>, vector<1x1000x128xf32>
    %get3A_89 = vector.shape_cast %get3A_88 : vector<1x1000x128xf32> to vector<1000x128xf32>
    %sub3A_90 = arith.subf %get3A_89, %get3A_1 : vector<1000x128xf32>
    %max3A_91 = arith.constant 0.000000e+00 : f32
    %max3A_92 = vector.broadcast %max3A_91 : f32 to vector<1000x128xf32>
    %max3A_93 = arith.maximumf %sub3A_90, %max3A_92 : vector<1000x128xf32>
    %dot_general3A_94 = arith.constant dense<0.000000e+00> : vector<1000x64xf32>
    %dot_general3A_95 = tpu.matmul %max3A_93, %get3A_4, %dot_general3A_94 {dimension_numbers = #tpu.dot_dimension_numbers<[1], [0], [0], [1], [0, 0, 1, 1], [], []>, transpose_lhs_hint = false} : vector<1000x128xf32>, vector<128x64xf32>, vector<1000x64xf32> -> vector<1000x64xf32>
    %max3A_96 = arith.maximumf %max3A_84, %dot_general3A_95 : vector<1000x64xf32>
    %get3A_97 = arith.constant 8 : index
    %get3A_98 = arith.constant 0 : index
    %get3A_99 = arith.constant 0 : index
    %get3A_100 = vector.load %arg1[%get3A_97, %get3A_98, %get3A_99] : memref<16x1000x128xf32, #tpu.memory_space<vmem>>, vector<1x1000x128xf32>
    %get3A_101 = vector.shape_cast %get3A_100 : vector<1x1000x128xf32> to vector<1000x128xf32>
    %sub3A_102 = arith.subf %get3A_101, %get3A_1 : vector<1000x128xf32>
    %max3A_103 = arith.constant 0.000000e+00 : f32
    %max3A_104 = vector.broadcast %max3A_103 : f32 to vector<1000x128xf32>
    %max3A_105 = arith.maximumf %sub3A_102, %max3A_104 : vector<1000x128xf32>
    %dot_general3A_106 = arith.constant dense<0.000000e+00> : vector<1000x64xf32>
    %dot_general3A_107 = tpu.matmul %max3A_105, %get3A_4, %dot_general3A_106 {dimension_numbers = #tpu.dot_dimension_numbers<[1], [0], [0], [1], [0, 0, 1, 1], [], []>, transpose_lhs_hint = false} : vector<1000x128xf32>, vector<128x64xf32>, vector<1000x64xf32> -> vector<1000x64xf32>
    %max3A_108 = arith.maximumf %max3A_96, %dot_general3A_107 : vector<1000x64xf32>
    %get3A_109 = arith.constant 9 : index
    %get3A_110 = arith.constant 0 : index
    %get3A_111 = arith.constant 0 : index
    %get3A_112 = vector.load %arg1[%get3A_109, %get3A_110, %get3A_111] : memref<16x1000x128xf32, #tpu.memory_space<vmem>>, vector<1x1000x128xf32>
    %get3A_113 = vector.shape_cast %get3A_112 : vector<1x1000x128xf32> to vector<1000x128xf32>
    %sub3A_114 = arith.subf %get3A_113, %get3A_1 : vector<1000x128xf32>
    %max3A_115 = arith.constant 0.000000e+00 : f32
    %max3A_116 = vector.broadcast %max3A_115 : f32 to vector<1000x128xf32>
    %max3A_117 = arith.maximumf %sub3A_114, %max3A_116 : vector<1000x128xf32>
    %dot_general3A_118 = arith.constant dense<0.000000e+00> : vector<1000x64xf32>
    %dot_general3A_119 = tpu.matmul %max3A_117, %get3A_4, %dot_general3A_118 {dimension_numbers = #tpu.dot_dimension_numbers<[1], [0], [0], [1], [0, 0, 1, 1], [], []>, transpose_lhs_hint = false} : vector<1000x128xf32>, vector<128x64xf32>, vector<1000x64xf32> -> vector<1000x64xf32>
    %max3A_120 = arith.maximumf %max3A_108, %dot_general3A_119 : vector<1000x64xf32>
    %get3A_121 = arith.constant 10 : index
    %get3A_122 = arith.constant 0 : index
    %get3A_123 = arith.constant 0 : index
    %get3A_124 = vector.load %arg1[%get3A_121, %get3A_122, %get3A_123] : memref<16x1000x128xf32, #tpu.memory_space<vmem>>, vector<1x1000x128xf32>
    %get3A_125 = vector.shape_cast %get3A_124 : vector<1x1000x128xf32> to vector<1000x128xf32>
    %sub3A_126 = arith.subf %get3A_125, %get3A_1 : vector<1000x128xf32>
    %max3A_127 = arith.constant 0.000000e+00 : f32
    %max3A_128 = vector.broadcast %max3A_127 : f32 to vector<1000x128xf32>
    %max3A_129 = arith.maximumf %sub3A_126, %max3A_128 : vector<1000x128xf32>
    %dot_general3A_130 = arith.constant dense<0.000000e+00> : vector<1000x64xf32>
    %dot_general3A_131 = tpu.matmul %max3A_129, %get3A_4, %dot_general3A_130 {dimension_numbers = #tpu.dot_dimension_numbers<[1], [0], [0], [1], [0, 0, 1, 1], [], []>, transpose_lhs_hint = false} : vector<1000x128xf32>, vector<128x64xf32>, vector<1000x64xf32> -> vector<1000x64xf32>
    %max3A_132 = arith.maximumf %max3A_120, %dot_general3A_131 : vector<1000x64xf32>
    %get3A_133 = arith.constant 11 : index
    %get3A_134 = arith.constant 0 : index
    %get3A_135 = arith.constant 0 : index
    %get3A_136 = vector.load %arg1[%get3A_133, %get3A_134, %get3A_135] : memref<16x1000x128xf32, #tpu.memory_space<vmem>>, vector<1x1000x128xf32>
    %get3A_137 = vector.shape_cast %get3A_136 : vector<1x1000x128xf32> to vector<1000x128xf32>
    %sub3A_138 = arith.subf %get3A_137, %get3A_1 : vector<1000x128xf32>
    %max3A_139 = arith.constant 0.000000e+00 : f32
    %max3A_140 = vector.broadcast %max3A_139 : f32 to vector<1000x128xf32>
    %max3A_141 = arith.maximumf %sub3A_138, %max3A_140 : vector<1000x128xf32>
    %dot_general3A_142 = arith.constant dense<0.000000e+00> : vector<1000x64xf32>
    %dot_general3A_143 = tpu.matmul %max3A_141, %get3A_4, %dot_general3A_142 {dimension_numbers = #tpu.dot_dimension_numbers<[1], [0], [0], [1], [0, 0, 1, 1], [], []>, transpose_lhs_hint = false} : vector<1000x128xf32>, vector<128x64xf32>, vector<1000x64xf32> -> vector<1000x64xf32>
    %max3A_144 = arith.maximumf %max3A_132, %dot_general3A_143 : vector<1000x64xf32>
    %get3A_145 = arith.constant 12 : index
    %get3A_146 = arith.constant 0 : index
    %get3A_147 = arith.constant 0 : index
    %get3A_148 = vector.load %arg1[%get3A_145, %get3A_146, %get3A_147] : memref<16x1000x128xf32, #tpu.memory_space<vmem>>, vector<1x1000x128xf32>
    %get3A_149 = vector.shape_cast %get3A_148 : vector<1x1000x128xf32> to vector<1000x128xf32>
    %sub3A_150 = arith.subf %get3A_149, %get3A_1 : vector<1000x128xf32>
    %max3A_151 = arith.constant 0.000000e+00 : f32
    %max3A_152 = vector.broadcast %max3A_151 : f32 to vector<1000x128xf32>
    %max3A_153 = arith.maximumf %sub3A_150, %max3A_152 : vector<1000x128xf32>
    %dot_general3A_154 = arith.constant dense<0.000000e+00> : vector<1000x64xf32>
    %dot_general3A_155 = tpu.matmul %max3A_153, %get3A_4, %dot_general3A_154 {dimension_numbers = #tpu.dot_dimension_numbers<[1], [0], [0], [1], [0, 0, 1, 1], [], []>, transpose_lhs_hint = false} : vector<1000x128xf32>, vector<128x64xf32>, vector<1000x64xf32> -> vector<1000x64xf32>
    %max3A_156 = arith.maximumf %max3A_144, %dot_general3A_155 : vector<1000x64xf32>
    %get3A_157 = arith.constant 13 : index
    %get3A_158 = arith.constant 0 : index
    %get3A_159 = arith.constant 0 : index
    %get3A_160 = vector.load %arg1[%get3A_157, %get3A_158, %get3A_159] : memref<16x1000x128xf32, #tpu.memory_space<vmem>>, vector<1x1000x128xf32>
    %get3A_161 = vector.shape_cast %get3A_160 : vector<1x1000x128xf32> to vector<1000x128xf32>
    %sub3A_162 = arith.subf %get3A_161, %get3A_1 : vector<1000x128xf32>
    %max3A_163 = arith.constant 0.000000e+00 : f32
    %max3A_164 = vector.broadcast %max3A_163 : f32 to vector<1000x128xf32>
    %max3A_165 = arith.maximumf %sub3A_162, %max3A_164 : vector<1000x128xf32>
    %dot_general3A_166 = arith.constant dense<0.000000e+00> : vector<1000x64xf32>
    %dot_general3A_167 = tpu.matmul %max3A_165, %get3A_4, %dot_general3A_166 {dimension_numbers = #tpu.dot_dimension_numbers<[1], [0], [0], [1], [0, 0, 1, 1], [], []>, transpose_lhs_hint = false} : vector<1000x128xf32>, vector<128x64xf32>, vector<1000x64xf32> -> vector<1000x64xf32>
    %max3A_168 = arith.maximumf %max3A_156, %dot_general3A_167 : vector<1000x64xf32>
    %get3A_169 = arith.constant 14 : index
    %get3A_170 = arith.constant 0 : index
    %get3A_171 = arith.constant 0 : index
    %get3A_172 = vector.load %arg1[%get3A_169, %get3A_170, %get3A_171] : memref<16x1000x128xf32, #tpu.memory_space<vmem>>, vector<1x1000x128xf32>
    %get3A_173 = vector.shape_cast %get3A_172 : vector<1x1000x128xf32> to vector<1000x128xf32>
    %sub3A_174 = arith.subf %get3A_173, %get3A_1 : vector<1000x128xf32>
    %max3A_175 = arith.constant 0.000000e+00 : f32
    %max3A_176 = vector.broadcast %max3A_175 : f32 to vector<1000x128xf32>
    %max3A_177 = arith.maximumf %sub3A_174, %max3A_176 : vector<1000x128xf32>
    %dot_general3A_178 = arith.constant dense<0.000000e+00> : vector<1000x64xf32>
    %dot_general3A_179 = tpu.matmul %max3A_177, %get3A_4, %dot_general3A_178 {dimension_numbers = #tpu.dot_dimension_numbers<[1], [0], [0], [1], [0, 0, 1, 1], [], []>, transpose_lhs_hint = false} : vector<1000x128xf32>, vector<128x64xf32>, vector<1000x64xf32> -> vector<1000x64xf32>
    %max3A_180 = arith.maximumf %max3A_168, %dot_general3A_179 : vector<1000x64xf32>
    %get3A_181 = arith.constant 15 : index
    %get3A_182 = arith.constant 0 : index
    %get3A_183 = arith.constant 0 : index
    %get3A_184 = vector.load %arg1[%get3A_181, %get3A_182, %get3A_183] : memref<16x1000x128xf32, #tpu.memory_space<vmem>>, vector<1x1000x128xf32>
    %get3A_185 = vector.shape_cast %get3A_184 : vector<1x1000x128xf32> to vector<1000x128xf32>
    %sub3A_186 = arith.subf %get3A_185, %get3A_1 : vector<1000x128xf32>
    %max3A_187 = arith.constant 0.000000e+00 : f32
    %max3A_188 = vector.broadcast %max3A_187 : f32 to vector<1000x128xf32>
    %max3A_189 = arith.maximumf %sub3A_186, %max3A_188 : vector<1000x128xf32>
    %dot_general3A_190 = arith.constant dense<0.000000e+00> : vector<1000x64xf32>
    %dot_general3A_191 = tpu.matmul %max3A_189, %get3A_4, %dot_general3A_190 {dimension_numbers = #tpu.dot_dimension_numbers<[1], [0], [0], [1], [0, 0, 1, 1], [], []>, transpose_lhs_hint = false} : vector<1000x128xf32>, vector<128x64xf32>, vector<1000x64xf32> -> vector<1000x64xf32>
    %max3A_192 = arith.maximumf %max3A_180, %dot_general3A_191 : vector<1000x64xf32>
    %get3A_193 = arith.constant 0 : index
    %get3A_194 = arith.constant 0 : index
    %get3A_195 = vector.load %arg4[%get3A_193, %get3A_194] : memref<1x64xf32, #tpu.memory_space<vmem>>, vector<1x64xf32>
    %add3A = vector.broadcast %get3A_195 : vector<1x64xf32> to vector<1000x64xf32>
    %add3A_196 = arith.addf %max3A_192, %add3A : vector<1000x64xf32>
    %max3A_197 = arith.constant 0.000000e+00 : f32
    %max3A_198 = vector.broadcast %max3A_197 : f32 to vector<1000x64xf32>
    %max3A_199 = arith.maximumf %add3A_196, %max3A_198 : vector<1000x64xf32>
    %swap3A = arith.constant 0 : index
    %swap3A_200 = arith.constant 0 : index
    %swap3A_201 = vector.load %arg5[%swap3A, %swap3A_200] : memref<1000x64xf32, #tpu.memory_space<vmem>>, vector<1000x64xf32>
    tpu.vector_store %arg5[%swap3A, %swap3A_200], %max3A_199 {strides = array<i32>} : memref<1000x64xf32, #tpu.memory_space<vmem>>, vector<1000x64xf32>,
    return
  }
  func.func @transform_0(%arg0: i32) -> (i32, i32, i32) {
    %c0_i32 = arith.constant 0 : i32
    %c0_i32_0 = arith.constant 0 : i32
    %c0_i32_1 = arith.constant 0 : i32
    return %c0_i32, %arg0, %c0_i32_0 : i32, i32, i32
  }
  func.func @transform_1(%arg0: i32) -> (i32, i32) {
    %c0_i32 = arith.constant 0 : i32
    %c0_i32_0 = arith.constant 0 : i32
    return %arg0, %c0_i32 : i32, i32
  }
  func.func @transform_2(%arg0: i32) -> (i32, i32) {
    %c0_i32 = arith.constant 0 : i32
    %c0_i32_0 = arith.constant 0 : i32
    %c0_i32_1 = arith.constant 0 : i32
    return %c0_i32, %c0_i32_0 : i32, i32
  }
  func.func @transform_3(%arg0: i32) -> (i32, i32) {
    %c0_i32 = arith.constant 0 : i32
    %c0_i32_0 = arith.constant 0 : i32
    %c0_i32_1 = arith.constant 0 : i32
    return %c0_i32, %c0_i32_0 : i32, i32
  }
  func.func @transform_4(%arg0: i32) -> (i32, i32) {
    %c0_i32 = arith.constant 0 : i32
    %c0_i32_0 = arith.constant 0 : i32
    return %arg0, %c0_i32 : i32, i32
  }
}

module attributes {stable_mosaic.version = 14 : i64} {
  func.func @_conv_body(%arg0: i32, %arg1: memref<16x1000x128xf32, #tpu.memory_space<vmem>>, %arg2: memref<1000x128xf32, #tpu.memory_space<vmem>>, %arg3: memref<128x128xf32, #tpu.memory_space<vmem>>, %arg4: memref<1x128xf32, #tpu.memory_space<vmem>>, %arg5: memref<1000x128xf32, #tpu.memory_space<vmem>>) attributes {dimension_semantics = [#tpu.dimension_semantics<arbitrary>], iteration_bounds = array<i64: 10>, scalar_prefetch = 0 : i64, scratch_operands = 0 : i64, tpu.core_type = #tpu.core_type<tc>, window_params = [{transform_indices = @transform_0, window_bounds = array<i64: 16, 1000, 128>}, {transform_indices = @transform_1, window_bounds = array<i64: 1000, 128>}, {pipeline_mode = #tpu.pipeline_mode<synchronous>, transform_indices = @transform_2, window_bounds = array<i64: 128, 128>}, {pipeline_mode = #tpu.pipeline_mode<synchronous>, transform_indices = @transform_3, window_bounds = array<i64: 1, 128>}, {transform_indices = @transform_4, window_bounds = array<i64: 1000, 128>}]} {
    %get3A = arith.constant 0 : index
    %get3A_0 = arith.constant 0 : index
    %get3A_1 = vector.load %arg2[%get3A, %get3A_0] : memref<1000x128xf32, #tpu.memory_space<vmem>>, vector<1000x128xf32>
    %get3A_2 = arith.constant 0 : index
    %get3A_3 = arith.constant 0 : index
    %get3A_4 = vector.load %arg3[%get3A_2, %get3A_3] : memref<128x128xf32, #tpu.memory_space<vmem>>, vector<128x128xf32>
    %get3A_5 = arith.constant 0 : index
    %get3A_6 = arith.constant 0 : index
    %get3A_7 = arith.constant 0 : index
    %get3A_8 = vector.load %arg1[%get3A_5, %get3A_6, %get3A_7] : memref<16x1000x128xf32, #tpu.memory_space<vmem>>, vector<1x1000x128xf32>
    %get3A_9 = vector.shape_cast %get3A_8 : vector<1x1000x128xf32> to vector<1000x128xf32>
    %sub3A = arith.subf %get3A_9, %get3A_1 : vector<1000x128xf32>
    %max3A = arith.constant 0.000000e+00 : f32
    %max3A_10 = vector.broadcast %max3A : f32 to vector<1000x128xf32>
    %max3A_11 = arith.maximumf %sub3A, %max3A_10 : vector<1000x128xf32>
    %dot_general3A = arith.constant dense<0.000000e+00> : vector<1000x128xf32>
    %dot_general3A_12 = tpu.matmul %max3A_11, %get3A_4, %dot_general3A {dimension_numbers = #tpu.dot_dimension_numbers<[1], [0], [0], [1], [0, 0, 1, 1], [], []>, transpose_lhs_hint = false} : vector<1000x128xf32>, vector<128x128xf32>, vector<1000x128xf32> -> vector<1000x128xf32>
    %get3A_13 = arith.constant 1 : index
    %get3A_14 = arith.constant 0 : index
    %get3A_15 = arith.constant 0 : index
    %get3A_16 = vector.load %arg1[%get3A_13, %get3A_14, %get3A_15] : memref<16x1000x128xf32, #tpu.memory_space<vmem>>, vector<1x1000x128xf32>
    %get3A_17 = vector.shape_cast %get3A_16 : vector<1x1000x128xf32> to vector<1000x128xf32>
    %sub3A_18 = arith.subf %get3A_17, %get3A_1 : vector<1000x128xf32>
    %max3A_19 = arith.constant 0.000000e+00 : f32
    %max3A_20 = vector.broadcast %max3A_19 : f32 to vector<1000x128xf32>
    %max3A_21 = arith.maximumf %sub3A_18, %max3A_20 : vector<1000x128xf32>
    %dot_general3A_22 = arith.constant dense<0.000000e+00> : vector<1000x128xf32>
    %dot_general3A_23 = tpu.matmul %max3A_21, %get3A_4, %dot_general3A_22 {dimension_numbers = #tpu.dot_dimension_numbers<[1], [0], [0], [1], [0, 0, 1, 1], [], []>, transpose_lhs_hint = false} : vector<1000x128xf32>, vector<128x128xf32>, vector<1000x128xf32> -> vector<1000x128xf32>
    %max3A_24 = arith.maximumf %dot_general3A_12, %dot_general3A_23 : vector<1000x128xf32>
    %get3A_25 = arith.constant 2 : index
    %get3A_26 = arith.constant 0 : index
    %get3A_27 = arith.constant 0 : index
    %get3A_28 = vector.load %arg1[%get3A_25, %get3A_26, %get3A_27] : memref<16x1000x128xf32, #tpu.memory_space<vmem>>, vector<1x1000x128xf32>
    %get3A_29 = vector.shape_cast %get3A_28 : vector<1x1000x128xf32> to vector<1000x128xf32>
    %sub3A_30 = arith.subf %get3A_29, %get3A_1 : vector<1000x128xf32>
    %max3A_31 = arith.constant 0.000000e+00 : f32
    %max3A_32 = vector.broadcast %max3A_31 : f32 to vector<1000x128xf32>
    %max3A_33 = arith.maximumf %sub3A_30, %max3A_32 : vector<1000x128xf32>
    %dot_general3A_34 = arith.constant dense<0.000000e+00> : vector<1000x128xf32>
    %dot_general3A_35 = tpu.matmul %max3A_33, %get3A_4, %dot_general3A_34 {dimension_numbers = #tpu.dot_dimension_numbers<[1], [0], [0], [1], [0, 0, 1, 1], [], []>, transpose_lhs_hint = false} : vector<1000x128xf32>, vector<128x128xf32>, vector<1000x128xf32> -> vector<1000x128xf32>
    %max3A_36 = arith.maximumf %max3A_24, %dot_general3A_35 : vector<1000x128xf32>
    %get3A_37 = arith.constant 3 : index
    %get3A_38 = arith.constant 0 : index
    %get3A_39 = arith.constant 0 : index
    %get3A_40 = vector.load %arg1[%get3A_37, %get3A_38, %get3A_39] : memref<16x1000x128xf32, #tpu.memory_space<vmem>>, vector<1x1000x128xf32>
    %get3A_41 = vector.shape_cast %get3A_40 : vector<1x1000x128xf32> to vector<1000x128xf32>
    %sub3A_42 = arith.subf %get3A_41, %get3A_1 : vector<1000x128xf32>
    %max3A_43 = arith.constant 0.000000e+00 : f32
    %max3A_44 = vector.broadcast %max3A_43 : f32 to vector<1000x128xf32>
    %max3A_45 = arith.maximumf %sub3A_42, %max3A_44 : vector<1000x128xf32>
    %dot_general3A_46 = arith.constant dense<0.000000e+00> : vector<1000x128xf32>
    %dot_general3A_47 = tpu.matmul %max3A_45, %get3A_4, %dot_general3A_46 {dimension_numbers = #tpu.dot_dimension_numbers<[1], [0], [0], [1], [0, 0, 1, 1], [], []>, transpose_lhs_hint = false} : vector<1000x128xf32>, vector<128x128xf32>, vector<1000x128xf32> -> vector<1000x128xf32>
    %max3A_48 = arith.maximumf %max3A_36, %dot_general3A_47 : vector<1000x128xf32>
    %get3A_49 = arith.constant 4 : index
    %get3A_50 = arith.constant 0 : index
    %get3A_51 = arith.constant 0 : index
    %get3A_52 = vector.load %arg1[%get3A_49, %get3A_50, %get3A_51] : memref<16x1000x128xf32, #tpu.memory_space<vmem>>, vector<1x1000x128xf32>
    %get3A_53 = vector.shape_cast %get3A_52 : vector<1x1000x128xf32> to vector<1000x128xf32>
    %sub3A_54 = arith.subf %get3A_53, %get3A_1 : vector<1000x128xf32>
    %max3A_55 = arith.constant 0.000000e+00 : f32
    %max3A_56 = vector.broadcast %max3A_55 : f32 to vector<1000x128xf32>
    %max3A_57 = arith.maximumf %sub3A_54, %max3A_56 : vector<1000x128xf32>
    %dot_general3A_58 = arith.constant dense<0.000000e+00> : vector<1000x128xf32>
    %dot_general3A_59 = tpu.matmul %max3A_57, %get3A_4, %dot_general3A_58 {dimension_numbers = #tpu.dot_dimension_numbers<[1], [0], [0], [1], [0, 0, 1, 1], [], []>, transpose_lhs_hint = false} : vector<1000x128xf32>, vector<128x128xf32>, vector<1000x128xf32> -> vector<1000x128xf32>
    %max3A_60 = arith.maximumf %max3A_48, %dot_general3A_59 : vector<1000x128xf32>
    %get3A_61 = arith.constant 5 : index
    %get3A_62 = arith.constant 0 : index
    %get3A_63 = arith.constant 0 : index
    %get3A_64 = vector.load %arg1[%get3A_61, %get3A_62, %get3A_63] : memref<16x1000x128xf32, #tpu.memory_space<vmem>>, vector<1x1000x128xf32>
    %get3A_65 = vector.shape_cast %get3A_64 : vector<1x1000x128xf32> to vector<1000x128xf32>
    %sub3A_66 = arith.subf %get3A_65, %get3A_1 : vector<1000x128xf32>
    %max3A_67 = arith.constant 0.000000e+00 : f32
    %max3A_68 = vector.broadcast %max3A_67 : f32 to vector<1000x128xf32>
    %max3A_69 = arith.maximumf %sub3A_66, %max3A_68 : vector<1000x128xf32>
    %dot_general3A_70 = arith.constant dense<0.000000e+00> : vector<1000x128xf32>
    %dot_general3A_71 = tpu.matmul %max3A_69, %get3A_4, %dot_general3A_70 {dimension_numbers = #tpu.dot_dimension_numbers<[1], [0], [0], [1], [0, 0, 1, 1], [], []>, transpose_lhs_hint = false} : vector<1000x128xf32>, vector<128x128xf32>, vector<1000x128xf32> -> vector<1000x128xf32>
    %max3A_72 = arith.maximumf %max3A_60, %dot_general3A_71 : vector<1000x128xf32>
    %get3A_73 = arith.constant 6 : index
    %get3A_74 = arith.constant 0 : index
    %get3A_75 = arith.constant 0 : index
    %get3A_76 = vector.load %arg1[%get3A_73, %get3A_74, %get3A_75] : memref<16x1000x128xf32, #tpu.memory_space<vmem>>, vector<1x1000x128xf32>
    %get3A_77 = vector.shape_cast %get3A_76 : vector<1x1000x128xf32> to vector<1000x128xf32>
    %sub3A_78 = arith.subf %get3A_77, %get3A_1 : vector<1000x128xf32>
    %max3A_79 = arith.constant 0.000000e+00 : f32
    %max3A_80 = vector.broadcast %max3A_79 : f32 to vector<1000x128xf32>
    %max3A_81 = arith.maximumf %sub3A_78, %max3A_80 : vector<1000x128xf32>
    %dot_general3A_82 = arith.constant dense<0.000000e+00> : vector<1000x128xf32>
    %dot_general3A_83 = tpu.matmul %max3A_81, %get3A_4, %dot_general3A_82 {dimension_numbers = #tpu.dot_dimension_numbers<[1], [0], [0], [1], [0, 0, 1, 1], [], []>, transpose_lhs_hint = false} : vector<1000x128xf32>, vector<128x128xf32>, vector<1000x128xf32> -> vector<1000x128xf32>
    %max3A_84 = arith.maximumf %max3A_72, %dot_general3A_83 : vector<1000x128xf32>
    %get3A_85 = arith.constant 7 : index
    %get3A_86 = arith.constant 0 : index
    %get3A_87 = arith.constant 0 : index
    %get3A_88 = vector.load %arg1[%get3A_85, %get3A_86, %get3A_87] : memref<16x1000x128xf32, #tpu.memory_space<vmem>>, vector<1x1000x128xf32>
    %get3A_89 = vector.shape_cast %get3A_88 : vector<1x1000x128xf32> to vector<1000x128xf32>
    %sub3A_90 = arith.subf %get3A_89, %get3A_1 : vector<1000x128xf32>
    %max3A_91 = arith.constant 0.000000e+00 : f32
    %max3A_92 = vector.broadcast %max3A_91 : f32 to vector<1000x128xf32>
    %max3A_93 = arith.maximumf %sub3A_90, %max3A_92 : vector<1000x128xf32>
    %dot_general3A_94 = arith.constant dense<0.000000e+00> : vector<1000x128xf32>
    %dot_general3A_95 = tpu.matmul %max3A_93, %get3A_4, %dot_general3A_94 {dimension_numbers = #tpu.dot_dimension_numbers<[1], [0], [0], [1], [0, 0, 1, 1], [], []>, transpose_lhs_hint = false} : vector<1000x128xf32>, vector<128x128xf32>, vector<1000x128xf32> -> vector<1000x128xf32>
    %max3A_96 = arith.maximumf %max3A_84, %dot_general3A_95 : vector<1000x128xf32>
    %get3A_97 = arith.constant 8 : index
    %get3A_98 = arith.constant 0 : index
    %get3A_99 = arith.constant 0 : index
    %get3A_100 = vector.load %arg1[%get3A_97, %get3A_98, %get3A_99] : memref<16x1000x128xf32, #tpu.memory_space<vmem>>, vector<1x1000x128xf32>
    %get3A_101 = vector.shape_cast %get3A_100 : vector<1x1000x128xf32> to vector<1000x128xf32>
    %sub3A_102 = arith.subf %get3A_101, %get3A_1 : vector<1000x128xf32>
    %max3A_103 = arith.constant 0.000000e+00 : f32
    %max3A_104 = vector.broadcast %max3A_103 : f32 to vector<1000x128xf32>
    %max3A_105 = arith.maximumf %sub3A_102, %max3A_104 : vector<1000x128xf32>
    %dot_general3A_106 = arith.constant dense<0.000000e+00> : vector<1000x128xf32>
    %dot_general3A_107 = tpu.matmul %max3A_105, %get3A_4, %dot_general3A_106 {dimension_numbers = #tpu.dot_dimension_numbers<[1], [0], [0], [1], [0, 0, 1, 1], [], []>, transpose_lhs_hint = false} : vector<1000x128xf32>, vector<128x128xf32>, vector<1000x128xf32> -> vector<1000x128xf32>
    %max3A_108 = arith.maximumf %max3A_96, %dot_general3A_107 : vector<1000x128xf32>
    %get3A_109 = arith.constant 9 : index
    %get3A_110 = arith.constant 0 : index
    %get3A_111 = arith.constant 0 : index
    %get3A_112 = vector.load %arg1[%get3A_109, %get3A_110, %get3A_111] : memref<16x1000x128xf32, #tpu.memory_space<vmem>>, vector<1x1000x128xf32>
    %get3A_113 = vector.shape_cast %get3A_112 : vector<1x1000x128xf32> to vector<1000x128xf32>
    %sub3A_114 = arith.subf %get3A_113, %get3A_1 : vector<1000x128xf32>
    %max3A_115 = arith.constant 0.000000e+00 : f32
    %max3A_116 = vector.broadcast %max3A_115 : f32 to vector<1000x128xf32>
    %max3A_117 = arith.maximumf %sub3A_114, %max3A_116 : vector<1000x128xf32>
    %dot_general3A_118 = arith.constant dense<0.000000e+00> : vector<1000x128xf32>
    %dot_general3A_119 = tpu.matmul %max3A_117, %get3A_4, %dot_general3A_118 {dimension_numbers = #tpu.dot_dimension_numbers<[1], [0], [0], [1], [0, 0, 1, 1], [], []>, transpose_lhs_hint = false} : vector<1000x128xf32>, vector<128x128xf32>, vector<1000x128xf32> -> vector<1000x128xf32>
    %max3A_120 = arith.maximumf %max3A_108, %dot_general3A_119 : vector<1000x128xf32>
    %get3A_121 = arith.constant 10 : index
    %get3A_122 = arith.constant 0 : index
    %get3A_123 = arith.constant 0 : index
    %get3A_124 = vector.load %arg1[%get3A_121, %get3A_122, %get3A_123] : memref<16x1000x128xf32, #tpu.memory_space<vmem>>, vector<1x1000x128xf32>
    %get3A_125 = vector.shape_cast %get3A_124 : vector<1x1000x128xf32> to vector<1000x128xf32>
    %sub3A_126 = arith.subf %get3A_125, %get3A_1 : vector<1000x128xf32>
    %max3A_127 = arith.constant 0.000000e+00 : f32
    %max3A_128 = vector.broadcast %max3A_127 : f32 to vector<1000x128xf32>
    %max3A_129 = arith.maximumf %sub3A_126, %max3A_128 : vector<1000x128xf32>
    %dot_general3A_130 = arith.constant dense<0.000000e+00> : vector<1000x128xf32>
    %dot_general3A_131 = tpu.matmul %max3A_129, %get3A_4, %dot_general3A_130 {dimension_numbers = #tpu.dot_dimension_numbers<[1], [0], [0], [1], [0, 0, 1, 1], [], []>, transpose_lhs_hint = false} : vector<1000x128xf32>, vector<128x128xf32>, vector<1000x128xf32> -> vector<1000x128xf32>
    %max3A_132 = arith.maximumf %max3A_120, %dot_general3A_131 : vector<1000x128xf32>
    %get3A_133 = arith.constant 11 : index
    %get3A_134 = arith.constant 0 : index
    %get3A_135 = arith.constant 0 : index
    %get3A_136 = vector.load %arg1[%get3A_133, %get3A_134, %get3A_135] : memref<16x1000x128xf32, #tpu.memory_space<vmem>>, vector<1x1000x128xf32>
    %get3A_137 = vector.shape_cast %get3A_136 : vector<1x1000x128xf32> to vector<1000x128xf32>
    %sub3A_138 = arith.subf %get3A_137, %get3A_1 : vector<1000x128xf32>
    %max3A_139 = arith.constant 0.000000e+00 : f32
    %max3A_140 = vector.broadcast %max3A_139 : f32 to vector<1000x128xf32>
    %max3A_141 = arith.maximumf %sub3A_138, %max3A_140 : vector<1000x128xf32>
    %dot_general3A_142 = arith.constant dense<0.000000e+00> : vector<1000x128xf32>
    %dot_general3A_143 = tpu.matmul %max3A_141, %get3A_4, %dot_general3A_142 {dimension_numbers = #tpu.dot_dimension_numbers<[1], [0], [0], [1], [0, 0, 1, 1], [], []>, transpose_lhs_hint = false} : vector<1000x128xf32>, vector<128x128xf32>, vector<1000x128xf32> -> vector<1000x128xf32>
    %max3A_144 = arith.maximumf %max3A_132, %dot_general3A_143 : vector<1000x128xf32>
    %get3A_145 = arith.constant 12 : index
    %get3A_146 = arith.constant 0 : index
    %get3A_147 = arith.constant 0 : index
    %get3A_148 = vector.load %arg1[%get3A_145, %get3A_146, %get3A_147] : memref<16x1000x128xf32, #tpu.memory_space<vmem>>, vector<1x1000x128xf32>
    %get3A_149 = vector.shape_cast %get3A_148 : vector<1x1000x128xf32> to vector<1000x128xf32>
    %sub3A_150 = arith.subf %get3A_149, %get3A_1 : vector<1000x128xf32>
    %max3A_151 = arith.constant 0.000000e+00 : f32
    %max3A_152 = vector.broadcast %max3A_151 : f32 to vector<1000x128xf32>
    %max3A_153 = arith.maximumf %sub3A_150, %max3A_152 : vector<1000x128xf32>
    %dot_general3A_154 = arith.constant dense<0.000000e+00> : vector<1000x128xf32>
    %dot_general3A_155 = tpu.matmul %max3A_153, %get3A_4, %dot_general3A_154 {dimension_numbers = #tpu.dot_dimension_numbers<[1], [0], [0], [1], [0, 0, 1, 1], [], []>, transpose_lhs_hint = false} : vector<1000x128xf32>, vector<128x128xf32>, vector<1000x128xf32> -> vector<1000x128xf32>
    %max3A_156 = arith.maximumf %max3A_144, %dot_general3A_155 : vector<1000x128xf32>
    %get3A_157 = arith.constant 13 : index
    %get3A_158 = arith.constant 0 : index
    %get3A_159 = arith.constant 0 : index
    %get3A_160 = vector.load %arg1[%get3A_157, %get3A_158, %get3A_159] : memref<16x1000x128xf32, #tpu.memory_space<vmem>>, vector<1x1000x128xf32>
    %get3A_161 = vector.shape_cast %get3A_160 : vector<1x1000x128xf32> to vector<1000x128xf32>
    %sub3A_162 = arith.subf %get3A_161, %get3A_1 : vector<1000x128xf32>
    %max3A_163 = arith.constant 0.000000e+00 : f32
    %max3A_164 = vector.broadcast %max3A_163 : f32 to vector<1000x128xf32>
    %max3A_165 = arith.maximumf %sub3A_162, %max3A_164 : vector<1000x128xf32>
    %dot_general3A_166 = arith.constant dense<0.000000e+00> : vector<1000x128xf32>
    %dot_general3A_167 = tpu.matmul %max3A_165, %get3A_4, %dot_general3A_166 {dimension_numbers = #tpu.dot_dimension_numbers<[1], [0], [0], [1], [0, 0, 1, 1], [], []>, transpose_lhs_hint = false} : vector<1000x128xf32>, vector<128x128xf32>, vector<1000x128xf32> -> vector<1000x128xf32>
    %max3A_168 = arith.maximumf %max3A_156, %dot_general3A_167 : vector<1000x128xf32>
    %get3A_169 = arith.constant 14 : index
    %get3A_170 = arith.constant 0 : index
    %get3A_171 = arith.constant 0 : index
    %get3A_172 = vector.load %arg1[%get3A_169, %get3A_170, %get3A_171] : memref<16x1000x128xf32, #tpu.memory_space<vmem>>, vector<1x1000x128xf32>
    %get3A_173 = vector.shape_cast %get3A_172 : vector<1x1000x128xf32> to vector<1000x128xf32>
    %sub3A_174 = arith.subf %get3A_173, %get3A_1 : vector<1000x128xf32>
    %max3A_175 = arith.constant 0.000000e+00 : f32
    %max3A_176 = vector.broadcast %max3A_175 : f32 to vector<1000x128xf32>
    %max3A_177 = arith.maximumf %sub3A_174, %max3A_176 : vector<1000x128xf32>
    %dot_general3A_178 = arith.constant dense<0.000000e+00> : vector<1000x128xf32>
    %dot_general3A_179 = tpu.matmul %max3A_177, %get3A_4, %dot_general3A_178 {dimension_numbers = #tpu.dot_dimension_numbers<[1], [0], [0], [1], [0, 0, 1, 1], [], []>, transpose_lhs_hint = false} : vector<1000x128xf32>, vector<128x128xf32>, vector<1000x128xf32> -> vector<1000x128xf32>
    %max3A_180 = arith.maximumf %max3A_168, %dot_general3A_179 : vector<1000x128xf32>
    %get3A_181 = arith.constant 15 : index
    %get3A_182 = arith.constant 0 : index
    %get3A_183 = arith.constant 0 : index
    %get3A_184 = vector.load %arg1[%get3A_181, %get3A_182, %get3A_183] : memref<16x1000x128xf32, #tpu.memory_space<vmem>>, vector<1x1000x128xf32>
    %get3A_185 = vector.shape_cast %get3A_184 : vector<1x1000x128xf32> to vector<1000x128xf32>
    %sub3A_186 = arith.subf %get3A_185, %get3A_1 : vector<1000x128xf32>
    %max3A_187 = arith.constant 0.000000e+00 : f32
    %max3A_188 = vector.broadcast %max3A_187 : f32 to vector<1000x128xf32>
    %max3A_189 = arith.maximumf %sub3A_186, %max3A_188 : vector<1000x128xf32>
    %dot_general3A_190 = arith.constant dense<0.000000e+00> : vector<1000x128xf32>
    %dot_general3A_191 = tpu.matmul %max3A_189, %get3A_4, %dot_general3A_190 {dimension_numbers = #tpu.dot_dimension_numbers<[1], [0], [0], [1], [0, 0, 1, 1], [], []>, transpose_lhs_hint = false} : vector<1000x128xf32>, vector<128x128xf32>, vector<1000x128xf32> -> vector<1000x128xf32>
    %max3A_192 = arith.maximumf %max3A_180, %dot_general3A_191 : vector<1000x128xf32>
    %get3A_193 = arith.constant 0 : index
    %get3A_194 = arith.constant 0 : index
    %get3A_195 = vector.load %arg4[%get3A_193, %get3A_194] : memref<1x128xf32, #tpu.memory_space<vmem>>, vector<1x128xf32>
    %add3A = vector.broadcast %get3A_195 : vector<1x128xf32> to vector<1000x128xf32>
    %add3A_196 = arith.addf %max3A_192, %add3A : vector<1000x128xf32>
    %max3A_197 = arith.constant 0.000000e+00 : f32
    %max3A_198 = vector.broadcast %max3A_197 : f32 to vector<1000x128xf32>
    %max3A_199 = arith.maximumf %add3A_196, %max3A_198 : vector<1000x128xf32>
    %swap3A = arith.constant 0 : index
    %swap3A_200 = arith.constant 0 : index
    %swap3A_201 = vector.load %arg5[%swap3A, %swap3A_200] : memref<1000x128xf32, #tpu.memory_space<vmem>>, vector<1000x128xf32>
    tpu.vector_store %arg5[%swap3A, %swap3A_200], %max3A_199 {strides = array<i32>} : memref<1000x128xf32, #tpu.memory_space<vmem>>, vector<1000x128xf32>,
    return
  }
  func.func @transform_0(%arg0: i32) -> (i32, i32, i32) {
    %c0_i32 = arith.constant 0 : i32
    %c0_i32_0 = arith.constant 0 : i32
    %c0_i32_1 = arith.constant 0 : i32
    return %c0_i32, %arg0, %c0_i32_0 : i32, i32, i32
  }
  func.func @transform_1(%arg0: i32) -> (i32, i32) {
    %c0_i32 = arith.constant 0 : i32
    %c0_i32_0 = arith.constant 0 : i32
    return %arg0, %c0_i32 : i32, i32
  }
  func.func @transform_2(%arg0: i32) -> (i32, i32) {
    %c0_i32 = arith.constant 0 : i32
    %c0_i32_0 = arith.constant 0 : i32
    %c0_i32_1 = arith.constant 0 : i32
    return %c0_i32, %c0_i32_0 : i32, i32
  }
  func.func @transform_3(%arg0: i32) -> (i32, i32) {
    %c0_i32 = arith.constant 0 : i32
    %c0_i32_0 = arith.constant 0 : i32
    %c0_i32_1 = arith.constant 0 : i32
    return %c0_i32, %c0_i32_0 : i32, i32
  }
  func.func @transform_4(%arg0: i32) -> (i32, i32) {
    %c0_i32 = arith.constant 0 : i32
    %c0_i32_0 = arith.constant 0 : i32
    return %arg0, %c0_i32 : i32, i32
  }
}

</mosaic_0001>

<sc_bundles>
// kernel: kernel.12.cloned.1.call-start
scs
__scs_entry_jumppad:
0x0: {  	(pc) =	sbr.rel $0x88, $3  }
0x1: {  	(tag) =	ssettag $0x0;
	lr =	simm.s32 $0x1  }
0x2: {  	[smem:$0x3F94] =	sst lr;
	_ =	strace $0xD0000000  }
0x3: {  	_ = 	snop  }
0x4: {  	_ = 	snop  }
0x5: {  	_ = 	snop  }
0x6: {  	_ = 	snop  }
0x7: {  	_ = 	snop  }
__scs_overlays_trampoline_lowered:
0x8: {  	[smem:$0x3FA3] =	sst s0  }
0x9: {  	[smem:$0x3FA4] =	sst s1  }
0xa: {  	[smem:$0x3FA5] =	sst s2  }
0xb: {  	[smem:$0x3FA6] =	sst s3  }
0xc: {  	[smem:$0x3FA7] =	sst s4  }
0xd: {  	[smem:$0x3FA8] =	sst s5  }
0xe: {  	[smem:$0x3FA9] =	sst s6  }
0xf: {  	[smem:$0x3FAA] =	sst s7  }
0x10: {  	[smem:$0x3FAB] =	sst s8  }
0x11: {  	[smem:$0x3FAC] =	sst s9;
	s0 =	simm.s32 @!p0 $0x0  }
0x12: {  	s1 =	sld [smem:$0x3F92];
	s0 =	simm.s32 @p0 $0x1  }
0x13: {  	[smem:$0x3FAD] =	sst s0;
	s0 =	simm.s32 @!p1 $0x0  }
0x14: {  	s2 =	sld [smem:$0x3F91];
	s0 =	simm.s32 @p1 $0x1  }
0x15: {  	[smem:$0x3FAE] =	sst s0;
	s0 =	simm.s32 @!p2 $0x0  }
0x16: {  	s3 =	sld [smem:$0x3FDB];
	s0 =	simm.s32 @p2 $0x1  }
0x17: {  	s4 =	simm.s32 $0x1BF5;
	[smem:$0x3FB0] =	sst s0  }
0x18: {  	s0 =	sld [smem:$0x3F93];
	_ =	swait.ge [sflag:s4], $0x0  }
0x19: {  	s7 =	sld [smem:$0x3F94]  }
0x1a: {  	s8 =	sadd.s32 $0xFFFFE003, lr  }
0x1b: {  	s9 =	sadd.s32 $0xFFFFFEF7, lr;
	s5 =	simm.s32 $0xFFFFFFFF;
	p2 =	slt.u32 s8, $0xFFFFF086  }
0x1c: {  	p1 =	slt.u32 s9, $0xF7A;
	s5 =	simm.s32 @!p2 $0x0  }
0x1d: {  	s5 =	simm.s32 @p1 $0x1;
	p0 =	seq.s32 s7, s2  }
0x1e: {  	s7 =	smul.u32 @!p0 $0xF7A, s2;
	p2 =	seq.s32 @!p0 s5, $0x0  }
0x1f: {  	s9 =	smul.u32 $0xF7A, s1;
	s8 =	simm.s32 @!p0 $0x1BF5;
	p2 =	por !p2, p0  }
0x20: {  	[sflag:s8] =	ssyncset.s32 @!p0 $0xFFFFF086;
	s6 =	sadd.s32 @!p0 s3, s7;
	s7 =	simm.s32 @!p0 $0x108  }
0x21: {  	s3 =	sadd.s32 s3, s9;
	s6 =	sadd.s32 @!p0 $0x88, s6;
	s7 =	simm.s32 @p2 $0x1082  }
0x22: {  	[simem:s7], [sflag:s8] =	dma.local @!p0 [hbm:s6], $0xF7A  }
0x23: {  	s9 =	sor.u32 $0xD0000000, s2;
	s6 =	simm.s32 $0x108;
	_ =	swait.ge @!p0 [sflag:s8], $0x0  }
0x24: {  	s3 =	sadd.s32 $0x88, s3;
	s6 =	simm.s32 @!p1 $0x1082;
	[sflag:s4] =	ssyncset.s32 $0xFFFFF086  }
0x25: {  	[simem:s6], [sflag:s4] =	dma.local [hbm:s3], $0xF7A  }
0x26: {  	[smem:$0x3F94] =	sst s1;
	(tag) =	ssettag s2;
	_ =	strace s9  }
0x27: {  	s1 =	sld [smem:$0x3FA4]  }
0x28: {  	s2 =	sld [smem:$0x3FA5]  }
0x29: {  	s4 =	sld [smem:$0x3FA7]  }
0x2a: {  	p0 =	seq.s32 s5, $0x0;
	s5 =	sld [smem:$0x3FA8]  }
0x2b: {  	s6 =	sld [smem:$0x3FA9]  }
0x2c: {  	s7 =	sld [smem:$0x3FAA]  }
0x2d: {  	s3 =	simm.s32 $0x108;
	s8 =	sld [smem:$0x3FAB]  }
0x2e: {  	s3 =	simm.s32 @!p0 $0x1082;
	s9 =	sld [smem:$0x3FAC]  }
0x2f: {  	lr =	sadd.s32 s0, s3;
	s0 =	sld [smem:$0x3FA3]  }
0x30: {  	s3 =	sld [smem:$0x3FA6]  }
0x31: {  	[smem:$0x3FAF] =	sst s10  }
0x32: {  	s10 =	sld [smem:$0x3FAD];
	_ =	sdelay $0x3  }
0x33: {  	p0 =	seq.s32 s10, $0x1;
	s10 =	sld [smem:$0x3FAF];
	_ =	sdelay $0x3  }
0x34: {  	[smem:$0x3FAF] =	sst s10  }
0x35: {  	s10 =	sld [smem:$0x3FAE];
	_ =	sdelay $0x3  }
0x36: {  	p1 =	seq.s32 s10, $0x1;
	s10 =	sld [smem:$0x3FAF];
	_ =	sdelay $0x3  }
0x37: {  	[smem:$0x3FAF] =	sst s10  }
0x38: {  	s10 =	sld [smem:$0x3FB0]  }
0x39: {  	_ = 	snop;
	(pc) =	sbr.ind lr, $3  }
0x3a: {  	_ = 	snop  }
0x3b: {  	_ = 	snop  }
0x3c: {  	p2 =	seq.s32 s10, $0x1;
	s10 =	sld [smem:$0x3FAF]  }
0x3d: {  	_ =	shalt  }
0x3e: {  	_ =	shalt  }
0x3f: {  	_ =	shalt  }
0x40: {  	_ =	shalt  }
0x41: {  	_ =	shalt  }
0x42: {  	_ =	shalt  }
0x43: {  	_ =	shalt  }
0x44: {  	_ =	shalt  }
0x45: {  	_ =	shalt  }
0x46: {  	_ =	shalt  }
0x47: {  	_ =	shalt  }
0x48: {  	_ =	shalt  }
0x49: {  	_ =	shalt  }
0x4a: {  	_ =	shalt  }
0x4b: {  	_ =	shalt  }
0x4c: {  	_ =	shalt  }
0x4d: {  	_ =	shalt  }
0x4e: {  	_ =	shalt  }
0x4f: {  	_ =	shalt  }
0x50: {  	_ =	shalt  }
0x51: {  	_ =	shalt  }
0x52: {  	_ =	shalt  }
0x53: {  	_ =	shalt  }
0x54: {  	_ =	shalt  }
0x55: {  	_ =	shalt  }
0x56: {  	_ =	shalt  }
0x57: {  	_ =	shalt  }
0x58: {  	_ =	shalt  }
0x59: {  	_ =	shalt  }
0x5a: {  	_ =	shalt  }
0x5b: {  	_ =	shalt  }
0x5c: {  	_ =	shalt  }
0x5d: {  	_ =	shalt  }
0x5e: {  	_ =	shalt  }
0x5f: {  	_ =	shalt  }
0x60: {  	_ =	shalt  }
0x61: {  	_ =	shalt  }
0x62: {  	_ =	shalt  }
0x63: {  	_ =	shalt  }
0x64: {  	_ =	shalt  }
0x65: {  	_ =	shalt  }
0x66: {  	_ =	shalt  }
0x67: {  	_ =	shalt  }
0x68: {  	_ =	shalt  }
0x69: {  	_ =	shalt  }
0x6a: {  	_ =	shalt  }
0x6b: {  	_ =	shalt  }
0x6c: {  	_ =	shalt  }
0x6d: {  	_ =	shalt  }
0x6e: {  	_ =	shalt  }
0x6f: {  	_ =	shalt  }
0x70: {  	_ =	shalt  }
0x71: {  	_ =	shalt  }
0x72: {  	_ =	shalt  }
0x73: {  	_ =	shalt  }
0x74: {  	_ =	shalt  }
0x75: {  	_ =	shalt  }
0x76: {  	_ =	shalt  }
0x77: {  	_ =	shalt  }
0x78: {  	_ =	shalt  }
0x79: {  	_ =	shalt  }
0x7a: {  	_ =	shalt  }
0x7b: {  	_ =	shalt  }
0x7c: {  	_ =	shalt  }
0x7d: {  	_ =	shalt  }
0x7e: {  	_ =	shalt  }
0x7f: {  	_ =	shalt  }
0x80: {  	_ =	shalt  }
0x81: {  	_ =	shalt  }
0x82: {  	_ =	shalt  }
0x83: {  	_ =	shalt  }
0x84: {  	_ =	shalt  }
0x85: {  	_ =	shalt  }
0x86: {  	_ =	shalt  }
0x87: {  	_ =	shalt  }
.Lfunc_end0:
.L_simem_size_0:
called_computation_lowered:
.L_overlay_start_0:
0x88: {  	s2 =	sld [smem:$0x3FD9]  }
0x89: {  	s3 =	sld [smem:$0x3FFE];
	_ =	sdelay $0x1  }
0x8a: {  	s1 =	srdreg.scid  }
0x8b: {  	s0 =	sand.u32 $0x1, s1  }
0x8c: {  	s16 =	sshll.u32 s0, $0xA;
	s2 =	sadd.s32 s3, s2  }
0x8d: {  	s2 =	sadd.s32 s2, s16  }
0x8e: {  	[smem:$0x3FBB] =	sst s2  }
0x8f: {  	_ = 	snop  }
0x90: {  	(tm) =	ssettm $0x1  }
0x91: {  	s17 =	sld [smem:$0x3FFB];
	_ =	sdelay $0x3  }
0x92: {  	_ =	strace s17  }
0x93: {  	s2 =	sld [smem:$0x3FFC];
	_ =	sdelay $0x3  }
0x94: {  	_ =	strace s2  }
0x95: {  	s2 =	sld [smem:$0x3FFD];
	_ =	sdelay $0x3  }
0x96: {  	_ =	strace s2  }
0x97: {  	_ =	strace $0x8FFFFFFF  }
0x98: {  	s18 =	sld [smem:$0x3FDB];
	_ =	sdelay $0x1  }
0x99: {  	s19 =	simm.s32 $_scs_section_size  }
0x9a: {  	s4 =	simm.s32 $_size__tile_overlayer_lowered;
	s5 =	simm.s32 $_tile_overlayer_lowered  }
0x9b: {  	s22 =	simm.s32 $0x1BFF;
	s21 =	sshll.u32 s5, $0x1;
	s2 =	sadd.s32 s19, s18  }
0x9c: {  	s6 =	simm.s32 $0x0;
	s20 =	sshll.u32 s4, $0x1;
	s4 =	sadd.s32 s21, s2  }
0x9d: {  	[timem:s6], [sflag:s22] =	dma.local [hbm:s4], s20  }
0x9e: {  	_ =	swait.ge [sflag:s22], s20  }
0x9f: {  	s3 =	ssub.s32 $0x0, s20;
	[sflag:s22] =	ssyncset.done $0x0  }
0xa0: {  	[sflag:s22] =	ssyncadd.s32 s3;
	_ =	sdelay $0x1  }
0xa1: {  	s23 =	simm.s32 $0x1B8B  }
0xa2: {  	_ =	swait.ge [sflag:s23], $0x1  }
0xa3: {  	[sflag:s23] =	ssyncset.done $0x0  }
0xa4: {  	s25 =	simm.s32 $0x1B8E;
	s24 =	sld [smem:$0x3FFE];
	[sflag:s23] =	ssyncadd.s32 $0xFFFFFFFF  }
0xa5: {  	s26 =	simm.s32 $execute0_lowered;
	[smem:$0x3FD2] =	sst s25  }
0xa6: {  	s4 =	sshll.u32 s26, $0x1;
	_ =	strace $0x80000046;
	[dreg:$0x1] =	wrdreg $0xFFFFFFFF  }
0xa7: {  	s28 =	simm.s32 $_size_execute0_lowered;
	s2 =	sadd.s32 s2, s4;
	[dreg:$0x0] =	wrdreg $0x0  }
0xa8: {  	s4 =	sshll.u32 s28, $0x1;
	[dreg:$0x2] =	wrdreg s2  }
0xa9: {  	[dreg:$0x3] =	wrdreg s4  }
0xaa: {  	[dreg:$0x4] =	wrdreg $0xC0  }
0xab: {  	_ =	task [dreg:s6], $0x5FFFF  }
0xac: {  	[dreg:$0x1] =	wrdreg $0xFFFFFFFF  }
0xad: {  	[dreg:$0x0] =	wrdreg $0x60  }
0xae: {  	[dreg:$0x2] =	wrdreg s24  }
0xaf: {  	[dreg:$0x3] =	wrdreg $0x9  }
0xb0: {  	_ =	task.clear_ibuf [dreg:s6], $0x4FFFF;
	_ =	strace $0x90000046  }
0xb1: {  	s29 =	simm.s32 $0x9;
	_ =	strace $0x80000048  }
0xb2: {  	_ =	swait.ge [sflag:s29], $0x1  }
0xb3: {  	[sflag:s29] =	ssyncadd.s32 $0xFFFFFFFF  }
0xb4: {  	_ =	strace $0x90000048  }
0xb5: {  	_ =	sfence  }
0xb6: {  	s30 =	sld [smem:$0x0];
	_ =	sdelay $0x2  }
0xb7: {  	s31 =	sshll.u32 s1, $0xD;
	s1 =	sshrl.u32 s1, $0x2  }
0xb8: {  	s3 =	sand.u32 $0x4000, s31;
	s1 =	sadd.s32 s1, s30  }
0xb9: {  	s0 =	sor.u32 s3, s0;
	s1 =	sshll.u32 s1, $0x11  }
0xba: {  	s0 =	sor.u32 s1, s0  }
0xbb: {  	s0 =	sadd.s32 $0x8F2B, s0  }
0xbc: {  	[sflag:s0] =	ssyncadd.remote.s32 $0x1  }
0xbd: {  	_ =	sfence.sel $0xFFFF  }
0xbe: {  	[dreg:$0x0] =	wrdreg $0xFFFFFFFF;
	(pc) =	sbr.abs _section_cstart, $3  }
0xbf: {  	[dreg:$0x1] =	wrdreg $0xFFFFFFFF  }
0xc0: {  	_ =	task.clear_ibuf [dreg:s6], $0x2FFFF;
	_ =	strace $0x9FFFFFFF  }
0xc1: {  	(tm) =	ssettm $0x7FFFFFFF  }
tec
execute0_lowered:
.L_overlay_start_1:
0x0: {  	(tag) =	ssettag $0x1  }
0x1: {  	s0 =	srdreg.scid  }
0x2: {  	s1 =	stileid.u32;
	s6 =	rddreg [dreg:$0x0]  }
0x3: {  	s3 =	simm.s32 $0x0;
	s12 =	simm.s32 $0x5000;
	s13 =	simm.s32 $0x5  }
0x4: {  	s14 =	simm.s32 $0x1;
	s15 =	simm.s32 $0x80;
	s16 =	simm.s32 $0x400  }
0x5: {  	s17 =	simm.s32 $0xF000;
	s18 =	simm.s32 $0xF400;
	s19 =	simm.s32 $0x2  }
0x6: {  	s20 =	simm.s32 $0xF200;
	s0 =	sand.u32 $0x1, s0;
	s1 =	sshll.u32 s1, $0x1  }
0x7: {  	s21 =	simm.s32 $0xF600;
	s22 =	simm.s32 $0x3;
	s1 =	sor.u32 s0, s1  }
0x8: {  	s23 =	simm.s32 $0x4;
	s24 =	simm.s32 $0x0;
	s2 =	smul.u32 $0x140, s1  }
0x9: {  	[smem:$0x7FF] =	sst s3;
	s4 =	sadd.s32 $0xCBA00, s6;
	s1 =	smul.u32 $0x1400, s1  }
.Ltmp0:
0xa: {  	s0 =	ssub.s32 $0x2, s0;
	s5 =	sshrl.u32 s2, $0x3;
	(pc) =	sbr.rel .LBB2_1-.Ltmp0, $4  }
0xb: {  	_ =	strace $0x80000047;
	s8 =	sshrl.u32 s0, $0x1;
	s7 =	smul.u32 $0x2800, s5  }
0xc: {  	s0 =	ssub.s32 s0, s8;
	s1 =	sadd.s32 s1, s6;
	s10 =	sor.u32 $0x2, s2  }
0xd: {  	s11 =	smax.u32 s0, $0x1;
	s5 =	sadd.s32 $0x2BA00, s6;
	s7 =	sadd.s32 s4, s7  }
0xe: {  	v0 =	vlaneseq.u32;
	s6 =	sadd.s32 $0xD4BA00, s6;
	s8 =	sadd.s32 $0x3A00, s1;
	s9 =	sadd.s32 $0x10, s7  }
.LBB2_15:
0xf: {  	_ =	swait.ge [sflag:s22], $0x200  }
0x10: {  	[sflag:s22] =	ssyncset.done $0x0  }
0x11: {  	[sflag:s22] =	ssyncadd.s32 $0xFFFFFE00  }
0x12: {  	_ =	swait.ge [sflag:s22], $0x200  }
0x13: {  	[sflag:s22] =	ssyncset.done $0x0  }
0x14: {  	s24 =	sadd.s32 $0x1, s24;
	[sflag:s22] =	ssyncadd.s32 $0xFFFFFE00  }
0x15: {  	p0 =	sne.s32 s24, s11;
	_ =	swait.ge [sflag:s23], $0x200  }
.Ltmp1:
0x16: {  	[sflag:s23] =	ssyncset.done $0x0;
	(pc) =	sbr.rel @!p0 .LBB2_16-.Ltmp1, $4  }
0x17: {  	[sflag:s23] =	ssyncadd.s32 $0xFFFFFE00  }
0x18: {  	_ =	swait.ge [sflag:s23], $0x200  }
0x19: {  	[sflag:s23] =	ssyncset.done $0x0  }
0x1a: {  	[sflag:s23] =	ssyncadd.s32 $0xFFFFFE00  }
.LBB2_1:
0x1b: {  	[tilespmem:s12], [sflag:$0x5] =	stream.linear.gather [hbm4b:s8+s3], $0xA000, $0x38;
	[tilespmem:$0xF800] =	vst v63  }
0x1c: {  	_ =	swait.ge [sflag:s13], $0xA000  }
0x1d: {  	s25 =	simm.s32 $0x80;
	s28 =	sadd.s32 $0x0, s7;
	[sflag:s13] =	ssyncset.done $0x0  }
0x1e: {  	s26 =	simm.s32 $0x100;
	s1 =	simm.s32 $0x0;
	[sflag:s13] =	ssyncadd.s32 $0xFFFF6000  }
.LBB2_2:
0x1f: {  	[tilespmem:s1], [sflag:$0x1] =	stream.linear.gather [hbm4b:s28+s3], $0x80, $0x38;
	[tilespmem:$0xF800] =	vst v63  }
0x20: {  	s0 =	smov.u32 s25;
	s1 =	smov.u32 s26;
	p0 =	sne.s32 s25, $0x2780  }
.Ltmp2:
0x21: {  	s25 =	sadd.s32 $0x80, s25;
	(pc) =	sbr.rel @p0 .LBB2_2-.Ltmp2, $2  }
0x22: {  	_ =	sdelay $0x2  }
0x23: {  	s26 =	sadd.s32 $0x100, s26;
	s28 =	sadd.s32 s0, s7  }
0x24: {  	[tilespmem:s1], [sflag:$0x1] =	stream.linear.gather [hbm4b:s28+s3], $0x80, $0x38;
	[tilespmem:$0xF800] =	vst v63  }
0x25: {  	s25 =	simm.s32 $0x0;
	s26 =	simm.s32 $0x80  }
0x26: {  	s28 =	simm.s32 $0x80;
	s1 =	sadd.s32 $0x0, s9;
	s29 =	simm.s32 $0x180  }
.LBB2_4:
0x27: {  	[tilespmem:s26], [sflag:$0x2] =	stream.linear.gather [hbm4b:s1+s25], $0x80, $0x38;
	[tilespmem:$0xF800] =	vst v63  }
0x28: {  	s0 =	smov.u32 s28;
	s26 =	smov.u32 s29;
	p0 =	sne.s32 s28, $0x2780  }
.Ltmp3:
0x29: {  	s28 =	sadd.s32 $0x80, s28;
	(pc) =	sbr.rel @p0 .LBB2_4-.Ltmp3, $2  }
0x2a: {  	_ =	sdelay $0x2  }
0x2b: {  	s29 =	sadd.s32 $0x100, s29;
	s1 =	sadd.s32 s0, s9  }
.Ltmp4:
0x2c: {  	(pc) =	sbr.rel .LBB2_6-.Ltmp4, $2  }
0x2d: {  	_ =	sdelay $0x2  }
0x2e: {  	[tilespmem:s26], [sflag:$0x2] =	stream.linear.gather [hbm4b:s1+s25], $0x80, $0x38;
	[tilespmem:$0xF800] =	vst v63  }
.LBB2_14:
0x2f: {  	s0 =	sshll.u32 s28, $0x4;
	s25 =	sadd.s32 $0x1, s25  }
0x30: {  	s0 =	sand.u32 $0x70, s0;
	p0 =	sne.s32 s25, $0xA0  }
.Ltmp5:
0x31: {  	s0 =	sor.u32 s0, s26;
	(pc) =	sbr.rel @!p0 .LBB2_15-.Ltmp5, $4  }
0x32: {  	s1 =	sadd.s32 s5, s0  }
0x33: {  	[hbm4b:s1+s15] =	stream.strided.scatter [tilespmem:s20], [sflag:$0x4], $0x200, s16, s15, $0x38;
	[tilespmem:$0xF800] =	vst v63  }
0x34: {  	s0 =	sadd.s32 s6, s0  }
0x35: {  	[hbm4b:s0+s15] =	stream.strided.scatter [tilespmem:s21], [sflag:$0x4], $0x200, s16, s15, $0x38;
	[tilespmem:$0xF800] =	vst v63  }
.LBB2_6:
0x36: {  	_ =	swait.ge [sflag:s14], $0x2800  }
0x37: {  	p0 =	seq.s32 s25, $0x0;
	[sflag:s14] =	ssyncset.done $0x0  }
0x38: {  	s0 =	simm.s32 @!p0 $0x3;
	[sflag:s14] =	ssyncadd.s32 $0xFFFFD800  }
0x39: {  	_ =	swait.ge @!p0 [sflag:s0], $0x200  }
0x3a: {  	[sflag:s0] =	ssyncset.done @!p0 $0x0  }
0x3b: {  	[sflag:s0] =	ssyncadd.s32 @!p0 $0xFFFFFE00  }
0x3c: {  	_ =	swait.ge @!p0 [sflag:s0], $0x200  }
0x3d: {  	s1 =	sshll.u32 s25, $0x8;
	[sflag:s0] =	ssyncset.done @!p0 $0x0  }
0x3e: {  	s26 =	sand.u32 $0x3FFFFF00, s1;
	[sflag:s0] =	ssyncadd.s32 @!p0 $0xFFFFFE00  }
0x3f: {  	v1 =	vld [tilespmem:s26+$0x5000];
	_ =	sdelay $0x4  }
0x40: {  	(v2sf) =	vpush v1, $0x0;
	_ =	sdelay $0x6  }
0x41: {  	(v2sf) =	vpush v1, $0x1;
	_ =	sdelay $0x6  }
0x42: {  	(v2sf) =	vpush v1, $0x2  }
0x43: {  	s1 =	spop (v2sf)  }
0x44: {  	s29 =	sshll.u32 s1, $0x4;
	s0 =	sshll.u32 s1, $0x5  }
0x45: {  	s28 =	sand.u32 $0x70, s29;
	s0 =	sand.u32 $0xFFFFFF00, s0  }
0x46: {  	s0 =	sor.u32 s28, s0  }
0x47: {  	v2 =	vld [tilespmem:s0+$0x0];
	_ =	sdelay $0x1  }
0x48: {  	(v2sf) =	vpush v1, $0x3  }
0x49: {  	s30 =	spop (v2sf)  }
0x4a: {  	s28 =	sshll.u32 s30, $0x4;
	s0 =	sshll.u32 s30, $0x5  }
0x4b: {  	s31 =	sand.u32 $0x70, s28;
	s0 =	sand.u32 $0xFFFFFF00, s0;
	[tilespmem:$0xF000] =	vst v2;
	v2 =	vor.u32 s29, v0  }
0x4c: {  	s0 =	sor.u32 s31, s0;
	[tilespmem:$0xF400] =	vst v2  }
0x4d: {  	v2 =	vld [tilespmem:s0+$0x0];
	_ =	sdelay $0x1  }
0x4e: {  	(v2sf) =	vpush v1, $0x4  }
0x4f: {  	s1 =	spop (v2sf)  }
0x50: {  	s29 =	sshll.u32 s1, $0x4;
	s0 =	sshll.u32 s1, $0x5  }
0x51: {  	s0 =	sand.u32 $0xFFFFFF00, s0;
	[tilespmem:$0xF010] =	vst v2;
	v2 =	vor.u32 s28, v0;
	s28 =	sand.u32 $0x70, s29  }
0x52: {  	[tilespmem:$0xF410] =	vst v2;
	s0 =	sor.u32 s28, s0  }
0x53: {  	v2 =	vld [tilespmem:s0+$0x0];
	_ =	sdelay $0x1  }
0x54: {  	(v2sf) =	vpush v1, $0x5  }
0x55: {  	s30 =	spop (v2sf)  }
0x56: {  	s28 =	sshll.u32 s30, $0x4;
	s0 =	sshll.u32 s30, $0x5  }
0x57: {  	s31 =	sand.u32 $0x70, s28;
	s0 =	sand.u32 $0xFFFFFF00, s0;
	[tilespmem:$0xF020] =	vst v2;
	v2 =	vor.u32 s29, v0  }
0x58: {  	s0 =	sor.u32 s31, s0;
	[tilespmem:$0xF420] =	vst v2  }
0x59: {  	v2 =	vld [tilespmem:s0+$0x0];
	_ =	sdelay $0x1  }
0x5a: {  	(v2sf) =	vpush v1, $0x6  }
0x5b: {  	s1 =	spop (v2sf)  }
0x5c: {  	s29 =	sshll.u32 s1, $0x4;
	s0 =	sshll.u32 s1, $0x5  }
0x5d: {  	s0 =	sand.u32 $0xFFFFFF00, s0;
	[tilespmem:$0xF030] =	vst v2;
	v2 =	vor.u32 s28, v0;
	s28 =	sand.u32 $0x70, s29  }
0x5e: {  	[tilespmem:$0xF430] =	vst v2;
	s0 =	sor.u32 s28, s0  }
0x5f: {  	v2 =	vld [tilespmem:s0+$0x0];
	_ =	sdelay $0x1  }
0x60: {  	(v2sf) =	vpush v1, $0x7  }
0x61: {  	s30 =	spop (v2sf)  }
0x62: {  	s28 =	sshll.u32 s30, $0x4;
	s0 =	sshll.u32 s30, $0x5  }
0x63: {  	s31 =	sand.u32 $0x70, s28;
	s0 =	sand.u32 $0xFFFFFF00, s0;
	[tilespmem:$0xF040] =	vst v2;
	v2 =	vor.u32 s29, v0  }
0x64: {  	s0 =	sor.u32 s31, s0;
	[tilespmem:$0xF440] =	vst v2  }
0x65: {  	v2 =	vld [tilespmem:s0+$0x0];
	_ =	sdelay $0x1  }
0x66: {  	(v2sf) =	vpush v1, $0x8  }
0x67: {  	s1 =	spop (v2sf)  }
0x68: {  	s29 =	sshll.u32 s1, $0x4;
	s0 =	sshll.u32 s1, $0x5  }
0x69: {  	s0 =	sand.u32 $0xFFFFFF00, s0;
	[tilespmem:$0xF050] =	vst v2;
	v2 =	vor.u32 s28, v0;
	s28 =	sand.u32 $0x70, s29  }
0x6a: {  	[tilespmem:$0xF450] =	vst v2;
	s0 =	sor.u32 s28, s0  }
0x6b: {  	v2 =	vld [tilespmem:s0+$0x0];
	_ =	sdelay $0x1  }
0x6c: {  	(v2sf) =	vpush v1, $0x9  }
0x6d: {  	s30 =	spop (v2sf)  }
0x6e: {  	s28 =	sshll.u32 s30, $0x4;
	s0 =	sshll.u32 s30, $0x5  }
0x6f: {  	s31 =	sand.u32 $0x70, s28;
	s0 =	sand.u32 $0xFFFFFF00, s0;
	[tilespmem:$0xF060] =	vst v2;
	v2 =	vor.u32 s29, v0  }
0x70: {  	s0 =	sor.u32 s31, s0;
	[tilespmem:$0xF460] =	vst v2  }
0x71: {  	v2 =	vld [tilespmem:s0+$0x0];
	_ =	sdelay $0x1  }
0x72: {  	(v2sf) =	vpush v1, $0xA  }
0x73: {  	s1 =	spop (v2sf)  }
0x74: {  	s29 =	sshll.u32 s1, $0x4;
	s0 =	sshll.u32 s1, $0x5  }
0x75: {  	s0 =	sand.u32 $0xFFFFFF00, s0;
	[tilespmem:$0xF070] =	vst v2;
	v2 =	vor.u32 s28, v0;
	s28 =	sand.u32 $0x70, s29  }
0x76: {  	[tilespmem:$0xF470] =	vst v2;
	s0 =	sor.u32 s28, s0  }
0x77: {  	v2 =	vld [tilespmem:s0+$0x0];
	_ =	sdelay $0x1  }
0x78: {  	(v2sf) =	vpush v1, $0xB  }
0x79: {  	s30 =	spop (v2sf)  }
0x7a: {  	s28 =	sshll.u32 s30, $0x4;
	s0 =	sshll.u32 s30, $0x5  }
0x7b: {  	s31 =	sand.u32 $0x70, s28;
	s0 =	sand.u32 $0xFFFFFF00, s0;
	[tilespmem:$0xF080] =	vst v2;
	v2 =	vor.u32 s29, v0  }
0x7c: {  	s0 =	sor.u32 s31, s0;
	[tilespmem:$0xF480] =	vst v2  }
0x7d: {  	v2 =	vld [tilespmem:s0+$0x0];
	_ =	sdelay $0x1  }
0x7e: {  	(v2sf) =	vpush v1, $0xC  }
0x7f: {  	s1 =	spop (v2sf)  }
0x80: {  	s29 =	sshll.u32 s1, $0x4;
	s0 =	sshll.u32 s1, $0x5  }
0x81: {  	s0 =	sand.u32 $0xFFFFFF00, s0;
	[tilespmem:$0xF090] =	vst v2;
	v2 =	vor.u32 s28, v0;
	s28 =	sand.u32 $0x70, s29  }
0x82: {  	[tilespmem:$0xF490] =	vst v2;
	s0 =	sor.u32 s28, s0  }
0x83: {  	v2 =	vld [tilespmem:s0+$0x0]  }
0x84: {  	(v2sf) =	vpush v1, $0xD;
	_ =	sdelay $0x1  }
0x85: {  	s30 =	spop (v2sf)  }
0x86: {  	s28 =	sshll.u32 s30, $0x4;
	s0 =	sshll.u32 s30, $0x5  }
0x87: {  	s31 =	sand.u32 $0x70, s28;
	s0 =	sand.u32 $0xFFFFFF00, s0;
	[tilespmem:$0xF0A0] =	vst v2;
	v2 =	vor.u32 s29, v0  }
0x88: {  	s0 =	sor.u32 s31, s0;
	[tilespmem:$0xF4A0] =	vst v2  }
0x89: {  	v2 =	vld [tilespmem:s0+$0x0]  }
0x8a: {  	(v2sf) =	vpush v1, $0xE;
	_ =	sdelay $0x1  }
0x8b: {  	s1 =	spop (v2sf)  }
0x8c: {  	s29 =	sshll.u32 s1, $0x4;
	s0 =	sshll.u32 s1, $0x5  }
0x8d: {  	s0 =	sand.u32 $0xFFFFFF00, s0;
	[tilespmem:$0xF0B0] =	vst v2;
	v2 =	vor.u32 s28, v0;
	s28 =	sand.u32 $0x70, s29  }
0x8e: {  	[tilespmem:$0xF4B0] =	vst v2;
	s0 =	sor.u32 s28, s0  }
0x8f: {  	v2 =	vld [tilespmem:s0+$0x0]  }
0x90: {  	(v2sf) =	vpush v1, $0xF  }
0x91: {  	s30 =	spop (v2sf)  }
0x92: {  	v1 =	vor.u32 s29, v0;
	s28 =	sshll.u32 s30, $0x4;
	s0 =	sshll.u32 s30, $0x5  }
0x93: {  	s31 =	sand.u32 $0x70, s28;
	[tilespmem:$0xF4C0] =	vst v1;
	s0 =	sand.u32 $0xFFFFFF00, s0  }
0x94: {  	s0 =	sor.u32 s31, s0;
	[tilespmem:$0xF0C0] =	vst v2  }
0x95: {  	v1 =	vld [tilespmem:s0+$0x0];
	_ =	sdelay $0x2  }
0x96: {  	s1 =	spop (v2sf)  }
0x97: {  	s29 =	sshll.u32 s1, $0x4;
	s0 =	sshll.u32 s1, $0x5  }
0x98: {  	s0 =	sand.u32 $0xFFFFFF00, s0;
	[tilespmem:$0xF0D0] =	vst v1;
	v1 =	vor.u32 s28, v0;
	s28 =	sand.u32 $0x70, s29  }
0x99: {  	[tilespmem:$0xF4D0] =	vst v1;
	s0 =	sor.u32 s28, s0  }
0x9a: {  	v1 =	vld [tilespmem:s0+$0x0];
	_ =	sdelay $0x2  }
0x9b: {  	s30 =	spop (v2sf)  }
0x9c: {  	s28 =	sshll.u32 s30, $0x4;
	s0 =	sshll.u32 s30, $0x5  }
0x9d: {  	s31 =	sand.u32 $0x70, s28;
	s0 =	sand.u32 $0xFFFFFF00, s0;
	[tilespmem:$0xF0E0] =	vst v1;
	v1 =	vor.u32 s29, v0  }
0x9e: {  	s0 =	sor.u32 s31, s0;
	[tilespmem:$0xF4E0] =	vst v1  }
0x9f: {  	v1 =	vld [tilespmem:s0+$0x0];
	_ =	sdelay $0x4  }
0xa0: {  	[tilespmem:$0xF0F0] =	vst v1;
	v1 =	vor.u32 s28, v0  }
0xa1: {  	[tilespmem:$0xF4F0] =	vst v1  }
0xa2: {  	v1 =	vld [tilespmem:s26+$0x5010];
	_ =	sdelay $0x4  }
0xa3: {  	(v2sf) =	vpush v1, $0x0;
	_ =	sdelay $0x6  }
0xa4: {  	(v2sf) =	vpush v1, $0x1;
	_ =	sdelay $0x6  }
0xa5: {  	(v2sf) =	vpush v1, $0x2  }
0xa6: {  	s29 =	spop (v2sf)  }
0xa7: {  	s30 =	sshll.u32 s29, $0x4;
	s0 =	sshll.u32 s29, $0x5  }
0xa8: {  	s31 =	sand.u32 $0x70, s30;
	s0 =	sand.u32 $0xFFFFFF00, s0  }
0xa9: {  	s0 =	sor.u32 s31, s0  }
0xaa: {  	v2 =	vld [tilespmem:s0+$0x0];
	_ =	sdelay $0x1  }
0xab: {  	(v2sf) =	vpush v1, $0x3  }
0xac: {  	s26 =	spop (v2sf)  }
0xad: {  	s29 =	sshll.u32 s26, $0x4;
	s0 =	sshll.u32 s26, $0x5  }
0xae: {  	s0 =	sand.u32 $0xFFFFFF00, s0;
	[tilespmem:$0xF100] =	vst v2;
	v2 =	vor.u32 s30, v0;
	s30 =	sand.u32 $0x70, s29  }
0xaf: {  	[tilespmem:$0xF500] =	vst v2;
	s0 =	sor.u32 s30, s0  }
0xb0: {  	v2 =	vld [tilespmem:s0+$0x0];
	_ =	sdelay $0x1  }
0xb1: {  	(v2sf) =	vpush v1, $0x4  }
0xb2: {  	s31 =	spop (v2sf)  }
0xb3: {  	s1 =	sshll.u32 s31, $0x4;
	s0 =	sshll.u32 s31, $0x5  }
0xb4: {  	s0 =	sand.u32 $0xFFFFFF00, s0;
	[tilespmem:$0xF110] =	vst v2;
	v2 =	vor.u32 s29, v0;
	s29 =	sand.u32 $0x70, s1  }
0xb5: {  	[tilespmem:$0xF510] =	vst v2;
	s0 =	sor.u32 s29, s0  }
0xb6: {  	v2 =	vld [tilespmem:s0+$0x0];
	_ =	sdelay $0x1  }
0xb7: {  	(v2sf) =	vpush v1, $0x5  }
0xb8: {  	s30 =	spop (v2sf)  }
0xb9: {  	s31 =	sshll.u32 s30, $0x4;
	s0 =	sshll.u32 s30, $0x5  }
0xba: {  	s29 =	sand.u32 $0x70, s31;
	s0 =	sand.u32 $0xFFFFFF00, s0;
	[tilespmem:$0xF120] =	vst v2;
	v2 =	vor.u32 s1, v0  }
0xbb: {  	s0 =	sor.u32 s29, s0;
	[tilespmem:$0xF520] =	vst v2  }
0xbc: {  	v2 =	vld [tilespmem:s0+$0x0];
	_ =	sdelay $0x1  }
0xbd: {  	(v2sf) =	vpush v1, $0x6  }
0xbe: {  	s30 =	spop (v2sf)  }
0xbf: {  	s1 =	sshll.u32 s30, $0x4;
	s0 =	sshll.u32 s30, $0x5  }
0xc0: {  	s0 =	sand.u32 $0xFFFFFF00, s0;
	[tilespmem:$0xF130] =	vst v2;
	v2 =	vor.u32 s31, v0;
	s31 =	sand.u32 $0x70, s1  }
0xc1: {  	[tilespmem:$0xF530] =	vst v2;
	s0 =	sor.u32 s31, s0  }
0xc2: {  	v2 =	vld [tilespmem:s0+$0x0];
	_ =	sdelay $0x1  }
0xc3: {  	(v2sf) =	vpush v1, $0x7  }
0xc4: {  	s29 =	spop (v2sf)  }
0xc5: {  	s30 =	sshll.u32 s29, $0x4;
	s0 =	sshll.u32 s29, $0x5  }
0xc6: {  	s31 =	sand.u32 $0x70, s30;
	s0 =	sand.u32 $0xFFFFFF00, s0;
	[tilespmem:$0xF140] =	vst v2;
	v2 =	vor.u32 s1, v0  }
0xc7: {  	s0 =	sor.u32 s31, s0;
	[tilespmem:$0xF540] =	vst v2  }
0xc8: {  	v2 =	vld [tilespmem:s0+$0x0];
	_ =	sdelay $0x1  }
0xc9: {  	(v2sf) =	vpush v1, $0x8  }
0xca: {  	s1 =	spop (v2sf)  }
0xcb: {  	s29 =	sshll.u32 s1, $0x4;
	s0 =	sshll.u32 s1, $0x5  }
0xcc: {  	s0 =	sand.u32 $0xFFFFFF00, s0;
	[tilespmem:$0xF150] =	vst v2;
	v2 =	vor.u32 s30, v0;
	s30 =	sand.u32 $0x70, s29  }
0xcd: {  	[tilespmem:$0xF550] =	vst v2;
	s0 =	sor.u32 s30, s0  }
0xce: {  	v2 =	vld [tilespmem:s0+$0x0];
	_ =	sdelay $0x1  }
0xcf: {  	(v2sf) =	vpush v1, $0x9  }
0xd0: {  	s31 =	spop (v2sf)  }
0xd1: {  	s26 =	sshll.u32 s31, $0x4;
	s0 =	sshll.u32 s31, $0x5  }
0xd2: {  	s0 =	sand.u32 $0xFFFFFF00, s0;
	[tilespmem:$0xF160] =	vst v2;
	v2 =	vor.u32 s29, v0;
	s29 =	sand.u32 $0x70, s26  }
0xd3: {  	[tilespmem:$0xF560] =	vst v2;
	s0 =	sor.u32 s29, s0  }
0xd4: {  	v2 =	vld [tilespmem:s0+$0x0];
	_ =	sdelay $0x1  }
0xd5: {  	(v2sf) =	vpush v1, $0xA  }
0xd6: {  	s30 =	spop (v2sf)  }
0xd7: {  	s31 =	sshll.u32 s30, $0x4;
	s0 =	sshll.u32 s30, $0x5  }
0xd8: {  	s29 =	sand.u32 $0x70, s31;
	s0 =	sand.u32 $0xFFFFFF00, s0;
	[tilespmem:$0xF170] =	vst v2;
	v2 =	vor.u32 s26, v0  }
0xd9: {  	s0 =	sor.u32 s29, s0;
	[tilespmem:$0xF570] =	vst v2  }
0xda: {  	v2 =	vld [tilespmem:s0+$0x0];
	_ =	sdelay $0x1  }
0xdb: {  	(v2sf) =	vpush v1, $0xB  }
0xdc: {  	s30 =	spop (v2sf)  }
0xdd: {  	s26 =	sshll.u32 s30, $0x4;
	s0 =	sshll.u32 s30, $0x5  }
0xde: {  	s0 =	sand.u32 $0xFFFFFF00, s0;
	[tilespmem:$0xF180] =	vst v2;
	v2 =	vor.u32 s31, v0;
	s31 =	sand.u32 $0x70, s26  }
0xdf: {  	[tilespmem:$0xF580] =	vst v2;
	s0 =	sor.u32 s31, s0  }
0xe0: {  	v2 =	vld [tilespmem:s0+$0x0];
	_ =	sdelay $0x1  }
0xe1: {  	(v2sf) =	vpush v1, $0xC  }
0xe2: {  	s29 =	spop (v2sf)  }
0xe3: {  	s30 =	sshll.u32 s29, $0x4;
	s0 =	sshll.u32 s29, $0x5  }
0xe4: {  	s31 =	sand.u32 $0x70, s30;
	s0 =	sand.u32 $0xFFFFFF00, s0;
	[tilespmem:$0xF190] =	vst v2;
	v2 =	vor.u32 s26, v0  }
0xe5: {  	s0 =	sor.u32 s31, s0;
	[tilespmem:$0xF590] =	vst v2  }
0xe6: {  	v2 =	vld [tilespmem:s0+$0x0]  }
0xe7: {  	(v2sf) =	vpush v1, $0xD;
	_ =	sdelay $0x1  }
0xe8: {  	s26 =	spop (v2sf)  }
0xe9: {  	s29 =	sshll.u32 s26, $0x4;
	s0 =	sshll.u32 s26, $0x5  }
0xea: {  	s0 =	sand.u32 $0xFFFFFF00, s0;
	[tilespmem:$0xF1A0] =	vst v2;
	v2 =	vor.u32 s30, v0;
	s30 =	sand.u32 $0x70, s29  }
0xeb: {  	[tilespmem:$0xF5A0] =	vst v2;
	s0 =	sor.u32 s30, s0  }
0xec: {  	v2 =	vld [tilespmem:s0+$0x0]  }
0xed: {  	(v2sf) =	vpush v1, $0xE;
	_ =	sdelay $0x1  }
0xee: {  	s31 =	spop (v2sf)  }
0xef: {  	s1 =	sshll.u32 s31, $0x4;
	s0 =	sshll.u32 s31, $0x5  }
0xf0: {  	s0 =	sand.u32 $0xFFFFFF00, s0;
	[tilespmem:$0xF1B0] =	vst v2;
	v2 =	vor.u32 s29, v0;
	s29 =	sand.u32 $0x70, s1  }
0xf1: {  	[tilespmem:$0xF5B0] =	vst v2;
	s0 =	sor.u32 s29, s0  }
0xf2: {  	v2 =	vld [tilespmem:s0+$0x0]  }
0xf3: {  	(v2sf) =	vpush v1, $0xF  }
0xf4: {  	s30 =	spop (v2sf)  }
0xf5: {  	v1 =	vor.u32 s1, v0;
	s31 =	sshll.u32 s30, $0x4;
	s0 =	sshll.u32 s30, $0x5  }
0xf6: {  	s29 =	sand.u32 $0x70, s31;
	[tilespmem:$0xF5C0] =	vst v1;
	s0 =	sand.u32 $0xFFFFFF00, s0  }
0xf7: {  	s0 =	sor.u32 s29, s0;
	[tilespmem:$0xF1C0] =	vst v2  }
0xf8: {  	v1 =	vld [tilespmem:s0+$0x0];
	_ =	sdelay $0x2  }
0xf9: {  	s30 =	spop (v2sf)  }
0xfa: {  	s1 =	sshll.u32 s30, $0x4;
	s0 =	sshll.u32 s30, $0x5  }
0xfb: {  	s0 =	sand.u32 $0xFFFFFF00, s0;
	[tilespmem:$0xF1D0] =	vst v1;
	v1 =	vor.u32 s31, v0;
	s31 =	sand.u32 $0x70, s1  }
0xfc: {  	[tilespmem:$0xF5D0] =	vst v1;
	s0 =	sor.u32 s31, s0  }
0xfd: {  	v1 =	vld [tilespmem:s0+$0x0];
	_ =	sdelay $0x2  }
0xfe: {  	s29 =	spop (v2sf)  }
0xff: {  	s30 =	sshll.u32 s29, $0x4;
	s0 =	sshll.u32 s29, $0x5  }
0x100: {  	s31 =	sand.u32 $0x70, s30;
	s0 =	sand.u32 $0xFFFFFF00, s0;
	[tilespmem:$0xF1E0] =	vst v1;
	v1 =	vor.u32 s1, v0  }
0x101: {  	s0 =	sor.u32 s31, s0;
	[tilespmem:$0xF5E0] =	vst v1  }
0x102: {  	v1 =	vld [tilespmem:s0+$0x0]  }
0x103: {  	p1 =	seq.s32 s25, $0x9F  }
.Ltmp6:
0x104: {  	_ = 	snop;
	(pc) =	sbr.rel @p1 .LBB2_10-.Ltmp6, $3  }
0x105: {  	_ =	sdelay $0x1  }
0x106: {  	[tilespmem:$0xF1F0] =	vst v1;
	v1 =	vor.u32 s30, v0  }
0x107: {  	s28 =	sshll.u32 s25, $0x1;
	[tilespmem:$0xF5F0] =	vst v1  }
0x108: {  	s0 =	sadd.s32 s28, s10  }
0x109: {  	s1 =	sshrl.u32 s0, $0x3  }
0x10a: {  	s0 =	sshll.u32 s0, $0x7;
	s1 =	smul.u32 $0x14000, s1  }
0x10b: {  	s0 =	sand.u32 $0x300, s0  }
0x10c: {  	s0 =	sor.u32 s0, s1  }
0x10d: {  	s0 =	sshrl.u32 s0, $0x3  }
0x10e: {  	s29 =	simm.s32 $0x0;
	s26 =	sadd.s32 s4, s0  }
0x10f: {  	s30 =	simm.s32 $0x80;
	s31 =	simm.s32 $0x100;
	s1 =	sadd.s32 $0x0, s26  }
.LBB2_8:
0x110: {  	[tilespmem:s29], [sflag:$0x1] =	stream.linear.gather [hbm4b:s1+s3], $0x80, $0x38;
	[tilespmem:$0xF800] =	vst v63  }
0x111: {  	s0 =	smov.u32 s30;
	s29 =	smov.u32 s31;
	p2 =	sne.s32 s30, $0x2780  }
.Ltmp7:
0x112: {  	s30 =	sadd.s32 $0x80, s30;
	(pc) =	sbr.rel @p2 .LBB2_8-.Ltmp7, $2  }
0x113: {  	_ =	sdelay $0x2  }
0x114: {  	s31 =	sadd.s32 $0x100, s31;
	s1 =	sadd.s32 s0, s26  }
0x115: {  	[tilespmem:s29], [sflag:$0x1] =	stream.linear.gather [hbm4b:s1+s3], $0x80, $0x38;
	[tilespmem:$0xF800] =	vst v63  }
.LBB2_10:
0x116: {  	s0 =	sadd.s32 s2, s28  }
0x117: {  	s1 =	sshll.u32 s25, $0x5;
	s0 =	sshll.u32 s0, $0x6  }
0x118: {  	s30 =	sand.u32 $0x60, s1;
	s26 =	sand.u32 $0xFFFFE00, s0  }
0x119: {  	s0 =	sor.u32 s30, s26  }
0x11a: {  	s31 =	sadd.s32 s5, s0  }
0x11b: {  	[hbm4b:s31+s15] =	stream.strided.scatter [tilespmem:s17], [sflag:$0x3], $0x200, s16, s15, $0x38;
	[tilespmem:$0xF800] =	vst v63  }
0x11c: {  	s0 =	sadd.s32 s6, s0  }
0x11d: {  	[hbm4b:s0+s15] =	stream.strided.scatter [tilespmem:s18], [sflag:$0x3], $0x200, s16, s15, $0x38;
	[tilespmem:$0xF800] =	vst v63  }
0x11e: {  	_ =	swait.ge [sflag:s19], $0x2800  }
0x11f: {  	[sflag:s19] =	ssyncset.done $0x0  }
0x120: {  	s0 =	simm.s32 @!p0 $0x4;
	[sflag:s19] =	ssyncadd.s32 $0xFFFFD800  }
0x121: {  	_ =	swait.ge @!p0 [sflag:s0], $0x200  }
0x122: {  	[sflag:s0] =	ssyncset.done @!p0 $0x0  }
0x123: {  	[sflag:s0] =	ssyncadd.s32 @!p0 $0xFFFFFE00  }
0x124: {  	s28 =	sor.u32 $0x1, s28;
	_ =	swait.ge @!p0 [sflag:s0], $0x200  }
0x125: {  	s29 =	sshll.u32 s28, $0x7;
	[sflag:s0] =	ssyncset.done @!p0 $0x0  }
0x126: {  	s29 =	sand.u32 $0x3FFFFF80, s29;
	[sflag:s0] =	ssyncadd.s32 @!p0 $0xFFFFFE00  }
0x127: {  	v1 =	vld [tilespmem:s29+$0x5000];
	_ =	sdelay $0x4  }
0x128: {  	(v2sf) =	vpush v1, $0x0;
	_ =	sdelay $0x6  }
0x129: {  	(v2sf) =	vpush v1, $0x1;
	_ =	sdelay $0x6  }
0x12a: {  	(v2sf) =	vpush v1, $0x2  }
0x12b: {  	s30 =	spop (v2sf)  }
0x12c: {  	s1 =	sshll.u32 s30, $0x4;
	s0 =	sshll.u32 s30, $0x5  }
0x12d: {  	s30 =	sand.u32 $0x70, s1;
	s0 =	sand.u32 $0xFFFFFF00, s0  }
0x12e: {  	s0 =	sor.u32 s30, s0  }
0x12f: {  	v2 =	vld [tilespmem:s0+$0x80];
	_ =	sdelay $0x1  }
0x130: {  	(v2sf) =	vpush v1, $0x3  }
0x131: {  	s31 =	spop (v2sf)  }
0x132: {  	s30 =	sshll.u32 s31, $0x4;
	s0 =	sshll.u32 s31, $0x5  }
0x133: {  	s31 =	sand.u32 $0x70, s30;
	s0 =	sand.u32 $0xFFFFFF00, s0;
	[tilespmem:$0xF200] =	vst v2;
	v2 =	vor.u32 s1, v0  }
0x134: {  	s0 =	sor.u32 s31, s0;
	[tilespmem:$0xF600] =	vst v2  }
0x135: {  	v2 =	vld [tilespmem:s0+$0x80];
	_ =	sdelay $0x1  }
0x136: {  	(v2sf) =	vpush v1, $0x4  }
0x137: {  	s31 =	spop (v2sf)  }
0x138: {  	s1 =	sshll.u32 s31, $0x4;
	s0 =	sshll.u32 s31, $0x5  }
0x139: {  	s31 =	sand.u32 $0x70, s1;
	s0 =	sand.u32 $0xFFFFFF00, s0;
	[tilespmem:$0xF210] =	vst v2;
	v2 =	vor.u32 s30, v0  }
0x13a: {  	s0 =	sor.u32 s31, s0;
	[tilespmem:$0xF610] =	vst v2  }
0x13b: {  	v2 =	vld [tilespmem:s0+$0x80];
	_ =	sdelay $0x1  }
0x13c: {  	(v2sf) =	vpush v1, $0x5  }
0x13d: {  	s31 =	spop (v2sf)  }
0x13e: {  	s30 =	sshll.u32 s31, $0x4;
	s0 =	sshll.u32 s31, $0x5  }
0x13f: {  	s31 =	sand.u32 $0x70, s30;
	s0 =	sand.u32 $0xFFFFFF00, s0;
	[tilespmem:$0xF220] =	vst v2;
	v2 =	vor.u32 s1, v0  }
0x140: {  	s0 =	sor.u32 s31, s0;
	[tilespmem:$0xF620] =	vst v2  }
0x141: {  	v2 =	vld [tilespmem:s0+$0x80];
	_ =	sdelay $0x1  }
0x142: {  	(v2sf) =	vpush v1, $0x6  }
0x143: {  	s31 =	spop (v2sf)  }
0x144: {  	s1 =	sshll.u32 s31, $0x4;
	s0 =	sshll.u32 s31, $0x5  }
0x145: {  	s31 =	sand.u32 $0x70, s1;
	s0 =	sand.u32 $0xFFFFFF00, s0;
	[tilespmem:$0xF230] =	vst v2;
	v2 =	vor.u32 s30, v0  }
0x146: {  	s0 =	sor.u32 s31, s0;
	[tilespmem:$0xF630] =	vst v2  }
0x147: {  	v2 =	vld [tilespmem:s0+$0x80];
	_ =	sdelay $0x1  }
0x148: {  	(v2sf) =	vpush v1, $0x7  }
0x149: {  	s31 =	spop (v2sf)  }
0x14a: {  	s30 =	sshll.u32 s31, $0x4;
	s0 =	sshll.u32 s31, $0x5  }
0x14b: {  	s31 =	sand.u32 $0x70, s30;
	s0 =	sand.u32 $0xFFFFFF00, s0;
	[tilespmem:$0xF240] =	vst v2;
	v2 =	vor.u32 s1, v0  }
0x14c: {  	s0 =	sor.u32 s31, s0;
	[tilespmem:$0xF640] =	vst v2  }
0x14d: {  	v2 =	vld [tilespmem:s0+$0x80];
	_ =	sdelay $0x1  }
0x14e: {  	(v2sf) =	vpush v1, $0x8  }
0x14f: {  	s31 =	spop (v2sf)  }
0x150: {  	s1 =	sshll.u32 s31, $0x4;
	s0 =	sshll.u32 s31, $0x5  }
0x151: {  	s31 =	sand.u32 $0x70, s1;
	s0 =	sand.u32 $0xFFFFFF00, s0;
	[tilespmem:$0xF250] =	vst v2;
	v2 =	vor.u32 s30, v0  }
0x152: {  	s0 =	sor.u32 s31, s0;
	[tilespmem:$0xF650] =	vst v2  }
0x153: {  	v2 =	vld [tilespmem:s0+$0x80];
	_ =	sdelay $0x1  }
0x154: {  	(v2sf) =	vpush v1, $0x9  }
0x155: {  	s31 =	spop (v2sf)  }
0x156: {  	s30 =	sshll.u32 s31, $0x4;
	s0 =	sshll.u32 s31, $0x5  }
0x157: {  	s31 =	sand.u32 $0x70, s30;
	s0 =	sand.u32 $0xFFFFFF00, s0;
	[tilespmem:$0xF260] =	vst v2;
	v2 =	vor.u32 s1, v0  }
0x158: {  	s0 =	sor.u32 s31, s0;
	[tilespmem:$0xF660] =	vst v2  }
0x159: {  	v2 =	vld [tilespmem:s0+$0x80];
	_ =	sdelay $0x1  }
0x15a: {  	(v2sf) =	vpush v1, $0xA  }
0x15b: {  	s31 =	spop (v2sf)  }
0x15c: {  	s1 =	sshll.u32 s31, $0x4;
	s0 =	sshll.u32 s31, $0x5  }
0x15d: {  	s31 =	sand.u32 $0x70, s1;
	s0 =	sand.u32 $0xFFFFFF00, s0;
	[tilespmem:$0xF270] =	vst v2;
	v2 =	vor.u32 s30, v0  }
0x15e: {  	s0 =	sor.u32 s31, s0;
	[tilespmem:$0xF670] =	vst v2  }
0x15f: {  	v2 =	vld [tilespmem:s0+$0x80];
	_ =	sdelay $0x1  }
0x160: {  	(v2sf) =	vpush v1, $0xB  }
0x161: {  	s31 =	spop (v2sf)  }
0x162: {  	s30 =	sshll.u32 s31, $0x4;
	s0 =	sshll.u32 s31, $0x5  }
0x163: {  	s31 =	sand.u32 $0x70, s30;
	s0 =	sand.u32 $0xFFFFFF00, s0;
	[tilespmem:$0xF280] =	vst v2;
	v2 =	vor.u32 s1, v0  }
0x164: {  	s0 =	sor.u32 s31, s0;
	[tilespmem:$0xF680] =	vst v2  }
0x165: {  	v2 =	vld [tilespmem:s0+$0x80];
	_ =	sdelay $0x1  }
0x166: {  	(v2sf) =	vpush v1, $0xC  }
0x167: {  	s31 =	spop (v2sf)  }
0x168: {  	s1 =	sshll.u32 s31, $0x4;
	s0 =	sshll.u32 s31, $0x5  }
0x169: {  	s31 =	sand.u32 $0x70, s1;
	s0 =	sand.u32 $0xFFFFFF00, s0;
	[tilespmem:$0xF290] =	vst v2;
	v2 =	vor.u32 s30, v0  }
0x16a: {  	s0 =	sor.u32 s31, s0;
	[tilespmem:$0xF690] =	vst v2  }
0x16b: {  	v2 =	vld [tilespmem:s0+$0x80]  }
0x16c: {  	(v2sf) =	vpush v1, $0xD;
	_ =	sdelay $0x1  }
0x16d: {  	s31 =	spop (v2sf)  }
0x16e: {  	s30 =	sshll.u32 s31, $0x4;
	s0 =	sshll.u32 s31, $0x5  }
0x16f: {  	s31 =	sand.u32 $0x70, s30;
	s0 =	sand.u32 $0xFFFFFF00, s0;
	[tilespmem:$0xF2A0] =	vst v2;
	v2 =	vor.u32 s1, v0  }
0x170: {  	s0 =	sor.u32 s31, s0;
	[tilespmem:$0xF6A0] =	vst v2  }
0x171: {  	v2 =	vld [tilespmem:s0+$0x80]  }
0x172: {  	(v2sf) =	vpush v1, $0xE;
	_ =	sdelay $0x1  }
0x173: {  	s31 =	spop (v2sf)  }
0x174: {  	s1 =	sshll.u32 s31, $0x4;
	s0 =	sshll.u32 s31, $0x5  }
0x175: {  	s31 =	sand.u32 $0x70, s1;
	s0 =	sand.u32 $0xFFFFFF00, s0;
	[tilespmem:$0xF2B0] =	vst v2;
	v2 =	vor.u32 s30, v0  }
0x176: {  	s0 =	sor.u32 s31, s0;
	[tilespmem:$0xF6B0] =	vst v2  }
0x177: {  	v2 =	vld [tilespmem:s0+$0x80]  }
0x178: {  	(v2sf) =	vpush v1, $0xF  }
0x179: {  	s31 =	spop (v2sf)  }
0x17a: {  	v1 =	vor.u32 s1, v0;
	s30 =	sshll.u32 s31, $0x4;
	s0 =	sshll.u32 s31, $0x5  }
0x17b: {  	s31 =	sand.u32 $0x70, s30;
	[tilespmem:$0xF6C0] =	vst v1;
	s0 =	sand.u32 $0xFFFFFF00, s0  }
0x17c: {  	s0 =	sor.u32 s31, s0;
	[tilespmem:$0xF2C0] =	vst v2  }
0x17d: {  	v1 =	vld [tilespmem:s0+$0x80];
	_ =	sdelay $0x2  }
0x17e: {  	s31 =	spop (v2sf)  }
0x17f: {  	s1 =	sshll.u32 s31, $0x4;
	s0 =	sshll.u32 s31, $0x5  }
0x180: {  	s31 =	sand.u32 $0x70, s1;
	s0 =	sand.u32 $0xFFFFFF00, s0;
	[tilespmem:$0xF2D0] =	vst v1;
	v1 =	vor.u32 s30, v0  }
0x181: {  	s0 =	sor.u32 s31, s0;
	[tilespmem:$0xF6D0] =	vst v1  }
0x182: {  	v1 =	vld [tilespmem:s0+$0x80];
	_ =	sdelay $0x2  }
0x183: {  	s31 =	spop (v2sf)  }
0x184: {  	s30 =	sshll.u32 s31, $0x4;
	s0 =	sshll.u32 s31, $0x5  }
0x185: {  	s31 =	sand.u32 $0x70, s30;
	s0 =	sand.u32 $0xFFFFFF00, s0;
	[tilespmem:$0xF2E0] =	vst v1;
	v1 =	vor.u32 s1, v0  }
0x186: {  	s0 =	sor.u32 s31, s0;
	[tilespmem:$0xF6E0] =	vst v1  }
0x187: {  	v1 =	vld [tilespmem:s0+$0x80];
	_ =	sdelay $0x4  }
0x188: {  	[tilespmem:$0xF2F0] =	vst v1;
	v1 =	vor.u32 s30, v0  }
0x189: {  	[tilespmem:$0xF6F0] =	vst v1  }
0x18a: {  	v1 =	vld [tilespmem:s29+$0x5010];
	_ =	sdelay $0x4  }
0x18b: {  	(v2sf) =	vpush v1, $0x0;
	_ =	sdelay $0x6  }
0x18c: {  	(v2sf) =	vpush v1, $0x1;
	_ =	sdelay $0x6  }
0x18d: {  	(v2sf) =	vpush v1, $0x2  }
0x18e: {  	s29 =	spop (v2sf)  }
0x18f: {  	s1 =	sshll.u32 s29, $0x4;
	s0 =	sshll.u32 s29, $0x5  }
0x190: {  	s30 =	sand.u32 $0x70, s1;
	s0 =	sand.u32 $0xFFFFFF00, s0  }
0x191: {  	s0 =	sor.u32 s30, s0  }
0x192: {  	v2 =	vld [tilespmem:s0+$0x80];
	_ =	sdelay $0x1  }
0x193: {  	(v2sf) =	vpush v1, $0x3  }
0x194: {  	s31 =	spop (v2sf)  }
0x195: {  	s29 =	sshll.u32 s31, $0x4;
	s0 =	sshll.u32 s31, $0x5  }
0x196: {  	s30 =	sand.u32 $0x70, s29;
	s0 =	sand.u32 $0xFFFFFF00, s0;
	[tilespmem:$0xF300] =	vst v2;
	v2 =	vor.u32 s1, v0  }
0x197: {  	s0 =	sor.u32 s30, s0;
	[tilespmem:$0xF700] =	vst v2  }
0x198: {  	v2 =	vld [tilespmem:s0+$0x80];
	_ =	sdelay $0x1  }
0x199: {  	(v2sf) =	vpush v1, $0x4  }
0x19a: {  	s31 =	spop (v2sf)  }
0x19b: {  	s1 =	sshll.u32 s31, $0x4;
	s0 =	sshll.u32 s31, $0x5  }
0x19c: {  	s30 =	sand.u32 $0x70, s1;
	s0 =	sand.u32 $0xFFFFFF00, s0;
	[tilespmem:$0xF310] =	vst v2;
	v2 =	vor.u32 s29, v0  }
0x19d: {  	s0 =	sor.u32 s30, s0;
	[tilespmem:$0xF710] =	vst v2  }
0x19e: {  	v2 =	vld [tilespmem:s0+$0x80];
	_ =	sdelay $0x1  }
0x19f: {  	(v2sf) =	vpush v1, $0x5  }
0x1a0: {  	s31 =	spop (v2sf)  }
0x1a1: {  	s29 =	sshll.u32 s31, $0x4;
	s0 =	sshll.u32 s31, $0x5  }
0x1a2: {  	s30 =	sand.u32 $0x70, s29;
	s0 =	sand.u32 $0xFFFFFF00, s0;
	[tilespmem:$0xF320] =	vst v2;
	v2 =	vor.u32 s1, v0  }
0x1a3: {  	s0 =	sor.u32 s30, s0;
	[tilespmem:$0xF720] =	vst v2  }
0x1a4: {  	v2 =	vld [tilespmem:s0+$0x80];
	_ =	sdelay $0x1  }
0x1a5: {  	(v2sf) =	vpush v1, $0x6  }
0x1a6: {  	s31 =	spop (v2sf)  }
0x1a7: {  	s1 =	sshll.u32 s31, $0x4;
	s0 =	sshll.u32 s31, $0x5  }
0x1a8: {  	s30 =	sand.u32 $0x70, s1;
	s0 =	sand.u32 $0xFFFFFF00, s0;
	[tilespmem:$0xF330] =	vst v2;
	v2 =	vor.u32 s29, v0  }
0x1a9: {  	s0 =	sor.u32 s30, s0;
	[tilespmem:$0xF730] =	vst v2  }
0x1aa: {  	v2 =	vld [tilespmem:s0+$0x80];
	_ =	sdelay $0x1  }
0x1ab: {  	(v2sf) =	vpush v1, $0x7  }
0x1ac: {  	s31 =	spop (v2sf)  }
0x1ad: {  	s29 =	sshll.u32 s31, $0x4;
	s0 =	sshll.u32 s31, $0x5  }
0x1ae: {  	s30 =	sand.u32 $0x70, s29;
	s0 =	sand.u32 $0xFFFFFF00, s0;
	[tilespmem:$0xF340] =	vst v2;
	v2 =	vor.u32 s1, v0  }
0x1af: {  	s0 =	sor.u32 s30, s0;
	[tilespmem:$0xF740] =	vst v2  }
0x1b0: {  	v2 =	vld [tilespmem:s0+$0x80];
	_ =	sdelay $0x1  }
0x1b1: {  	(v2sf) =	vpush v1, $0x8  }
0x1b2: {  	s31 =	spop (v2sf)  }
0x1b3: {  	s1 =	sshll.u32 s31, $0x4;
	s0 =	sshll.u32 s31, $0x5  }
0x1b4: {  	s30 =	sand.u32 $0x70, s1;
	s0 =	sand.u32 $0xFFFFFF00, s0;
	[tilespmem:$0xF350] =	vst v2;
	v2 =	vor.u32 s29, v0  }
0x1b5: {  	s0 =	sor.u32 s30, s0;
	[tilespmem:$0xF750] =	vst v2  }
0x1b6: {  	v2 =	vld [tilespmem:s0+$0x80];
	_ =	sdelay $0x1  }
0x1b7: {  	(v2sf) =	vpush v1, $0x9  }
0x1b8: {  	s31 =	spop (v2sf)  }
0x1b9: {  	s29 =	sshll.u32 s31, $0x4;
	s0 =	sshll.u32 s31, $0x5  }
0x1ba: {  	s30 =	sand.u32 $0x70, s29;
	s0 =	sand.u32 $0xFFFFFF00, s0;
	[tilespmem:$0xF360] =	vst v2;
	v2 =	vor.u32 s1, v0  }
0x1bb: {  	s0 =	sor.u32 s30, s0;
	[tilespmem:$0xF760] =	vst v2  }
0x1bc: {  	v2 =	vld [tilespmem:s0+$0x80];
	_ =	sdelay $0x1  }
0x1bd: {  	(v2sf) =	vpush v1, $0xA  }
0x1be: {  	s31 =	spop (v2sf)  }
0x1bf: {  	s1 =	sshll.u32 s31, $0x4;
	s0 =	sshll.u32 s31, $0x5  }
0x1c0: {  	s30 =	sand.u32 $0x70, s1;
	s0 =	sand.u32 $0xFFFFFF00, s0;
	[tilespmem:$0xF370] =	vst v2;
	v2 =	vor.u32 s29, v0  }
0x1c1: {  	s0 =	sor.u32 s30, s0;
	[tilespmem:$0xF770] =	vst v2  }
0x1c2: {  	v2 =	vld [tilespmem:s0+$0x80];
	_ =	sdelay $0x1  }
0x1c3: {  	(v2sf) =	vpush v1, $0xB  }
0x1c4: {  	s31 =	spop (v2sf)  }
0x1c5: {  	s29 =	sshll.u32 s31, $0x4;
	s0 =	sshll.u32 s31, $0x5  }
0x1c6: {  	s30 =	sand.u32 $0x70, s29;
	s0 =	sand.u32 $0xFFFFFF00, s0;
	[tilespmem:$0xF380] =	vst v2;
	v2 =	vor.u32 s1, v0  }
0x1c7: {  	s0 =	sor.u32 s30, s0;
	[tilespmem:$0xF780] =	vst v2  }
0x1c8: {  	v2 =	vld [tilespmem:s0+$0x80];
	_ =	sdelay $0x1  }
0x1c9: {  	(v2sf) =	vpush v1, $0xC  }
0x1ca: {  	s31 =	spop (v2sf)  }
0x1cb: {  	s1 =	sshll.u32 s31, $0x4;
	s0 =	sshll.u32 s31, $0x5  }
0x1cc: {  	s30 =	sand.u32 $0x70, s1;
	s0 =	sand.u32 $0xFFFFFF00, s0;
	[tilespmem:$0xF390] =	vst v2;
	v2 =	vor.u32 s29, v0  }
0x1cd: {  	s0 =	sor.u32 s30, s0;
	[tilespmem:$0xF790] =	vst v2  }
0x1ce: {  	v2 =	vld [tilespmem:s0+$0x80]  }
0x1cf: {  	(v2sf) =	vpush v1, $0xD;
	_ =	sdelay $0x1  }
0x1d0: {  	s31 =	spop (v2sf)  }
0x1d1: {  	s29 =	sshll.u32 s31, $0x4;
	s0 =	sshll.u32 s31, $0x5  }
0x1d2: {  	s30 =	sand.u32 $0x70, s29;
	s0 =	sand.u32 $0xFFFFFF00, s0;
	[tilespmem:$0xF3A0] =	vst v2;
	v2 =	vor.u32 s1, v0  }
0x1d3: {  	s0 =	sor.u32 s30, s0;
	[tilespmem:$0xF7A0] =	vst v2  }
0x1d4: {  	v2 =	vld [tilespmem:s0+$0x80]  }
0x1d5: {  	(v2sf) =	vpush v1, $0xE;
	_ =	sdelay $0x1  }
0x1d6: {  	s31 =	spop (v2sf)  }
0x1d7: {  	s1 =	sshll.u32 s31, $0x4;
	s0 =	sshll.u32 s31, $0x5  }
0x1d8: {  	s30 =	sand.u32 $0x70, s1;
	s0 =	sand.u32 $0xFFFFFF00, s0;
	[tilespmem:$0xF3B0] =	vst v2;
	v2 =	vor.u32 s29, v0  }
0x1d9: {  	s0 =	sor.u32 s30, s0;
	[tilespmem:$0xF7B0] =	vst v2  }
0x1da: {  	v2 =	vld [tilespmem:s0+$0x80]  }
0x1db: {  	(v2sf) =	vpush v1, $0xF  }
0x1dc: {  	s31 =	spop (v2sf)  }
0x1dd: {  	v1 =	vor.u32 s1, v0;
	s29 =	sshll.u32 s31, $0x4;
	s0 =	sshll.u32 s31, $0x5  }
0x1de: {  	s30 =	sand.u32 $0x70, s29;
	[tilespmem:$0xF7C0] =	vst v1;
	s0 =	sand.u32 $0xFFFFFF00, s0  }
0x1df: {  	s0 =	sor.u32 s30, s0;
	[tilespmem:$0xF3C0] =	vst v2  }
0x1e0: {  	v1 =	vld [tilespmem:s0+$0x80];
	_ =	sdelay $0x2  }
0x1e1: {  	s31 =	spop (v2sf)  }
0x1e2: {  	s1 =	sshll.u32 s31, $0x4;
	s0 =	sshll.u32 s31, $0x5  }
0x1e3: {  	s30 =	sand.u32 $0x70, s1;
	s0 =	sand.u32 $0xFFFFFF00, s0;
	[tilespmem:$0xF3D0] =	vst v1;
	v1 =	vor.u32 s29, v0  }
0x1e4: {  	s0 =	sor.u32 s30, s0;
	[tilespmem:$0xF7D0] =	vst v1  }
0x1e5: {  	v1 =	vld [tilespmem:s0+$0x80];
	_ =	sdelay $0x2  }
0x1e6: {  	s31 =	spop (v2sf)  }
0x1e7: {  	s30 =	sshll.u32 s31, $0x4;
	s0 =	sshll.u32 s31, $0x5  }
0x1e8: {  	s31 =	sand.u32 $0x70, s30;
	s0 =	sand.u32 $0xFFFFFF00, s0;
	[tilespmem:$0xF3E0] =	vst v1;
	v1 =	vor.u32 s1, v0  }
0x1e9: {  	s0 =	sor.u32 s31, s0;
	[tilespmem:$0xF7E0] =	vst v1  }
0x1ea: {  	v1 =	vld [tilespmem:s0+$0x80];
	_ =	sdelay $0x1  }
.Ltmp8:
0x1eb: {  	_ = 	snop;
	(pc) =	sbr.rel @p1 .LBB2_14-.Ltmp8, $3  }
0x1ec: {  	_ =	sdelay $0x1  }
0x1ed: {  	[tilespmem:$0xF3F0] =	vst v1;
	v1 =	vor.u32 s30, v0  }
0x1ee: {  	[tilespmem:$0xF7F0] =	vst v1  }
0x1ef: {  	s0 =	sadd.s32 s28, s10  }
0x1f0: {  	s1 =	sshrl.u32 s0, $0x3  }
0x1f1: {  	s0 =	sshll.u32 s0, $0x7;
	s1 =	smul.u32 $0x14000, s1  }
0x1f2: {  	s0 =	sand.u32 $0x380, s0  }
0x1f3: {  	s0 =	sor.u32 s0, s1  }
0x1f4: {  	s0 =	sshrl.u32 s0, $0x3  }
0x1f5: {  	s30 =	simm.s32 $0x80;
	s29 =	sadd.s32 s4, s0  }
0x1f6: {  	s31 =	simm.s32 $0x80;
	s1 =	simm.s32 $0x180;
	s0 =	sadd.s32 $0x0, s29  }
.LBB2_12:
0x1f7: {  	[tilespmem:s30], [sflag:$0x2] =	stream.linear.gather [hbm4b:s0+s3], $0x80, $0x38;
	[tilespmem:$0xF800] =	vst v63  }
0x1f8: {  	s0 =	smov.u32 s31;
	s30 =	smov.u32 s1;
	p0 =	sne.s32 s31, $0x2780  }
.Ltmp9:
0x1f9: {  	s31 =	sadd.s32 $0x80, s31;
	(pc) =	sbr.rel @p0 .LBB2_12-.Ltmp9, $2  }
0x1fa: {  	_ =	sdelay $0x2  }
0x1fb: {  	s1 =	sadd.s32 $0x100, s1;
	s0 =	sadd.s32 s0, s29  }
.Ltmp10:
0x1fc: {  	(pc) =	sbr.rel .LBB2_14-.Ltmp10, $2  }
0x1fd: {  	_ =	sdelay $0x2  }
0x1fe: {  	[tilespmem:s30], [sflag:$0x2] =	stream.linear.gather [hbm4b:s0+s3], $0x80, $0x38;
	[tilespmem:$0xF800] =	vst v63  }
.LBB2_16:
0x1ff: {  	_ =	sfence.sel $0x180000  }
0x200: {  	[bflag:$0x0] =	sbarrier.arrive $0xFFFF  }
0x201: {  	_ =	strace $0x90000047  }
0x202: {  	s0 =	stileid.u32;
	[bflag:$0x2] =	sbarrier.arrive $0xFFFF  }
0x203: {  	p0 =	sne.s32 s0, $0x0;
	s0 =	rddreg [dreg:$0x1]  }
0x204: {  	s0 =	sadd.s32 @!p0 $0x100000, s0  }
0x205: {  	[sflag:s0] =	ssyncadd.tile.s32 @!p0 $0x1;
	_ =	shalt  }
.Lfunc_end2:
_tile_overlayer_lowered:
.L_overlay_start_2:
0x206: {  	(tag) =	ssettag $0x2  }
0x207: {  	s0 =	rddreg [dreg:$0x0];
	s2 =	stileid.u32  }
0x208: {  	s1 =	rddreg [dreg:$0x1];
	p0 =	sne.s32 s2, $0x0  }
0x209: {  	s3 =	rddreg [dreg:$0x2];
	[bflag:$0x3] =	sbarrier.arrive $0xFFFF;
	s2 =	simm.s32 @!p0 $0x1C05  }
0x20a: {  	[timem:s3], [sflag:s2] =	dma.local @!p0 [hbm:s0], s1  }
0x20b: {  	s0 =	simm.s32 @!p0 $0x5  }
0x20c: {  	_ =	swait.ge @!p0 [sflag:s0], s1  }
0x20d: {  	s1 =	ssub.s32 @!p0 $0x0, s1;
	[sflag:s0] =	ssyncset.done @!p0 $0x0  }
0x20e: {  	[sflag:s0] =	ssyncadd.s32 @!p0 s1  }
0x20f: {  	[bflag:$0x3] =	sbarrier.arrive $0xFFFF  }
0x210: {  	_ =	shalt  }

// kernel: kernel.15.cloned.1.call-start
scs
__scs_entry_jumppad:
0x0: {  	(pc) =	sbr.rel $0x88, $3  }
0x1: {  	(tag) =	ssettag $0x0;
	lr =	simm.s32 $0x1  }
0x2: {  	[smem:$0x3F94] =	sst lr;
	_ =	strace $0xD0000000  }
0x3: {  	_ = 	snop  }
0x4: {  	_ = 	snop  }
0x5: {  	_ = 	snop  }
0x6: {  	_ = 	snop  }
0x7: {  	_ = 	snop  }
__scs_overlays_trampoline_lowered:
0x8: {  	[smem:$0x3FA3] =	sst s0  }
0x9: {  	[smem:$0x3FA4] =	sst s1  }
0xa: {  	[smem:$0x3FA5] =	sst s2  }
0xb: {  	[smem:$0x3FA6] =	sst s3  }
0xc: {  	[smem:$0x3FA7] =	sst s4  }
0xd: {  	[smem:$0x3FA8] =	sst s5  }
0xe: {  	[smem:$0x3FA9] =	sst s6  }
0xf: {  	[smem:$0x3FAA] =	sst s7  }
0x10: {  	[smem:$0x3FAB] =	sst s8  }
0x11: {  	[smem:$0x3FAC] =	sst s9;
	s0 =	simm.s32 @!p0 $0x0  }
0x12: {  	s1 =	sld [smem:$0x3F92];
	s0 =	simm.s32 @p0 $0x1  }
0x13: {  	[smem:$0x3FAD] =	sst s0;
	s0 =	simm.s32 @!p1 $0x0  }
0x14: {  	s2 =	sld [smem:$0x3F91];
	s0 =	simm.s32 @p1 $0x1  }
0x15: {  	[smem:$0x3FAE] =	sst s0;
	s0 =	simm.s32 @!p2 $0x0  }
0x16: {  	s3 =	sld [smem:$0x3FDB];
	s0 =	simm.s32 @p2 $0x1  }
0x17: {  	s4 =	simm.s32 $0x1BF5;
	[smem:$0x3FB0] =	sst s0  }
0x18: {  	s0 =	sld [smem:$0x3F93];
	_ =	swait.ge [sflag:s4], $0x0  }
0x19: {  	s7 =	sld [smem:$0x3F94]  }
0x1a: {  	s8 =	sadd.s32 $0xFFFFE003, lr  }
0x1b: {  	s9 =	sadd.s32 $0xFFFFFEF7, lr;
	s5 =	simm.s32 $0xFFFFFFFF;
	p2 =	slt.u32 s8, $0xFFFFF086  }
0x1c: {  	p1 =	slt.u32 s9, $0xF7A;
	s5 =	simm.s32 @!p2 $0x0  }
0x1d: {  	s5 =	simm.s32 @p1 $0x1;
	p0 =	seq.s32 s7, s2  }
0x1e: {  	s7 =	smul.u32 @!p0 $0xF7A, s2;
	p2 =	seq.s32 @!p0 s5, $0x0  }
0x1f: {  	s9 =	smul.u32 $0xF7A, s1;
	s8 =	simm.s32 @!p0 $0x1BF5;
	p2 =	por !p2, p0  }
0x20: {  	[sflag:s8] =	ssyncset.s32 @!p0 $0xFFFFF086;
	s6 =	sadd.s32 @!p0 s3, s7;
	s7 =	simm.s32 @!p0 $0x108  }
0x21: {  	s3 =	sadd.s32 s3, s9;
	s6 =	sadd.s32 @!p0 $0x88, s6;
	s7 =	simm.s32 @p2 $0x1082  }
0x22: {  	[simem:s7], [sflag:s8] =	dma.local @!p0 [hbm:s6], $0xF7A  }
0x23: {  	s9 =	sor.u32 $0xD0000000, s2;
	s6 =	simm.s32 $0x108;
	_ =	swait.ge @!p0 [sflag:s8], $0x0  }
0x24: {  	s3 =	sadd.s32 $0x88, s3;
	s6 =	simm.s32 @!p1 $0x1082;
	[sflag:s4] =	ssyncset.s32 $0xFFFFF086  }
0x25: {  	[simem:s6], [sflag:s4] =	dma.local [hbm:s3], $0xF7A  }
0x26: {  	[smem:$0x3F94] =	sst s1;
	(tag) =	ssettag s2;
	_ =	strace s9  }
0x27: {  	s1 =	sld [smem:$0x3FA4]  }
0x28: {  	s2 =	sld [smem:$0x3FA5]  }
0x29: {  	s4 =	sld [smem:$0x3FA7]  }
0x2a: {  	p0 =	seq.s32 s5, $0x0;
	s5 =	sld [smem:$0x3FA8]  }
0x2b: {  	s6 =	sld [smem:$0x3FA9]  }
0x2c: {  	s7 =	sld [smem:$0x3FAA]  }
0x2d: {  	s3 =	simm.s32 $0x108;
	s8 =	sld [smem:$0x3FAB]  }
0x2e: {  	s3 =	simm.s32 @!p0 $0x1082;
	s9 =	sld [smem:$0x3FAC]  }
0x2f: {  	lr =	sadd.s32 s0, s3;
	s0 =	sld [smem:$0x3FA3]  }
0x30: {  	s3 =	sld [smem:$0x3FA6]  }
0x31: {  	[smem:$0x3FAF] =	sst s10  }
0x32: {  	s10 =	sld [smem:$0x3FAD];
	_ =	sdelay $0x3  }
0x33: {  	p0 =	seq.s32 s10, $0x1;
	s10 =	sld [smem:$0x3FAF];
	_ =	sdelay $0x3  }
0x34: {  	[smem:$0x3FAF] =	sst s10  }
0x35: {  	s10 =	sld [smem:$0x3FAE];
	_ =	sdelay $0x3  }
0x36: {  	p1 =	seq.s32 s10, $0x1;
	s10 =	sld [smem:$0x3FAF];
	_ =	sdelay $0x3  }
0x37: {  	[smem:$0x3FAF] =	sst s10  }
0x38: {  	s10 =	sld [smem:$0x3FB0]  }
0x39: {  	_ = 	snop;
	(pc) =	sbr.ind lr, $3  }
0x3a: {  	_ = 	snop  }
0x3b: {  	_ = 	snop  }
0x3c: {  	p2 =	seq.s32 s10, $0x1;
	s10 =	sld [smem:$0x3FAF]  }
0x3d: {  	_ =	shalt  }
0x3e: {  	_ =	shalt  }
0x3f: {  	_ =	shalt  }
0x40: {  	_ =	shalt  }
0x41: {  	_ =	shalt  }
0x42: {  	_ =	shalt  }
0x43: {  	_ =	shalt  }
0x44: {  	_ =	shalt  }
0x45: {  	_ =	shalt  }
0x46: {  	_ =	shalt  }
0x47: {  	_ =	shalt  }
0x48: {  	_ =	shalt  }
0x49: {  	_ =	shalt  }
0x4a: {  	_ =	shalt  }
0x4b: {  	_ =	shalt  }
0x4c: {  	_ =	shalt  }
0x4d: {  	_ =	shalt  }
0x4e: {  	_ =	shalt  }
0x4f: {  	_ =	shalt  }
0x50: {  	_ =	shalt  }
0x51: {  	_ =	shalt  }
0x52: {  	_ =	shalt  }
0x53: {  	_ =	shalt  }
0x54: {  	_ =	shalt  }
0x55: {  	_ =	shalt  }
0x56: {  	_ =	shalt  }
0x57: {  	_ =	shalt  }
0x58: {  	_ =	shalt  }
0x59: {  	_ =	shalt  }
0x5a: {  	_ =	shalt  }
0x5b: {  	_ =	shalt  }
0x5c: {  	_ =	shalt  }
0x5d: {  	_ =	shalt  }
0x5e: {  	_ =	shalt  }
0x5f: {  	_ =	shalt  }
0x60: {  	_ =	shalt  }
0x61: {  	_ =	shalt  }
0x62: {  	_ =	shalt  }
0x63: {  	_ =	shalt  }
0x64: {  	_ =	shalt  }
0x65: {  	_ =	shalt  }
0x66: {  	_ =	shalt  }
0x67: {  	_ =	shalt  }
0x68: {  	_ =	shalt  }
0x69: {  	_ =	shalt  }
0x6a: {  	_ =	shalt  }
0x6b: {  	_ =	shalt  }
0x6c: {  	_ =	shalt  }
0x6d: {  	_ =	shalt  }
0x6e: {  	_ =	shalt  }
0x6f: {  	_ =	shalt  }
0x70: {  	_ =	shalt  }
0x71: {  	_ =	shalt  }
0x72: {  	_ =	shalt  }
0x73: {  	_ =	shalt  }
0x74: {  	_ =	shalt  }
0x75: {  	_ =	shalt  }
0x76: {  	_ =	shalt  }
0x77: {  	_ =	shalt  }
0x78: {  	_ =	shalt  }
0x79: {  	_ =	shalt  }
0x7a: {  	_ =	shalt  }
0x7b: {  	_ =	shalt  }
0x7c: {  	_ =	shalt  }
0x7d: {  	_ =	shalt  }
0x7e: {  	_ =	shalt  }
0x7f: {  	_ =	shalt  }
0x80: {  	_ =	shalt  }
0x81: {  	_ =	shalt  }
0x82: {  	_ =	shalt  }
0x83: {  	_ =	shalt  }
0x84: {  	_ =	shalt  }
0x85: {  	_ =	shalt  }
0x86: {  	_ =	shalt  }
0x87: {  	_ =	shalt  }
.Lfunc_end0:
.L_simem_size_0:
called_computation.1_lowered:
.L_overlay_start_0:
0x88: {  	s2 =	sld [smem:$0x3FD9]  }
0x89: {  	s3 =	sld [smem:$0x3FFE];
	_ =	sdelay $0x1  }
0x8a: {  	s1 =	srdreg.scid  }
0x8b: {  	s0 =	sand.u32 $0x1, s1  }
0x8c: {  	s14 =	sshll.u32 s0, $0xA;
	s2 =	sadd.s32 s3, s2  }
0x8d: {  	s2 =	sadd.s32 s2, s14  }
0x8e: {  	[smem:$0x3FBB] =	sst s2  }
0x8f: {  	_ = 	snop  }
0x90: {  	s2 =	sld [smem:$0x3FD0];
	_ =	sdelay $0x2  }
0x91: {  	s15 =	simm.s32 $0xA;
	s4 =	simm.s32 $0x10  }
0x92: {  	[smem:s4], [sflag:s15] =	dma.local [hbm:s2], $0x1  }
0x93: {  	_ =	swait.eq [sflag:s15], $0x1  }
0x94: {  	[sflag:s15] =	ssyncset.done $0x0  }
0x95: {  	[sflag:s15] =	ssyncadd.s32 $0xFFFFFFFF  }
0x96: {  	s16 =	sld [smem:$0x12];
	(tm) =	ssettm $0x1  }
0x97: {  	s17 =	sld [smem:$0x3FFB];
	_ =	sdelay $0x3  }
0x98: {  	_ =	strace s17  }
0x99: {  	s3 =	sld [smem:$0x3FFC];
	_ =	sdelay $0x3  }
0x9a: {  	_ =	strace s3  }
0x9b: {  	s3 =	sld [smem:$0x3FFD];
	_ =	sdelay $0x3  }
0x9c: {  	_ =	strace s3  }
0x9d: {  	_ =	strace $0x8FFFFFFF  }
0x9e: {  	s18 =	sld [smem:$0x3FDB];
	_ =	sdelay $0x1  }
0x9f: {  	s19 =	simm.s32 $_scs_section_size  }
0xa0: {  	s5 =	simm.s32 $_size__tile_overlayer_lowered;
	s6 =	simm.s32 $_tile_overlayer_lowered  }
0xa1: {  	s22 =	simm.s32 $0x1BFF;
	s21 =	sshll.u32 s6, $0x1;
	s3 =	sadd.s32 s19, s18  }
0xa2: {  	s7 =	simm.s32 $0x0;
	s20 =	sshll.u32 s5, $0x1;
	s5 =	sadd.s32 s21, s3  }
0xa3: {  	[timem:s7], [sflag:s22] =	dma.local [hbm:s5], s20  }
0xa4: {  	_ =	swait.ge [sflag:s22], s20  }
0xa5: {  	s4 =	ssub.s32 $0x0, s20;
	[sflag:s22] =	ssyncset.done $0x0  }
0xa6: {  	[sflag:s22] =	ssyncadd.s32 s4;
	_ =	sdelay $0x1  }
0xa7: {  	s23 =	simm.s32 $0x1B8B  }
0xa8: {  	_ =	swait.ge [sflag:s23], $0x1  }
0xa9: {  	[sflag:s23] =	ssyncset.done $0x0  }
0xaa: {  	s25 =	simm.s32 $0x1B8E;
	s24 =	sld [smem:$0x3FFE];
	[sflag:s23] =	ssyncadd.s32 $0xFFFFFFFF  }
0xab: {  	s26 =	simm.s32 $execute0_lowered;
	[smem:$0x3FD2] =	sst s25  }
0xac: {  	s5 =	sshll.u32 s26, $0x1;
	_ =	strace $0x80000049;
	[dreg:$0x1] =	wrdreg $0xFFFFFFFF  }
0xad: {  	s28 =	simm.s32 $_size_execute0_lowered;
	s3 =	sadd.s32 s3, s5;
	[dreg:$0x0] =	wrdreg $0x0  }
0xae: {  	s5 =	sshll.u32 s28, $0x1;
	[dreg:$0x2] =	wrdreg s3  }
0xaf: {  	[dreg:$0x3] =	wrdreg s5  }
0xb0: {  	[dreg:$0x4] =	wrdreg $0xC0  }
0xb1: {  	_ =	task [dreg:s7], $0x5FFFF  }
0xb2: {  	[dreg:$0x1] =	wrdreg $0xFFFFFFFF  }
0xb3: {  	[dreg:$0x0] =	wrdreg $0x60  }
0xb4: {  	[dreg:$0x2] =	wrdreg s16  }
0xb5: {  	[dreg:$0x3] =	wrdreg s24  }
0xb6: {  	[dreg:$0x4] =	wrdreg $0x9  }
0xb7: {  	_ =	task.clear_ibuf [dreg:s7], $0x5FFFF;
	_ =	strace $0x90000049  }
0xb8: {  	s29 =	simm.s32 $0x9;
	_ =	strace $0x8000004B  }
0xb9: {  	_ =	swait.ge [sflag:s29], $0x1  }
0xba: {  	[sflag:s29] =	ssyncadd.s32 $0xFFFFFFFF  }
0xbb: {  	_ =	strace $0x9000004B  }
0xbc: {  	_ =	sfence  }
0xbd: {  	s30 =	sld [smem:$0x0];
	_ =	sdelay $0x2  }
0xbe: {  	s31 =	sshll.u32 s1, $0xD;
	s1 =	sshrl.u32 s1, $0x2  }
0xbf: {  	s3 =	sand.u32 $0x4000, s31;
	s1 =	sadd.s32 s1, s30  }
0xc0: {  	s0 =	sor.u32 s3, s0;
	s1 =	sshll.u32 s1, $0x11  }
0xc1: {  	s0 =	sor.u32 s1, s0  }
0xc2: {  	s0 =	sadd.s32 $0x8F2B, s0  }
0xc3: {  	[sflag:s0] =	ssyncadd.remote.s32 $0x1  }
0xc4: {  	_ =	sfence.sel $0xFFFF  }
0xc5: {  	[dreg:$0x0] =	wrdreg $0xFFFFFFFF;
	(pc) =	sbr.abs _section_cstart, $3  }
0xc6: {  	[dreg:$0x1] =	wrdreg $0xFFFFFFFF  }
0xc7: {  	_ =	task.clear_ibuf [dreg:s7], $0x2FFFF;
	_ =	strace $0x9FFFFFFF  }
0xc8: {  	(tm) =	ssettm $0x7FFFFFFF  }
0xc9: {  	_ =	shalt  }
tec
execute0_lowered:
.L_overlay_start_1:
0x0: {  	(tag) =	ssettag $0x1  }
0x1: {  	s2 =	rddreg [dreg:$0x0];
	s1 =	srdreg.scid  }
0x2: {  	s0 =	stileid.u32;
	s4 =	rddreg [dreg:$0x1];
	s3 =	simm.s32 $0x0  }
0x3: {  	s10 =	simm.s32 $0x1;
	s11 =	simm.s32 $0x0;
	s6 =	smul.u32 $0x2710, s0  }
0x4: {  	s5 =	sand.u32 $0x1, s1;
	s1 =	rddreg [dreg:$0x2];
	s8 =	smul.u32 $0x27100, s0  }
0x5: {  	[smem:$0x7FF] =	sst s3;
	s7 =	smul.u32 $0x1388, s5;
	s9 =	ssub.s32 $0x2, s5  }
0x6: {  	_ =	strace $0x8000004A;
	s5 =	smul.u32 $0x13880, s5;
	s31 =	sshrl.u32 s9, $0x1  }
0x7: {  	s30 =	sadd.s32 s8, s4;
	s6 =	sadd.s32 s7, s6;
	s8 =	ssub.s32 s9, s31  }
0x8: {  	s5 =	sadd.s32 s5, s30;
	s7 =	simm.s32 $0x2;
	s6 =	sshrl.u32 s6, $0x3  }
0x9: {  	s9 =	simm.s32 $0x100;
	s5 =	sadd.s32 $0x8A00, s5;
	s6 =	sadd.s32 s6, s4  }
0xa: {  	s4 =	smax.u32 s8, $0x1;
	s8 =	simm.s32 $0xC8;
	s6 =	sadd.s32 $0x3A00, s6  }
.LBB2_1:
0xb: {  	s12 =	sadd.s32 $0x0, s6  }
0xc: {  	[tilespmem:s3], [sflag:$0x2] =	stream.linear.gather [hbm4b:s12+s3], $0xC8, $0x38;
	[tilespmem:$0x6500] =	vst v63  }
0xd: {  	_ =	swait.ge [sflag:s7], $0xC8  }
0xe: {  	[sflag:s7] =	ssyncset.done $0x0  }
0xf: {  	[sflag:s7] =	ssyncadd.s32 $0xFFFFFF38  }
0x10: {  	[tilespmem:s9], [sflag:$0x1] =	stream.indirect.gather [hbm4b:s2+s8], $0x80, s3, s8, $0xb8;
	[tilespmem:$0x6500] =	vst v63  }
0x11: {  	_ =	swait.ge [sflag:s10], $0x6400  }
0x12: {  	[sflag:s10] =	ssyncset.done $0x0  }
0x13: {  	[sflag:s10] =	ssyncadd.s32 $0xFFFF9C00  }
0x14: {  	[hbm4b:s5+s3] =	stream.linear.scatter [tilespmem:s9], [sflag:$0x2], $0x6400, $0x38;
	[tilespmem:$0x6500] =	vst v63  }
0x15: {  	s13 =	simm.s32 $0x19;
	_ =	swait.ge [sflag:s7], $0x6400  }
0x16: {  	s14 =	simm.s32 $0x32;
	s12 =	sadd.s32 $0xC80, s5;
	[sflag:s7] =	ssyncset.done $0x0  }
.LBB2_2:
0x17: {  	s15 =	sadd.s32 s13, s6  }
0x18: {  	[sflag:s7] =	ssyncadd.s32 $0xFFFF9C00;
	s13 =	smov.u32 s14;
	s16 =	sadd.s32 $0x19, s14  }
0x19: {  	[tilespmem:s3], [sflag:$0x2] =	stream.linear.gather [hbm4b:s15+s3], $0xC8, $0x38;
	[tilespmem:$0x6500] =	vst v63  }
0x1a: {  	p0 =	sne.s32 s14, $0x258;
	_ =	swait.ge [sflag:s7], $0xC8  }
0x1b: {  	[sflag:s7] =	ssyncset.done $0x0  }
0x1c: {  	[sflag:s7] =	ssyncadd.s32 $0xFFFFFF38  }
0x1d: {  	[tilespmem:s9], [sflag:$0x1] =	stream.indirect.gather [hbm4b:s2+s8], $0x80, s3, s8, $0xb8;
	[tilespmem:$0x6500] =	vst v63  }
0x1e: {  	_ =	swait.ge [sflag:s10], $0x6400  }
.Ltmp0:
0x1f: {  	[sflag:s10] =	ssyncset.done $0x0;
	(pc) =	sbr.rel @p0 .LBB2_2-.Ltmp0, $4  }
0x20: {  	[sflag:s10] =	ssyncadd.s32 $0xFFFF9C00  }
0x21: {  	[hbm4b:s12+s3] =	stream.linear.scatter [tilespmem:s9], [sflag:$0x2], $0x6400, $0x38;
	[tilespmem:$0x6500] =	vst v63  }
0x22: {  	_ =	swait.ge [sflag:s7], $0x6400  }
0x23: {  	s14 =	smov.u32 s16;
	s12 =	sadd.s32 $0xC80, s12;
	[sflag:s7] =	ssyncset.done $0x0  }
0x24: {  	s13 =	sadd.s32 s13, s6;
	[sflag:s7] =	ssyncadd.s32 $0xFFFF9C00  }
0x25: {  	[tilespmem:s3], [sflag:$0x2] =	stream.linear.gather [hbm4b:s13+s3], $0xC8, $0x38;
	[tilespmem:$0x6500] =	vst v63  }
0x26: {  	_ =	swait.ge [sflag:s7], $0xC8  }
0x27: {  	[sflag:s7] =	ssyncset.done $0x0  }
0x28: {  	[sflag:s7] =	ssyncadd.s32 $0xFFFFFF38  }
0x29: {  	[tilespmem:s9], [sflag:$0x1] =	stream.indirect.gather [hbm4b:s2+s8], $0x80, s3, s8, $0xb8;
	[tilespmem:$0x6500] =	vst v63  }
0x2a: {  	s11 =	sadd.s32 $0x1, s11;
	_ =	swait.ge [sflag:s10], $0x6400  }
0x2b: {  	p0 =	sne.s32 s11, s4;
	[sflag:s10] =	ssyncset.done $0x0  }
.Ltmp1:
0x2c: {  	[sflag:s10] =	ssyncadd.s32 $0xFFFF9C00;
	(pc) =	sbr.rel @p0 .LBB2_1-.Ltmp1, $4  }
0x2d: {  	[hbm4b:s12+s3] =	stream.linear.scatter [tilespmem:s9], [sflag:$0x2], $0x6400, $0x38;
	[tilespmem:$0x6500] =	vst v63  }
0x2e: {  	_ =	swait.ge [sflag:s7], $0x6400  }
0x2f: {  	[sflag:s7] =	ssyncset.done $0x0  }
0x30: {  	[sflag:s7] =	ssyncadd.s32 $0xFFFF9C00  }
0x31: {  	_ =	sfence.sel $0x180000  }
0x32: {  	[bflag:$0x0] =	sbarrier.arrive $0xFFFF  }
0x33: {  	p0 =	sne.s32 s0, $0x0;
	_ =	strace $0x9000004A  }
0x34: {  	s0 =	sadd.s32 @!p0 $0x100000, s1;
	[bflag:$0x2] =	sbarrier.arrive $0xFFFF  }
0x35: {  	[sflag:s0] =	ssyncadd.tile.s32 @!p0 $0x1;
	_ =	shalt  }
.Lfunc_end2:
_tile_overlayer_lowered:
.L_overlay_start_2:
0x36: {  	(tag) =	ssettag $0x2  }
0x37: {  	s0 =	rddreg [dreg:$0x0];
	s2 =	stileid.u32  }
0x38: {  	s1 =	rddreg [dreg:$0x1];
	p0 =	sne.s32 s2, $0x0  }
0x39: {  	s3 =	rddreg [dreg:$0x2];
	[bflag:$0x3] =	sbarrier.arrive $0xFFFF;
	s2 =	simm.s32 @!p0 $0x1C02  }
0x3a: {  	[timem:s3], [sflag:s2] =	dma.local @!p0 [hbm:s0], s1  }
0x3b: {  	s0 =	simm.s32 @!p0 $0x2  }
0x3c: {  	_ =	swait.ge @!p0 [sflag:s0], s1  }
0x3d: {  	s1 =	ssub.s32 @!p0 $0x0, s1;
	[sflag:s0] =	ssyncset.done @!p0 $0x0  }
0x3e: {  	[sflag:s0] =	ssyncadd.s32 @!p0 s1  }
0x3f: {  	[bflag:$0x3] =	sbarrier.arrive $0xFFFF  }
0x40: {  	_ =	shalt  }

// kernel: kernel.18.cloned.1.call-start
scs
__scs_entry_jumppad:
0x0: {  	(pc) =	sbr.rel $0x88, $3  }
0x1: {  	(tag) =	ssettag $0x0;
	lr =	simm.s32 $0x1  }
0x2: {  	[smem:$0x3F94] =	sst lr;
	_ =	strace $0xD0000000  }
0x3: {  	_ = 	snop  }
0x4: {  	_ = 	snop  }
0x5: {  	_ = 	snop  }
0x6: {  	_ = 	snop  }
0x7: {  	_ = 	snop  }
__scs_overlays_trampoline_lowered:
0x8: {  	[smem:$0x3FA3] =	sst s0  }
0x9: {  	[smem:$0x3FA4] =	sst s1  }
0xa: {  	[smem:$0x3FA5] =	sst s2  }
0xb: {  	[smem:$0x3FA6] =	sst s3  }
0xc: {  	[smem:$0x3FA7] =	sst s4  }
0xd: {  	[smem:$0x3FA8] =	sst s5  }
0xe: {  	[smem:$0x3FA9] =	sst s6  }
0xf: {  	[smem:$0x3FAA] =	sst s7  }
0x10: {  	[smem:$0x3FAB] =	sst s8  }
0x11: {  	[smem:$0x3FAC] =	sst s9;
	s0 =	simm.s32 @!p0 $0x0  }
0x12: {  	s1 =	sld [smem:$0x3F92];
	s0 =	simm.s32 @p0 $0x1  }
0x13: {  	[smem:$0x3FAD] =	sst s0;
	s0 =	simm.s32 @!p1 $0x0  }
0x14: {  	s2 =	sld [smem:$0x3F91];
	s0 =	simm.s32 @p1 $0x1  }
0x15: {  	[smem:$0x3FAE] =	sst s0;
	s0 =	simm.s32 @!p2 $0x0  }
0x16: {  	s3 =	sld [smem:$0x3FDB];
	s0 =	simm.s32 @p2 $0x1  }
0x17: {  	s4 =	simm.s32 $0x1BF5;
	[smem:$0x3FB0] =	sst s0  }
0x18: {  	s0 =	sld [smem:$0x3F93];
	_ =	swait.ge [sflag:s4], $0x0  }
0x19: {  	s7 =	sld [smem:$0x3F94]  }
0x1a: {  	s8 =	sadd.s32 $0xFFFFE003, lr  }
0x1b: {  	s9 =	sadd.s32 $0xFFFFFEF7, lr;
	s5 =	simm.s32 $0xFFFFFFFF;
	p2 =	slt.u32 s8, $0xFFFFF086  }
0x1c: {  	p1 =	slt.u32 s9, $0xF7A;
	s5 =	simm.s32 @!p2 $0x0  }
0x1d: {  	s5 =	simm.s32 @p1 $0x1;
	p0 =	seq.s32 s7, s2  }
0x1e: {  	s7 =	smul.u32 @!p0 $0xF7A, s2;
	p2 =	seq.s32 @!p0 s5, $0x0  }
0x1f: {  	s9 =	smul.u32 $0xF7A, s1;
	s8 =	simm.s32 @!p0 $0x1BF5;
	p2 =	por !p2, p0  }
0x20: {  	[sflag:s8] =	ssyncset.s32 @!p0 $0xFFFFF086;
	s6 =	sadd.s32 @!p0 s3, s7;
	s7 =	simm.s32 @!p0 $0x108  }
0x21: {  	s3 =	sadd.s32 s3, s9;
	s6 =	sadd.s32 @!p0 $0x88, s6;
	s7 =	simm.s32 @p2 $0x1082  }
0x22: {  	[simem:s7], [sflag:s8] =	dma.local @!p0 [hbm:s6], $0xF7A  }
0x23: {  	s9 =	sor.u32 $0xD0000000, s2;
	s6 =	simm.s32 $0x108;
	_ =	swait.ge @!p0 [sflag:s8], $0x0  }
0x24: {  	s3 =	sadd.s32 $0x88, s3;
	s6 =	simm.s32 @!p1 $0x1082;
	[sflag:s4] =	ssyncset.s32 $0xFFFFF086  }
0x25: {  	[simem:s6], [sflag:s4] =	dma.local [hbm:s3], $0xF7A  }
0x26: {  	[smem:$0x3F94] =	sst s1;
	(tag) =	ssettag s2;
	_ =	strace s9  }
0x27: {  	s1 =	sld [smem:$0x3FA4]  }
0x28: {  	s2 =	sld [smem:$0x3FA5]  }
0x29: {  	s4 =	sld [smem:$0x3FA7]  }
0x2a: {  	p0 =	seq.s32 s5, $0x0;
	s5 =	sld [smem:$0x3FA8]  }
0x2b: {  	s6 =	sld [smem:$0x3FA9]  }
0x2c: {  	s7 =	sld [smem:$0x3FAA]  }
0x2d: {  	s3 =	simm.s32 $0x108;
	s8 =	sld [smem:$0x3FAB]  }
0x2e: {  	s3 =	simm.s32 @!p0 $0x1082;
	s9 =	sld [smem:$0x3FAC]  }
0x2f: {  	lr =	sadd.s32 s0, s3;
	s0 =	sld [smem:$0x3FA3]  }
0x30: {  	s3 =	sld [smem:$0x3FA6]  }
0x31: {  	[smem:$0x3FAF] =	sst s10  }
0x32: {  	s10 =	sld [smem:$0x3FAD];
	_ =	sdelay $0x3  }
0x33: {  	p0 =	seq.s32 s10, $0x1;
	s10 =	sld [smem:$0x3FAF];
	_ =	sdelay $0x3  }
0x34: {  	[smem:$0x3FAF] =	sst s10  }
0x35: {  	s10 =	sld [smem:$0x3FAE];
	_ =	sdelay $0x3  }
0x36: {  	p1 =	seq.s32 s10, $0x1;
	s10 =	sld [smem:$0x3FAF];
	_ =	sdelay $0x3  }
0x37: {  	[smem:$0x3FAF] =	sst s10  }
0x38: {  	s10 =	sld [smem:$0x3FB0]  }
0x39: {  	_ = 	snop;
	(pc) =	sbr.ind lr, $3  }
0x3a: {  	_ = 	snop  }
0x3b: {  	_ = 	snop  }
0x3c: {  	p2 =	seq.s32 s10, $0x1;
	s10 =	sld [smem:$0x3FAF]  }
0x3d: {  	_ =	shalt  }
0x3e: {  	_ =	shalt  }
0x3f: {  	_ =	shalt  }
0x40: {  	_ =	shalt  }
0x41: {  	_ =	shalt  }
0x42: {  	_ =	shalt  }
0x43: {  	_ =	shalt  }
0x44: {  	_ =	shalt  }
0x45: {  	_ =	shalt  }
0x46: {  	_ =	shalt  }
0x47: {  	_ =	shalt  }
0x48: {  	_ =	shalt  }
0x49: {  	_ =	shalt  }
0x4a: {  	_ =	shalt  }
0x4b: {  	_ =	shalt  }
0x4c: {  	_ =	shalt  }
0x4d: {  	_ =	shalt  }
0x4e: {  	_ =	shalt  }
0x4f: {  	_ =	shalt  }
0x50: {  	_ =	shalt  }
0x51: {  	_ =	shalt  }
0x52: {  	_ =	shalt  }
0x53: {  	_ =	shalt  }
0x54: {  	_ =	shalt  }
0x55: {  	_ =	shalt  }
0x56: {  	_ =	shalt  }
0x57: {  	_ =	shalt  }
0x58: {  	_ =	shalt  }
0x59: {  	_ =	shalt  }
0x5a: {  	_ =	shalt  }
0x5b: {  	_ =	shalt  }
0x5c: {  	_ =	shalt  }
0x5d: {  	_ =	shalt  }
0x5e: {  	_ =	shalt  }
0x5f: {  	_ =	shalt  }
0x60: {  	_ =	shalt  }
0x61: {  	_ =	shalt  }
0x62: {  	_ =	shalt  }
0x63: {  	_ =	shalt  }
0x64: {  	_ =	shalt  }
0x65: {  	_ =	shalt  }
0x66: {  	_ =	shalt  }
0x67: {  	_ =	shalt  }
0x68: {  	_ =	shalt  }
0x69: {  	_ =	shalt  }
0x6a: {  	_ =	shalt  }
0x6b: {  	_ =	shalt  }
0x6c: {  	_ =	shalt  }
0x6d: {  	_ =	shalt  }
0x6e: {  	_ =	shalt  }
0x6f: {  	_ =	shalt  }
0x70: {  	_ =	shalt  }
0x71: {  	_ =	shalt  }
0x72: {  	_ =	shalt  }
0x73: {  	_ =	shalt  }
0x74: {  	_ =	shalt  }
0x75: {  	_ =	shalt  }
0x76: {  	_ =	shalt  }
0x77: {  	_ =	shalt  }
0x78: {  	_ =	shalt  }
0x79: {  	_ =	shalt  }
0x7a: {  	_ =	shalt  }
0x7b: {  	_ =	shalt  }
0x7c: {  	_ =	shalt  }
0x7d: {  	_ =	shalt  }
0x7e: {  	_ =	shalt  }
0x7f: {  	_ =	shalt  }
0x80: {  	_ =	shalt  }
0x81: {  	_ =	shalt  }
0x82: {  	_ =	shalt  }
0x83: {  	_ =	shalt  }
0x84: {  	_ =	shalt  }
0x85: {  	_ =	shalt  }
0x86: {  	_ =	shalt  }
0x87: {  	_ =	shalt  }
.Lfunc_end0:
.L_simem_size_0:
called_computation.2_lowered:
.L_overlay_start_0:
0x88: {  	s2 =	sld [smem:$0x3FD9]  }
0x89: {  	s3 =	sld [smem:$0x3FFE];
	_ =	sdelay $0x1  }
0x8a: {  	s1 =	srdreg.scid  }
0x8b: {  	s0 =	sand.u32 $0x1, s1  }
0x8c: {  	s16 =	sshll.u32 s0, $0xA;
	s2 =	sadd.s32 s3, s2  }
0x8d: {  	s2 =	sadd.s32 s2, s16  }
0x8e: {  	[smem:$0x3FBB] =	sst s2  }
0x8f: {  	_ = 	snop  }
0x90: {  	(tm) =	ssettm $0x1  }
0x91: {  	s17 =	sld [smem:$0x3FFB];
	_ =	sdelay $0x3  }
0x92: {  	_ =	strace s17  }
0x93: {  	s2 =	sld [smem:$0x3FFC];
	_ =	sdelay $0x3  }
0x94: {  	_ =	strace s2  }
0x95: {  	s2 =	sld [smem:$0x3FFD];
	_ =	sdelay $0x3  }
0x96: {  	_ =	strace s2  }
0x97: {  	_ =	strace $0x8FFFFFFF  }
0x98: {  	s18 =	sld [smem:$0x3FDB];
	_ =	sdelay $0x1  }
0x99: {  	s19 =	simm.s32 $_scs_section_size  }
0x9a: {  	s4 =	simm.s32 $_size__tile_overlayer_lowered;
	s5 =	simm.s32 $_tile_overlayer_lowered  }
0x9b: {  	s22 =	simm.s32 $0x1BFF;
	s21 =	sshll.u32 s5, $0x1;
	s2 =	sadd.s32 s19, s18  }
0x9c: {  	s6 =	simm.s32 $0x0;
	s20 =	sshll.u32 s4, $0x1;
	s4 =	sadd.s32 s21, s2  }
0x9d: {  	[timem:s6], [sflag:s22] =	dma.local [hbm:s4], s20  }
0x9e: {  	_ =	swait.ge [sflag:s22], s20  }
0x9f: {  	s3 =	ssub.s32 $0x0, s20;
	[sflag:s22] =	ssyncset.done $0x0  }
0xa0: {  	[sflag:s22] =	ssyncadd.s32 s3;
	_ =	sdelay $0x1  }
0xa1: {  	s23 =	simm.s32 $0x1B8B  }
0xa2: {  	_ =	swait.ge [sflag:s23], $0x1  }
0xa3: {  	[sflag:s23] =	ssyncset.done $0x0  }
0xa4: {  	s25 =	simm.s32 $0x1B8E;
	s24 =	sld [smem:$0x3FFE];
	[sflag:s23] =	ssyncadd.s32 $0xFFFFFFFF  }
0xa5: {  	s26 =	simm.s32 $execute0_lowered;
	[smem:$0x3FD2] =	sst s25  }
0xa6: {  	s4 =	sshll.u32 s26, $0x1;
	_ =	strace $0x8000004C;
	[dreg:$0x1] =	wrdreg $0xFFFFFFFF  }
0xa7: {  	s28 =	simm.s32 $_size_execute0_lowered;
	s2 =	sadd.s32 s2, s4;
	[dreg:$0x0] =	wrdreg $0x0  }
0xa8: {  	s4 =	sshll.u32 s28, $0x1;
	[dreg:$0x2] =	wrdreg s2  }
0xa9: {  	[dreg:$0x3] =	wrdreg s4  }
0xaa: {  	[dreg:$0x4] =	wrdreg $0xC0  }
0xab: {  	_ =	task [dreg:s6], $0x5FFFF  }
0xac: {  	[dreg:$0x1] =	wrdreg $0xFFFFFFFF  }
0xad: {  	[dreg:$0x0] =	wrdreg $0x60  }
0xae: {  	[dreg:$0x2] =	wrdreg s24  }
0xaf: {  	[dreg:$0x3] =	wrdreg $0x9  }
0xb0: {  	_ =	task.clear_ibuf [dreg:s6], $0x4FFFF;
	_ =	strace $0x9000004C  }
0xb1: {  	s29 =	simm.s32 $0x9;
	_ =	strace $0x8000004E  }
0xb2: {  	_ =	swait.ge [sflag:s29], $0x1  }
0xb3: {  	[sflag:s29] =	ssyncadd.s32 $0xFFFFFFFF  }
0xb4: {  	_ =	strace $0x9000004E  }
0xb5: {  	_ =	sfence  }
0xb6: {  	s30 =	sld [smem:$0x0];
	_ =	sdelay $0x2  }
0xb7: {  	s31 =	sshll.u32 s1, $0xD;
	s1 =	sshrl.u32 s1, $0x2  }
0xb8: {  	s3 =	sand.u32 $0x4000, s31;
	s1 =	sadd.s32 s1, s30  }
0xb9: {  	s0 =	sor.u32 s3, s0;
	s1 =	sshll.u32 s1, $0x11  }
0xba: {  	s0 =	sor.u32 s1, s0  }
0xbb: {  	s0 =	sadd.s32 $0x8F2B, s0  }
0xbc: {  	[sflag:s0] =	ssyncadd.remote.s32 $0x1  }
0xbd: {  	_ =	sfence.sel $0xFFFF  }
0xbe: {  	[dreg:$0x0] =	wrdreg $0xFFFFFFFF;
	(pc) =	sbr.abs _section_cstart, $3  }
0xbf: {  	[dreg:$0x1] =	wrdreg $0xFFFFFFFF  }
0xc0: {  	_ =	task.clear_ibuf [dreg:s6], $0x2FFFF;
	_ =	strace $0x9FFFFFFF  }
0xc1: {  	(tm) =	ssettm $0x7FFFFFFF  }
tec
execute0_lowered:
.L_overlay_start_1:
0x0: {  	(tag) =	ssettag $0x1  }
0x1: {  	s4 =	rddreg [dreg:$0x0]  }
0x2: {  	s0 =	rddreg [dreg:$0x1]  }
0x3: {  	s3 =	srdreg.scid;
	s1 =	stileid.u32;
	s2 =	simm.s32 $0x0  }
0x4: {  	s10 =	simm.s32 $0x1;
	s11 =	simm.s32 $0x0;
	s6 =	smul.u32 $0x2710, s1  }
0x5: {  	s5 =	sand.u32 $0x1, s3;
	[smem:$0x7FF] =	sst s2;
	s8 =	smul.u32 $0x27100, s1  }
0x6: {  	s3 =	sadd.s32 $0x8A00, s4;
	s7 =	smul.u32 $0x1388, s5;
	s9 =	ssub.s32 $0x2, s5  }
0x7: {  	_ =	strace $0x8000004D;
	s5 =	smul.u32 $0x13880, s5;
	s31 =	sshrl.u32 s9, $0x1  }
0x8: {  	s30 =	sadd.s32 s8, s4;
	s6 =	sadd.s32 s7, s6;
	s8 =	ssub.s32 s9, s31  }
0x9: {  	s5 =	sadd.s32 s5, s30;
	s7 =	simm.s32 $0x2;
	s6 =	sshrl.u32 s6, $0x3  }
0xa: {  	s9 =	simm.s32 $0x100;
	s5 =	sadd.s32 $0x2FC00, s5;
	s6 =	sadd.s32 s6, s4  }
0xb: {  	s4 =	smax.u32 s8, $0x1;
	s8 =	simm.s32 $0xC8;
	s6 =	sadd.s32 $0x3A00, s6  }
.LBB2_1:
0xc: {  	s12 =	sadd.s32 $0x0, s6  }
0xd: {  	[tilespmem:s2], [sflag:$0x2] =	stream.linear.gather [hbm4b:s12+s2], $0xC8, $0x38;
	[tilespmem:$0x6500] =	vst v63  }
0xe: {  	_ =	swait.ge [sflag:s7], $0xC8  }
0xf: {  	[sflag:s7] =	ssyncset.done $0x0  }
0x10: {  	[sflag:s7] =	ssyncadd.s32 $0xFFFFFF38  }
0x11: {  	[tilespmem:s9], [sflag:$0x1] =	stream.indirect.gather [hbm4b:s3+s8], $0x80, s2, s8, $0xb8;
	[tilespmem:$0x6500] =	vst v63  }
0x12: {  	_ =	swait.ge [sflag:s10], $0x6400  }
0x13: {  	[sflag:s10] =	ssyncset.done $0x0  }
0x14: {  	[sflag:s10] =	ssyncadd.s32 $0xFFFF9C00  }
0x15: {  	[hbm4b:s5+s2] =	stream.linear.scatter [tilespmem:s9], [sflag:$0x2], $0x6400, $0x38;
	[tilespmem:$0x6500] =	vst v63  }
0x16: {  	s13 =	simm.s32 $0x19;
	_ =	swait.ge [sflag:s7], $0x6400  }
0x17: {  	s14 =	simm.s32 $0x32;
	s12 =	sadd.s32 $0xC80, s5;
	[sflag:s7] =	ssyncset.done $0x0  }
.LBB2_2:
0x18: {  	s15 =	sadd.s32 s13, s6  }
0x19: {  	[sflag:s7] =	ssyncadd.s32 $0xFFFF9C00;
	s13 =	smov.u32 s14;
	s16 =	sadd.s32 $0x19, s14  }
0x1a: {  	[tilespmem:s2], [sflag:$0x2] =	stream.linear.gather [hbm4b:s15+s2], $0xC8, $0x38;
	[tilespmem:$0x6500] =	vst v63  }
0x1b: {  	p0 =	sne.s32 s14, $0x258;
	_ =	swait.ge [sflag:s7], $0xC8  }
0x1c: {  	[sflag:s7] =	ssyncset.done $0x0  }
0x1d: {  	[sflag:s7] =	ssyncadd.s32 $0xFFFFFF38  }
0x1e: {  	[tilespmem:s9], [sflag:$0x1] =	stream.indirect.gather [hbm4b:s3+s8], $0x80, s2, s8, $0xb8;
	[tilespmem:$0x6500] =	vst v63  }
0x1f: {  	_ =	swait.ge [sflag:s10], $0x6400  }
.Ltmp0:
0x20: {  	[sflag:s10] =	ssyncset.done $0x0;
	(pc) =	sbr.rel @p0 .LBB2_2-.Ltmp0, $4  }
0x21: {  	[sflag:s10] =	ssyncadd.s32 $0xFFFF9C00  }
0x22: {  	[hbm4b:s12+s2] =	stream.linear.scatter [tilespmem:s9], [sflag:$0x2], $0x6400, $0x38;
	[tilespmem:$0x6500] =	vst v63  }
0x23: {  	_ =	swait.ge [sflag:s7], $0x6400  }
0x24: {  	s14 =	smov.u32 s16;
	s12 =	sadd.s32 $0xC80, s12;
	[sflag:s7] =	ssyncset.done $0x0  }
0x25: {  	s13 =	sadd.s32 s13, s6;
	[sflag:s7] =	ssyncadd.s32 $0xFFFF9C00  }
0x26: {  	[tilespmem:s2], [sflag:$0x2] =	stream.linear.gather [hbm4b:s13+s2], $0xC8, $0x38;
	[tilespmem:$0x6500] =	vst v63  }
0x27: {  	_ =	swait.ge [sflag:s7], $0xC8  }
0x28: {  	[sflag:s7] =	ssyncset.done $0x0  }
0x29: {  	[sflag:s7] =	ssyncadd.s32 $0xFFFFFF38  }
0x2a: {  	[tilespmem:s9], [sflag:$0x1] =	stream.indirect.gather [hbm4b:s3+s8], $0x80, s2, s8, $0xb8;
	[tilespmem:$0x6500] =	vst v63  }
0x2b: {  	s11 =	sadd.s32 $0x1, s11;
	_ =	swait.ge [sflag:s10], $0x6400  }
0x2c: {  	p0 =	sne.s32 s11, s4;
	[sflag:s10] =	ssyncset.done $0x0  }
.Ltmp1:
0x2d: {  	[sflag:s10] =	ssyncadd.s32 $0xFFFF9C00;
	(pc) =	sbr.rel @p0 .LBB2_1-.Ltmp1, $4  }
0x2e: {  	[hbm4b:s12+s2] =	stream.linear.scatter [tilespmem:s9], [sflag:$0x2], $0x6400, $0x38;
	[tilespmem:$0x6500] =	vst v63  }
0x2f: {  	_ =	swait.ge [sflag:s7], $0x6400  }
0x30: {  	[sflag:s7] =	ssyncset.done $0x0  }
0x31: {  	[sflag:s7] =	ssyncadd.s32 $0xFFFF9C00  }
0x32: {  	_ =	sfence.sel $0x180000  }
0x33: {  	[bflag:$0x0] =	sbarrier.arrive $0xFFFF  }
0x34: {  	p0 =	sne.s32 s1, $0x0;
	_ =	strace $0x9000004D  }
0x35: {  	s0 =	sadd.s32 @!p0 $0x100000, s0;
	[bflag:$0x2] =	sbarrier.arrive $0xFFFF  }
0x36: {  	[sflag:s0] =	ssyncadd.tile.s32 @!p0 $0x1;
	_ =	shalt  }
.Lfunc_end2:
_tile_overlayer_lowered:
.L_overlay_start_2:
0x37: {  	(tag) =	ssettag $0x2  }
0x38: {  	s0 =	rddreg [dreg:$0x0];
	s2 =	stileid.u32  }
0x39: {  	s1 =	rddreg [dreg:$0x1];
	p0 =	sne.s32 s2, $0x0  }
0x3a: {  	s3 =	rddreg [dreg:$0x2];
	[bflag:$0x3] =	sbarrier.arrive $0xFFFF;
	s2 =	simm.s32 @!p0 $0x1C02  }
0x3b: {  	[timem:s3], [sflag:s2] =	dma.local @!p0 [hbm:s0], s1  }
0x3c: {  	s0 =	simm.s32 @!p0 $0x2  }
0x3d: {  	_ =	swait.ge @!p0 [sflag:s0], s1  }
0x3e: {  	s1 =	ssub.s32 @!p0 $0x0, s1;
	[sflag:s0] =	ssyncset.done @!p0 $0x0  }
0x3f: {  	[sflag:s0] =	ssyncadd.s32 @!p0 s1  }
0x40: {  	[bflag:$0x3] =	sbarrier.arrive $0xFFFF  }
0x41: {  	_ =	shalt  }

// kernel: kernel.21.cloned.1.call-start
scs
__scs_entry_jumppad:
0x0: {  	(pc) =	sbr.rel $0x88, $3  }
0x1: {  	(tag) =	ssettag $0x0;
	lr =	simm.s32 $0x1  }
0x2: {  	[smem:$0x3F94] =	sst lr;
	_ =	strace $0xD0000000  }
0x3: {  	_ = 	snop  }
0x4: {  	_ = 	snop  }
0x5: {  	_ = 	snop  }
0x6: {  	_ = 	snop  }
0x7: {  	_ = 	snop  }
__scs_overlays_trampoline_lowered:
0x8: {  	[smem:$0x3FA3] =	sst s0  }
0x9: {  	[smem:$0x3FA4] =	sst s1  }
0xa: {  	[smem:$0x3FA5] =	sst s2  }
0xb: {  	[smem:$0x3FA6] =	sst s3  }
0xc: {  	[smem:$0x3FA7] =	sst s4  }
0xd: {  	[smem:$0x3FA8] =	sst s5  }
0xe: {  	[smem:$0x3FA9] =	sst s6  }
0xf: {  	[smem:$0x3FAA] =	sst s7  }
0x10: {  	[smem:$0x3FAB] =	sst s8  }
0x11: {  	[smem:$0x3FAC] =	sst s9;
	s0 =	simm.s32 @!p0 $0x0  }
0x12: {  	s1 =	sld [smem:$0x3F92];
	s0 =	simm.s32 @p0 $0x1  }
0x13: {  	[smem:$0x3FAD] =	sst s0;
	s0 =	simm.s32 @!p1 $0x0  }
0x14: {  	s2 =	sld [smem:$0x3F91];
	s0 =	simm.s32 @p1 $0x1  }
0x15: {  	[smem:$0x3FAE] =	sst s0;
	s0 =	simm.s32 @!p2 $0x0  }
0x16: {  	s3 =	sld [smem:$0x3FDB];
	s0 =	simm.s32 @p2 $0x1  }
0x17: {  	s4 =	simm.s32 $0x1BF5;
	[smem:$0x3FB0] =	sst s0  }
0x18: {  	s0 =	sld [smem:$0x3F93];
	_ =	swait.ge [sflag:s4], $0x0  }
0x19: {  	s7 =	sld [smem:$0x3F94]  }
0x1a: {  	s8 =	sadd.s32 $0xFFFFE003, lr  }
0x1b: {  	s9 =	sadd.s32 $0xFFFFFEF7, lr;
	s5 =	simm.s32 $0xFFFFFFFF;
	p2 =	slt.u32 s8, $0xFFFFF086  }
0x1c: {  	p1 =	slt.u32 s9, $0xF7A;
	s5 =	simm.s32 @!p2 $0x0  }
0x1d: {  	s5 =	simm.s32 @p1 $0x1;
	p0 =	seq.s32 s7, s2  }
0x1e: {  	s7 =	smul.u32 @!p0 $0xF7A, s2;
	p2 =	seq.s32 @!p0 s5, $0x0  }
0x1f: {  	s9 =	smul.u32 $0xF7A, s1;
	s8 =	simm.s32 @!p0 $0x1BF5;
	p2 =	por !p2, p0  }
0x20: {  	[sflag:s8] =	ssyncset.s32 @!p0 $0xFFFFF086;
	s6 =	sadd.s32 @!p0 s3, s7;
	s7 =	simm.s32 @!p0 $0x108  }
0x21: {  	s3 =	sadd.s32 s3, s9;
	s6 =	sadd.s32 @!p0 $0x88, s6;
	s7 =	simm.s32 @p2 $0x1082  }
0x22: {  	[simem:s7], [sflag:s8] =	dma.local @!p0 [hbm:s6], $0xF7A  }
0x23: {  	s9 =	sor.u32 $0xD0000000, s2;
	s6 =	simm.s32 $0x108;
	_ =	swait.ge @!p0 [sflag:s8], $0x0  }
0x24: {  	s3 =	sadd.s32 $0x88, s3;
	s6 =	simm.s32 @!p1 $0x1082;
	[sflag:s4] =	ssyncset.s32 $0xFFFFF086  }
0x25: {  	[simem:s6], [sflag:s4] =	dma.local [hbm:s3], $0xF7A  }
0x26: {  	[smem:$0x3F94] =	sst s1;
	(tag) =	ssettag s2;
	_ =	strace s9  }
0x27: {  	s1 =	sld [smem:$0x3FA4]  }
0x28: {  	s2 =	sld [smem:$0x3FA5]  }
0x29: {  	s4 =	sld [smem:$0x3FA7]  }
0x2a: {  	p0 =	seq.s32 s5, $0x0;
	s5 =	sld [smem:$0x3FA8]  }
0x2b: {  	s6 =	sld [smem:$0x3FA9]  }
0x2c: {  	s7 =	sld [smem:$0x3FAA]  }
0x2d: {  	s3 =	simm.s32 $0x108;
	s8 =	sld [smem:$0x3FAB]  }
0x2e: {  	s3 =	simm.s32 @!p0 $0x1082;
	s9 =	sld [smem:$0x3FAC]  }
0x2f: {  	lr =	sadd.s32 s0, s3;
	s0 =	sld [smem:$0x3FA3]  }
0x30: {  	s3 =	sld [smem:$0x3FA6]  }
0x31: {  	[smem:$0x3FAF] =	sst s10  }
0x32: {  	s10 =	sld [smem:$0x3FAD];
	_ =	sdelay $0x3  }
0x33: {  	p0 =	seq.s32 s10, $0x1;
	s10 =	sld [smem:$0x3FAF];
	_ =	sdelay $0x3  }
0x34: {  	[smem:$0x3FAF] =	sst s10  }
0x35: {  	s10 =	sld [smem:$0x3FAE];
	_ =	sdelay $0x3  }
0x36: {  	p1 =	seq.s32 s10, $0x1;
	s10 =	sld [smem:$0x3FAF];
	_ =	sdelay $0x3  }
0x37: {  	[smem:$0x3FAF] =	sst s10  }
0x38: {  	s10 =	sld [smem:$0x3FB0]  }
0x39: {  	_ = 	snop;
	(pc) =	sbr.ind lr, $3  }
0x3a: {  	_ = 	snop  }
0x3b: {  	_ = 	snop  }
0x3c: {  	p2 =	seq.s32 s10, $0x1;
	s10 =	sld [smem:$0x3FAF]  }
0x3d: {  	_ =	shalt  }
0x3e: {  	_ =	shalt  }
0x3f: {  	_ =	shalt  }
0x40: {  	_ =	shalt  }
0x41: {  	_ =	shalt  }
0x42: {  	_ =	shalt  }
0x43: {  	_ =	shalt  }
0x44: {  	_ =	shalt  }
0x45: {  	_ =	shalt  }
0x46: {  	_ =	shalt  }
0x47: {  	_ =	shalt  }
0x48: {  	_ =	shalt  }
0x49: {  	_ =	shalt  }
0x4a: {  	_ =	shalt  }
0x4b: {  	_ =	shalt  }
0x4c: {  	_ =	shalt  }
0x4d: {  	_ =	shalt  }
0x4e: {  	_ =	shalt  }
0x4f: {  	_ =	shalt  }
0x50: {  	_ =	shalt  }
0x51: {  	_ =	shalt  }
0x52: {  	_ =	shalt  }
0x53: {  	_ =	shalt  }
0x54: {  	_ =	shalt  }
0x55: {  	_ =	shalt  }
0x56: {  	_ =	shalt  }
0x57: {  	_ =	shalt  }
0x58: {  	_ =	shalt  }
0x59: {  	_ =	shalt  }
0x5a: {  	_ =	shalt  }
0x5b: {  	_ =	shalt  }
0x5c: {  	_ =	shalt  }
0x5d: {  	_ =	shalt  }
0x5e: {  	_ =	shalt  }
0x5f: {  	_ =	shalt  }
0x60: {  	_ =	shalt  }
0x61: {  	_ =	shalt  }
0x62: {  	_ =	shalt  }
0x63: {  	_ =	shalt  }
0x64: {  	_ =	shalt  }
0x65: {  	_ =	shalt  }
0x66: {  	_ =	shalt  }
0x67: {  	_ =	shalt  }
0x68: {  	_ =	shalt  }
0x69: {  	_ =	shalt  }
0x6a: {  	_ =	shalt  }
0x6b: {  	_ =	shalt  }
0x6c: {  	_ =	shalt  }
0x6d: {  	_ =	shalt  }
0x6e: {  	_ =	shalt  }
0x6f: {  	_ =	shalt  }
0x70: {  	_ =	shalt  }
0x71: {  	_ =	shalt  }
0x72: {  	_ =	shalt  }
0x73: {  	_ =	shalt  }
0x74: {  	_ =	shalt  }
0x75: {  	_ =	shalt  }
0x76: {  	_ =	shalt  }
0x77: {  	_ =	shalt  }
0x78: {  	_ =	shalt  }
0x79: {  	_ =	shalt  }
0x7a: {  	_ =	shalt  }
0x7b: {  	_ =	shalt  }
0x7c: {  	_ =	shalt  }
0x7d: {  	_ =	shalt  }
0x7e: {  	_ =	shalt  }
0x7f: {  	_ =	shalt  }
0x80: {  	_ =	shalt  }
0x81: {  	_ =	shalt  }
0x82: {  	_ =	shalt  }
0x83: {  	_ =	shalt  }
0x84: {  	_ =	shalt  }
0x85: {  	_ =	shalt  }
0x86: {  	_ =	shalt  }
0x87: {  	_ =	shalt  }
.Lfunc_end0:
.L_simem_size_0:
called_computation.3_lowered:
.L_overlay_start_0:
0x88: {  	s2 =	sld [smem:$0x3FD9]  }
0x89: {  	s3 =	sld [smem:$0x3FFE];
	_ =	sdelay $0x1  }
0x8a: {  	s1 =	srdreg.scid  }
0x8b: {  	s0 =	sand.u32 $0x1, s1  }
0x8c: {  	s16 =	sshll.u32 s0, $0xA;
	s2 =	sadd.s32 s3, s2  }
0x8d: {  	s2 =	sadd.s32 s2, s16  }
0x8e: {  	[smem:$0x3FBB] =	sst s2  }
0x8f: {  	_ = 	snop  }
0x90: {  	(tm) =	ssettm $0x1  }
0x91: {  	s17 =	sld [smem:$0x3FFB];
	_ =	sdelay $0x3  }
0x92: {  	_ =	strace s17  }
0x93: {  	s2 =	sld [smem:$0x3FFC];
	_ =	sdelay $0x3  }
0x94: {  	_ =	strace s2  }
0x95: {  	s2 =	sld [smem:$0x3FFD];
	_ =	sdelay $0x3  }
0x96: {  	_ =	strace s2  }
0x97: {  	_ =	strace $0x8FFFFFFF  }
0x98: {  	s18 =	sld [smem:$0x3FDB];
	_ =	sdelay $0x1  }
0x99: {  	s19 =	simm.s32 $_scs_section_size  }
0x9a: {  	s4 =	simm.s32 $_size__tile_overlayer_lowered;
	s5 =	simm.s32 $_tile_overlayer_lowered  }
0x9b: {  	s22 =	simm.s32 $0x1BFF;
	s21 =	sshll.u32 s5, $0x1;
	s2 =	sadd.s32 s19, s18  }
0x9c: {  	s6 =	simm.s32 $0x0;
	s20 =	sshll.u32 s4, $0x1;
	s4 =	sadd.s32 s21, s2  }
0x9d: {  	[timem:s6], [sflag:s22] =	dma.local [hbm:s4], s20  }
0x9e: {  	_ =	swait.ge [sflag:s22], s20  }
0x9f: {  	s3 =	ssub.s32 $0x0, s20;
	[sflag:s22] =	ssyncset.done $0x0  }
0xa0: {  	[sflag:s22] =	ssyncadd.s32 s3;
	_ =	sdelay $0x1  }
0xa1: {  	s23 =	simm.s32 $0x1B8B  }
0xa2: {  	_ =	swait.ge [sflag:s23], $0x1  }
0xa3: {  	[sflag:s23] =	ssyncset.done $0x0  }
0xa4: {  	s25 =	simm.s32 $0x1B8E;
	s24 =	sld [smem:$0x3FFE];
	[sflag:s23] =	ssyncadd.s32 $0xFFFFFFFF  }
0xa5: {  	s26 =	simm.s32 $execute0_lowered;
	[smem:$0x3FD2] =	sst s25  }
0xa6: {  	s4 =	sshll.u32 s26, $0x1;
	_ =	strace $0x8000004F;
	[dreg:$0x1] =	wrdreg $0xFFFFFFFF  }
0xa7: {  	s28 =	simm.s32 $_size_execute0_lowered;
	s2 =	sadd.s32 s2, s4;
	[dreg:$0x0] =	wrdreg $0x0  }
0xa8: {  	s4 =	sshll.u32 s28, $0x1;
	[dreg:$0x2] =	wrdreg s2  }
0xa9: {  	[dreg:$0x3] =	wrdreg s4  }
0xaa: {  	[dreg:$0x4] =	wrdreg $0xC0  }
0xab: {  	_ =	task [dreg:s6], $0x5FFFF  }
0xac: {  	[dreg:$0x1] =	wrdreg $0xFFFFFFFF  }
0xad: {  	[dreg:$0x0] =	wrdreg $0x60  }
0xae: {  	[dreg:$0x2] =	wrdreg s24  }
0xaf: {  	[dreg:$0x3] =	wrdreg $0x9  }
0xb0: {  	_ =	task.clear_ibuf [dreg:s6], $0x4FFFF;
	_ =	strace $0x9000004F  }
0xb1: {  	s29 =	simm.s32 $0x9;
	_ =	strace $0x80000051  }
0xb2: {  	_ =	swait.ge [sflag:s29], $0x1  }
0xb3: {  	[sflag:s29] =	ssyncadd.s32 $0xFFFFFFFF  }
0xb4: {  	_ =	strace $0x90000051  }
0xb5: {  	_ =	sfence  }
0xb6: {  	s30 =	sld [smem:$0x0];
	_ =	sdelay $0x2  }
0xb7: {  	s31 =	sshll.u32 s1, $0xD;
	s1 =	sshrl.u32 s1, $0x2  }
0xb8: {  	s3 =	sand.u32 $0x4000, s31;
	s1 =	sadd.s32 s1, s30  }
0xb9: {  	s0 =	sor.u32 s3, s0;
	s1 =	sshll.u32 s1, $0x11  }
0xba: {  	s0 =	sor.u32 s1, s0  }
0xbb: {  	s0 =	sadd.s32 $0x8F2B, s0  }
0xbc: {  	[sflag:s0] =	ssyncadd.remote.s32 $0x1  }
0xbd: {  	_ =	sfence.sel $0xFFFF  }
0xbe: {  	[dreg:$0x0] =	wrdreg $0xFFFFFFFF;
	(pc) =	sbr.abs _section_cstart, $3  }
0xbf: {  	[dreg:$0x1] =	wrdreg $0xFFFFFFFF  }
0xc0: {  	_ =	task.clear_ibuf [dreg:s6], $0x2FFFF;
	_ =	strace $0x9FFFFFFF  }
0xc1: {  	(tm) =	ssettm $0x7FFFFFFF  }
tec
execute0_lowered:
.L_overlay_start_1:
0x0: {  	(tag) =	ssettag $0x1  }
0x1: {  	s4 =	rddreg [dreg:$0x0]  }
0x2: {  	s0 =	rddreg [dreg:$0x1]  }
0x3: {  	s3 =	srdreg.scid;
	s1 =	stileid.u32;
	s2 =	simm.s32 $0x0  }
0x4: {  	s10 =	simm.s32 $0x1;
	s11 =	simm.s32 $0x0;
	s6 =	smul.u32 $0x2710, s1  }
0x5: {  	s5 =	sand.u32 $0x1, s3;
	[smem:$0x7FF] =	sst s2;
	s8 =	smul.u32 $0x27100, s1  }
0x6: {  	s3 =	sadd.s32 $0x8A00, s4;
	s7 =	smul.u32 $0x1388, s5;
	s9 =	ssub.s32 $0x2, s5  }
0x7: {  	_ =	strace $0x80000050;
	s5 =	smul.u32 $0x13880, s5;
	s31 =	sshrl.u32 s9, $0x1  }
0x8: {  	s30 =	sadd.s32 s8, s4;
	s6 =	sadd.s32 s7, s6;
	s8 =	ssub.s32 s9, s31  }
0x9: {  	s5 =	sadd.s32 s5, s30;
	s7 =	simm.s32 $0x2;
	s6 =	sshrl.u32 s6, $0x3  }
0xa: {  	s9 =	simm.s32 $0x100;
	s5 =	sadd.s32 $0x2FC00, s5;
	s6 =	sadd.s32 s6, s4  }
0xb: {  	s4 =	smax.u32 s8, $0x1;
	s8 =	simm.s32 $0xC8;
	s6 =	sadd.s32 $0x3A00, s6  }
.LBB2_1:
0xc: {  	s12 =	sadd.s32 $0x0, s6  }
0xd: {  	[tilespmem:s2], [sflag:$0x2] =	stream.linear.gather [hbm4b:s12+s2], $0xC8, $0x38;
	[tilespmem:$0x6500] =	vst v63  }
0xe: {  	_ =	swait.ge [sflag:s7], $0xC8  }
0xf: {  	[sflag:s7] =	ssyncset.done $0x0  }
0x10: {  	[sflag:s7] =	ssyncadd.s32 $0xFFFFFF38  }
0x11: {  	[tilespmem:s9], [sflag:$0x1] =	stream.indirect.gather [hbm4b:s3+s8], $0x80, s2, s8, $0xb8;
	[tilespmem:$0x6500] =	vst v63  }
0x12: {  	_ =	swait.ge [sflag:s10], $0x6400  }
0x13: {  	[sflag:s10] =	ssyncset.done $0x0  }
0x14: {  	[sflag:s10] =	ssyncadd.s32 $0xFFFF9C00  }
0x15: {  	[hbm4b:s5+s2] =	stream.linear.scatter [tilespmem:s9], [sflag:$0x2], $0x6400, $0x38;
	[tilespmem:$0x6500] =	vst v63  }
0x16: {  	s13 =	simm.s32 $0x19;
	_ =	swait.ge [sflag:s7], $0x6400  }
0x17: {  	s14 =	simm.s32 $0x32;
	s12 =	sadd.s32 $0xC80, s5;
	[sflag:s7] =	ssyncset.done $0x0  }
.LBB2_2:
0x18: {  	s15 =	sadd.s32 s13, s6  }
0x19: {  	[sflag:s7] =	ssyncadd.s32 $0xFFFF9C00;
	s13 =	smov.u32 s14;
	s16 =	sadd.s32 $0x19, s14  }
0x1a: {  	[tilespmem:s2], [sflag:$0x2] =	stream.linear.gather [hbm4b:s15+s2], $0xC8, $0x38;
	[tilespmem:$0x6500] =	vst v63  }
0x1b: {  	p0 =	sne.s32 s14, $0x258;
	_ =	swait.ge [sflag:s7], $0xC8  }
0x1c: {  	[sflag:s7] =	ssyncset.done $0x0  }
0x1d: {  	[sflag:s7] =	ssyncadd.s32 $0xFFFFFF38  }
0x1e: {  	[tilespmem:s9], [sflag:$0x1] =	stream.indirect.gather [hbm4b:s3+s8], $0x80, s2, s8, $0xb8;
	[tilespmem:$0x6500] =	vst v63  }
0x1f: {  	_ =	swait.ge [sflag:s10], $0x6400  }
.Ltmp0:
0x20: {  	[sflag:s10] =	ssyncset.done $0x0;
	(pc) =	sbr.rel @p0 .LBB2_2-.Ltmp0, $4  }
0x21: {  	[sflag:s10] =	ssyncadd.s32 $0xFFFF9C00  }
0x22: {  	[hbm4b:s12+s2] =	stream.linear.scatter [tilespmem:s9], [sflag:$0x2], $0x6400, $0x38;
	[tilespmem:$0x6500] =	vst v63  }
0x23: {  	_ =	swait.ge [sflag:s7], $0x6400  }
0x24: {  	s14 =	smov.u32 s16;
	s12 =	sadd.s32 $0xC80, s12;
	[sflag:s7] =	ssyncset.done $0x0  }
0x25: {  	s13 =	sadd.s32 s13, s6;
	[sflag:s7] =	ssyncadd.s32 $0xFFFF9C00  }
0x26: {  	[tilespmem:s2], [sflag:$0x2] =	stream.linear.gather [hbm4b:s13+s2], $0xC8, $0x38;
	[tilespmem:$0x6500] =	vst v63  }
0x27: {  	_ =	swait.ge [sflag:s7], $0xC8  }
0x28: {  	[sflag:s7] =	ssyncset.done $0x0  }
0x29: {  	[sflag:s7] =	ssyncadd.s32 $0xFFFFFF38  }
0x2a: {  	[tilespmem:s9], [sflag:$0x1] =	stream.indirect.gather [hbm4b:s3+s8], $0x80, s2, s8, $0xb8;
	[tilespmem:$0x6500] =	vst v63  }
0x2b: {  	s11 =	sadd.s32 $0x1, s11;
	_ =	swait.ge [sflag:s10], $0x6400  }
0x2c: {  	p0 =	sne.s32 s11, s4;
	[sflag:s10] =	ssyncset.done $0x0  }
.Ltmp1:
0x2d: {  	[sflag:s10] =	ssyncadd.s32 $0xFFFF9C00;
	(pc) =	sbr.rel @p0 .LBB2_1-.Ltmp1, $4  }
0x2e: {  	[hbm4b:s12+s2] =	stream.linear.scatter [tilespmem:s9], [sflag:$0x2], $0x6400, $0x38;
	[tilespmem:$0x6500] =	vst v63  }
0x2f: {  	_ =	swait.ge [sflag:s7], $0x6400  }
0x30: {  	[sflag:s7] =	ssyncset.done $0x0  }
0x31: {  	[sflag:s7] =	ssyncadd.s32 $0xFFFF9C00  }
0x32: {  	_ =	sfence.sel $0x180000  }
0x33: {  	[bflag:$0x0] =	sbarrier.arrive $0xFFFF  }
0x34: {  	p0 =	sne.s32 s1, $0x0;
	_ =	strace $0x90000050  }
0x35: {  	s0 =	sadd.s32 @!p0 $0x100000, s0;
	[bflag:$0x2] =	sbarrier.arrive $0xFFFF  }
0x36: {  	[sflag:s0] =	ssyncadd.tile.s32 @!p0 $0x1;
	_ =	shalt  }
.Lfunc_end2:
_tile_overlayer_lowered:
.L_overlay_start_2:
0x37: {  	(tag) =	ssettag $0x2  }
0x38: {  	s0 =	rddreg [dreg:$0x0];
	s2 =	stileid.u32  }
0x39: {  	s1 =	rddreg [dreg:$0x1];
	p0 =	sne.s32 s2, $0x0  }
0x3a: {  	s3 =	rddreg [dreg:$0x2];
	[bflag:$0x3] =	sbarrier.arrive $0xFFFF;
	s2 =	simm.s32 @!p0 $0x1C02  }
0x3b: {  	[timem:s3], [sflag:s2] =	dma.local @!p0 [hbm:s0], s1  }
0x3c: {  	s0 =	simm.s32 @!p0 $0x2  }
0x3d: {  	_ =	swait.ge @!p0 [sflag:s0], s1  }
0x3e: {  	s1 =	ssub.s32 @!p0 $0x0, s1;
	[sflag:s0] =	ssyncset.done @!p0 $0x0  }
0x3f: {  	[sflag:s0] =	ssyncadd.s32 @!p0 s1  }
0x40: {  	[bflag:$0x3] =	sbarrier.arrive $0xFFFF  }
0x41: {  	_ =	shalt  }

</sc_bundles>
